<compile_context>
chip_gen: v7x
topology: tpu7x:2x2x1
jax: 0.10.2.dev20260603
libtpu: 0.0.44.dev20260713+nightly
codegen_flags: <defaults>
</compile_context>

<pallas_src>
import functools

import jax
import jax.numpy as jnp
from jax import lax
from jax.experimental import pallas as pl
from jax.experimental.pallas import tpu as pltpu
from jax.experimental.pallas import tpu_sc as plsc

f32 = jnp.float32
i32 = jnp.int32

N_NODES = 10000
NT = 10240
P = 320000
NW = 32
C = 128
NCH = 80
PW = C * NCH
PPAD = PW * NW
NTA = 10064
RPTA = NTA // 16
RPT = NT // 16


def _vgather(vec, idx):
    dn = lax.GatherDimensionNumbers(
        offset_dims=(), collapsed_slice_dims=(0,), start_index_map=(0,))
    return lax.gather(vec, idx[:, None], dn, slice_sizes=(1,),
                      mode=lax.GatherScatterMode.PROMISE_IN_BOUNDS)


def _tc1_body(x_ref, whd_ref, wmd_ref, wtl_ref, hd_o, md_o, tl_o):
    x = x_ref[...]
    hd_o[...] = jnp.dot(x, whd_ref[...], preferred_element_type=f32)
    md_o[...] = jnp.dot(x, wmd_ref[...], preferred_element_type=f32)
    tl_o[...] = jnp.dot(x, wtl_ref[...],
                        preferred_element_type=f32).astype(jnp.bfloat16)


def _sc1_body(tblhd_h, tblmd_h, tbltl_h, idx_h, out_h,
              hd_a, md_a, tl_a, rhd0, rmd0, rtl0, rhd1, rmd1, rtl1,
              ov0, ov1, dummy_i, acc,
              semg0, semg1, sems0, sems1):
    c = lax.axis_index("c")
    s = lax.axis_index("s")
    wid = c * 16 + s
    ib = wid * NCH

    pltpu.sync_copy(idx_h.at[0, pl.ds(ib, NCH)], hd_a)
    pltpu.sync_copy(idx_h.at[1, pl.ds(ib, NCH)], md_a)
    pltpu.sync_copy(idx_h.at[2, pl.ds(ib, NCH)], tl_a)
    g0 = (pltpu.async_copy(tblhd_h.at[hd_a.at[0]], rhd0, semg0),
          pltpu.async_copy(tblmd_h.at[md_a.at[0]], rmd0, semg0),
          pltpu.async_copy(tbltl_h.at[tl_a.at[0]], rtl0, semg0))
    del g0

    zero16 = jnp.zeros((16,), f32)
    full_n = jnp.full((16,), N_NODES, i32)

    def _zrow(i, carry):
        for j in range(5):
            ov0[i, pl.ds(16 * j, 16)] = zero16
        return carry

    lax.fori_loop(0, C, _zrow, 0)
    for j in range(8):
        dummy_i[pl.ds(16 * j, 16)] = full_n
    for k in range(4):
        pltpu.sync_copy(ov0, acc.at[pl.ds(s * RPTA + k * C, C)])
    pltpu.sync_copy(ov0.at[pl.ds(0, RPTA - 4 * C)],
                    acc.at[pl.ds(s * RPTA + 4 * C, RPTA - 4 * C)])
    plsc.subcore_barrier()
    pltpu.async_copy(ov0, acc.at[dummy_i], sems0, add=True)
    pltpu.async_copy(ov0, acc.at[dummy_i], sems1, add=True)

    iota = lax.iota(i32, 16)
    upsel = (iota >= 8).astype(i32)

    def _compute(rhd, rmd, rtl, ov):
        def _path(p):
            a = rhd[p, :]
            b = rmd[p, :]
            st, _ = plsc.unpack(rtl[p, pl.ds(64, 32)],
                                format=plsc.PackFormat.INTERLEAVED)
            tt = a + b + st
            tt = jnp.maximum(tt, 0.2 * tt)
            ex = jnp.exp(tt)
            ov[p, pl.ds(64, 16)] = ex
            for k in range(2):
                h_lo, h_hi = plsc.unpack(rtl[p, pl.ds(32 * k, 32)],
                                         format=plsc.PackFormat.INTERLEAVED)
                m0 = _vgather(ex, 4 * k + upsel)
                m1 = _vgather(ex, 4 * k + 2 + upsel)
                ov[p, pl.ds(32 * k, 16)] = m0 * h_lo
                ov[p, pl.ds(32 * k + 16, 16)] = m1 * h_hi
        plsc.parallel_loop(0, C, 1, unroll=4)(_path)

    NU = NCH // 2

    def _pair(u, carry):
        t0 = 2 * u
        t1 = t0 + 1
        pltpu.async_copy(tblhd_h.at[hd_a.at[t1]], rhd1, semg1)
        pltpu.async_copy(tblmd_h.at[md_a.at[t1]], rmd1, semg1)
        pltpu.async_copy(tbltl_h.at[tl_a.at[t1]], rtl1, semg1)
        pltpu.make_async_copy(tblhd_h.at[hd_a.at[t0]], rhd0, semg0).wait()
        pltpu.make_async_copy(tblmd_h.at[md_a.at[t0]], rmd0, semg0).wait()
        pltpu.make_async_copy(tbltl_h.at[tl_a.at[t0]], rtl0, semg0).wait()
        pltpu.make_async_copy(ov0, acc.at[dummy_i], sems0).wait()
        _compute(rhd0, rmd0, rtl0, ov0)
        pltpu.async_copy(ov0, acc.at[hd_a.at[t0]], sems0, add=True)

        @pl.when(u < NU - 1)
        def _prefetch():
            pltpu.async_copy(tblhd_h.at[hd_a.at[t0 + 2]], rhd0, semg0)
            pltpu.async_copy(tblmd_h.at[md_a.at[t0 + 2]], rmd0, semg0)
            pltpu.async_copy(tbltl_h.at[tl_a.at[t0 + 2]], rtl0, semg0)

        pltpu.make_async_copy(tblhd_h.at[hd_a.at[t1]], rhd1, semg1).wait()
        pltpu.make_async_copy(tblmd_h.at[md_a.at[t1]], rmd1, semg1).wait()
        pltpu.make_async_copy(tbltl_h.at[tl_a.at[t1]], rtl1, semg1).wait()
        pltpu.make_async_copy(ov0, acc.at[dummy_i], sems1).wait()
        _compute(rhd1, rmd1, rtl1, ov1)
        pltpu.async_copy(ov1, acc.at[hd_a.at[t1]], sems1, add=True)
        return carry

    lax.fori_loop(0, NU, _pair, 0)
    pltpu.make_async_copy(ov0, acc.at[dummy_i], sems0).wait()
    pltpu.make_async_copy(ov0, acc.at[dummy_i], sems1).wait()
    plsc.subcore_barrier()
    pltpu.sync_copy(acc.at[pl.ds(s * RPTA, RPTA)],
                    out_h.at[c, pl.ds(s * RPTA, RPTA)])


def _tc2_body(p_ref, k_ref, m2tl_ref, m2s_ref, tl_o, s_o):
    num = p_ref[0, :, 0:64] + p_ref[1, :, 0:64]
    den = p_ref[0, :, 64:72] + p_ref[1, :, 64:72]
    den64 = jnp.dot(den, k_ref[...], preferred_element_type=f32)
    agg = num / (den64 + 1e-16)
    hh = jnp.where(agg > 0, agg, jnp.exp(agg) - 1.0)
    ttl = jnp.dot(hh, m2tl_ref[...], preferred_element_type=f32)
    col = lax.broadcasted_iota(i32, ttl.shape, 1)
    tl_o[...] = jnp.where(col == 7, 1.0, ttl)
    s_o[...] = jnp.dot(hh, m2s_ref[...], preferred_element_type=f32)


def _sc2_body(tbl2tl_h, s2all_h, idx_h, out_h,
              hd_a, md_a, tl_a, s2res, rtl0, rtl1, ov0, ov1,
              zbuf, dummy_i, acc,
              semg0, semg1, sems0, sems1):
    c = lax.axis_index("c")
    s = lax.axis_index("s")
    wid = c * 16 + s
    ib = wid * NCH

    pltpu.sync_copy(idx_h.at[0, pl.ds(ib, NCH)], hd_a)
    pltpu.sync_copy(idx_h.at[1, pl.ds(ib, NCH)], md_a)
    pltpu.sync_copy(idx_h.at[2, pl.ds(ib, NCH)], tl_a)
    pltpu.async_copy(tbl2tl_h.at[tl_a.at[0]], rtl0, semg0)
    pltpu.sync_copy(s2all_h, s2res)

    zero16 = jnp.zeros((16,), f32)
    full_n = jnp.full((16,), N_NODES, i32)

    def _zrow(i, carry):
        zbuf[i, pl.ds(0, 16)] = zero16
        return carry

    lax.fori_loop(0, C, _zrow, 0)
    for j in range(8):
        dummy_i[pl.ds(16 * j, 16)] = full_n
    for k in range(5):
        pltpu.sync_copy(zbuf, acc.at[pl.ds(s * RPT + k * C, C)])
    plsc.subcore_barrier()
    pltpu.async_copy(zbuf, acc.at[dummy_i], sems0, add=True)
    pltpu.async_copy(zbuf, acc.at[dummy_i], sems1, add=True)

    one_i = jnp.full((16,), 1, i32)
    two_i = jnp.full((16,), 2, i32)

    def _compute(idx_row, rtl, ov):
        def _grp(g):
            hd16 = idx_row[0][pl.ds(g * 16, 16)]
            md16 = idx_row[1][pl.ds(g * 16, 16)]
            tl16 = idx_row[2][pl.ds(g * 16, 16)]
            a = plsc.load_gather(s2res, [hd16 * 4])
            b = plsc.load_gather(s2res, [md16 * 4 + one_i])
            st = plsc.load_gather(s2res, [tl16 * 4 + two_i])
            tt = a + b + st
            tt = jnp.maximum(tt, 0.2 * tt)
            ex = jnp.exp(tt)
            for k in range(16):
                m = _vgather(ex, jnp.full((16,), k, i32))
                ov[g * 16 + k, :] = m * rtl[g * 16 + k, :]
        plsc.parallel_loop(0, C // 16, 1, unroll=2)(_grp)

    NU = NCH // 2

    def _pair(u, carry):
        t0 = 2 * u
        t1 = t0 + 1
        pltpu.async_copy(tbl2tl_h.at[tl_a.at[t1]], rtl1, semg1)
        pltpu.make_async_copy(tbl2tl_h.at[tl_a.at[t0]], rtl0, semg0).wait()
        pltpu.make_async_copy(ov0, acc.at[dummy_i], sems0).wait()
        _compute((hd_a.at[t0], md_a.at[t0], tl_a.at[t0]), rtl0, ov0)
        pltpu.async_copy(ov0, acc.at[hd_a.at[t0]], sems0, add=True)

        @pl.when(u < NU - 1)
        def _prefetch():
            pltpu.async_copy(tbl2tl_h.at[tl_a.at[t0 + 2]], rtl0, semg0)

        pltpu.make_async_copy(tbl2tl_h.at[tl_a.at[t1]], rtl1, semg1).wait()
        pltpu.make_async_copy(ov0, acc.at[dummy_i], sems1).wait()
        _compute((hd_a.at[t1], md_a.at[t1], tl_a.at[t1]), rtl1, ov1)
        pltpu.async_copy(ov1, acc.at[hd_a.at[t1]], sems1, add=True)
        return carry

    lax.fori_loop(0, NU, _pair, 0)
    pltpu.make_async_copy(ov0, acc.at[dummy_i], sems0).wait()
    pltpu.make_async_copy(ov0, acc.at[dummy_i], sems1).wait()
    plsc.subcore_barrier()
    pltpu.sync_copy(acc.at[pl.ds(s * RPT, RPT)],
                    out_h.at[c, pl.ds(s * RPT, RPT)])


def _tc3_body(p_ref, out_ref):
    num = p_ref[0, :, 0:7] + p_ref[1, :, 0:7]
    den = p_ref[0, :, 7:8] + p_ref[1, :, 7:8]
    h = num / (den + 1e-16)
    m = jnp.max(h, axis=1, keepdims=True)
    z = h - m
    out_ref[...] = z - jnp.log(jnp.sum(jnp.exp(z), axis=1, keepdims=True))


def kernel(x, path_index, W1, att1, W2, att2):
    heads = att1.shape[0]
    hid = att1.shape[1] // 3
    ncls = att2.shape[1] // 3
    D = x.shape[1]

    pi = path_index.astype(i32).reshape(3, NW, P // NW)
    npad = PW - P // NW
    padk = jnp.arange(npad, dtype=i32)
    pad_hd = jnp.broadcast_to(N_NODES + padk % (NTA - N_NODES), (NW, npad))
    pad_mt = jnp.full((NW, npad), N_NODES, i32)
    idx_all = jnp.concatenate(
        [pi, jnp.stack([pad_hd, pad_mt, pad_mt])], axis=2
    ).reshape(3, PPAD // C, C)

    I8 = jnp.eye(heads, dtype=f32)

    def blockdiag(attpart):
        return (attpart[:, :, None] * I8[:, None, :]).reshape(heads * hid, heads)

    z8 = jnp.zeros((heads * hid, 16 - heads), f32)
    W1HD = W1 @ jnp.concatenate([blockdiag(att1[:, 0:hid]), z8], axis=1)
    W1MD = W1 @ jnp.concatenate([blockdiag(att1[:, hid:2 * hid]), z8], axis=1)
    S96 = jnp.concatenate(
        [W1, W1 @ blockdiag(att1[:, 2 * hid:]), jnp.zeros((D, 24), f32)],
        axis=1)
    perm = []
    for k in range(2):
        for i in range(16):
            perm += [32 * k + i, 32 * k + 16 + i]
    for i in range(16):
        perm += [64 + i if i < 8 else 72, 72]
    W1TL = S96[:, jnp.array(perm, dtype=i32)]
    K = jnp.kron(I8, jnp.ones((1, hid), f32))
    a2 = att2[0]
    M2tl = jnp.concatenate([W2, jnp.zeros((64, 16 - ncls), f32)], axis=1)
    M2s = jnp.stack([W2 @ a2[0:ncls], W2 @ a2[ncls:2 * ncls],
                     W2 @ a2[2 * ncls:], jnp.zeros((64,), f32)], axis=1)

    BLK = 1024
    G = NT // BLK
    XBLK = 2000

    tbl_hd, tbl_md, tbl_tl = pl.pallas_call(
        _tc1_body,
        grid=(N_NODES // XBLK,),
        in_specs=[
            pl.BlockSpec((XBLK, D), lambda i: (i, 0)),
            pl.BlockSpec((D, 16), lambda i: (0, 0)),
            pl.BlockSpec((D, 16), lambda i: (0, 0)),
            pl.BlockSpec((D, 96), lambda i: (0, 0)),
        ],
        out_specs=[
            pl.BlockSpec((XBLK, 16), lambda i: (i, 0)),
            pl.BlockSpec((XBLK, 16), lambda i: (i, 0)),
            pl.BlockSpec((XBLK, 96), lambda i: (i, 0)),
        ],
        out_shape=[
            jax.ShapeDtypeStruct((NT, 16), f32),
            jax.ShapeDtypeStruct((NT, 16), f32),
            jax.ShapeDtypeStruct((NT, 96), jnp.bfloat16),
        ],
    )(x, W1HD, W1MD, W1TL)

    mesh = plsc.VectorSubcoreMesh(core_axis_name="c", subcore_axis_name="s")
    sc_params = pltpu.CompilerParams(
        use_tc_tiling_on_sc=False, needs_layout_passes=False)
    sc1 = functools.partial(
        pl.kernel,
        out_type=jax.ShapeDtypeStruct((2, NT, 80), f32),
        mesh=mesh,
        compiler_params=sc_params,
        scratch_types=[
            pltpu.VMEM((NCH, C), i32),
            pltpu.VMEM((NCH, C), i32),
            pltpu.VMEM((NCH, C), i32),
            pltpu.VMEM((C, 16), f32),
            pltpu.VMEM((C, 16), f32),
            pltpu.VMEM((C, 96), jnp.bfloat16),
            pltpu.VMEM((C, 16), f32),
            pltpu.VMEM((C, 16), f32),
            pltpu.VMEM((C, 96), jnp.bfloat16),
            pltpu.VMEM((C, 80), f32),
            pltpu.VMEM((C, 80), f32),
            pltpu.VMEM((C,), i32),
            pltpu.VMEM_SHARED((NTA, 80), f32),
            pltpu.SemaphoreType.DMA,
            pltpu.SemaphoreType.DMA,
            pltpu.SemaphoreType.DMA,
            pltpu.SemaphoreType.DMA,
        ],
    )(_sc1_body)
    part1 = sc1(tbl_hd, tbl_md, tbl_tl, idx_all)

    tbl2_tl, s2all = pl.pallas_call(
        _tc2_body,
        grid=(G,),
        in_specs=[
            pl.BlockSpec((2, BLK, 80), lambda i: (0, i, 0)),
            pl.BlockSpec((8, 64), lambda i: (0, 0)),
            pl.BlockSpec((64, 16), lambda i: (0, 0)),
            pl.BlockSpec((64, 4), lambda i: (0, 0)),
        ],
        out_specs=[
            pl.BlockSpec((BLK, 16), lambda i: (i, 0)),
            pl.BlockSpec((BLK, 4), lambda i: (i, 0)),
        ],
        out_shape=[
            jax.ShapeDtypeStruct((NT, 16), f32),
            jax.ShapeDtypeStruct((NT, 4), f32),
        ],
    )(part1, K, M2tl, M2s)

    sc2 = functools.partial(
        pl.kernel,
        out_type=jax.ShapeDtypeStruct((2, NT, 16), f32),
        mesh=mesh,
        compiler_params=sc_params,
        scratch_types=[
            pltpu.VMEM((NCH, C), i32),
            pltpu.VMEM((NCH, C), i32),
            pltpu.VMEM((NCH, C), i32),
            pltpu.VMEM((NT * 4,), f32),
            pltpu.VMEM((C, 16), f32),
            pltpu.VMEM((C, 16), f32),
            pltpu.VMEM((C, 16), f32),
            pltpu.VMEM((C, 16), f32),
            pltpu.VMEM((C, 16), f32),
            pltpu.VMEM((C,), i32),
            pltpu.VMEM_SHARED((NT, 16), f32),
            pltpu.SemaphoreType.DMA,
            pltpu.SemaphoreType.DMA,
            pltpu.SemaphoreType.DMA,
            pltpu.SemaphoreType.DMA,
        ],
    )(_sc2_body)
    part2 = sc2(tbl2_tl, s2all.reshape(NT * 4), idx_all)

    OBLK = 1000
    out = pl.pallas_call(
        _tc3_body,
        grid=(N_NODES // OBLK,),
        in_specs=[pl.BlockSpec((2, OBLK, 16), lambda i: (0, i, 0))],
        out_specs=pl.BlockSpec((OBLK, ncls), lambda i: (i, 0)),
        out_shape=jax.ShapeDtypeStruct((N_NODES, ncls), f32),
    )(part2)
    return out

# --- scband reference (transcript-rebuilt; emitter-appended) ---
"""Pipeline reference for scband-net-37056977829968 (READ-ONLY COPY).

The authoritative reference and input builder live on the scoring server;
editing this copy changes nothing except your own understanding.
"""

import jax, jax.numpy as jnp
import numpy as np

N_NODES = 10000
N_PATHS = 320000
D_FEAT = 128
HIDDEN = 8
HEADS = 8
OUT_HEADS = 1
N_CLASSES = 7
NEG_SLOPE = 0.2


def setup_inputs(seed: int = 0) -> dict:
    key = jax.random.key(seed)
    k1, k2, k3, k4, k5, k6 = jax.random.split(key, 6)
    x = jax.random.normal(k1, (N_NODES, D_FEAT), dtype=jnp.float32)
    path_index = jax.random.randint(k2, (3, N_PATHS), 0, N_NODES, dtype=jnp.int64)
    # PAGATConv 1: in=128 -> heads=8 x out=8 (concat)
    W1 = jax.random.normal(k3, (D_FEAT, HEADS * HIDDEN), dtype=jnp.float32) * (1.0 / np.sqrt(D_FEAT))
    att1 = jax.random.normal(k4, (HEADS, 3 * HIDDEN), dtype=jnp.float32) * 0.1
    # PAGATConv 2: in=64 -> heads=1 x out=7 (no concat, mean)
    W2 = jax.random.normal(k5, (HEADS * HIDDEN, OUT_HEADS * N_CLASSES), dtype=jnp.float32) * (1.0 / np.sqrt(HEADS * HIDDEN))
    att2 = jax.random.normal(k6, (OUT_HEADS, 3 * N_CLASSES), dtype=jnp.float32) * 0.1
    return {"x": x, "path_index": path_index, "W1": W1, "att1": att1, "W2": W2, "att2": att2}


def _pagat_conv(x, path_index, W, att, concat):
    # Path-attention GAT conv over 2-hop paths (head, mid, tail).
    N = x.shape[0]
    heads = att.shape[0]
    out = att.shape[1] // 3
    h = (x @ W).reshape(N, heads, out)
    hd = path_index[0]
    md = path_index[1]
    tl = path_index[2]
    h_hd = jnp.take(h, hd, axis=0)   # [P, heads, out]
    h_md = jnp.take(h, md, axis=0)
    h_tl = jnp.take(h, tl, axis=0)
    feat = jnp.concatenate([h_hd, h_md, h_tl], axis=-1)          # [P, heads, 3*out]
    alpha = jnp.sum(feat * att[None, :, :], axis=-1)             # [P, heads]
    alpha = jax.nn.leaky_relu(alpha, NEG_SLOPE)
    # segment softmax over destination (head) nodes
    amax = jax.ops.segment_max(alpha, hd, num_segments=N)        # [N, heads]
    amax = jnp.where(jnp.isfinite(amax), amax, 0.0)
    ex = jnp.exp(alpha - jnp.take(amax, hd, axis=0))
    denom = jax.ops.segment_sum(ex, hd, num_segments=N)          # [N, heads]
    coef = ex / (jnp.take(denom, hd, axis=0) + 1e-16)            # [P, heads]
    msg = coef[..., None] * h_tl                                 # [P, heads, out]
    agg = jax.ops.segment_sum(msg, hd, num_segments=N)           # [N, heads, out]
    if concat:
        return agg.reshape(N, heads * out)
    return agg.mean(axis=1)


def reference(x, path_index, W1, att1, W2, att2):
    # eval mode: dropout disabled
    h = _pagat_conv(x, path_index, W1, att1, concat=True)
    h = jax.nn.elu(h)
    h = _pagat_conv(h, path_index, W2, att2, concat=False)
    return jax.nn.log_softmax(h, axis=1)

if __name__ == "__main__":
    import jax
    _d = setup_inputs()
    print(jax.jit(kernel)(*tuple(_d.values())))

</pallas_src>

<mosaic_0001>
#map = affine_map<(d0, d1) -> (0, 0)>
#map1 = affine_map<(d0, d1) -> (0, 0, 0)>
module attributes {stable_mosaic.version = 14 : i64} {
  func.func @_sc1_body(%arg0: i32, %arg1: i32, %arg2: memref<10240x16xf32, #tpu.memory_space<hbm>>, %arg3: memref<10240x16xf32, #tpu.memory_space<hbm>>, %arg4: memref<10240x96xbf16, #tpu.memory_space<hbm>>, %arg5: memref<3x2560x128xi32, #tpu.memory_space<hbm>>, %arg6: memref<2x10240x80xf32, #tpu.memory_space<hbm>>, %arg7: memref<80x128xi32, #tpu.memory_space<vmem>>, %arg8: memref<80x128xi32, #tpu.memory_space<vmem>>, %arg9: memref<80x128xi32, #tpu.memory_space<vmem>>, %arg10: memref<128x16xf32, #tpu.memory_space<vmem>>, %arg11: memref<128x16xf32, #tpu.memory_space<vmem>>, %arg12: memref<128x96xbf16, #tpu.memory_space<vmem>>, %arg13: memref<128x16xf32, #tpu.memory_space<vmem>>, %arg14: memref<128x16xf32, #tpu.memory_space<vmem>>, %arg15: memref<128x96xbf16, #tpu.memory_space<vmem>>, %arg16: memref<128x80xf32, #tpu.memory_space<vmem>>, %arg17: memref<128x80xf32, #tpu.memory_space<vmem>>, %arg18: memref<128xi32, #tpu.memory_space<vmem>>, %arg19: memref<10064x80xf32, #tpu.memory_space<vmem_shared>>, %arg20: memref<!tpu.dma_semaphore, #tpu.memory_space<semaphore_mem>>, %arg21: memref<!tpu.dma_semaphore, #tpu.memory_space<semaphore_mem>>, %arg22: memref<!tpu.dma_semaphore, #tpu.memory_space<semaphore_mem>>, %arg23: memref<!tpu.dma_semaphore, #tpu.memory_space<semaphore_mem>>) attributes {dimension_semantics = [#tpu.dimension_semantics<core_parallel>, #tpu.dimension_semantics<subcore_parallel>], iteration_bounds = array<i64: 2, 16>, scalar_prefetch = 0 : i64, scratch_operands = 17 : i64, tpu.core_type = #tpu.core_type<sc_vector_subcore>, window_params = [{transform_indices = #map}, {transform_indices = #map}, {transform_indices = #map}, {transform_indices = #map1}, {transform_indices = #map1}]} {
    %mul3A = arith.constant 16 : i32
    %mul3A_0 = arith.muli %arg0, %mul3A : i32
    %add3A = arith.addi %mul3A_0, %arg1 : i32
    %mul3A_1 = arith.constant 80 : i32
    %mul3A_2 = arith.muli %add3A, %mul3A_1 : i32
    %run_scoped3A = arith.constant 0 : i32
    "tpu.region"() ({
      %run_scoped3A_92 = tpu.sem_alloc : memref<!tpu.dma_semaphore, #tpu.memory_space<semaphore_mem>>
      %dma_start3A_93 = arith.constant 0 : i32
      %dma_start3A_94 = tpu.memref_slice %arg5[%run_scoped3A, %mul3A_2, %dma_start3A_93] : memref<3x2560x128xi32, #tpu.memory_space<hbm>> -> memref<1x80x128xi32, #tpu.memory_space<hbm>>
      %dma_start3A_95 = tpu.memref_squeeze %dma_start3A_94 : memref<1x80x128xi32, #tpu.memory_space<hbm>> -> memref<80x128xi32, #tpu.memory_space<hbm>>
      %dma_start3A_96 = arith.constant 0 : i32
      %dma_start3A_97 = tpu.memref_slice %arg5[%run_scoped3A, %mul3A_2, %dma_start3A_96] : memref<3x2560x128xi32, #tpu.memory_space<hbm>> -> memref<1x80x128xi32, #tpu.memory_space<hbm>>
      %dma_start3A_98 = tpu.memref_squeeze %dma_start3A_97 : memref<1x80x128xi32, #tpu.memory_space<hbm>> -> memref<80x128xi32, #tpu.memory_space<hbm>>
      tpu.enqueue_dma source(%dma_start3A_98 : memref<80x128xi32, #tpu.memory_space<hbm>>) target(%arg7 : memref<80x128xi32, #tpu.memory_space<vmem>>) target_semaphore(%run_scoped3A_92 : memref<!tpu.dma_semaphore, #tpu.memory_space<semaphore_mem>>)
      %dma_wait3A_99 = arith.constant 0 : i32
      %dma_wait3A_100 = tpu.memref_slice %arg5[%run_scoped3A, %mul3A_2, %dma_wait3A_99] : memref<3x2560x128xi32, #tpu.memory_space<hbm>> -> memref<1x80x128xi32, #tpu.memory_space<hbm>>
      %dma_wait3A_101 = tpu.memref_squeeze %dma_wait3A_100 : memref<1x80x128xi32, #tpu.memory_space<hbm>> -> memref<80x128xi32, #tpu.memory_space<hbm>>
      %dma_wait3A_102 = arith.constant 0 : i32
      %dma_wait3A_103 = tpu.memref_slice %arg5[%run_scoped3A, %mul3A_2, %dma_wait3A_102] : memref<3x2560x128xi32, #tpu.memory_space<hbm>> -> memref<1x80x128xi32, #tpu.memory_space<hbm>>
      %dma_wait3A_104 = tpu.memref_squeeze %dma_wait3A_103 : memref<1x80x128xi32, #tpu.memory_space<hbm>> -> memref<80x128xi32, #tpu.memory_space<hbm>>
      tpu.wait_dma2 semaphore(%run_scoped3A_92 : memref<!tpu.dma_semaphore, #tpu.memory_space<semaphore_mem>>) src(%dma_wait3A_104 : memref<80x128xi32, #tpu.memory_space<hbm>>) dst(%arg7 : memref<80x128xi32, #tpu.memory_space<vmem>>)
      tpu.yield
    }) : () -> ()
    %run_scoped3A_3 = arith.constant 1 : i32
    "tpu.region"() ({
      %run_scoped3A_92 = tpu.sem_alloc : memref<!tpu.dma_semaphore, #tpu.memory_space<semaphore_mem>>
      %dma_start3A_93 = arith.constant 0 : i32
      %dma_start3A_94 = tpu.memref_slice %arg5[%run_scoped3A_3, %mul3A_2, %dma_start3A_93] : memref<3x2560x128xi32, #tpu.memory_space<hbm>> -> memref<1x80x128xi32, #tpu.memory_space<hbm>>
      %dma_start3A_95 = tpu.memref_squeeze %dma_start3A_94 : memref<1x80x128xi32, #tpu.memory_space<hbm>> -> memref<80x128xi32, #tpu.memory_space<hbm>>
      %dma_start3A_96 = arith.constant 0 : i32
      %dma_start3A_97 = tpu.memref_slice %arg5[%run_scoped3A_3, %mul3A_2, %dma_start3A_96] : memref<3x2560x128xi32, #tpu.memory_space<hbm>> -> memref<1x80x128xi32, #tpu.memory_space<hbm>>
      %dma_start3A_98 = tpu.memref_squeeze %dma_start3A_97 : memref<1x80x128xi32, #tpu.memory_space<hbm>> -> memref<80x128xi32, #tpu.memory_space<hbm>>
      tpu.enqueue_dma source(%dma_start3A_98 : memref<80x128xi32, #tpu.memory_space<hbm>>) target(%arg8 : memref<80x128xi32, #tpu.memory_space<vmem>>) target_semaphore(%run_scoped3A_92 : memref<!tpu.dma_semaphore, #tpu.memory_space<semaphore_mem>>)
      %dma_wait3A_99 = arith.constant 0 : i32
      %dma_wait3A_100 = tpu.memref_slice %arg5[%run_scoped3A_3, %mul3A_2, %dma_wait3A_99] : memref<3x2560x128xi32, #tpu.memory_space<hbm>> -> memref<1x80x128xi32, #tpu.memory_space<hbm>>
      %dma_wait3A_101 = tpu.memref_squeeze %dma_wait3A_100 : memref<1x80x128xi32, #tpu.memory_space<hbm>> -> memref<80x128xi32, #tpu.memory_space<hbm>>
      %dma_wait3A_102 = arith.constant 0 : i32
      %dma_wait3A_103 = tpu.memref_slice %arg5[%run_scoped3A_3, %mul3A_2, %dma_wait3A_102] : memref<3x2560x128xi32, #tpu.memory_space<hbm>> -> memref<1x80x128xi32, #tpu.memory_space<hbm>>
      %dma_wait3A_104 = tpu.memref_squeeze %dma_wait3A_103 : memref<1x80x128xi32, #tpu.memory_space<hbm>> -> memref<80x128xi32, #tpu.memory_space<hbm>>
      tpu.wait_dma2 semaphore(%run_scoped3A_92 : memref<!tpu.dma_semaphore, #tpu.memory_space<semaphore_mem>>) src(%dma_wait3A_104 : memref<80x128xi32, #tpu.memory_space<hbm>>) dst(%arg8 : memref<80x128xi32, #tpu.memory_space<vmem>>)
      tpu.yield
    }) : () -> ()
    %run_scoped3A_4 = arith.constant 2 : i32
    "tpu.region"() ({
      %run_scoped3A_92 = tpu.sem_alloc : memref<!tpu.dma_semaphore, #tpu.memory_space<semaphore_mem>>
      %dma_start3A_93 = arith.constant 0 : i32
      %dma_start3A_94 = tpu.memref_slice %arg5[%run_scoped3A_4, %mul3A_2, %dma_start3A_93] : memref<3x2560x128xi32, #tpu.memory_space<hbm>> -> memref<1x80x128xi32, #tpu.memory_space<hbm>>
      %dma_start3A_95 = tpu.memref_squeeze %dma_start3A_94 : memref<1x80x128xi32, #tpu.memory_space<hbm>> -> memref<80x128xi32, #tpu.memory_space<hbm>>
      %dma_start3A_96 = arith.constant 0 : i32
      %dma_start3A_97 = tpu.memref_slice %arg5[%run_scoped3A_4, %mul3A_2, %dma_start3A_96] : memref<3x2560x128xi32, #tpu.memory_space<hbm>> -> memref<1x80x128xi32, #tpu.memory_space<hbm>>
      %dma_start3A_98 = tpu.memref_squeeze %dma_start3A_97 : memref<1x80x128xi32, #tpu.memory_space<hbm>> -> memref<80x128xi32, #tpu.memory_space<hbm>>
      tpu.enqueue_dma source(%dma_start3A_98 : memref<80x128xi32, #tpu.memory_space<hbm>>) target(%arg9 : memref<80x128xi32, #tpu.memory_space<vmem>>) target_semaphore(%run_scoped3A_92 : memref<!tpu.dma_semaphore, #tpu.memory_space<semaphore_mem>>)
      %dma_wait3A_99 = arith.constant 0 : i32
      %dma_wait3A_100 = tpu.memref_slice %arg5[%run_scoped3A_4, %mul3A_2, %dma_wait3A_99] : memref<3x2560x128xi32, #tpu.memory_space<hbm>> -> memref<1x80x128xi32, #tpu.memory_space<hbm>>
      %dma_wait3A_101 = tpu.memref_squeeze %dma_wait3A_100 : memref<1x80x128xi32, #tpu.memory_space<hbm>> -> memref<80x128xi32, #tpu.memory_space<hbm>>
      %dma_wait3A_102 = arith.constant 0 : i32
      %dma_wait3A_103 = tpu.memref_slice %arg5[%run_scoped3A_4, %mul3A_2, %dma_wait3A_102] : memref<3x2560x128xi32, #tpu.memory_space<hbm>> -> memref<1x80x128xi32, #tpu.memory_space<hbm>>
      %dma_wait3A_104 = tpu.memref_squeeze %dma_wait3A_103 : memref<1x80x128xi32, #tpu.memory_space<hbm>> -> memref<80x128xi32, #tpu.memory_space<hbm>>
      tpu.wait_dma2 semaphore(%run_scoped3A_92 : memref<!tpu.dma_semaphore, #tpu.memory_space<semaphore_mem>>) src(%dma_wait3A_104 : memref<80x128xi32, #tpu.memory_space<hbm>>) dst(%arg9 : memref<80x128xi32, #tpu.memory_space<vmem>>)
      tpu.yield
    }) : () -> ()
    %dma_start3A = arith.constant 0 : i32
    %dma_start3A_5 = arith.constant 0 : i32
    %dma_start3A_6 = tpu.memref_slice %arg7[%dma_start3A, %dma_start3A_5] : memref<80x128xi32, #tpu.memory_space<vmem>> -> memref<1x128xi32, #tpu.memory_space<vmem>>
    %dma_start3A_7 = tpu.memref_squeeze %dma_start3A_6 : memref<1x128xi32, #tpu.memory_space<vmem>> -> memref<128xi32, #tpu.memory_space<vmem>>
    %dma_start3A_8 = arith.constant 0 : i32
    %dma_start3A_9 = arith.constant 0 : i32
    %dma_start3A_10 = tpu.memref_slice %arg2[%dma_start3A_8, %dma_start3A_9] : memref<10240x16xf32, #tpu.memory_space<hbm>> -> memref<10240x16xf32, #tpu.memory_space<hbm>>
    tpu.enqueue_indirect_dma source(%dma_start3A_10 : memref<10240x16xf32, #tpu.memory_space<hbm>>) target(%arg10 : memref<128x16xf32, #tpu.memory_space<vmem>>) offsets(%dma_start3A_7 : memref<128xi32, #tpu.memory_space<vmem>>) semaphore(%arg20 : memref<!tpu.dma_semaphore, #tpu.memory_space<semaphore_mem>>)
    %dma_start3A_11 = arith.constant 0 : i32
    %dma_start3A_12 = arith.constant 0 : i32
    %dma_start3A_13 = tpu.memref_slice %arg8[%dma_start3A_11, %dma_start3A_12] : memref<80x128xi32, #tpu.memory_space<vmem>> -> memref<1x128xi32, #tpu.memory_space<vmem>>
    %dma_start3A_14 = tpu.memref_squeeze %dma_start3A_13 : memref<1x128xi32, #tpu.memory_space<vmem>> -> memref<128xi32, #tpu.memory_space<vmem>>
    %dma_start3A_15 = arith.constant 0 : i32
    %dma_start3A_16 = arith.constant 0 : i32
    %dma_start3A_17 = tpu.memref_slice %arg3[%dma_start3A_15, %dma_start3A_16] : memref<10240x16xf32, #tpu.memory_space<hbm>> -> memref<10240x16xf32, #tpu.memory_space<hbm>>
    tpu.enqueue_indirect_dma source(%dma_start3A_17 : memref<10240x16xf32, #tpu.memory_space<hbm>>) target(%arg11 : memref<128x16xf32, #tpu.memory_space<vmem>>) offsets(%dma_start3A_14 : memref<128xi32, #tpu.memory_space<vmem>>) semaphore(%arg20 : memref<!tpu.dma_semaphore, #tpu.memory_space<semaphore_mem>>)
    %dma_start3A_18 = arith.constant 0 : i32
    %dma_start3A_19 = arith.constant 0 : i32
    %dma_start3A_20 = tpu.memref_slice %arg9[%dma_start3A_18, %dma_start3A_19] : memref<80x128xi32, #tpu.memory_space<vmem>> -> memref<1x128xi32, #tpu.memory_space<vmem>>
    %dma_start3A_21 = tpu.memref_squeeze %dma_start3A_20 : memref<1x128xi32, #tpu.memory_space<vmem>> -> memref<128xi32, #tpu.memory_space<vmem>>
    %dma_start3A_22 = arith.constant 0 : i32
    %dma_start3A_23 = arith.constant 0 : i32
    %dma_start3A_24 = tpu.memref_slice %arg4[%dma_start3A_22, %dma_start3A_23] : memref<10240x96xbf16, #tpu.memory_space<hbm>> -> memref<10240x96xbf16, #tpu.memory_space<hbm>>
    tpu.enqueue_indirect_dma source(%dma_start3A_24 : memref<10240x96xbf16, #tpu.memory_space<hbm>>) target(%arg12 : memref<128x96xbf16, #tpu.memory_space<vmem>>) offsets(%dma_start3A_21 : memref<128xi32, #tpu.memory_space<vmem>>) semaphore(%arg20 : memref<!tpu.dma_semaphore, #tpu.memory_space<semaphore_mem>>)
    %broadcast_in_dim3A = arith.constant 0.000000e+00 : f32
    %broadcast_in_dim3A_25 = vector.broadcast %broadcast_in_dim3A : f32 to vector<16xf32>
    %broadcast_in_dim3A_26 = arith.constant 10000 : i32
    %broadcast_in_dim3A_27 = vector.broadcast %broadcast_in_dim3A_26 : i32 to vector<16xi32>
    %scan3A = arith.constant 0 : i32
    %scan3A_28 = arith.constant 0 : i32
    %scan3A_29 = arith.constant 128 : i32
    %scan3A_30 = arith.addi %scan3A_28, %scan3A_29 : i32
    %scan3A_31 = arith.constant 1 : i32
    scf.for %scan3A_92 = %scan3A_28 to %scan3A_30 step %scan3A_31  : i32 {
      %swap3A_93 = arith.index_cast %scan3A_92 : i32 to index
      %swap3A_94 = arith.constant 0 : index
      %swap3A_95 = tpu.vector_load %arg16[%swap3A_93, %swap3A_94] {strides = array<i32>} : memref<128x80xf32, #tpu.memory_space<vmem>>, vector<16xf32>,
      tpu.vector_store %arg16[%swap3A_93, %swap3A_94], %broadcast_in_dim3A_25 {strides = array<i32>} : memref<128x80xf32, #tpu.memory_space<vmem>>, vector<16xf32>,
      %swap3A_96 = arith.index_cast %scan3A_92 : i32 to index
      %swap3A_97 = arith.constant 16 : index
      %swap3A_98 = tpu.vector_load %arg16[%swap3A_96, %swap3A_97] {strides = array<i32>} : memref<128x80xf32, #tpu.memory_space<vmem>>, vector<16xf32>,
      tpu.vector_store %arg16[%swap3A_96, %swap3A_97], %broadcast_in_dim3A_25 {strides = array<i32>} : memref<128x80xf32, #tpu.memory_space<vmem>>, vector<16xf32>,
      %swap3A_99 = arith.index_cast %scan3A_92 : i32 to index
      %swap3A_100 = arith.constant 32 : index
      %swap3A_101 = tpu.vector_load %arg16[%swap3A_99, %swap3A_100] {strides = array<i32>} : memref<128x80xf32, #tpu.memory_space<vmem>>, vector<16xf32>,
      tpu.vector_store %arg16[%swap3A_99, %swap3A_100], %broadcast_in_dim3A_25 {strides = array<i32>} : memref<128x80xf32, #tpu.memory_space<vmem>>, vector<16xf32>,
      %swap3A_102 = arith.index_cast %scan3A_92 : i32 to index
      %swap3A_103 = arith.constant 48 : index
      %swap3A_104 = tpu.vector_load %arg16[%swap3A_102, %swap3A_103] {strides = array<i32>} : memref<128x80xf32, #tpu.memory_space<vmem>>, vector<16xf32>,
      tpu.vector_store %arg16[%swap3A_102, %swap3A_103], %broadcast_in_dim3A_25 {strides = array<i32>} : memref<128x80xf32, #tpu.memory_space<vmem>>, vector<16xf32>,
      %swap3A_105 = arith.index_cast %scan3A_92 : i32 to index
      %swap3A_106 = arith.constant 64 : index
      %swap3A_107 = tpu.vector_load %arg16[%swap3A_105, %swap3A_106] {strides = array<i32>} : memref<128x80xf32, #tpu.memory_space<vmem>>, vector<16xf32>,
      tpu.vector_store %arg16[%swap3A_105, %swap3A_106], %broadcast_in_dim3A_25 {strides = array<i32>} : memref<128x80xf32, #tpu.memory_space<vmem>>, vector<16xf32>,
    }
    %scan3A_32 = arith.constant 128 : i32
    %swap3A = arith.constant 0 : index
    %swap3A_33 = tpu.vector_load %arg18[%swap3A] {strides = array<i32>} : memref<128xi32, #tpu.memory_space<vmem>>, vector<16xi32>,
    tpu.vector_store %arg18[%swap3A], %broadcast_in_dim3A_27 {strides = array<i32>} : memref<128xi32, #tpu.memory_space<vmem>>, vector<16xi32>,
    %swap3A_34 = arith.constant 16 : index
    %swap3A_35 = tpu.vector_load %arg18[%swap3A_34] {strides = array<i32>} : memref<128xi32, #tpu.memory_space<vmem>>, vector<16xi32>,
    tpu.vector_store %arg18[%swap3A_34], %broadcast_in_dim3A_27 {strides = array<i32>} : memref<128xi32, #tpu.memory_space<vmem>>, vector<16xi32>,
    %swap3A_36 = arith.constant 32 : index
    %swap3A_37 = tpu.vector_load %arg18[%swap3A_36] {strides = array<i32>} : memref<128xi32, #tpu.memory_space<vmem>>, vector<16xi32>,
    tpu.vector_store %arg18[%swap3A_36], %broadcast_in_dim3A_27 {strides = array<i32>} : memref<128xi32, #tpu.memory_space<vmem>>, vector<16xi32>,
    %swap3A_38 = arith.constant 48 : index
    %swap3A_39 = tpu.vector_load %arg18[%swap3A_38] {strides = array<i32>} : memref<128xi32, #tpu.memory_space<vmem>>, vector<16xi32>,
    tpu.vector_store %arg18[%swap3A_38], %broadcast_in_dim3A_27 {strides = array<i32>} : memref<128xi32, #tpu.memory_space<vmem>>, vector<16xi32>,
    %swap3A_40 = arith.constant 64 : index
    %swap3A_41 = tpu.vector_load %arg18[%swap3A_40] {strides = array<i32>} : memref<128xi32, #tpu.memory_space<vmem>>, vector<16xi32>,
    tpu.vector_store %arg18[%swap3A_40], %broadcast_in_dim3A_27 {strides = array<i32>} : memref<128xi32, #tpu.memory_space<vmem>>, vector<16xi32>,
    %swap3A_42 = arith.constant 80 : index
    %swap3A_43 = tpu.vector_load %arg18[%swap3A_42] {strides = array<i32>} : memref<128xi32, #tpu.memory_space<vmem>>, vector<16xi32>,
    tpu.vector_store %arg18[%swap3A_42], %broadcast_in_dim3A_27 {strides = array<i32>} : memref<128xi32, #tpu.memory_space<vmem>>, vector<16xi32>,
    %swap3A_44 = arith.constant 96 : index
    %swap3A_45 = tpu.vector_load %arg18[%swap3A_44] {strides = array<i32>} : memref<128xi32, #tpu.memory_space<vmem>>, vector<16xi32>,
    tpu.vector_store %arg18[%swap3A_44], %broadcast_in_dim3A_27 {strides = array<i32>} : memref<128xi32, #tpu.memory_space<vmem>>, vector<16xi32>,
    %swap3A_46 = arith.constant 112 : index
    %swap3A_47 = tpu.vector_load %arg18[%swap3A_46] {strides = array<i32>} : memref<128xi32, #tpu.memory_space<vmem>>, vector<16xi32>,
    tpu.vector_store %arg18[%swap3A_46], %broadcast_in_dim3A_27 {strides = array<i32>} : memref<128xi32, #tpu.memory_space<vmem>>, vector<16xi32>,
    %mul3A_48 = arith.constant 629 : i32
    %mul3A_49 = arith.muli %arg1, %mul3A_48 : i32
    %add3A_50 = arith.constant 0 : i32
    %add3A_51 = arith.addi %mul3A_49, %add3A_50 : i32
    "tpu.region"() ({
      %run_scoped3A_92 = tpu.sem_alloc : memref<!tpu.dma_semaphore, #tpu.memory_space<semaphore_mem>>
      %dma_start3A_93 = arith.constant 0 : i32
      %dma_start3A_94 = tpu.memref_slice %arg19[%add3A_51, %dma_start3A_93] : memref<10064x80xf32, #tpu.memory_space<vmem_shared>> -> memref<128x80xf32, #tpu.memory_space<vmem_shared>>
      %dma_start3A_95 = arith.constant 0 : i32
      %dma_start3A_96 = tpu.memref_slice %arg19[%add3A_51, %dma_start3A_95] : memref<10064x80xf32, #tpu.memory_space<vmem_shared>> -> memref<128x80xf32, #tpu.memory_space<vmem_shared>>
      tpu.enqueue_dma source(%arg16 : memref<128x80xf32, #tpu.memory_space<vmem>>) target(%dma_start3A_96 : memref<128x80xf32, #tpu.memory_space<vmem_shared>>) target_semaphore(%run_scoped3A_92 : memref<!tpu.dma_semaphore, #tpu.memory_space<semaphore_mem>>)
      %dma_wait3A_97 = arith.constant 0 : i32
      %dma_wait3A_98 = tpu.memref_slice %arg19[%add3A_51, %dma_wait3A_97] : memref<10064x80xf32, #tpu.memory_space<vmem_shared>> -> memref<128x80xf32, #tpu.memory_space<vmem_shared>>
      %dma_wait3A_99 = arith.constant 0 : i32
      %dma_wait3A_100 = tpu.memref_slice %arg19[%add3A_51, %dma_wait3A_99] : memref<10064x80xf32, #tpu.memory_space<vmem_shared>> -> memref<128x80xf32, #tpu.memory_space<vmem_shared>>
      tpu.wait_dma2 semaphore(%run_scoped3A_92 : memref<!tpu.dma_semaphore, #tpu.memory_space<semaphore_mem>>) src(%arg16 : memref<128x80xf32, #tpu.memory_space<vmem>>) dst(%dma_wait3A_100 : memref<128x80xf32, #tpu.memory_space<vmem_shared>>)
      tpu.yield
    }) : () -> ()
    %mul3A_52 = arith.constant 629 : i32
    %mul3A_53 = arith.muli %arg1, %mul3A_52 : i32
    %add3A_54 = arith.constant 128 : i32
    %add3A_55 = arith.addi %mul3A_53, %add3A_54 : i32
    "tpu.region"() ({
      %run_scoped3A_92 = tpu.sem_alloc : memref<!tpu.dma_semaphore, #tpu.memory_space<semaphore_mem>>
      %dma_start3A_93 = arith.constant 0 : i32
      %dma_start3A_94 = tpu.memref_slice %arg19[%add3A_55, %dma_start3A_93] : memref<10064x80xf32, #tpu.memory_space<vmem_shared>> -> memref<128x80xf32, #tpu.memory_space<vmem_shared>>
      %dma_start3A_95 = arith.constant 0 : i32
      %dma_start3A_96 = tpu.memref_slice %arg19[%add3A_55, %dma_start3A_95] : memref<10064x80xf32, #tpu.memory_space<vmem_shared>> -> memref<128x80xf32, #tpu.memory_space<vmem_shared>>
      tpu.enqueue_dma source(%arg16 : memref<128x80xf32, #tpu.memory_space<vmem>>) target(%dma_start3A_96 : memref<128x80xf32, #tpu.memory_space<vmem_shared>>) target_semaphore(%run_scoped3A_92 : memref<!tpu.dma_semaphore, #tpu.memory_space<semaphore_mem>>)
      %dma_wait3A_97 = arith.constant 0 : i32
      %dma_wait3A_98 = tpu.memref_slice %arg19[%add3A_55, %dma_wait3A_97] : memref<10064x80xf32, #tpu.memory_space<vmem_shared>> -> memref<128x80xf32, #tpu.memory_space<vmem_shared>>
      %dma_wait3A_99 = arith.constant 0 : i32
      %dma_wait3A_100 = tpu.memref_slice %arg19[%add3A_55, %dma_wait3A_99] : memref<10064x80xf32, #tpu.memory_space<vmem_shared>> -> memref<128x80xf32, #tpu.memory_space<vmem_shared>>
      tpu.wait_dma2 semaphore(%run_scoped3A_92 : memref<!tpu.dma_semaphore, #tpu.memory_space<semaphore_mem>>) src(%arg16 : memref<128x80xf32, #tpu.memory_space<vmem>>) dst(%dma_wait3A_100 : memref<128x80xf32, #tpu.memory_space<vmem_shared>>)
      tpu.yield
    }) : () -> ()
    %mul3A_56 = arith.constant 629 : i32
    %mul3A_57 = arith.muli %arg1, %mul3A_56 : i32
    %add3A_58 = arith.constant 256 : i32
    %add3A_59 = arith.addi %mul3A_57, %add3A_58 : i32
    "tpu.region"() ({
      %run_scoped3A_92 = tpu.sem_alloc : memref<!tpu.dma_semaphore, #tpu.memory_space<semaphore_mem>>
      %dma_start3A_93 = arith.constant 0 : i32
      %dma_start3A_94 = tpu.memref_slice %arg19[%add3A_59, %dma_start3A_93] : memref<10064x80xf32, #tpu.memory_space<vmem_shared>> -> memref<128x80xf32, #tpu.memory_space<vmem_shared>>
      %dma_start3A_95 = arith.constant 0 : i32
      %dma_start3A_96 = tpu.memref_slice %arg19[%add3A_59, %dma_start3A_95] : memref<10064x80xf32, #tpu.memory_space<vmem_shared>> -> memref<128x80xf32, #tpu.memory_space<vmem_shared>>
      tpu.enqueue_dma source(%arg16 : memref<128x80xf32, #tpu.memory_space<vmem>>) target(%dma_start3A_96 : memref<128x80xf32, #tpu.memory_space<vmem_shared>>) target_semaphore(%run_scoped3A_92 : memref<!tpu.dma_semaphore, #tpu.memory_space<semaphore_mem>>)
      %dma_wait3A_97 = arith.constant 0 : i32
      %dma_wait3A_98 = tpu.memref_slice %arg19[%add3A_59, %dma_wait3A_97] : memref<10064x80xf32, #tpu.memory_space<vmem_shared>> -> memref<128x80xf32, #tpu.memory_space<vmem_shared>>
      %dma_wait3A_99 = arith.constant 0 : i32
      %dma_wait3A_100 = tpu.memref_slice %arg19[%add3A_59, %dma_wait3A_99] : memref<10064x80xf32, #tpu.memory_space<vmem_shared>> -> memref<128x80xf32, #tpu.memory_space<vmem_shared>>
      tpu.wait_dma2 semaphore(%run_scoped3A_92 : memref<!tpu.dma_semaphore, #tpu.memory_space<semaphore_mem>>) src(%arg16 : memref<128x80xf32, #tpu.memory_space<vmem>>) dst(%dma_wait3A_100 : memref<128x80xf32, #tpu.memory_space<vmem_shared>>)
      tpu.yield
    }) : () -> ()
    %mul3A_60 = arith.constant 629 : i32
    %mul3A_61 = arith.muli %arg1, %mul3A_60 : i32
    %add3A_62 = arith.constant 384 : i32
    %add3A_63 = arith.addi %mul3A_61, %add3A_62 : i32
    "tpu.region"() ({
      %run_scoped3A_92 = tpu.sem_alloc : memref<!tpu.dma_semaphore, #tpu.memory_space<semaphore_mem>>
      %dma_start3A_93 = arith.constant 0 : i32
      %dma_start3A_94 = tpu.memref_slice %arg19[%add3A_63, %dma_start3A_93] : memref<10064x80xf32, #tpu.memory_space<vmem_shared>> -> memref<128x80xf32, #tpu.memory_space<vmem_shared>>
      %dma_start3A_95 = arith.constant 0 : i32
      %dma_start3A_96 = tpu.memref_slice %arg19[%add3A_63, %dma_start3A_95] : memref<10064x80xf32, #tpu.memory_space<vmem_shared>> -> memref<128x80xf32, #tpu.memory_space<vmem_shared>>
      tpu.enqueue_dma source(%arg16 : memref<128x80xf32, #tpu.memory_space<vmem>>) target(%dma_start3A_96 : memref<128x80xf32, #tpu.memory_space<vmem_shared>>) target_semaphore(%run_scoped3A_92 : memref<!tpu.dma_semaphore, #tpu.memory_space<semaphore_mem>>)
      %dma_wait3A_97 = arith.constant 0 : i32
      %dma_wait3A_98 = tpu.memref_slice %arg19[%add3A_63, %dma_wait3A_97] : memref<10064x80xf32, #tpu.memory_space<vmem_shared>> -> memref<128x80xf32, #tpu.memory_space<vmem_shared>>
      %dma_wait3A_99 = arith.constant 0 : i32
      %dma_wait3A_100 = tpu.memref_slice %arg19[%add3A_63, %dma_wait3A_99] : memref<10064x80xf32, #tpu.memory_space<vmem_shared>> -> memref<128x80xf32, #tpu.memory_space<vmem_shared>>
      tpu.wait_dma2 semaphore(%run_scoped3A_92 : memref<!tpu.dma_semaphore, #tpu.memory_space<semaphore_mem>>) src(%arg16 : memref<128x80xf32, #tpu.memory_space<vmem>>) dst(%dma_wait3A_100 : memref<128x80xf32, #tpu.memory_space<vmem_shared>>)
      tpu.yield
    }) : () -> ()
    %mul3A_64 = arith.constant 629 : i32
    %mul3A_65 = arith.muli %arg1, %mul3A_64 : i32
    %add3A_66 = arith.constant 512 : i32
    %add3A_67 = arith.addi %mul3A_65, %add3A_66 : i32
    "tpu.region"() ({
      %run_scoped3A_92 = tpu.sem_alloc : memref<!tpu.dma_semaphore, #tpu.memory_space<semaphore_mem>>
      %dma_start3A_93 = arith.constant 0 : i32
      %dma_start3A_94 = arith.constant 0 : i32
      %dma_start3A_95 = tpu.memref_slice %arg16[%dma_start3A_93, %dma_start3A_94] : memref<128x80xf32, #tpu.memory_space<vmem>> -> memref<117x80xf32, #tpu.memory_space<vmem>>
      %dma_start3A_96 = arith.constant 0 : i32
      %dma_start3A_97 = tpu.memref_slice %arg19[%add3A_67, %dma_start3A_96] : memref<10064x80xf32, #tpu.memory_space<vmem_shared>> -> memref<117x80xf32, #tpu.memory_space<vmem_shared>>
      %dma_start3A_98 = arith.constant 0 : i32
      %dma_start3A_99 = tpu.memref_slice %arg19[%add3A_67, %dma_start3A_98] : memref<10064x80xf32, #tpu.memory_space<vmem_shared>> -> memref<117x80xf32, #tpu.memory_space<vmem_shared>>
      %dma_start3A_100 = arith.constant 0 : i32
      %dma_start3A_101 = arith.constant 0 : i32
      %dma_start3A_102 = tpu.memref_slice %arg16[%dma_start3A_100, %dma_start3A_101] : memref<128x80xf32, #tpu.memory_space<vmem>> -> memref<117x80xf32, #tpu.memory_space<vmem>>
      tpu.enqueue_dma source(%dma_start3A_102 : memref<117x80xf32, #tpu.memory_space<vmem>>) target(%dma_start3A_99 : memref<117x80xf32, #tpu.memory_space<vmem_shared>>) target_semaphore(%run_scoped3A_92 : memref<!tpu.dma_semaphore, #tpu.memory_space<semaphore_mem>>)
      %dma_wait3A_103 = arith.constant 0 : i32
      %dma_wait3A_104 = arith.constant 0 : i32
      %dma_wait3A_105 = tpu.memref_slice %arg16[%dma_wait3A_103, %dma_wait3A_104] : memref<128x80xf32, #tpu.memory_space<vmem>> -> memref<117x80xf32, #tpu.memory_space<vmem>>
      %dma_wait3A_106 = arith.constant 0 : i32
      %dma_wait3A_107 = tpu.memref_slice %arg19[%add3A_67, %dma_wait3A_106] : memref<10064x80xf32, #tpu.memory_space<vmem_shared>> -> memref<117x80xf32, #tpu.memory_space<vmem_shared>>
      %dma_wait3A_108 = arith.constant 0 : i32
      %dma_wait3A_109 = tpu.memref_slice %arg19[%add3A_67, %dma_wait3A_108] : memref<10064x80xf32, #tpu.memory_space<vmem_shared>> -> memref<117x80xf32, #tpu.memory_space<vmem_shared>>
      %dma_wait3A_110 = arith.constant 0 : i32
      %dma_wait3A_111 = arith.constant 0 : i32
      %dma_wait3A_112 = tpu.memref_slice %arg16[%dma_wait3A_110, %dma_wait3A_111] : memref<128x80xf32, #tpu.memory_space<vmem>> -> memref<117x80xf32, #tpu.memory_space<vmem>>
      tpu.wait_dma2 semaphore(%run_scoped3A_92 : memref<!tpu.dma_semaphore, #tpu.memory_space<semaphore_mem>>) src(%dma_wait3A_112 : memref<117x80xf32, #tpu.memory_space<vmem>>) dst(%dma_wait3A_109 : memref<117x80xf32, #tpu.memory_space<vmem_shared>>)
      tpu.yield
    }) : () -> ()
    %barrier3A = arith.constant 0 : index
    tpu.barrier barrier_id(%barrier3A)
    %dma_start3A_68 = arith.constant 0 : i32
    %dma_start3A_69 = arith.constant 0 : i32
    %dma_start3A_70 = tpu.memref_slice %arg19[%dma_start3A_68, %dma_start3A_69] : memref<10064x80xf32, #tpu.memory_space<vmem_shared>> -> memref<10064x80xf32, #tpu.memory_space<vmem_shared>>
    tpu.enqueue_indirect_dma source(%arg16 : memref<128x80xf32, #tpu.memory_space<vmem>>) target(%dma_start3A_70 : memref<10064x80xf32, #tpu.memory_space<vmem_shared>>) offsets(%arg18 : memref<128xi32, #tpu.memory_space<vmem>>) semaphore(%arg22 : memref<!tpu.dma_semaphore, #tpu.memory_space<semaphore_mem>>) {add = true}
    %dma_start3A_71 = arith.constant 0 : i32
    %dma_start3A_72 = arith.constant 0 : i32
    %dma_start3A_73 = tpu.memref_slice %arg19[%dma_start3A_71, %dma_start3A_72] : memref<10064x80xf32, #tpu.memory_space<vmem_shared>> -> memref<10064x80xf32, #tpu.memory_space<vmem_shared>>
    tpu.enqueue_indirect_dma source(%arg16 : memref<128x80xf32, #tpu.memory_space<vmem>>) target(%dma_start3A_73 : memref<10064x80xf32, #tpu.memory_space<vmem_shared>>) offsets(%arg18 : memref<128xi32, #tpu.memory_space<vmem>>) semaphore(%arg23 : memref<!tpu.dma_semaphore, #tpu.memory_space<semaphore_mem>>) {add = true}
    %iota3A = tpu.iota {dimensions = array<i32: 0>} : vector<16xi32>
    %ge3A = arith.constant 8 : i32
    %ge3A_74 = vector.broadcast %ge3A : i32 to vector<16xi32>
    %ge3A_75 = arith.cmpi sge, %iota3A, %ge3A_74 : vector<16xi32>
    %convert_element_type3A = arith.extui %ge3A_75 : vector<16xi1> to vector<16xi32>
    %scan3A_76 = arith.constant 0 : i32
    %scan3A_77 = arith.constant 0 : i32
    %scan3A_78 = arith.constant 40 : i32
    %scan3A_79 = arith.addi %scan3A_77, %scan3A_78 : i32
    %scan3A_80 = arith.constant 1 : i32
    scf.for %scan3A_92 = %scan3A_77 to %scan3A_79 step %scan3A_80  : i32 {
      %mul3A_93 = arith.constant 2 : i32
      %mul3A_94 = arith.muli %mul3A_93, %scan3A_92 : i32
      %add3A_95 = arith.constant 1 : i32
      %add3A_96 = arith.addi %mul3A_94, %add3A_95 : i32
      %dma_start3A_97 = arith.constant 0 : i32
      %dma_start3A_98 = tpu.memref_slice %arg7[%add3A_96, %dma_start3A_97] : memref<80x128xi32, #tpu.memory_space<vmem>> -> memref<1x128xi32, #tpu.memory_space<vmem>>
      %dma_start3A_99 = tpu.memref_squeeze %dma_start3A_98 : memref<1x128xi32, #tpu.memory_space<vmem>> -> memref<128xi32, #tpu.memory_space<vmem>>
      %dma_start3A_100 = arith.constant 0 : i32
      %dma_start3A_101 = arith.constant 0 : i32
      %dma_start3A_102 = tpu.memref_slice %arg2[%dma_start3A_100, %dma_start3A_101] : memref<10240x16xf32, #tpu.memory_space<hbm>> -> memref<10240x16xf32, #tpu.memory_space<hbm>>
      tpu.enqueue_indirect_dma source(%dma_start3A_102 : memref<10240x16xf32, #tpu.memory_space<hbm>>) target(%arg13 : memref<128x16xf32, #tpu.memory_space<vmem>>) offsets(%dma_start3A_99 : memref<128xi32, #tpu.memory_space<vmem>>) semaphore(%arg21 : memref<!tpu.dma_semaphore, #tpu.memory_space<semaphore_mem>>)
      %dma_start3A_103 = arith.constant 0 : i32
      %dma_start3A_104 = tpu.memref_slice %arg8[%add3A_96, %dma_start3A_103] : memref<80x128xi32, #tpu.memory_space<vmem>> -> memref<1x128xi32, #tpu.memory_space<vmem>>
      %dma_start3A_105 = tpu.memref_squeeze %dma_start3A_104 : memref<1x128xi32, #tpu.memory_space<vmem>> -> memref<128xi32, #tpu.memory_space<vmem>>
      %dma_start3A_106 = arith.constant 0 : i32
      %dma_start3A_107 = arith.constant 0 : i32
      %dma_start3A_108 = tpu.memref_slice %arg3[%dma_start3A_106, %dma_start3A_107] : memref<10240x16xf32, #tpu.memory_space<hbm>> -> memref<10240x16xf32, #tpu.memory_space<hbm>>
      tpu.enqueue_indirect_dma source(%dma_start3A_108 : memref<10240x16xf32, #tpu.memory_space<hbm>>) target(%arg14 : memref<128x16xf32, #tpu.memory_space<vmem>>) offsets(%dma_start3A_105 : memref<128xi32, #tpu.memory_space<vmem>>) semaphore(%arg21 : memref<!tpu.dma_semaphore, #tpu.memory_space<semaphore_mem>>)
      %dma_start3A_109 = arith.constant 0 : i32
      %dma_start3A_110 = tpu.memref_slice %arg9[%add3A_96, %dma_start3A_109] : memref<80x128xi32, #tpu.memory_space<vmem>> -> memref<1x128xi32, #tpu.memory_space<vmem>>
      %dma_start3A_111 = tpu.memref_squeeze %dma_start3A_110 : memref<1x128xi32, #tpu.memory_space<vmem>> -> memref<128xi32, #tpu.memory_space<vmem>>
      %dma_start3A_112 = arith.constant 0 : i32
      %dma_start3A_113 = arith.constant 0 : i32
      %dma_start3A_114 = tpu.memref_slice %arg4[%dma_start3A_112, %dma_start3A_113] : memref<10240x96xbf16, #tpu.memory_space<hbm>> -> memref<10240x96xbf16, #tpu.memory_space<hbm>>
      tpu.enqueue_indirect_dma source(%dma_start3A_114 : memref<10240x96xbf16, #tpu.memory_space<hbm>>) target(%arg15 : memref<128x96xbf16, #tpu.memory_space<vmem>>) offsets(%dma_start3A_111 : memref<128xi32, #tpu.memory_space<vmem>>) semaphore(%arg21 : memref<!tpu.dma_semaphore, #tpu.memory_space<semaphore_mem>>)
      %dma_wait3A_115 = arith.constant 0 : i32
      %dma_wait3A_116 = tpu.memref_slice %arg7[%mul3A_94, %dma_wait3A_115] : memref<80x128xi32, #tpu.memory_space<vmem>> -> memref<1x128xi32, #tpu.memory_space<vmem>>
      %dma_wait3A_117 = tpu.memref_squeeze %dma_wait3A_116 : memref<1x128xi32, #tpu.memory_space<vmem>> -> memref<128xi32, #tpu.memory_space<vmem>>
      %dma_wait3A_118 = arith.constant 0 : i32
      %dma_wait3A_119 = arith.constant 0 : i32
      %dma_wait3A_120 = tpu.memref_slice %arg2[%dma_wait3A_118, %dma_wait3A_119] : memref<10240x16xf32, #tpu.memory_space<hbm>> -> memref<10240x16xf32, #tpu.memory_space<hbm>>
      tpu.wait_indirect_dma semaphore(%arg20 : memref<!tpu.dma_semaphore, #tpu.memory_space<semaphore_mem>>) src(%dma_wait3A_120 : memref<10240x16xf32, #tpu.memory_space<hbm>>) dst(%arg10 : memref<128x16xf32, #tpu.memory_space<vmem>>)
      %dma_wait3A_121 = arith.constant 0 : i32
      %dma_wait3A_122 = tpu.memref_slice %arg8[%mul3A_94, %dma_wait3A_121] : memref<80x128xi32, #tpu.memory_space<vmem>> -> memref<1x128xi32, #tpu.memory_space<vmem>>
      %dma_wait3A_123 = tpu.memref_squeeze %dma_wait3A_122 : memref<1x128xi32, #tpu.memory_space<vmem>> -> memref<128xi32, #tpu.memory_space<vmem>>
      %dma_wait3A_124 = arith.constant 0 : i32
      %dma_wait3A_125 = arith.constant 0 : i32
      %dma_wait3A_126 = tpu.memref_slice %arg3[%dma_wait3A_124, %dma_wait3A_125] : memref<10240x16xf32, #tpu.memory_space<hbm>> -> memref<10240x16xf32, #tpu.memory_space<hbm>>
      tpu.wait_indirect_dma semaphore(%arg20 : memref<!tpu.dma_semaphore, #tpu.memory_space<semaphore_mem>>) src(%dma_wait3A_126 : memref<10240x16xf32, #tpu.memory_space<hbm>>) dst(%arg11 : memref<128x16xf32, #tpu.memory_space<vmem>>)
      %dma_wait3A_127 = arith.constant 0 : i32
      %dma_wait3A_128 = tpu.memref_slice %arg9[%mul3A_94, %dma_wait3A_127] : memref<80x128xi32, #tpu.memory_space<vmem>> -> memref<1x128xi32, #tpu.memory_space<vmem>>
      %dma_wait3A_129 = tpu.memref_squeeze %dma_wait3A_128 : memref<1x128xi32, #tpu.memory_space<vmem>> -> memref<128xi32, #tpu.memory_space<vmem>>
      %dma_wait3A_130 = arith.constant 0 : i32
      %dma_wait3A_131 = arith.constant 0 : i32
      %dma_wait3A_132 = tpu.memref_slice %arg4[%dma_wait3A_130, %dma_wait3A_131] : memref<10240x96xbf16, #tpu.memory_space<hbm>> -> memref<10240x96xbf16, #tpu.memory_space<hbm>>
      tpu.wait_indirect_dma semaphore(%arg20 : memref<!tpu.dma_semaphore, #tpu.memory_space<semaphore_mem>>) src(%dma_wait3A_132 : memref<10240x96xbf16, #tpu.memory_space<hbm>>) dst(%arg12 : memref<128x96xbf16, #tpu.memory_space<vmem>>)
      %dma_wait3A_133 = arith.constant 0 : i32
      %dma_wait3A_134 = arith.constant 0 : i32
      %dma_wait3A_135 = tpu.memref_slice %arg19[%dma_wait3A_133, %dma_wait3A_134] : memref<10064x80xf32, #tpu.memory_space<vmem_shared>> -> memref<10064x80xf32, #tpu.memory_space<vmem_shared>>
      tpu.wait_indirect_dma semaphore(%arg22 : memref<!tpu.dma_semaphore, #tpu.memory_space<semaphore_mem>>) src(%arg16 : memref<128x80xf32, #tpu.memory_space<vmem>>) dst(%dma_wait3A_135 : memref<10064x80xf32, #tpu.memory_space<vmem_shared>>)
      %parallel_loop3A = arith.constant 0 : i32
      %parallel_loop3A_136 = arith.constant 128 : i32
      %parallel_loop3A_137 = arith.constant 1 : i32
      scf.for %parallel_loop3A_177 = %parallel_loop3A to %parallel_loop3A_136 step %parallel_loop3A_137  : i32 {
        %parallel_loop3A_178 = arith.index_cast %parallel_loop3A_177 : i32 to index
        %parallel_loop3A_179 = arith.constant 0 : index
        %parallel_loop3A_180 = tpu.vector_load %arg10[%parallel_loop3A_178, %parallel_loop3A_179] {strides = array<i32>} : memref<128x16xf32, #tpu.memory_space<vmem>>, vector<16xf32>,
        %parallel_loop3A_181 = arith.index_cast %parallel_loop3A_177 : i32 to index
        %parallel_loop3A_182 = arith.constant 0 : index
        %parallel_loop3A_183 = tpu.vector_load %arg11[%parallel_loop3A_181, %parallel_loop3A_182] {strides = array<i32>} : memref<128x16xf32, #tpu.memory_space<vmem>>, vector<16xf32>,
        %parallel_loop3A_184 = arith.index_cast %parallel_loop3A_177 : i32 to index
        %parallel_loop3A_185 = arith.constant 64 : index
        %parallel_loop3A_186 = tpu.vector_load %arg12[%parallel_loop3A_184, %parallel_loop3A_185] {strides = array<i32>} : memref<128x96xbf16, #tpu.memory_space<vmem>>, vector<32xbf16>,
        %parallel_loop3A_187 = tpu.unpack_subelements %parallel_loop3A_186, 0 {pack_format = #tpu.pack_format<interleaved>} : vector<32xbf16> -> vector<16xf32>
        %parallel_loop3A_188 = tpu.unpack_subelements %parallel_loop3A_186, 1 {pack_format = #tpu.pack_format<interleaved>} : vector<32xbf16> -> vector<16xf32>
        %parallel_loop3A_189 = arith.addf %parallel_loop3A_180, %parallel_loop3A_183 : vector<16xf32>
        %parallel_loop3A_190 = arith.addf %parallel_loop3A_189, %parallel_loop3A_187 : vector<16xf32>
        %parallel_loop3A_191 = arith.constant 2.000000e-01 : f32
        %parallel_loop3A_192 = vector.broadcast %parallel_loop3A_191 : f32 to vector<16xf32>
        %parallel_loop3A_193 = arith.mulf %parallel_loop3A_192, %parallel_loop3A_190 : vector<16xf32>
        %parallel_loop3A_194 = arith.maximumf %parallel_loop3A_190, %parallel_loop3A_193 : vector<16xf32>
        %parallel_loop3A_195 = math.exp %parallel_loop3A_194 : vector<16xf32>
        %parallel_loop3A_196 = arith.index_cast %parallel_loop3A_177 : i32 to index
        %parallel_loop3A_197 = arith.constant 64 : index
        %parallel_loop3A_198 = tpu.vector_load %arg16[%parallel_loop3A_196, %parallel_loop3A_197] {strides = array<i32>} : memref<128x80xf32, #tpu.memory_space<vmem>>, vector<16xf32>,
        tpu.vector_store %arg16[%parallel_loop3A_196, %parallel_loop3A_197], %parallel_loop3A_195 {strides = array<i32>} : memref<128x80xf32, #tpu.memory_space<vmem>>, vector<16xf32>,
        %parallel_loop3A_199 = arith.index_cast %parallel_loop3A_177 : i32 to index
        %parallel_loop3A_200 = arith.constant 0 : index
        %parallel_loop3A_201 = tpu.vector_load %arg12[%parallel_loop3A_199, %parallel_loop3A_200] {strides = array<i32>} : memref<128x96xbf16, #tpu.memory_space<vmem>>, vector<32xbf16>,
        %parallel_loop3A_202 = tpu.unpack_subelements %parallel_loop3A_201, 0 {pack_format = #tpu.pack_format<interleaved>} : vector<32xbf16> -> vector<16xf32>
        %parallel_loop3A_203 = tpu.unpack_subelements %parallel_loop3A_201, 1 {pack_format = #tpu.pack_format<interleaved>} : vector<32xbf16> -> vector<16xf32>
        %parallel_loop3A_204 = arith.constant 0 : i32
        %parallel_loop3A_205 = vector.broadcast %parallel_loop3A_204 : i32 to vector<16xi32>
        %parallel_loop3A_206 = arith.addi %parallel_loop3A_205, %convert_element_type3A : vector<16xi32>
        %parallel_loop3A_207 = vector.shape_cast %parallel_loop3A_206 : vector<16xi32> to vector<16x1xi32>
        %parallel_loop3A_208 = vector.shape_cast %parallel_loop3A_207 : vector<16x1xi32> to vector<16xi32>
        %parallel_loop3A_209 = tpu.dynamic_gather %parallel_loop3A_195[%parallel_loop3A_208] in [0] : vector<16xf32>, vector<16xi32> -> vector<16xf32>
        %parallel_loop3A_210 = arith.constant 2 : i32
        %parallel_loop3A_211 = vector.broadcast %parallel_loop3A_210 : i32 to vector<16xi32>
        %parallel_loop3A_212 = arith.addi %parallel_loop3A_211, %convert_element_type3A : vector<16xi32>
        %parallel_loop3A_213 = vector.shape_cast %parallel_loop3A_212 : vector<16xi32> to vector<16x1xi32>
        %parallel_loop3A_214 = vector.shape_cast %parallel_loop3A_213 : vector<16x1xi32> to vector<16xi32>
        %parallel_loop3A_215 = tpu.dynamic_gather %parallel_loop3A_195[%parallel_loop3A_214] in [0] : vector<16xf32>, vector<16xi32> -> vector<16xf32>
        %parallel_loop3A_216 = arith.mulf %parallel_loop3A_209, %parallel_loop3A_202 : vector<16xf32>
        %parallel_loop3A_217 = arith.index_cast %parallel_loop3A_177 : i32 to index
        %parallel_loop3A_218 = arith.constant 0 : index
        %parallel_loop3A_219 = tpu.vector_load %arg16[%parallel_loop3A_217, %parallel_loop3A_218] {strides = array<i32>} : memref<128x80xf32, #tpu.memory_space<vmem>>, vector<16xf32>,
        tpu.vector_store %arg16[%parallel_loop3A_217, %parallel_loop3A_218], %parallel_loop3A_216 {strides = array<i32>} : memref<128x80xf32, #tpu.memory_space<vmem>>, vector<16xf32>,
        %parallel_loop3A_220 = arith.mulf %parallel_loop3A_215, %parallel_loop3A_203 : vector<16xf32>
        %parallel_loop3A_221 = arith.index_cast %parallel_loop3A_177 : i32 to index
        %parallel_loop3A_222 = arith.constant 16 : index
        %parallel_loop3A_223 = tpu.vector_load %arg16[%parallel_loop3A_221, %parallel_loop3A_222] {strides = array<i32>} : memref<128x80xf32, #tpu.memory_space<vmem>>, vector<16xf32>,
        tpu.vector_store %arg16[%parallel_loop3A_221, %parallel_loop3A_222], %parallel_loop3A_220 {strides = array<i32>} : memref<128x80xf32, #tpu.memory_space<vmem>>, vector<16xf32>,
        %parallel_loop3A_224 = arith.index_cast %parallel_loop3A_177 : i32 to index
        %parallel_loop3A_225 = arith.constant 32 : index
        %parallel_loop3A_226 = tpu.vector_load %arg12[%parallel_loop3A_224, %parallel_loop3A_225] {strides = array<i32>} : memref<128x96xbf16, #tpu.memory_space<vmem>>, vector<32xbf16>,
        %parallel_loop3A_227 = tpu.unpack_subelements %parallel_loop3A_226, 0 {pack_format = #tpu.pack_format<interleaved>} : vector<32xbf16> -> vector<16xf32>
        %parallel_loop3A_228 = tpu.unpack_subelements %parallel_loop3A_226, 1 {pack_format = #tpu.pack_format<interleaved>} : vector<32xbf16> -> vector<16xf32>
        %parallel_loop3A_229 = arith.constant 4 : i32
        %parallel_loop3A_230 = vector.broadcast %parallel_loop3A_229 : i32 to vector<16xi32>
        %parallel_loop3A_231 = arith.addi %parallel_loop3A_230, %convert_element_type3A : vector<16xi32>
        %parallel_loop3A_232 = vector.shape_cast %parallel_loop3A_231 : vector<16xi32> to vector<16x1xi32>
        %parallel_loop3A_233 = vector.shape_cast %parallel_loop3A_232 : vector<16x1xi32> to vector<16xi32>
        %parallel_loop3A_234 = tpu.dynamic_gather %parallel_loop3A_195[%parallel_loop3A_233] in [0] : vector<16xf32>, vector<16xi32> -> vector<16xf32>
        %parallel_loop3A_235 = arith.constant 6 : i32
        %parallel_loop3A_236 = vector.broadcast %parallel_loop3A_235 : i32 to vector<16xi32>
        %parallel_loop3A_237 = arith.addi %parallel_loop3A_236, %convert_element_type3A : vector<16xi32>
        %parallel_loop3A_238 = vector.shape_cast %parallel_loop3A_237 : vector<16xi32> to vector<16x1xi32>
        %parallel_loop3A_239 = vector.shape_cast %parallel_loop3A_238 : vector<16x1xi32> to vector<16xi32>
        %parallel_loop3A_240 = tpu.dynamic_gather %parallel_loop3A_195[%parallel_loop3A_239] in [0] : vector<16xf32>, vector<16xi32> -> vector<16xf32>
        %parallel_loop3A_241 = arith.mulf %parallel_loop3A_234, %parallel_loop3A_227 : vector<16xf32>
        %parallel_loop3A_242 = arith.index_cast %parallel_loop3A_177 : i32 to index
        %parallel_loop3A_243 = arith.constant 32 : index
        %parallel_loop3A_244 = tpu.vector_load %arg16[%parallel_loop3A_242, %parallel_loop3A_243] {strides = array<i32>} : memref<128x80xf32, #tpu.memory_space<vmem>>, vector<16xf32>,
        tpu.vector_store %arg16[%parallel_loop3A_242, %parallel_loop3A_243], %parallel_loop3A_241 {strides = array<i32>} : memref<128x80xf32, #tpu.memory_space<vmem>>, vector<16xf32>,
        %parallel_loop3A_245 = arith.mulf %parallel_loop3A_240, %parallel_loop3A_228 : vector<16xf32>
        %parallel_loop3A_246 = arith.index_cast %parallel_loop3A_177 : i32 to index
        %parallel_loop3A_247 = arith.constant 48 : index
        %parallel_loop3A_248 = tpu.vector_load %arg16[%parallel_loop3A_246, %parallel_loop3A_247] {strides = array<i32>} : memref<128x80xf32, #tpu.memory_space<vmem>>, vector<16xf32>,
        tpu.vector_store %arg16[%parallel_loop3A_246, %parallel_loop3A_247], %parallel_loop3A_245 {strides = array<i32>} : memref<128x80xf32, #tpu.memory_space<vmem>>, vector<16xf32>,
      } {sc.loop_unroll_factor = 4 : i64, sc.parallel_access}
      %dma_start3A_138 = arith.constant 0 : i32
      %dma_start3A_139 = tpu.memref_slice %arg7[%mul3A_94, %dma_start3A_138] : memref<80x128xi32, #tpu.memory_space<vmem>> -> memref<1x128xi32, #tpu.memory_space<vmem>>
      %dma_start3A_140 = tpu.memref_squeeze %dma_start3A_139 : memref<1x128xi32, #tpu.memory_space<vmem>> -> memref<128xi32, #tpu.memory_space<vmem>>
      %dma_start3A_141 = arith.constant 0 : i32
      %dma_start3A_142 = arith.constant 0 : i32
      %dma_start3A_143 = tpu.memref_slice %arg19[%dma_start3A_141, %dma_start3A_142] : memref<10064x80xf32, #tpu.memory_space<vmem_shared>> -> memref<10064x80xf32, #tpu.memory_space<vmem_shared>>
      tpu.enqueue_indirect_dma source(%arg16 : memref<128x80xf32, #tpu.memory_space<vmem>>) target(%dma_start3A_143 : memref<10064x80xf32, #tpu.memory_space<vmem_shared>>) offsets(%dma_start3A_140 : memref<128xi32, #tpu.memory_space<vmem>>) semaphore(%arg22 : memref<!tpu.dma_semaphore, #tpu.memory_space<semaphore_mem>>) {add = true}
      %lt3A = arith.constant 39 : i32
      %lt3A_144 = arith.cmpi slt, %scan3A_92, %lt3A : i32
      %convert_element_type3A_145 = arith.extui %lt3A_144 : i1 to i32
      %cond3A = arith.constant 0 : i32
      %cond3A_146 = arith.cmpi ne, %convert_element_type3A_145, %cond3A : i32
      scf.if %cond3A_146 {
        %add3A_177 = arith.constant 2 : i32
        %add3A_178 = arith.addi %mul3A_94, %add3A_177 : i32
        %dma_start3A_179 = arith.constant 0 : i32
        %dma_start3A_180 = tpu.memref_slice %arg7[%add3A_178, %dma_start3A_179] : memref<80x128xi32, #tpu.memory_space<vmem>> -> memref<1x128xi32, #tpu.memory_space<vmem>>
        %dma_start3A_181 = tpu.memref_squeeze %dma_start3A_180 : memref<1x128xi32, #tpu.memory_space<vmem>> -> memref<128xi32, #tpu.memory_space<vmem>>
        %dma_start3A_182 = arith.constant 0 : i32
        %dma_start3A_183 = arith.constant 0 : i32
        %dma_start3A_184 = tpu.memref_slice %arg2[%dma_start3A_182, %dma_start3A_183] : memref<10240x16xf32, #tpu.memory_space<hbm>> -> memref<10240x16xf32, #tpu.memory_space<hbm>>
        tpu.enqueue_indirect_dma source(%dma_start3A_184 : memref<10240x16xf32, #tpu.memory_space<hbm>>) target(%arg10 : memref<128x16xf32, #tpu.memory_space<vmem>>) offsets(%dma_start3A_181 : memref<128xi32, #tpu.memory_space<vmem>>) semaphore(%arg20 : memref<!tpu.dma_semaphore, #tpu.memory_space<semaphore_mem>>)
        %add3A_185 = arith.constant 2 : i32
        %add3A_186 = arith.addi %mul3A_94, %add3A_185 : i32
        %dma_start3A_187 = arith.constant 0 : i32
        %dma_start3A_188 = tpu.memref_slice %arg8[%add3A_186, %dma_start3A_187] : memref<80x128xi32, #tpu.memory_space<vmem>> -> memref<1x128xi32, #tpu.memory_space<vmem>>
        %dma_start3A_189 = tpu.memref_squeeze %dma_start3A_188 : memref<1x128xi32, #tpu.memory_space<vmem>> -> memref<128xi32, #tpu.memory_space<vmem>>
        %dma_start3A_190 = arith.constant 0 : i32
        %dma_start3A_191 = arith.constant 0 : i32
        %dma_start3A_192 = tpu.memref_slice %arg3[%dma_start3A_190, %dma_start3A_191] : memref<10240x16xf32, #tpu.memory_space<hbm>> -> memref<10240x16xf32, #tpu.memory_space<hbm>>
        tpu.enqueue_indirect_dma source(%dma_start3A_192 : memref<10240x16xf32, #tpu.memory_space<hbm>>) target(%arg11 : memref<128x16xf32, #tpu.memory_space<vmem>>) offsets(%dma_start3A_189 : memref<128xi32, #tpu.memory_space<vmem>>) semaphore(%arg20 : memref<!tpu.dma_semaphore, #tpu.memory_space<semaphore_mem>>)
        %add3A_193 = arith.constant 2 : i32
        %add3A_194 = arith.addi %mul3A_94, %add3A_193 : i32
        %dma_start3A_195 = arith.constant 0 : i32
        %dma_start3A_196 = tpu.memref_slice %arg9[%add3A_194, %dma_start3A_195] : memref<80x128xi32, #tpu.memory_space<vmem>> -> memref<1x128xi32, #tpu.memory_space<vmem>>
        %dma_start3A_197 = tpu.memref_squeeze %dma_start3A_196 : memref<1x128xi32, #tpu.memory_space<vmem>> -> memref<128xi32, #tpu.memory_space<vmem>>
        %dma_start3A_198 = arith.constant 0 : i32
        %dma_start3A_199 = arith.constant 0 : i32
        %dma_start3A_200 = tpu.memref_slice %arg4[%dma_start3A_198, %dma_start3A_199] : memref<10240x96xbf16, #tpu.memory_space<hbm>> -> memref<10240x96xbf16, #tpu.memory_space<hbm>>
        tpu.enqueue_indirect_dma source(%dma_start3A_200 : memref<10240x96xbf16, #tpu.memory_space<hbm>>) target(%arg12 : memref<128x96xbf16, #tpu.memory_space<vmem>>) offsets(%dma_start3A_197 : memref<128xi32, #tpu.memory_space<vmem>>) semaphore(%arg20 : memref<!tpu.dma_semaphore, #tpu.memory_space<semaphore_mem>>)
      } else {
      }
      %dma_wait3A_147 = arith.constant 0 : i32
      %dma_wait3A_148 = tpu.memref_slice %arg7[%add3A_96, %dma_wait3A_147] : memref<80x128xi32, #tpu.memory_space<vmem>> -> memref<1x128xi32, #tpu.memory_space<vmem>>
      %dma_wait3A_149 = tpu.memref_squeeze %dma_wait3A_148 : memref<1x128xi32, #tpu.memory_space<vmem>> -> memref<128xi32, #tpu.memory_space<vmem>>
      %dma_wait3A_150 = arith.constant 0 : i32
      %dma_wait3A_151 = arith.constant 0 : i32
      %dma_wait3A_152 = tpu.memref_slice %arg2[%dma_wait3A_150, %dma_wait3A_151] : memref<10240x16xf32, #tpu.memory_space<hbm>> -> memref<10240x16xf32, #tpu.memory_space<hbm>>
      tpu.wait_indirect_dma semaphore(%arg21 : memref<!tpu.dma_semaphore, #tpu.memory_space<semaphore_mem>>) src(%dma_wait3A_152 : memref<10240x16xf32, #tpu.memory_space<hbm>>) dst(%arg13 : memref<128x16xf32, #tpu.memory_space<vmem>>)
      %dma_wait3A_153 = arith.constant 0 : i32
      %dma_wait3A_154 = tpu.memref_slice %arg8[%add3A_96, %dma_wait3A_153] : memref<80x128xi32, #tpu.memory_space<vmem>> -> memref<1x128xi32, #tpu.memory_space<vmem>>
      %dma_wait3A_155 = tpu.memref_squeeze %dma_wait3A_154 : memref<1x128xi32, #tpu.memory_space<vmem>> -> memref<128xi32, #tpu.memory_space<vmem>>
      %dma_wait3A_156 = arith.constant 0 : i32
      %dma_wait3A_157 = arith.constant 0 : i32
      %dma_wait3A_158 = tpu.memref_slice %arg3[%dma_wait3A_156, %dma_wait3A_157] : memref<10240x16xf32, #tpu.memory_space<hbm>> -> memref<10240x16xf32, #tpu.memory_space<hbm>>
      tpu.wait_indirect_dma semaphore(%arg21 : memref<!tpu.dma_semaphore, #tpu.memory_space<semaphore_mem>>) src(%dma_wait3A_158 : memref<10240x16xf32, #tpu.memory_space<hbm>>) dst(%arg14 : memref<128x16xf32, #tpu.memory_space<vmem>>)
      %dma_wait3A_159 = arith.constant 0 : i32
      %dma_wait3A_160 = tpu.memref_slice %arg9[%add3A_96, %dma_wait3A_159] : memref<80x128xi32, #tpu.memory_space<vmem>> -> memref<1x128xi32, #tpu.memory_space<vmem>>
      %dma_wait3A_161 = tpu.memref_squeeze %dma_wait3A_160 : memref<1x128xi32, #tpu.memory_space<vmem>> -> memref<128xi32, #tpu.memory_space<vmem>>
      %dma_wait3A_162 = arith.constant 0 : i32
      %dma_wait3A_163 = arith.constant 0 : i32
      %dma_wait3A_164 = tpu.memref_slice %arg4[%dma_wait3A_162, %dma_wait3A_163] : memref<10240x96xbf16, #tpu.memory_space<hbm>> -> memref<10240x96xbf16, #tpu.memory_space<hbm>>
      tpu.wait_indirect_dma semaphore(%arg21 : memref<!tpu.dma_semaphore, #tpu.memory_space<semaphore_mem>>) src(%dma_wait3A_164 : memref<10240x96xbf16, #tpu.memory_space<hbm>>) dst(%arg15 : memref<128x96xbf16, #tpu.memory_space<vmem>>)
      %dma_wait3A_165 = arith.constant 0 : i32
      %dma_wait3A_166 = arith.constant 0 : i32
      %dma_wait3A_167 = tpu.memref_slice %arg19[%dma_wait3A_165, %dma_wait3A_166] : memref<10064x80xf32, #tpu.memory_space<vmem_shared>> -> memref<10064x80xf32, #tpu.memory_space<vmem_shared>>
      tpu.wait_indirect_dma semaphore(%arg23 : memref<!tpu.dma_semaphore, #tpu.memory_space<semaphore_mem>>) src(%arg16 : memref<128x80xf32, #tpu.memory_space<vmem>>) dst(%dma_wait3A_167 : memref<10064x80xf32, #tpu.memory_space<vmem_shared>>)
      %parallel_loop3A_168 = arith.constant 0 : i32
      %parallel_loop3A_169 = arith.constant 128 : i32
      %parallel_loop3A_170 = arith.constant 1 : i32
      scf.for %parallel_loop3A_177 = %parallel_loop3A_168 to %parallel_loop3A_169 step %parallel_loop3A_170  : i32 {
        %parallel_loop3A_178 = arith.index_cast %parallel_loop3A_177 : i32 to index
        %parallel_loop3A_179 = arith.constant 0 : index
        %parallel_loop3A_180 = tpu.vector_load %arg13[%parallel_loop3A_178, %parallel_loop3A_179] {strides = array<i32>} : memref<128x16xf32, #tpu.memory_space<vmem>>, vector<16xf32>,
        %parallel_loop3A_181 = arith.index_cast %parallel_loop3A_177 : i32 to index
        %parallel_loop3A_182 = arith.constant 0 : index
        %parallel_loop3A_183 = tpu.vector_load %arg14[%parallel_loop3A_181, %parallel_loop3A_182] {strides = array<i32>} : memref<128x16xf32, #tpu.memory_space<vmem>>, vector<16xf32>,
        %parallel_loop3A_184 = arith.index_cast %parallel_loop3A_177 : i32 to index
        %parallel_loop3A_185 = arith.constant 64 : index
        %parallel_loop3A_186 = tpu.vector_load %arg15[%parallel_loop3A_184, %parallel_loop3A_185] {strides = array<i32>} : memref<128x96xbf16, #tpu.memory_space<vmem>>, vector<32xbf16>,
        %parallel_loop3A_187 = tpu.unpack_subelements %parallel_loop3A_186, 0 {pack_format = #tpu.pack_format<interleaved>} : vector<32xbf16> -> vector<16xf32>
        %parallel_loop3A_188 = tpu.unpack_subelements %parallel_loop3A_186, 1 {pack_format = #tpu.pack_format<interleaved>} : vector<32xbf16> -> vector<16xf32>
        %parallel_loop3A_189 = arith.addf %parallel_loop3A_180, %parallel_loop3A_183 : vector<16xf32>
        %parallel_loop3A_190 = arith.addf %parallel_loop3A_189, %parallel_loop3A_187 : vector<16xf32>
        %parallel_loop3A_191 = arith.constant 2.000000e-01 : f32
        %parallel_loop3A_192 = vector.broadcast %parallel_loop3A_191 : f32 to vector<16xf32>
        %parallel_loop3A_193 = arith.mulf %parallel_loop3A_192, %parallel_loop3A_190 : vector<16xf32>
        %parallel_loop3A_194 = arith.maximumf %parallel_loop3A_190, %parallel_loop3A_193 : vector<16xf32>
        %parallel_loop3A_195 = math.exp %parallel_loop3A_194 : vector<16xf32>
        %parallel_loop3A_196 = arith.index_cast %parallel_loop3A_177 : i32 to index
        %parallel_loop3A_197 = arith.constant 64 : index
        %parallel_loop3A_198 = tpu.vector_load %arg17[%parallel_loop3A_196, %parallel_loop3A_197] {strides = array<i32>} : memref<128x80xf32, #tpu.memory_space<vmem>>, vector<16xf32>,
        tpu.vector_store %arg17[%parallel_loop3A_196, %parallel_loop3A_197], %parallel_loop3A_195 {strides = array<i32>} : memref<128x80xf32, #tpu.memory_space<vmem>>, vector<16xf32>,
        %parallel_loop3A_199 = arith.index_cast %parallel_loop3A_177 : i32 to index
        %parallel_loop3A_200 = arith.constant 0 : index
        %parallel_loop3A_201 = tpu.vector_load %arg15[%parallel_loop3A_199, %parallel_loop3A_200] {strides = array<i32>} : memref<128x96xbf16, #tpu.memory_space<vmem>>, vector<32xbf16>,
        %parallel_loop3A_202 = tpu.unpack_subelements %parallel_loop3A_201, 0 {pack_format = #tpu.pack_format<interleaved>} : vector<32xbf16> -> vector<16xf32>
        %parallel_loop3A_203 = tpu.unpack_subelements %parallel_loop3A_201, 1 {pack_format = #tpu.pack_format<interleaved>} : vector<32xbf16> -> vector<16xf32>
        %parallel_loop3A_204 = arith.constant 0 : i32
        %parallel_loop3A_205 = vector.broadcast %parallel_loop3A_204 : i32 to vector<16xi32>
        %parallel_loop3A_206 = arith.addi %parallel_loop3A_205, %convert_element_type3A : vector<16xi32>
        %parallel_loop3A_207 = vector.shape_cast %parallel_loop3A_206 : vector<16xi32> to vector<16x1xi32>
        %parallel_loop3A_208 = vector.shape_cast %parallel_loop3A_207 : vector<16x1xi32> to vector<16xi32>
        %parallel_loop3A_209 = tpu.dynamic_gather %parallel_loop3A_195[%parallel_loop3A_208] in [0] : vector<16xf32>, vector<16xi32> -> vector<16xf32>
        %parallel_loop3A_210 = arith.constant 2 : i32
        %parallel_loop3A_211 = vector.broadcast %parallel_loop3A_210 : i32 to vector<16xi32>
        %parallel_loop3A_212 = arith.addi %parallel_loop3A_211, %convert_element_type3A : vector<16xi32>
        %parallel_loop3A_213 = vector.shape_cast %parallel_loop3A_212 : vector<16xi32> to vector<16x1xi32>
        %parallel_loop3A_214 = vector.shape_cast %parallel_loop3A_213 : vector<16x1xi32> to vector<16xi32>
        %parallel_loop3A_215 = tpu.dynamic_gather %parallel_loop3A_195[%parallel_loop3A_214] in [0] : vector<16xf32>, vector<16xi32> -> vector<16xf32>
        %parallel_loop3A_216 = arith.mulf %parallel_loop3A_209, %parallel_loop3A_202 : vector<16xf32>
        %parallel_loop3A_217 = arith.index_cast %parallel_loop3A_177 : i32 to index
        %parallel_loop3A_218 = arith.constant 0 : index
        %parallel_loop3A_219 = tpu.vector_load %arg17[%parallel_loop3A_217, %parallel_loop3A_218] {strides = array<i32>} : memref<128x80xf32, #tpu.memory_space<vmem>>, vector<16xf32>,
        tpu.vector_store %arg17[%parallel_loop3A_217, %parallel_loop3A_218], %parallel_loop3A_216 {strides = array<i32>} : memref<128x80xf32, #tpu.memory_space<vmem>>, vector<16xf32>,
        %parallel_loop3A_220 = arith.mulf %parallel_loop3A_215, %parallel_loop3A_203 : vector<16xf32>
        %parallel_loop3A_221 = arith.index_cast %parallel_loop3A_177 : i32 to index
        %parallel_loop3A_222 = arith.constant 16 : index
        %parallel_loop3A_223 = tpu.vector_load %arg17[%parallel_loop3A_221, %parallel_loop3A_222] {strides = array<i32>} : memref<128x80xf32, #tpu.memory_space<vmem>>, vector<16xf32>,
        tpu.vector_store %arg17[%parallel_loop3A_221, %parallel_loop3A_222], %parallel_loop3A_220 {strides = array<i32>} : memref<128x80xf32, #tpu.memory_space<vmem>>, vector<16xf32>,
        %parallel_loop3A_224 = arith.index_cast %parallel_loop3A_177 : i32 to index
        %parallel_loop3A_225 = arith.constant 32 : index
        %parallel_loop3A_226 = tpu.vector_load %arg15[%parallel_loop3A_224, %parallel_loop3A_225] {strides = array<i32>} : memref<128x96xbf16, #tpu.memory_space<vmem>>, vector<32xbf16>,
        %parallel_loop3A_227 = tpu.unpack_subelements %parallel_loop3A_226, 0 {pack_format = #tpu.pack_format<interleaved>} : vector<32xbf16> -> vector<16xf32>
        %parallel_loop3A_228 = tpu.unpack_subelements %parallel_loop3A_226, 1 {pack_format = #tpu.pack_format<interleaved>} : vector<32xbf16> -> vector<16xf32>
        %parallel_loop3A_229 = arith.constant 4 : i32
        %parallel_loop3A_230 = vector.broadcast %parallel_loop3A_229 : i32 to vector<16xi32>
        %parallel_loop3A_231 = arith.addi %parallel_loop3A_230, %convert_element_type3A : vector<16xi32>
        %parallel_loop3A_232 = vector.shape_cast %parallel_loop3A_231 : vector<16xi32> to vector<16x1xi32>
        %parallel_loop3A_233 = vector.shape_cast %parallel_loop3A_232 : vector<16x1xi32> to vector<16xi32>
        %parallel_loop3A_234 = tpu.dynamic_gather %parallel_loop3A_195[%parallel_loop3A_233] in [0] : vector<16xf32>, vector<16xi32> -> vector<16xf32>
        %parallel_loop3A_235 = arith.constant 6 : i32
        %parallel_loop3A_236 = vector.broadcast %parallel_loop3A_235 : i32 to vector<16xi32>
        %parallel_loop3A_237 = arith.addi %parallel_loop3A_236, %convert_element_type3A : vector<16xi32>
        %parallel_loop3A_238 = vector.shape_cast %parallel_loop3A_237 : vector<16xi32> to vector<16x1xi32>
        %parallel_loop3A_239 = vector.shape_cast %parallel_loop3A_238 : vector<16x1xi32> to vector<16xi32>
        %parallel_loop3A_240 = tpu.dynamic_gather %parallel_loop3A_195[%parallel_loop3A_239] in [0] : vector<16xf32>, vector<16xi32> -> vector<16xf32>
        %parallel_loop3A_241 = arith.mulf %parallel_loop3A_234, %parallel_loop3A_227 : vector<16xf32>
        %parallel_loop3A_242 = arith.index_cast %parallel_loop3A_177 : i32 to index
        %parallel_loop3A_243 = arith.constant 32 : index
        %parallel_loop3A_244 = tpu.vector_load %arg17[%parallel_loop3A_242, %parallel_loop3A_243] {strides = array<i32>} : memref<128x80xf32, #tpu.memory_space<vmem>>, vector<16xf32>,
        tpu.vector_store %arg17[%parallel_loop3A_242, %parallel_loop3A_243], %parallel_loop3A_241 {strides = array<i32>} : memref<128x80xf32, #tpu.memory_space<vmem>>, vector<16xf32>,
        %parallel_loop3A_245 = arith.mulf %parallel_loop3A_240, %parallel_loop3A_228 : vector<16xf32>
        %parallel_loop3A_246 = arith.index_cast %parallel_loop3A_177 : i32 to index
        %parallel_loop3A_247 = arith.constant 48 : index
        %parallel_loop3A_248 = tpu.vector_load %arg17[%parallel_loop3A_246, %parallel_loop3A_247] {strides = array<i32>} : memref<128x80xf32, #tpu.memory_space<vmem>>, vector<16xf32>,
        tpu.vector_store %arg17[%parallel_loop3A_246, %parallel_loop3A_247], %parallel_loop3A_245 {strides = array<i32>} : memref<128x80xf32, #tpu.memory_space<vmem>>, vector<16xf32>,
      } {sc.loop_unroll_factor = 4 : i64, sc.parallel_access}
      %dma_start3A_171 = arith.constant 0 : i32
      %dma_start3A_172 = tpu.memref_slice %arg7[%add3A_96, %dma_start3A_171] : memref<80x128xi32, #tpu.memory_space<vmem>> -> memref<1x128xi32, #tpu.memory_space<vmem>>
      %dma_start3A_173 = tpu.memref_squeeze %dma_start3A_172 : memref<1x128xi32, #tpu.memory_space<vmem>> -> memref<128xi32, #tpu.memory_space<vmem>>
      %dma_start3A_174 = arith.constant 0 : i32
      %dma_start3A_175 = arith.constant 0 : i32
      %dma_start3A_176 = tpu.memref_slice %arg19[%dma_start3A_174, %dma_start3A_175] : memref<10064x80xf32, #tpu.memory_space<vmem_shared>> -> memref<10064x80xf32, #tpu.memory_space<vmem_shared>>
      tpu.enqueue_indirect_dma source(%arg17 : memref<128x80xf32, #tpu.memory_space<vmem>>) target(%dma_start3A_176 : memref<10064x80xf32, #tpu.memory_space<vmem_shared>>) offsets(%dma_start3A_173 : memref<128xi32, #tpu.memory_space<vmem>>) semaphore(%arg23 : memref<!tpu.dma_semaphore, #tpu.memory_space<semaphore_mem>>) {add = true}
    }
    %scan3A_81 = arith.constant 40 : i32
    %dma_wait3A = arith.constant 0 : i32
    %dma_wait3A_82 = arith.constant 0 : i32
    %dma_wait3A_83 = tpu.memref_slice %arg19[%dma_wait3A, %dma_wait3A_82] : memref<10064x80xf32, #tpu.memory_space<vmem_shared>> -> memref<10064x80xf32, #tpu.memory_space<vmem_shared>>
    tpu.wait_indirect_dma semaphore(%arg22 : memref<!tpu.dma_semaphore, #tpu.memory_space<semaphore_mem>>) src(%arg16 : memref<128x80xf32, #tpu.memory_space<vmem>>) dst(%dma_wait3A_83 : memref<10064x80xf32, #tpu.memory_space<vmem_shared>>)
    %dma_wait3A_84 = arith.constant 0 : i32
    %dma_wait3A_85 = arith.constant 0 : i32
    %dma_wait3A_86 = tpu.memref_slice %arg19[%dma_wait3A_84, %dma_wait3A_85] : memref<10064x80xf32, #tpu.memory_space<vmem_shared>> -> memref<10064x80xf32, #tpu.memory_space<vmem_shared>>
    tpu.wait_indirect_dma semaphore(%arg23 : memref<!tpu.dma_semaphore, #tpu.memory_space<semaphore_mem>>) src(%arg16 : memref<128x80xf32, #tpu.memory_space<vmem>>) dst(%dma_wait3A_86 : memref<10064x80xf32, #tpu.memory_space<vmem_shared>>)
    %barrier3A_87 = arith.constant 0 : index
    tpu.barrier barrier_id(%barrier3A_87)
    %mul3A_88 = arith.constant 629 : i32
    %mul3A_89 = arith.muli %arg1, %mul3A_88 : i32
    %mul3A_90 = arith.constant 629 : i32
    %mul3A_91 = arith.muli %arg1, %mul3A_90 : i32
    "tpu.region"() ({
      %run_scoped3A_92 = tpu.sem_alloc : memref<!tpu.dma_semaphore, #tpu.memory_space<semaphore_mem>>
      %dma_start3A_93 = arith.constant 0 : i32
      %dma_start3A_94 = tpu.memref_slice %arg6[%arg0, %mul3A_91, %dma_start3A_93] : memref<2x10240x80xf32, #tpu.memory_space<hbm>> -> memref<1x629x80xf32, #tpu.memory_space<hbm>>
      %dma_start3A_95 = tpu.memref_squeeze %dma_start3A_94 : memref<1x629x80xf32, #tpu.memory_space<hbm>> -> memref<629x80xf32, #tpu.memory_space<hbm>>
      %dma_start3A_96 = arith.constant 0 : i32
      %dma_start3A_97 = tpu.memref_slice %arg19[%mul3A_89, %dma_start3A_96] : memref<10064x80xf32, #tpu.memory_space<vmem_shared>> -> memref<629x80xf32, #tpu.memory_space<vmem_shared>>
      tpu.enqueue_dma source(%dma_start3A_97 : memref<629x80xf32, #tpu.memory_space<vmem_shared>>) target(%dma_start3A_95 : memref<629x80xf32, #tpu.memory_space<hbm>>) target_semaphore(%run_scoped3A_92 : memref<!tpu.dma_semaphore, #tpu.memory_space<semaphore_mem>>)
      %dma_wait3A_98 = arith.constant 0 : i32
      %dma_wait3A_99 = tpu.memref_slice %arg6[%arg0, %mul3A_91, %dma_wait3A_98] : memref<2x10240x80xf32, #tpu.memory_space<hbm>> -> memref<1x629x80xf32, #tpu.memory_space<hbm>>
      %dma_wait3A_100 = tpu.memref_squeeze %dma_wait3A_99 : memref<1x629x80xf32, #tpu.memory_space<hbm>> -> memref<629x80xf32, #tpu.memory_space<hbm>>
      %dma_wait3A_101 = arith.constant 0 : i32
      %dma_wait3A_102 = tpu.memref_slice %arg19[%mul3A_89, %dma_wait3A_101] : memref<10064x80xf32, #tpu.memory_space<vmem_shared>> -> memref<629x80xf32, #tpu.memory_space<vmem_shared>>
      tpu.wait_dma2 semaphore(%run_scoped3A_92 : memref<!tpu.dma_semaphore, #tpu.memory_space<semaphore_mem>>) src(%dma_wait3A_102 : memref<629x80xf32, #tpu.memory_space<vmem_shared>>) dst(%dma_wait3A_100 : memref<629x80xf32, #tpu.memory_space<hbm>>)
      tpu.yield
    }) : () -> ()
    return
  }
}

#map = affine_map<(d0, d1) -> (0, 0)>
#map1 = affine_map<(d0, d1) -> (0)>
#map2 = affine_map<(d0, d1) -> (0, 0, 0)>
module attributes {stable_mosaic.version = 14 : i64} {
  func.func @_sc2_body(%arg0: i32, %arg1: i32, %arg2: memref<10240x16xf32, #tpu.memory_space<hbm>>, %arg3: memref<40960xf32, #tpu.memory_space<hbm>>, %arg4: memref<3x2560x128xi32, #tpu.memory_space<hbm>>, %arg5: memref<2x10240x16xf32, #tpu.memory_space<hbm>>, %arg6: memref<80x128xi32, #tpu.memory_space<vmem>>, %arg7: memref<80x128xi32, #tpu.memory_space<vmem>>, %arg8: memref<80x128xi32, #tpu.memory_space<vmem>>, %arg9: memref<40960xf32, #tpu.memory_space<vmem>>, %arg10: memref<128x16xf32, #tpu.memory_space<vmem>>, %arg11: memref<128x16xf32, #tpu.memory_space<vmem>>, %arg12: memref<128x16xf32, #tpu.memory_space<vmem>>, %arg13: memref<128x16xf32, #tpu.memory_space<vmem>>, %arg14: memref<128x16xf32, #tpu.memory_space<vmem>>, %arg15: memref<128xi32, #tpu.memory_space<vmem>>, %arg16: memref<10240x16xf32, #tpu.memory_space<vmem_shared>>, %arg17: memref<!tpu.dma_semaphore, #tpu.memory_space<semaphore_mem>>, %arg18: memref<!tpu.dma_semaphore, #tpu.memory_space<semaphore_mem>>, %arg19: memref<!tpu.dma_semaphore, #tpu.memory_space<semaphore_mem>>, %arg20: memref<!tpu.dma_semaphore, #tpu.memory_space<semaphore_mem>>) attributes {dimension_semantics = [#tpu.dimension_semantics<core_parallel>, #tpu.dimension_semantics<subcore_parallel>], iteration_bounds = array<i64: 2, 16>, scalar_prefetch = 0 : i64, scratch_operands = 15 : i64, tpu.core_type = #tpu.core_type<sc_vector_subcore>, window_params = [{transform_indices = #map}, {transform_indices = #map1}, {transform_indices = #map2}, {transform_indices = #map2}]} {
    %mul3A = arith.constant 16 : i32
    %mul3A_0 = arith.muli %arg0, %mul3A : i32
    %add3A = arith.addi %mul3A_0, %arg1 : i32
    %mul3A_1 = arith.constant 80 : i32
    %mul3A_2 = arith.muli %add3A, %mul3A_1 : i32
    %run_scoped3A = arith.constant 0 : i32
    "tpu.region"() ({
      %run_scoped3A_80 = tpu.sem_alloc : memref<!tpu.dma_semaphore, #tpu.memory_space<semaphore_mem>>
      %dma_start3A_81 = arith.constant 0 : i32
      %dma_start3A_82 = tpu.memref_slice %arg4[%run_scoped3A, %mul3A_2, %dma_start3A_81] : memref<3x2560x128xi32, #tpu.memory_space<hbm>> -> memref<1x80x128xi32, #tpu.memory_space<hbm>>
      %dma_start3A_83 = tpu.memref_squeeze %dma_start3A_82 : memref<1x80x128xi32, #tpu.memory_space<hbm>> -> memref<80x128xi32, #tpu.memory_space<hbm>>
      %dma_start3A_84 = arith.constant 0 : i32
      %dma_start3A_85 = tpu.memref_slice %arg4[%run_scoped3A, %mul3A_2, %dma_start3A_84] : memref<3x2560x128xi32, #tpu.memory_space<hbm>> -> memref<1x80x128xi32, #tpu.memory_space<hbm>>
      %dma_start3A_86 = tpu.memref_squeeze %dma_start3A_85 : memref<1x80x128xi32, #tpu.memory_space<hbm>> -> memref<80x128xi32, #tpu.memory_space<hbm>>
      tpu.enqueue_dma source(%dma_start3A_86 : memref<80x128xi32, #tpu.memory_space<hbm>>) target(%arg6 : memref<80x128xi32, #tpu.memory_space<vmem>>) target_semaphore(%run_scoped3A_80 : memref<!tpu.dma_semaphore, #tpu.memory_space<semaphore_mem>>)
      %dma_wait3A_87 = arith.constant 0 : i32
      %dma_wait3A_88 = tpu.memref_slice %arg4[%run_scoped3A, %mul3A_2, %dma_wait3A_87] : memref<3x2560x128xi32, #tpu.memory_space<hbm>> -> memref<1x80x128xi32, #tpu.memory_space<hbm>>
      %dma_wait3A_89 = tpu.memref_squeeze %dma_wait3A_88 : memref<1x80x128xi32, #tpu.memory_space<hbm>> -> memref<80x128xi32, #tpu.memory_space<hbm>>
      %dma_wait3A_90 = arith.constant 0 : i32
      %dma_wait3A_91 = tpu.memref_slice %arg4[%run_scoped3A, %mul3A_2, %dma_wait3A_90] : memref<3x2560x128xi32, #tpu.memory_space<hbm>> -> memref<1x80x128xi32, #tpu.memory_space<hbm>>
      %dma_wait3A_92 = tpu.memref_squeeze %dma_wait3A_91 : memref<1x80x128xi32, #tpu.memory_space<hbm>> -> memref<80x128xi32, #tpu.memory_space<hbm>>
      tpu.wait_dma2 semaphore(%run_scoped3A_80 : memref<!tpu.dma_semaphore, #tpu.memory_space<semaphore_mem>>) src(%dma_wait3A_92 : memref<80x128xi32, #tpu.memory_space<hbm>>) dst(%arg6 : memref<80x128xi32, #tpu.memory_space<vmem>>)
      tpu.yield
    }) : () -> ()
    %run_scoped3A_3 = arith.constant 1 : i32
    "tpu.region"() ({
      %run_scoped3A_80 = tpu.sem_alloc : memref<!tpu.dma_semaphore, #tpu.memory_space<semaphore_mem>>
      %dma_start3A_81 = arith.constant 0 : i32
      %dma_start3A_82 = tpu.memref_slice %arg4[%run_scoped3A_3, %mul3A_2, %dma_start3A_81] : memref<3x2560x128xi32, #tpu.memory_space<hbm>> -> memref<1x80x128xi32, #tpu.memory_space<hbm>>
      %dma_start3A_83 = tpu.memref_squeeze %dma_start3A_82 : memref<1x80x128xi32, #tpu.memory_space<hbm>> -> memref<80x128xi32, #tpu.memory_space<hbm>>
      %dma_start3A_84 = arith.constant 0 : i32
      %dma_start3A_85 = tpu.memref_slice %arg4[%run_scoped3A_3, %mul3A_2, %dma_start3A_84] : memref<3x2560x128xi32, #tpu.memory_space<hbm>> -> memref<1x80x128xi32, #tpu.memory_space<hbm>>
      %dma_start3A_86 = tpu.memref_squeeze %dma_start3A_85 : memref<1x80x128xi32, #tpu.memory_space<hbm>> -> memref<80x128xi32, #tpu.memory_space<hbm>>
      tpu.enqueue_dma source(%dma_start3A_86 : memref<80x128xi32, #tpu.memory_space<hbm>>) target(%arg7 : memref<80x128xi32, #tpu.memory_space<vmem>>) target_semaphore(%run_scoped3A_80 : memref<!tpu.dma_semaphore, #tpu.memory_space<semaphore_mem>>)
      %dma_wait3A_87 = arith.constant 0 : i32
      %dma_wait3A_88 = tpu.memref_slice %arg4[%run_scoped3A_3, %mul3A_2, %dma_wait3A_87] : memref<3x2560x128xi32, #tpu.memory_space<hbm>> -> memref<1x80x128xi32, #tpu.memory_space<hbm>>
      %dma_wait3A_89 = tpu.memref_squeeze %dma_wait3A_88 : memref<1x80x128xi32, #tpu.memory_space<hbm>> -> memref<80x128xi32, #tpu.memory_space<hbm>>
      %dma_wait3A_90 = arith.constant 0 : i32
      %dma_wait3A_91 = tpu.memref_slice %arg4[%run_scoped3A_3, %mul3A_2, %dma_wait3A_90] : memref<3x2560x128xi32, #tpu.memory_space<hbm>> -> memref<1x80x128xi32, #tpu.memory_space<hbm>>
      %dma_wait3A_92 = tpu.memref_squeeze %dma_wait3A_91 : memref<1x80x128xi32, #tpu.memory_space<hbm>> -> memref<80x128xi32, #tpu.memory_space<hbm>>
      tpu.wait_dma2 semaphore(%run_scoped3A_80 : memref<!tpu.dma_semaphore, #tpu.memory_space<semaphore_mem>>) src(%dma_wait3A_92 : memref<80x128xi32, #tpu.memory_space<hbm>>) dst(%arg7 : memref<80x128xi32, #tpu.memory_space<vmem>>)
      tpu.yield
    }) : () -> ()
    %run_scoped3A_4 = arith.constant 2 : i32
    "tpu.region"() ({
      %run_scoped3A_80 = tpu.sem_alloc : memref<!tpu.dma_semaphore, #tpu.memory_space<semaphore_mem>>
      %dma_start3A_81 = arith.constant 0 : i32
      %dma_start3A_82 = tpu.memref_slice %arg4[%run_scoped3A_4, %mul3A_2, %dma_start3A_81] : memref<3x2560x128xi32, #tpu.memory_space<hbm>> -> memref<1x80x128xi32, #tpu.memory_space<hbm>>
      %dma_start3A_83 = tpu.memref_squeeze %dma_start3A_82 : memref<1x80x128xi32, #tpu.memory_space<hbm>> -> memref<80x128xi32, #tpu.memory_space<hbm>>
      %dma_start3A_84 = arith.constant 0 : i32
      %dma_start3A_85 = tpu.memref_slice %arg4[%run_scoped3A_4, %mul3A_2, %dma_start3A_84] : memref<3x2560x128xi32, #tpu.memory_space<hbm>> -> memref<1x80x128xi32, #tpu.memory_space<hbm>>
      %dma_start3A_86 = tpu.memref_squeeze %dma_start3A_85 : memref<1x80x128xi32, #tpu.memory_space<hbm>> -> memref<80x128xi32, #tpu.memory_space<hbm>>
      tpu.enqueue_dma source(%dma_start3A_86 : memref<80x128xi32, #tpu.memory_space<hbm>>) target(%arg8 : memref<80x128xi32, #tpu.memory_space<vmem>>) target_semaphore(%run_scoped3A_80 : memref<!tpu.dma_semaphore, #tpu.memory_space<semaphore_mem>>)
      %dma_wait3A_87 = arith.constant 0 : i32
      %dma_wait3A_88 = tpu.memref_slice %arg4[%run_scoped3A_4, %mul3A_2, %dma_wait3A_87] : memref<3x2560x128xi32, #tpu.memory_space<hbm>> -> memref<1x80x128xi32, #tpu.memory_space<hbm>>
      %dma_wait3A_89 = tpu.memref_squeeze %dma_wait3A_88 : memref<1x80x128xi32, #tpu.memory_space<hbm>> -> memref<80x128xi32, #tpu.memory_space<hbm>>
      %dma_wait3A_90 = arith.constant 0 : i32
      %dma_wait3A_91 = tpu.memref_slice %arg4[%run_scoped3A_4, %mul3A_2, %dma_wait3A_90] : memref<3x2560x128xi32, #tpu.memory_space<hbm>> -> memref<1x80x128xi32, #tpu.memory_space<hbm>>
      %dma_wait3A_92 = tpu.memref_squeeze %dma_wait3A_91 : memref<1x80x128xi32, #tpu.memory_space<hbm>> -> memref<80x128xi32, #tpu.memory_space<hbm>>
      tpu.wait_dma2 semaphore(%run_scoped3A_80 : memref<!tpu.dma_semaphore, #tpu.memory_space<semaphore_mem>>) src(%dma_wait3A_92 : memref<80x128xi32, #tpu.memory_space<hbm>>) dst(%arg8 : memref<80x128xi32, #tpu.memory_space<vmem>>)
      tpu.yield
    }) : () -> ()
    %dma_start3A = arith.constant 0 : i32
    %dma_start3A_5 = arith.constant 0 : i32
    %dma_start3A_6 = tpu.memref_slice %arg8[%dma_start3A, %dma_start3A_5] : memref<80x128xi32, #tpu.memory_space<vmem>> -> memref<1x128xi32, #tpu.memory_space<vmem>>
    %dma_start3A_7 = tpu.memref_squeeze %dma_start3A_6 : memref<1x128xi32, #tpu.memory_space<vmem>> -> memref<128xi32, #tpu.memory_space<vmem>>
    %dma_start3A_8 = arith.constant 0 : i32
    %dma_start3A_9 = arith.constant 0 : i32
    %dma_start3A_10 = tpu.memref_slice %arg2[%dma_start3A_8, %dma_start3A_9] : memref<10240x16xf32, #tpu.memory_space<hbm>> -> memref<10240x16xf32, #tpu.memory_space<hbm>>
    tpu.enqueue_indirect_dma source(%dma_start3A_10 : memref<10240x16xf32, #tpu.memory_space<hbm>>) target(%arg10 : memref<128x16xf32, #tpu.memory_space<vmem>>) offsets(%dma_start3A_7 : memref<128xi32, #tpu.memory_space<vmem>>) semaphore(%arg17 : memref<!tpu.dma_semaphore, #tpu.memory_space<semaphore_mem>>)
    "tpu.region"() ({
      %run_scoped3A_80 = tpu.sem_alloc : memref<!tpu.dma_semaphore, #tpu.memory_space<semaphore_mem>>
      tpu.enqueue_dma source(%arg3 : memref<40960xf32, #tpu.memory_space<hbm>>) target(%arg9 : memref<40960xf32, #tpu.memory_space<vmem>>) target_semaphore(%run_scoped3A_80 : memref<!tpu.dma_semaphore, #tpu.memory_space<semaphore_mem>>)
      tpu.wait_dma2 semaphore(%run_scoped3A_80 : memref<!tpu.dma_semaphore, #tpu.memory_space<semaphore_mem>>) src(%arg3 : memref<40960xf32, #tpu.memory_space<hbm>>) dst(%arg9 : memref<40960xf32, #tpu.memory_space<vmem>>)
      tpu.yield
    }) : () -> ()
    %broadcast_in_dim3A = arith.constant 0.000000e+00 : f32
    %broadcast_in_dim3A_11 = vector.broadcast %broadcast_in_dim3A : f32 to vector<16xf32>
    %broadcast_in_dim3A_12 = arith.constant 10000 : i32
    %broadcast_in_dim3A_13 = vector.broadcast %broadcast_in_dim3A_12 : i32 to vector<16xi32>
    %scan3A = arith.constant 0 : i32
    %scan3A_14 = arith.constant 0 : i32
    %scan3A_15 = arith.constant 128 : i32
    %scan3A_16 = arith.addi %scan3A_14, %scan3A_15 : i32
    %scan3A_17 = arith.constant 1 : i32
    scf.for %scan3A_80 = %scan3A_14 to %scan3A_16 step %scan3A_17  : i32 {
      %swap3A_81 = arith.index_cast %scan3A_80 : i32 to index
      %swap3A_82 = arith.constant 0 : index
      %swap3A_83 = tpu.vector_load %arg14[%swap3A_81, %swap3A_82] {strides = array<i32>} : memref<128x16xf32, #tpu.memory_space<vmem>>, vector<16xf32>,
      tpu.vector_store %arg14[%swap3A_81, %swap3A_82], %broadcast_in_dim3A_11 {strides = array<i32>} : memref<128x16xf32, #tpu.memory_space<vmem>>, vector<16xf32>,
    }
    %scan3A_18 = arith.constant 128 : i32
    %swap3A = arith.constant 0 : index
    %swap3A_19 = tpu.vector_load %arg15[%swap3A] {strides = array<i32>} : memref<128xi32, #tpu.memory_space<vmem>>, vector<16xi32>,
    tpu.vector_store %arg15[%swap3A], %broadcast_in_dim3A_13 {strides = array<i32>} : memref<128xi32, #tpu.memory_space<vmem>>, vector<16xi32>,
    %swap3A_20 = arith.constant 16 : index
    %swap3A_21 = tpu.vector_load %arg15[%swap3A_20] {strides = array<i32>} : memref<128xi32, #tpu.memory_space<vmem>>, vector<16xi32>,
    tpu.vector_store %arg15[%swap3A_20], %broadcast_in_dim3A_13 {strides = array<i32>} : memref<128xi32, #tpu.memory_space<vmem>>, vector<16xi32>,
    %swap3A_22 = arith.constant 32 : index
    %swap3A_23 = tpu.vector_load %arg15[%swap3A_22] {strides = array<i32>} : memref<128xi32, #tpu.memory_space<vmem>>, vector<16xi32>,
    tpu.vector_store %arg15[%swap3A_22], %broadcast_in_dim3A_13 {strides = array<i32>} : memref<128xi32, #tpu.memory_space<vmem>>, vector<16xi32>,
    %swap3A_24 = arith.constant 48 : index
    %swap3A_25 = tpu.vector_load %arg15[%swap3A_24] {strides = array<i32>} : memref<128xi32, #tpu.memory_space<vmem>>, vector<16xi32>,
    tpu.vector_store %arg15[%swap3A_24], %broadcast_in_dim3A_13 {strides = array<i32>} : memref<128xi32, #tpu.memory_space<vmem>>, vector<16xi32>,
    %swap3A_26 = arith.constant 64 : index
    %swap3A_27 = tpu.vector_load %arg15[%swap3A_26] {strides = array<i32>} : memref<128xi32, #tpu.memory_space<vmem>>, vector<16xi32>,
    tpu.vector_store %arg15[%swap3A_26], %broadcast_in_dim3A_13 {strides = array<i32>} : memref<128xi32, #tpu.memory_space<vmem>>, vector<16xi32>,
    %swap3A_28 = arith.constant 80 : index
    %swap3A_29 = tpu.vector_load %arg15[%swap3A_28] {strides = array<i32>} : memref<128xi32, #tpu.memory_space<vmem>>, vector<16xi32>,
    tpu.vector_store %arg15[%swap3A_28], %broadcast_in_dim3A_13 {strides = array<i32>} : memref<128xi32, #tpu.memory_space<vmem>>, vector<16xi32>,
    %swap3A_30 = arith.constant 96 : index
    %swap3A_31 = tpu.vector_load %arg15[%swap3A_30] {strides = array<i32>} : memref<128xi32, #tpu.memory_space<vmem>>, vector<16xi32>,
    tpu.vector_store %arg15[%swap3A_30], %broadcast_in_dim3A_13 {strides = array<i32>} : memref<128xi32, #tpu.memory_space<vmem>>, vector<16xi32>,
    %swap3A_32 = arith.constant 112 : index
    %swap3A_33 = tpu.vector_load %arg15[%swap3A_32] {strides = array<i32>} : memref<128xi32, #tpu.memory_space<vmem>>, vector<16xi32>,
    tpu.vector_store %arg15[%swap3A_32], %broadcast_in_dim3A_13 {strides = array<i32>} : memref<128xi32, #tpu.memory_space<vmem>>, vector<16xi32>,
    %mul3A_34 = arith.constant 640 : i32
    %mul3A_35 = arith.muli %arg1, %mul3A_34 : i32
    %add3A_36 = arith.constant 0 : i32
    %add3A_37 = arith.addi %mul3A_35, %add3A_36 : i32
    "tpu.region"() ({
      %run_scoped3A_80 = tpu.sem_alloc : memref<!tpu.dma_semaphore, #tpu.memory_space<semaphore_mem>>
      %dma_start3A_81 = arith.constant 0 : i32
      %dma_start3A_82 = tpu.memref_slice %arg16[%add3A_37, %dma_start3A_81] : memref<10240x16xf32, #tpu.memory_space<vmem_shared>> -> memref<128x16xf32, #tpu.memory_space<vmem_shared>>
      %dma_start3A_83 = arith.constant 0 : i32
      %dma_start3A_84 = tpu.memref_slice %arg16[%add3A_37, %dma_start3A_83] : memref<10240x16xf32, #tpu.memory_space<vmem_shared>> -> memref<128x16xf32, #tpu.memory_space<vmem_shared>>
      tpu.enqueue_dma source(%arg14 : memref<128x16xf32, #tpu.memory_space<vmem>>) target(%dma_start3A_84 : memref<128x16xf32, #tpu.memory_space<vmem_shared>>) target_semaphore(%run_scoped3A_80 : memref<!tpu.dma_semaphore, #tpu.memory_space<semaphore_mem>>)
      %dma_wait3A_85 = arith.constant 0 : i32
      %dma_wait3A_86 = tpu.memref_slice %arg16[%add3A_37, %dma_wait3A_85] : memref<10240x16xf32, #tpu.memory_space<vmem_shared>> -> memref<128x16xf32, #tpu.memory_space<vmem_shared>>
      %dma_wait3A_87 = arith.constant 0 : i32
      %dma_wait3A_88 = tpu.memref_slice %arg16[%add3A_37, %dma_wait3A_87] : memref<10240x16xf32, #tpu.memory_space<vmem_shared>> -> memref<128x16xf32, #tpu.memory_space<vmem_shared>>
      tpu.wait_dma2 semaphore(%run_scoped3A_80 : memref<!tpu.dma_semaphore, #tpu.memory_space<semaphore_mem>>) src(%arg14 : memref<128x16xf32, #tpu.memory_space<vmem>>) dst(%dma_wait3A_88 : memref<128x16xf32, #tpu.memory_space<vmem_shared>>)
      tpu.yield
    }) : () -> ()
    %mul3A_38 = arith.constant 640 : i32
    %mul3A_39 = arith.muli %arg1, %mul3A_38 : i32
    %add3A_40 = arith.constant 128 : i32
    %add3A_41 = arith.addi %mul3A_39, %add3A_40 : i32
    "tpu.region"() ({
      %run_scoped3A_80 = tpu.sem_alloc : memref<!tpu.dma_semaphore, #tpu.memory_space<semaphore_mem>>
      %dma_start3A_81 = arith.constant 0 : i32
      %dma_start3A_82 = tpu.memref_slice %arg16[%add3A_41, %dma_start3A_81] : memref<10240x16xf32, #tpu.memory_space<vmem_shared>> -> memref<128x16xf32, #tpu.memory_space<vmem_shared>>
      %dma_start3A_83 = arith.constant 0 : i32
      %dma_start3A_84 = tpu.memref_slice %arg16[%add3A_41, %dma_start3A_83] : memref<10240x16xf32, #tpu.memory_space<vmem_shared>> -> memref<128x16xf32, #tpu.memory_space<vmem_shared>>
      tpu.enqueue_dma source(%arg14 : memref<128x16xf32, #tpu.memory_space<vmem>>) target(%dma_start3A_84 : memref<128x16xf32, #tpu.memory_space<vmem_shared>>) target_semaphore(%run_scoped3A_80 : memref<!tpu.dma_semaphore, #tpu.memory_space<semaphore_mem>>)
      %dma_wait3A_85 = arith.constant 0 : i32
      %dma_wait3A_86 = tpu.memref_slice %arg16[%add3A_41, %dma_wait3A_85] : memref<10240x16xf32, #tpu.memory_space<vmem_shared>> -> memref<128x16xf32, #tpu.memory_space<vmem_shared>>
      %dma_wait3A_87 = arith.constant 0 : i32
      %dma_wait3A_88 = tpu.memref_slice %arg16[%add3A_41, %dma_wait3A_87] : memref<10240x16xf32, #tpu.memory_space<vmem_shared>> -> memref<128x16xf32, #tpu.memory_space<vmem_shared>>
      tpu.wait_dma2 semaphore(%run_scoped3A_80 : memref<!tpu.dma_semaphore, #tpu.memory_space<semaphore_mem>>) src(%arg14 : memref<128x16xf32, #tpu.memory_space<vmem>>) dst(%dma_wait3A_88 : memref<128x16xf32, #tpu.memory_space<vmem_shared>>)
      tpu.yield
    }) : () -> ()
    %mul3A_42 = arith.constant 640 : i32
    %mul3A_43 = arith.muli %arg1, %mul3A_42 : i32
    %add3A_44 = arith.constant 256 : i32
    %add3A_45 = arith.addi %mul3A_43, %add3A_44 : i32
    "tpu.region"() ({
      %run_scoped3A_80 = tpu.sem_alloc : memref<!tpu.dma_semaphore, #tpu.memory_space<semaphore_mem>>
      %dma_start3A_81 = arith.constant 0 : i32
      %dma_start3A_82 = tpu.memref_slice %arg16[%add3A_45, %dma_start3A_81] : memref<10240x16xf32, #tpu.memory_space<vmem_shared>> -> memref<128x16xf32, #tpu.memory_space<vmem_shared>>
      %dma_start3A_83 = arith.constant 0 : i32
      %dma_start3A_84 = tpu.memref_slice %arg16[%add3A_45, %dma_start3A_83] : memref<10240x16xf32, #tpu.memory_space<vmem_shared>> -> memref<128x16xf32, #tpu.memory_space<vmem_shared>>
      tpu.enqueue_dma source(%arg14 : memref<128x16xf32, #tpu.memory_space<vmem>>) target(%dma_start3A_84 : memref<128x16xf32, #tpu.memory_space<vmem_shared>>) target_semaphore(%run_scoped3A_80 : memref<!tpu.dma_semaphore, #tpu.memory_space<semaphore_mem>>)
      %dma_wait3A_85 = arith.constant 0 : i32
      %dma_wait3A_86 = tpu.memref_slice %arg16[%add3A_45, %dma_wait3A_85] : memref<10240x16xf32, #tpu.memory_space<vmem_shared>> -> memref<128x16xf32, #tpu.memory_space<vmem_shared>>
      %dma_wait3A_87 = arith.constant 0 : i32
      %dma_wait3A_88 = tpu.memref_slice %arg16[%add3A_45, %dma_wait3A_87] : memref<10240x16xf32, #tpu.memory_space<vmem_shared>> -> memref<128x16xf32, #tpu.memory_space<vmem_shared>>
      tpu.wait_dma2 semaphore(%run_scoped3A_80 : memref<!tpu.dma_semaphore, #tpu.memory_space<semaphore_mem>>) src(%arg14 : memref<128x16xf32, #tpu.memory_space<vmem>>) dst(%dma_wait3A_88 : memref<128x16xf32, #tpu.memory_space<vmem_shared>>)
      tpu.yield
    }) : () -> ()
    %mul3A_46 = arith.constant 640 : i32
    %mul3A_47 = arith.muli %arg1, %mul3A_46 : i32
    %add3A_48 = arith.constant 384 : i32
    %add3A_49 = arith.addi %mul3A_47, %add3A_48 : i32
    "tpu.region"() ({
      %run_scoped3A_80 = tpu.sem_alloc : memref<!tpu.dma_semaphore, #tpu.memory_space<semaphore_mem>>
      %dma_start3A_81 = arith.constant 0 : i32
      %dma_start3A_82 = tpu.memref_slice %arg16[%add3A_49, %dma_start3A_81] : memref<10240x16xf32, #tpu.memory_space<vmem_shared>> -> memref<128x16xf32, #tpu.memory_space<vmem_shared>>
      %dma_start3A_83 = arith.constant 0 : i32
      %dma_start3A_84 = tpu.memref_slice %arg16[%add3A_49, %dma_start3A_83] : memref<10240x16xf32, #tpu.memory_space<vmem_shared>> -> memref<128x16xf32, #tpu.memory_space<vmem_shared>>
      tpu.enqueue_dma source(%arg14 : memref<128x16xf32, #tpu.memory_space<vmem>>) target(%dma_start3A_84 : memref<128x16xf32, #tpu.memory_space<vmem_shared>>) target_semaphore(%run_scoped3A_80 : memref<!tpu.dma_semaphore, #tpu.memory_space<semaphore_mem>>)
      %dma_wait3A_85 = arith.constant 0 : i32
      %dma_wait3A_86 = tpu.memref_slice %arg16[%add3A_49, %dma_wait3A_85] : memref<10240x16xf32, #tpu.memory_space<vmem_shared>> -> memref<128x16xf32, #tpu.memory_space<vmem_shared>>
      %dma_wait3A_87 = arith.constant 0 : i32
      %dma_wait3A_88 = tpu.memref_slice %arg16[%add3A_49, %dma_wait3A_87] : memref<10240x16xf32, #tpu.memory_space<vmem_shared>> -> memref<128x16xf32, #tpu.memory_space<vmem_shared>>
      tpu.wait_dma2 semaphore(%run_scoped3A_80 : memref<!tpu.dma_semaphore, #tpu.memory_space<semaphore_mem>>) src(%arg14 : memref<128x16xf32, #tpu.memory_space<vmem>>) dst(%dma_wait3A_88 : memref<128x16xf32, #tpu.memory_space<vmem_shared>>)
      tpu.yield
    }) : () -> ()
    %mul3A_50 = arith.constant 640 : i32
    %mul3A_51 = arith.muli %arg1, %mul3A_50 : i32
    %add3A_52 = arith.constant 512 : i32
    %add3A_53 = arith.addi %mul3A_51, %add3A_52 : i32
    "tpu.region"() ({
      %run_scoped3A_80 = tpu.sem_alloc : memref<!tpu.dma_semaphore, #tpu.memory_space<semaphore_mem>>
      %dma_start3A_81 = arith.constant 0 : i32
      %dma_start3A_82 = tpu.memref_slice %arg16[%add3A_53, %dma_start3A_81] : memref<10240x16xf32, #tpu.memory_space<vmem_shared>> -> memref<128x16xf32, #tpu.memory_space<vmem_shared>>
      %dma_start3A_83 = arith.constant 0 : i32
      %dma_start3A_84 = tpu.memref_slice %arg16[%add3A_53, %dma_start3A_83] : memref<10240x16xf32, #tpu.memory_space<vmem_shared>> -> memref<128x16xf32, #tpu.memory_space<vmem_shared>>
      tpu.enqueue_dma source(%arg14 : memref<128x16xf32, #tpu.memory_space<vmem>>) target(%dma_start3A_84 : memref<128x16xf32, #tpu.memory_space<vmem_shared>>) target_semaphore(%run_scoped3A_80 : memref<!tpu.dma_semaphore, #tpu.memory_space<semaphore_mem>>)
      %dma_wait3A_85 = arith.constant 0 : i32
      %dma_wait3A_86 = tpu.memref_slice %arg16[%add3A_53, %dma_wait3A_85] : memref<10240x16xf32, #tpu.memory_space<vmem_shared>> -> memref<128x16xf32, #tpu.memory_space<vmem_shared>>
      %dma_wait3A_87 = arith.constant 0 : i32
      %dma_wait3A_88 = tpu.memref_slice %arg16[%add3A_53, %dma_wait3A_87] : memref<10240x16xf32, #tpu.memory_space<vmem_shared>> -> memref<128x16xf32, #tpu.memory_space<vmem_shared>>
      tpu.wait_dma2 semaphore(%run_scoped3A_80 : memref<!tpu.dma_semaphore, #tpu.memory_space<semaphore_mem>>) src(%arg14 : memref<128x16xf32, #tpu.memory_space<vmem>>) dst(%dma_wait3A_88 : memref<128x16xf32, #tpu.memory_space<vmem_shared>>)
      tpu.yield
    }) : () -> ()
    %barrier3A = arith.constant 0 : index
    tpu.barrier barrier_id(%barrier3A)
    %dma_start3A_54 = arith.constant 0 : i32
    %dma_start3A_55 = arith.constant 0 : i32
    %dma_start3A_56 = tpu.memref_slice %arg16[%dma_start3A_54, %dma_start3A_55] : memref<10240x16xf32, #tpu.memory_space<vmem_shared>> -> memref<10240x16xf32, #tpu.memory_space<vmem_shared>>
    tpu.enqueue_indirect_dma source(%arg14 : memref<128x16xf32, #tpu.memory_space<vmem>>) target(%dma_start3A_56 : memref<10240x16xf32, #tpu.memory_space<vmem_shared>>) offsets(%arg15 : memref<128xi32, #tpu.memory_space<vmem>>) semaphore(%arg19 : memref<!tpu.dma_semaphore, #tpu.memory_space<semaphore_mem>>) {add = true}
    %dma_start3A_57 = arith.constant 0 : i32
    %dma_start3A_58 = arith.constant 0 : i32
    %dma_start3A_59 = tpu.memref_slice %arg16[%dma_start3A_57, %dma_start3A_58] : memref<10240x16xf32, #tpu.memory_space<vmem_shared>> -> memref<10240x16xf32, #tpu.memory_space<vmem_shared>>
    tpu.enqueue_indirect_dma source(%arg14 : memref<128x16xf32, #tpu.memory_space<vmem>>) target(%dma_start3A_59 : memref<10240x16xf32, #tpu.memory_space<vmem_shared>>) offsets(%arg15 : memref<128xi32, #tpu.memory_space<vmem>>) semaphore(%arg20 : memref<!tpu.dma_semaphore, #tpu.memory_space<semaphore_mem>>) {add = true}
    %broadcast_in_dim3A_60 = arith.constant 1 : i32
    %broadcast_in_dim3A_61 = vector.broadcast %broadcast_in_dim3A_60 : i32 to vector<16xi32>
    %broadcast_in_dim3A_62 = arith.constant 2 : i32
    %broadcast_in_dim3A_63 = vector.broadcast %broadcast_in_dim3A_62 : i32 to vector<16xi32>
    %scan3A_64 = arith.constant 0 : i32
    %scan3A_65 = arith.constant 0 : i32
    %scan3A_66 = arith.constant 40 : i32
    %scan3A_67 = arith.addi %scan3A_65, %scan3A_66 : i32
    %scan3A_68 = arith.constant 1 : i32
    scf.for %scan3A_80 = %scan3A_65 to %scan3A_67 step %scan3A_68  : i32 {
      %mul3A_81 = arith.constant 2 : i32
      %mul3A_82 = arith.muli %mul3A_81, %scan3A_80 : i32
      %add3A_83 = arith.constant 1 : i32
      %add3A_84 = arith.addi %mul3A_82, %add3A_83 : i32
      %dma_start3A_85 = arith.constant 0 : i32
      %dma_start3A_86 = tpu.memref_slice %arg8[%add3A_84, %dma_start3A_85] : memref<80x128xi32, #tpu.memory_space<vmem>> -> memref<1x128xi32, #tpu.memory_space<vmem>>
      %dma_start3A_87 = tpu.memref_squeeze %dma_start3A_86 : memref<1x128xi32, #tpu.memory_space<vmem>> -> memref<128xi32, #tpu.memory_space<vmem>>
      %dma_start3A_88 = arith.constant 0 : i32
      %dma_start3A_89 = arith.constant 0 : i32
      %dma_start3A_90 = tpu.memref_slice %arg2[%dma_start3A_88, %dma_start3A_89] : memref<10240x16xf32, #tpu.memory_space<hbm>> -> memref<10240x16xf32, #tpu.memory_space<hbm>>
      tpu.enqueue_indirect_dma source(%dma_start3A_90 : memref<10240x16xf32, #tpu.memory_space<hbm>>) target(%arg11 : memref<128x16xf32, #tpu.memory_space<vmem>>) offsets(%dma_start3A_87 : memref<128xi32, #tpu.memory_space<vmem>>) semaphore(%arg18 : memref<!tpu.dma_semaphore, #tpu.memory_space<semaphore_mem>>)
      %dma_wait3A_91 = arith.constant 0 : i32
      %dma_wait3A_92 = tpu.memref_slice %arg8[%mul3A_82, %dma_wait3A_91] : memref<80x128xi32, #tpu.memory_space<vmem>> -> memref<1x128xi32, #tpu.memory_space<vmem>>
      %dma_wait3A_93 = tpu.memref_squeeze %dma_wait3A_92 : memref<1x128xi32, #tpu.memory_space<vmem>> -> memref<128xi32, #tpu.memory_space<vmem>>
      %dma_wait3A_94 = arith.constant 0 : i32
      %dma_wait3A_95 = arith.constant 0 : i32
      %dma_wait3A_96 = tpu.memref_slice %arg2[%dma_wait3A_94, %dma_wait3A_95] : memref<10240x16xf32, #tpu.memory_space<hbm>> -> memref<10240x16xf32, #tpu.memory_space<hbm>>
      tpu.wait_indirect_dma semaphore(%arg17 : memref<!tpu.dma_semaphore, #tpu.memory_space<semaphore_mem>>) src(%dma_wait3A_96 : memref<10240x16xf32, #tpu.memory_space<hbm>>) dst(%arg10 : memref<128x16xf32, #tpu.memory_space<vmem>>)
      %dma_wait3A_97 = arith.constant 0 : i32
      %dma_wait3A_98 = arith.constant 0 : i32
      %dma_wait3A_99 = tpu.memref_slice %arg16[%dma_wait3A_97, %dma_wait3A_98] : memref<10240x16xf32, #tpu.memory_space<vmem_shared>> -> memref<10240x16xf32, #tpu.memory_space<vmem_shared>>
      tpu.wait_indirect_dma semaphore(%arg19 : memref<!tpu.dma_semaphore, #tpu.memory_space<semaphore_mem>>) src(%arg12 : memref<128x16xf32, #tpu.memory_space<vmem>>) dst(%dma_wait3A_99 : memref<10240x16xf32, #tpu.memory_space<vmem_shared>>)
      %parallel_loop3A = arith.constant 0 : i32
      %parallel_loop3A_100 = arith.constant 8 : i32
      %parallel_loop3A_101 = arith.constant 1 : i32
      scf.for %parallel_loop3A_128 = %parallel_loop3A to %parallel_loop3A_100 step %parallel_loop3A_101  : i32 {
        %parallel_loop3A_129 = arith.constant 16 : i32
        %parallel_loop3A_130 = arith.muli %parallel_loop3A_128, %parallel_loop3A_129 : i32
        %parallel_loop3A_131 = arith.constant 0 : i32
        %parallel_loop3A_132 = tpu.memref_slice %arg6[%mul3A_82, %parallel_loop3A_131] : memref<80x128xi32, #tpu.memory_space<vmem>> -> memref<1x128xi32, #tpu.memory_space<vmem>>
        %parallel_loop3A_133 = tpu.memref_squeeze %parallel_loop3A_132 : memref<1x128xi32, #tpu.memory_space<vmem>> -> memref<128xi32, #tpu.memory_space<vmem>>
        %parallel_loop3A_134 = arith.index_cast %parallel_loop3A_130 : i32 to index
        %parallel_loop3A_135 = tpu.vector_load %parallel_loop3A_133[%parallel_loop3A_134] {strides = array<i32>} : memref<128xi32, #tpu.memory_space<vmem>>, vector<16xi32>,
        %parallel_loop3A_136 = arith.constant 16 : i32
        %parallel_loop3A_137 = arith.muli %parallel_loop3A_128, %parallel_loop3A_136 : i32
        %parallel_loop3A_138 = arith.constant 0 : i32
        %parallel_loop3A_139 = tpu.memref_slice %arg7[%mul3A_82, %parallel_loop3A_138] : memref<80x128xi32, #tpu.memory_space<vmem>> -> memref<1x128xi32, #tpu.memory_space<vmem>>
        %parallel_loop3A_140 = tpu.memref_squeeze %parallel_loop3A_139 : memref<1x128xi32, #tpu.memory_space<vmem>> -> memref<128xi32, #tpu.memory_space<vmem>>
        %parallel_loop3A_141 = arith.index_cast %parallel_loop3A_137 : i32 to index
        %parallel_loop3A_142 = tpu.vector_load %parallel_loop3A_140[%parallel_loop3A_141] {strides = array<i32>} : memref<128xi32, #tpu.memory_space<vmem>>, vector<16xi32>,
        %parallel_loop3A_143 = arith.constant 16 : i32
        %parallel_loop3A_144 = arith.muli %parallel_loop3A_128, %parallel_loop3A_143 : i32
        %parallel_loop3A_145 = arith.constant 0 : i32
        %parallel_loop3A_146 = tpu.memref_slice %arg8[%mul3A_82, %parallel_loop3A_145] : memref<80x128xi32, #tpu.memory_space<vmem>> -> memref<1x128xi32, #tpu.memory_space<vmem>>
        %parallel_loop3A_147 = tpu.memref_squeeze %parallel_loop3A_146 : memref<1x128xi32, #tpu.memory_space<vmem>> -> memref<128xi32, #tpu.memory_space<vmem>>
        %parallel_loop3A_148 = arith.index_cast %parallel_loop3A_144 : i32 to index
        %parallel_loop3A_149 = tpu.vector_load %parallel_loop3A_147[%parallel_loop3A_148] {strides = array<i32>} : memref<128xi32, #tpu.memory_space<vmem>>, vector<16xi32>,
        %parallel_loop3A_150 = arith.constant 4 : i32
        %parallel_loop3A_151 = vector.broadcast %parallel_loop3A_150 : i32 to vector<16xi32>
        %parallel_loop3A_152 = arith.muli %parallel_loop3A_135, %parallel_loop3A_151 : vector<16xi32>
        %parallel_loop3A_153 = tpu.vector_load_idx %arg9[%parallel_loop3A_152] : memref<40960xf32, #tpu.memory_space<vmem>>[vector<16xi32>], vector<16xf32>,
        %parallel_loop3A_154 = arith.constant 4 : i32
        %parallel_loop3A_155 = vector.broadcast %parallel_loop3A_154 : i32 to vector<16xi32>
        %parallel_loop3A_156 = arith.muli %parallel_loop3A_142, %parallel_loop3A_155 : vector<16xi32>
        %parallel_loop3A_157 = arith.addi %parallel_loop3A_156, %broadcast_in_dim3A_61 : vector<16xi32>
        %parallel_loop3A_158 = tpu.vector_load_idx %arg9[%parallel_loop3A_157] : memref<40960xf32, #tpu.memory_space<vmem>>[vector<16xi32>], vector<16xf32>,
        %parallel_loop3A_159 = arith.constant 4 : i32
        %parallel_loop3A_160 = vector.broadcast %parallel_loop3A_159 : i32 to vector<16xi32>
        %parallel_loop3A_161 = arith.muli %parallel_loop3A_149, %parallel_loop3A_160 : vector<16xi32>
        %parallel_loop3A_162 = arith.addi %parallel_loop3A_161, %broadcast_in_dim3A_63 : vector<16xi32>
        %parallel_loop3A_163 = tpu.vector_load_idx %arg9[%parallel_loop3A_162] : memref<40960xf32, #tpu.memory_space<vmem>>[vector<16xi32>], vector<16xf32>,
        %parallel_loop3A_164 = arith.addf %parallel_loop3A_153, %parallel_loop3A_158 : vector<16xf32>
        %parallel_loop3A_165 = arith.addf %parallel_loop3A_164, %parallel_loop3A_163 : vector<16xf32>
        %parallel_loop3A_166 = arith.constant 2.000000e-01 : f32
        %parallel_loop3A_167 = vector.broadcast %parallel_loop3A_166 : f32 to vector<16xf32>
        %parallel_loop3A_168 = arith.mulf %parallel_loop3A_167, %parallel_loop3A_165 : vector<16xf32>
        %parallel_loop3A_169 = arith.maximumf %parallel_loop3A_165, %parallel_loop3A_168 : vector<16xf32>
        %parallel_loop3A_170 = math.exp %parallel_loop3A_169 : vector<16xf32>
        %parallel_loop3A_171 = arith.constant 0 : i32
        %parallel_loop3A_172 = vector.broadcast %parallel_loop3A_171 : i32 to vector<16xi32>
        %parallel_loop3A_173 = vector.shape_cast %parallel_loop3A_172 : vector<16xi32> to vector<16x1xi32>
        %parallel_loop3A_174 = vector.shape_cast %parallel_loop3A_173 : vector<16x1xi32> to vector<16xi32>
        %parallel_loop3A_175 = tpu.dynamic_gather %parallel_loop3A_170[%parallel_loop3A_174] in [0] : vector<16xf32>, vector<16xi32> -> vector<16xf32>
        %parallel_loop3A_176 = arith.constant 16 : i32
        %parallel_loop3A_177 = arith.muli %parallel_loop3A_128, %parallel_loop3A_176 : i32
        %parallel_loop3A_178 = arith.constant 0 : i32
        %parallel_loop3A_179 = arith.addi %parallel_loop3A_177, %parallel_loop3A_178 : i32
        %parallel_loop3A_180 = arith.index_cast %parallel_loop3A_179 : i32 to index
        %parallel_loop3A_181 = arith.constant 0 : index
        %parallel_loop3A_182 = tpu.vector_load %arg10[%parallel_loop3A_180, %parallel_loop3A_181] {strides = array<i32>} : memref<128x16xf32, #tpu.memory_space<vmem>>, vector<16xf32>,
        %parallel_loop3A_183 = arith.mulf %parallel_loop3A_175, %parallel_loop3A_182 : vector<16xf32>
        %parallel_loop3A_184 = arith.constant 16 : i32
        %parallel_loop3A_185 = arith.muli %parallel_loop3A_128, %parallel_loop3A_184 : i32
        %parallel_loop3A_186 = arith.constant 0 : i32
        %parallel_loop3A_187 = arith.addi %parallel_loop3A_185, %parallel_loop3A_186 : i32
        %parallel_loop3A_188 = arith.index_cast %parallel_loop3A_187 : i32 to index
        %parallel_loop3A_189 = arith.constant 0 : index
        %parallel_loop3A_190 = tpu.vector_load %arg12[%parallel_loop3A_188, %parallel_loop3A_189] {strides = array<i32>} : memref<128x16xf32, #tpu.memory_space<vmem>>, vector<16xf32>,
        tpu.vector_store %arg12[%parallel_loop3A_188, %parallel_loop3A_189], %parallel_loop3A_183 {strides = array<i32>} : memref<128x16xf32, #tpu.memory_space<vmem>>, vector<16xf32>,
        %parallel_loop3A_191 = arith.constant 1 : i32
        %parallel_loop3A_192 = vector.broadcast %parallel_loop3A_191 : i32 to vector<16xi32>
        %parallel_loop3A_193 = vector.shape_cast %parallel_loop3A_192 : vector<16xi32> to vector<16x1xi32>
        %parallel_loop3A_194 = vector.shape_cast %parallel_loop3A_193 : vector<16x1xi32> to vector<16xi32>
        %parallel_loop3A_195 = tpu.dynamic_gather %parallel_loop3A_170[%parallel_loop3A_194] in [0] : vector<16xf32>, vector<16xi32> -> vector<16xf32>
        %parallel_loop3A_196 = arith.constant 16 : i32
        %parallel_loop3A_197 = arith.muli %parallel_loop3A_128, %parallel_loop3A_196 : i32
        %parallel_loop3A_198 = arith.constant 1 : i32
        %parallel_loop3A_199 = arith.addi %parallel_loop3A_197, %parallel_loop3A_198 : i32
        %parallel_loop3A_200 = arith.index_cast %parallel_loop3A_199 : i32 to index
        %parallel_loop3A_201 = arith.constant 0 : index
        %parallel_loop3A_202 = tpu.vector_load %arg10[%parallel_loop3A_200, %parallel_loop3A_201] {strides = array<i32>} : memref<128x16xf32, #tpu.memory_space<vmem>>, vector<16xf32>,
        %parallel_loop3A_203 = arith.mulf %parallel_loop3A_195, %parallel_loop3A_202 : vector<16xf32>
        %parallel_loop3A_204 = arith.constant 16 : i32
        %parallel_loop3A_205 = arith.muli %parallel_loop3A_128, %parallel_loop3A_204 : i32
        %parallel_loop3A_206 = arith.constant 1 : i32
        %parallel_loop3A_207 = arith.addi %parallel_loop3A_205, %parallel_loop3A_206 : i32
        %parallel_loop3A_208 = arith.index_cast %parallel_loop3A_207 : i32 to index
        %parallel_loop3A_209 = arith.constant 0 : index
        %parallel_loop3A_210 = tpu.vector_load %arg12[%parallel_loop3A_208, %parallel_loop3A_209] {strides = array<i32>} : memref<128x16xf32, #tpu.memory_space<vmem>>, vector<16xf32>,
        tpu.vector_store %arg12[%parallel_loop3A_208, %parallel_loop3A_209], %parallel_loop3A_203 {strides = array<i32>} : memref<128x16xf32, #tpu.memory_space<vmem>>, vector<16xf32>,
        %parallel_loop3A_211 = arith.constant 2 : i32
        %parallel_loop3A_212 = vector.broadcast %parallel_loop3A_211 : i32 to vector<16xi32>
        %parallel_loop3A_213 = vector.shape_cast %parallel_loop3A_212 : vector<16xi32> to vector<16x1xi32>
        %parallel_loop3A_214 = vector.shape_cast %parallel_loop3A_213 : vector<16x1xi32> to vector<16xi32>
        %parallel_loop3A_215 = tpu.dynamic_gather %parallel_loop3A_170[%parallel_loop3A_214] in [0] : vector<16xf32>, vector<16xi32> -> vector<16xf32>
        %parallel_loop3A_216 = arith.constant 16 : i32
        %parallel_loop3A_217 = arith.muli %parallel_loop3A_128, %parallel_loop3A_216 : i32
        %parallel_loop3A_218 = arith.constant 2 : i32
        %parallel_loop3A_219 = arith.addi %parallel_loop3A_217, %parallel_loop3A_218 : i32
        %parallel_loop3A_220 = arith.index_cast %parallel_loop3A_219 : i32 to index
        %parallel_loop3A_221 = arith.constant 0 : index
        %parallel_loop3A_222 = tpu.vector_load %arg10[%parallel_loop3A_220, %parallel_loop3A_221] {strides = array<i32>} : memref<128x16xf32, #tpu.memory_space<vmem>>, vector<16xf32>,
        %parallel_loop3A_223 = arith.mulf %parallel_loop3A_215, %parallel_loop3A_222 : vector<16xf32>
        %parallel_loop3A_224 = arith.constant 16 : i32
        %parallel_loop3A_225 = arith.muli %parallel_loop3A_128, %parallel_loop3A_224 : i32
        %parallel_loop3A_226 = arith.constant 2 : i32
        %parallel_loop3A_227 = arith.addi %parallel_loop3A_225, %parallel_loop3A_226 : i32
        %parallel_loop3A_228 = arith.index_cast %parallel_loop3A_227 : i32 to index
        %parallel_loop3A_229 = arith.constant 0 : index
        %parallel_loop3A_230 = tpu.vector_load %arg12[%parallel_loop3A_228, %parallel_loop3A_229] {strides = array<i32>} : memref<128x16xf32, #tpu.memory_space<vmem>>, vector<16xf32>,
        tpu.vector_store %arg12[%parallel_loop3A_228, %parallel_loop3A_229], %parallel_loop3A_223 {strides = array<i32>} : memref<128x16xf32, #tpu.memory_space<vmem>>, vector<16xf32>,
        %parallel_loop3A_231 = arith.constant 3 : i32
        %parallel_loop3A_232 = vector.broadcast %parallel_loop3A_231 : i32 to vector<16xi32>
        %parallel_loop3A_233 = vector.shape_cast %parallel_loop3A_232 : vector<16xi32> to vector<16x1xi32>
        %parallel_loop3A_234 = vector.shape_cast %parallel_loop3A_233 : vector<16x1xi32> to vector<16xi32>
        %parallel_loop3A_235 = tpu.dynamic_gather %parallel_loop3A_170[%parallel_loop3A_234] in [0] : vector<16xf32>, vector<16xi32> -> vector<16xf32>
        %parallel_loop3A_236 = arith.constant 16 : i32
        %parallel_loop3A_237 = arith.muli %parallel_loop3A_128, %parallel_loop3A_236 : i32
        %parallel_loop3A_238 = arith.constant 3 : i32
        %parallel_loop3A_239 = arith.addi %parallel_loop3A_237, %parallel_loop3A_238 : i32
        %parallel_loop3A_240 = arith.index_cast %parallel_loop3A_239 : i32 to index
        %parallel_loop3A_241 = arith.constant 0 : index
        %parallel_loop3A_242 = tpu.vector_load %arg10[%parallel_loop3A_240, %parallel_loop3A_241] {strides = array<i32>} : memref<128x16xf32, #tpu.memory_space<vmem>>, vector<16xf32>,
        %parallel_loop3A_243 = arith.mulf %parallel_loop3A_235, %parallel_loop3A_242 : vector<16xf32>
        %parallel_loop3A_244 = arith.constant 16 : i32
        %parallel_loop3A_245 = arith.muli %parallel_loop3A_128, %parallel_loop3A_244 : i32
        %parallel_loop3A_246 = arith.constant 3 : i32
        %parallel_loop3A_247 = arith.addi %parallel_loop3A_245, %parallel_loop3A_246 : i32
        %parallel_loop3A_248 = arith.index_cast %parallel_loop3A_247 : i32 to index
        %parallel_loop3A_249 = arith.constant 0 : index
        %parallel_loop3A_250 = tpu.vector_load %arg12[%parallel_loop3A_248, %parallel_loop3A_249] {strides = array<i32>} : memref<128x16xf32, #tpu.memory_space<vmem>>, vector<16xf32>,
        tpu.vector_store %arg12[%parallel_loop3A_248, %parallel_loop3A_249], %parallel_loop3A_243 {strides = array<i32>} : memref<128x16xf32, #tpu.memory_space<vmem>>, vector<16xf32>,
        %parallel_loop3A_251 = arith.constant 4 : i32
        %parallel_loop3A_252 = vector.broadcast %parallel_loop3A_251 : i32 to vector<16xi32>
        %parallel_loop3A_253 = vector.shape_cast %parallel_loop3A_252 : vector<16xi32> to vector<16x1xi32>
        %parallel_loop3A_254 = vector.shape_cast %parallel_loop3A_253 : vector<16x1xi32> to vector<16xi32>
        %parallel_loop3A_255 = tpu.dynamic_gather %parallel_loop3A_170[%parallel_loop3A_254] in [0] : vector<16xf32>, vector<16xi32> -> vector<16xf32>
        %parallel_loop3A_256 = arith.constant 16 : i32
        %parallel_loop3A_257 = arith.muli %parallel_loop3A_128, %parallel_loop3A_256 : i32
        %parallel_loop3A_258 = arith.constant 4 : i32
        %parallel_loop3A_259 = arith.addi %parallel_loop3A_257, %parallel_loop3A_258 : i32
        %parallel_loop3A_260 = arith.index_cast %parallel_loop3A_259 : i32 to index
        %parallel_loop3A_261 = arith.constant 0 : index
        %parallel_loop3A_262 = tpu.vector_load %arg10[%parallel_loop3A_260, %parallel_loop3A_261] {strides = array<i32>} : memref<128x16xf32, #tpu.memory_space<vmem>>, vector<16xf32>,
        %parallel_loop3A_263 = arith.mulf %parallel_loop3A_255, %parallel_loop3A_262 : vector<16xf32>
        %parallel_loop3A_264 = arith.constant 16 : i32
        %parallel_loop3A_265 = arith.muli %parallel_loop3A_128, %parallel_loop3A_264 : i32
        %parallel_loop3A_266 = arith.constant 4 : i32
        %parallel_loop3A_267 = arith.addi %parallel_loop3A_265, %parallel_loop3A_266 : i32
        %parallel_loop3A_268 = arith.index_cast %parallel_loop3A_267 : i32 to index
        %parallel_loop3A_269 = arith.constant 0 : index
        %parallel_loop3A_270 = tpu.vector_load %arg12[%parallel_loop3A_268, %parallel_loop3A_269] {strides = array<i32>} : memref<128x16xf32, #tpu.memory_space<vmem>>, vector<16xf32>,
        tpu.vector_store %arg12[%parallel_loop3A_268, %parallel_loop3A_269], %parallel_loop3A_263 {strides = array<i32>} : memref<128x16xf32, #tpu.memory_space<vmem>>, vector<16xf32>,
        %parallel_loop3A_271 = arith.constant 5 : i32
        %parallel_loop3A_272 = vector.broadcast %parallel_loop3A_271 : i32 to vector<16xi32>
        %parallel_loop3A_273 = vector.shape_cast %parallel_loop3A_272 : vector<16xi32> to vector<16x1xi32>
        %parallel_loop3A_274 = vector.shape_cast %parallel_loop3A_273 : vector<16x1xi32> to vector<16xi32>
        %parallel_loop3A_275 = tpu.dynamic_gather %parallel_loop3A_170[%parallel_loop3A_274] in [0] : vector<16xf32>, vector<16xi32> -> vector<16xf32>
        %parallel_loop3A_276 = arith.constant 16 : i32
        %parallel_loop3A_277 = arith.muli %parallel_loop3A_128, %parallel_loop3A_276 : i32
        %parallel_loop3A_278 = arith.constant 5 : i32
        %parallel_loop3A_279 = arith.addi %parallel_loop3A_277, %parallel_loop3A_278 : i32
        %parallel_loop3A_280 = arith.index_cast %parallel_loop3A_279 : i32 to index
        %parallel_loop3A_281 = arith.constant 0 : index
        %parallel_loop3A_282 = tpu.vector_load %arg10[%parallel_loop3A_280, %parallel_loop3A_281] {strides = array<i32>} : memref<128x16xf32, #tpu.memory_space<vmem>>, vector<16xf32>,
        %parallel_loop3A_283 = arith.mulf %parallel_loop3A_275, %parallel_loop3A_282 : vector<16xf32>
        %parallel_loop3A_284 = arith.constant 16 : i32
        %parallel_loop3A_285 = arith.muli %parallel_loop3A_128, %parallel_loop3A_284 : i32
        %parallel_loop3A_286 = arith.constant 5 : i32
        %parallel_loop3A_287 = arith.addi %parallel_loop3A_285, %parallel_loop3A_286 : i32
        %parallel_loop3A_288 = arith.index_cast %parallel_loop3A_287 : i32 to index
        %parallel_loop3A_289 = arith.constant 0 : index
        %parallel_loop3A_290 = tpu.vector_load %arg12[%parallel_loop3A_288, %parallel_loop3A_289] {strides = array<i32>} : memref<128x16xf32, #tpu.memory_space<vmem>>, vector<16xf32>,
        tpu.vector_store %arg12[%parallel_loop3A_288, %parallel_loop3A_289], %parallel_loop3A_283 {strides = array<i32>} : memref<128x16xf32, #tpu.memory_space<vmem>>, vector<16xf32>,
        %parallel_loop3A_291 = arith.constant 6 : i32
        %parallel_loop3A_292 = vector.broadcast %parallel_loop3A_291 : i32 to vector<16xi32>
        %parallel_loop3A_293 = vector.shape_cast %parallel_loop3A_292 : vector<16xi32> to vector<16x1xi32>
        %parallel_loop3A_294 = vector.shape_cast %parallel_loop3A_293 : vector<16x1xi32> to vector<16xi32>
        %parallel_loop3A_295 = tpu.dynamic_gather %parallel_loop3A_170[%parallel_loop3A_294] in [0] : vector<16xf32>, vector<16xi32> -> vector<16xf32>
        %parallel_loop3A_296 = arith.constant 16 : i32
        %parallel_loop3A_297 = arith.muli %parallel_loop3A_128, %parallel_loop3A_296 : i32
        %parallel_loop3A_298 = arith.constant 6 : i32
        %parallel_loop3A_299 = arith.addi %parallel_loop3A_297, %parallel_loop3A_298 : i32
        %parallel_loop3A_300 = arith.index_cast %parallel_loop3A_299 : i32 to index
        %parallel_loop3A_301 = arith.constant 0 : index
        %parallel_loop3A_302 = tpu.vector_load %arg10[%parallel_loop3A_300, %parallel_loop3A_301] {strides = array<i32>} : memref<128x16xf32, #tpu.memory_space<vmem>>, vector<16xf32>,
        %parallel_loop3A_303 = arith.mulf %parallel_loop3A_295, %parallel_loop3A_302 : vector<16xf32>
        %parallel_loop3A_304 = arith.constant 16 : i32
        %parallel_loop3A_305 = arith.muli %parallel_loop3A_128, %parallel_loop3A_304 : i32
        %parallel_loop3A_306 = arith.constant 6 : i32
        %parallel_loop3A_307 = arith.addi %parallel_loop3A_305, %parallel_loop3A_306 : i32
        %parallel_loop3A_308 = arith.index_cast %parallel_loop3A_307 : i32 to index
        %parallel_loop3A_309 = arith.constant 0 : index
        %parallel_loop3A_310 = tpu.vector_load %arg12[%parallel_loop3A_308, %parallel_loop3A_309] {strides = array<i32>} : memref<128x16xf32, #tpu.memory_space<vmem>>, vector<16xf32>,
        tpu.vector_store %arg12[%parallel_loop3A_308, %parallel_loop3A_309], %parallel_loop3A_303 {strides = array<i32>} : memref<128x16xf32, #tpu.memory_space<vmem>>, vector<16xf32>,
        %parallel_loop3A_311 = arith.constant 7 : i32
        %parallel_loop3A_312 = vector.broadcast %parallel_loop3A_311 : i32 to vector<16xi32>
        %parallel_loop3A_313 = vector.shape_cast %parallel_loop3A_312 : vector<16xi32> to vector<16x1xi32>
        %parallel_loop3A_314 = vector.shape_cast %parallel_loop3A_313 : vector<16x1xi32> to vector<16xi32>
        %parallel_loop3A_315 = tpu.dynamic_gather %parallel_loop3A_170[%parallel_loop3A_314] in [0] : vector<16xf32>, vector<16xi32> -> vector<16xf32>
        %parallel_loop3A_316 = arith.constant 16 : i32
        %parallel_loop3A_317 = arith.muli %parallel_loop3A_128, %parallel_loop3A_316 : i32
        %parallel_loop3A_318 = arith.constant 7 : i32
        %parallel_loop3A_319 = arith.addi %parallel_loop3A_317, %parallel_loop3A_318 : i32
        %parallel_loop3A_320 = arith.index_cast %parallel_loop3A_319 : i32 to index
        %parallel_loop3A_321 = arith.constant 0 : index
        %parallel_loop3A_322 = tpu.vector_load %arg10[%parallel_loop3A_320, %parallel_loop3A_321] {strides = array<i32>} : memref<128x16xf32, #tpu.memory_space<vmem>>, vector<16xf32>,
        %parallel_loop3A_323 = arith.mulf %parallel_loop3A_315, %parallel_loop3A_322 : vector<16xf32>
        %parallel_loop3A_324 = arith.constant 16 : i32
        %parallel_loop3A_325 = arith.muli %parallel_loop3A_128, %parallel_loop3A_324 : i32
        %parallel_loop3A_326 = arith.constant 7 : i32
        %parallel_loop3A_327 = arith.addi %parallel_loop3A_325, %parallel_loop3A_326 : i32
        %parallel_loop3A_328 = arith.index_cast %parallel_loop3A_327 : i32 to index
        %parallel_loop3A_329 = arith.constant 0 : index
        %parallel_loop3A_330 = tpu.vector_load %arg12[%parallel_loop3A_328, %parallel_loop3A_329] {strides = array<i32>} : memref<128x16xf32, #tpu.memory_space<vmem>>, vector<16xf32>,
        tpu.vector_store %arg12[%parallel_loop3A_328, %parallel_loop3A_329], %parallel_loop3A_323 {strides = array<i32>} : memref<128x16xf32, #tpu.memory_space<vmem>>, vector<16xf32>,
        %parallel_loop3A_331 = arith.constant 8 : i32
        %parallel_loop3A_332 = vector.broadcast %parallel_loop3A_331 : i32 to vector<16xi32>
        %parallel_loop3A_333 = vector.shape_cast %parallel_loop3A_332 : vector<16xi32> to vector<16x1xi32>
        %parallel_loop3A_334 = vector.shape_cast %parallel_loop3A_333 : vector<16x1xi32> to vector<16xi32>
        %parallel_loop3A_335 = tpu.dynamic_gather %parallel_loop3A_170[%parallel_loop3A_334] in [0] : vector<16xf32>, vector<16xi32> -> vector<16xf32>
        %parallel_loop3A_336 = arith.constant 16 : i32
        %parallel_loop3A_337 = arith.muli %parallel_loop3A_128, %parallel_loop3A_336 : i32
        %parallel_loop3A_338 = arith.constant 8 : i32
        %parallel_loop3A_339 = arith.addi %parallel_loop3A_337, %parallel_loop3A_338 : i32
        %parallel_loop3A_340 = arith.index_cast %parallel_loop3A_339 : i32 to index
        %parallel_loop3A_341 = arith.constant 0 : index
        %parallel_loop3A_342 = tpu.vector_load %arg10[%parallel_loop3A_340, %parallel_loop3A_341] {strides = array<i32>} : memref<128x16xf32, #tpu.memory_space<vmem>>, vector<16xf32>,
        %parallel_loop3A_343 = arith.mulf %parallel_loop3A_335, %parallel_loop3A_342 : vector<16xf32>
        %parallel_loop3A_344 = arith.constant 16 : i32
        %parallel_loop3A_345 = arith.muli %parallel_loop3A_128, %parallel_loop3A_344 : i32
        %parallel_loop3A_346 = arith.constant 8 : i32
        %parallel_loop3A_347 = arith.addi %parallel_loop3A_345, %parallel_loop3A_346 : i32
        %parallel_loop3A_348 = arith.index_cast %parallel_loop3A_347 : i32 to index
        %parallel_loop3A_349 = arith.constant 0 : index
        %parallel_loop3A_350 = tpu.vector_load %arg12[%parallel_loop3A_348, %parallel_loop3A_349] {strides = array<i32>} : memref<128x16xf32, #tpu.memory_space<vmem>>, vector<16xf32>,
        tpu.vector_store %arg12[%parallel_loop3A_348, %parallel_loop3A_349], %parallel_loop3A_343 {strides = array<i32>} : memref<128x16xf32, #tpu.memory_space<vmem>>, vector<16xf32>,
        %parallel_loop3A_351 = arith.constant 9 : i32
        %parallel_loop3A_352 = vector.broadcast %parallel_loop3A_351 : i32 to vector<16xi32>
        %parallel_loop3A_353 = vector.shape_cast %parallel_loop3A_352 : vector<16xi32> to vector<16x1xi32>
        %parallel_loop3A_354 = vector.shape_cast %parallel_loop3A_353 : vector<16x1xi32> to vector<16xi32>
        %parallel_loop3A_355 = tpu.dynamic_gather %parallel_loop3A_170[%parallel_loop3A_354] in [0] : vector<16xf32>, vector<16xi32> -> vector<16xf32>
        %parallel_loop3A_356 = arith.constant 16 : i32
        %parallel_loop3A_357 = arith.muli %parallel_loop3A_128, %parallel_loop3A_356 : i32
        %parallel_loop3A_358 = arith.constant 9 : i32
        %parallel_loop3A_359 = arith.addi %parallel_loop3A_357, %parallel_loop3A_358 : i32
        %parallel_loop3A_360 = arith.index_cast %parallel_loop3A_359 : i32 to index
        %parallel_loop3A_361 = arith.constant 0 : index
        %parallel_loop3A_362 = tpu.vector_load %arg10[%parallel_loop3A_360, %parallel_loop3A_361] {strides = array<i32>} : memref<128x16xf32, #tpu.memory_space<vmem>>, vector<16xf32>,
        %parallel_loop3A_363 = arith.mulf %parallel_loop3A_355, %parallel_loop3A_362 : vector<16xf32>
        %parallel_loop3A_364 = arith.constant 16 : i32
        %parallel_loop3A_365 = arith.muli %parallel_loop3A_128, %parallel_loop3A_364 : i32
        %parallel_loop3A_366 = arith.constant 9 : i32
        %parallel_loop3A_367 = arith.addi %parallel_loop3A_365, %parallel_loop3A_366 : i32
        %parallel_loop3A_368 = arith.index_cast %parallel_loop3A_367 : i32 to index
        %parallel_loop3A_369 = arith.constant 0 : index
        %parallel_loop3A_370 = tpu.vector_load %arg12[%parallel_loop3A_368, %parallel_loop3A_369] {strides = array<i32>} : memref<128x16xf32, #tpu.memory_space<vmem>>, vector<16xf32>,
        tpu.vector_store %arg12[%parallel_loop3A_368, %parallel_loop3A_369], %parallel_loop3A_363 {strides = array<i32>} : memref<128x16xf32, #tpu.memory_space<vmem>>, vector<16xf32>,
        %parallel_loop3A_371 = arith.constant 10 : i32
        %parallel_loop3A_372 = vector.broadcast %parallel_loop3A_371 : i32 to vector<16xi32>
        %parallel_loop3A_373 = vector.shape_cast %parallel_loop3A_372 : vector<16xi32> to vector<16x1xi32>
        %parallel_loop3A_374 = vector.shape_cast %parallel_loop3A_373 : vector<16x1xi32> to vector<16xi32>
        %parallel_loop3A_375 = tpu.dynamic_gather %parallel_loop3A_170[%parallel_loop3A_374] in [0] : vector<16xf32>, vector<16xi32> -> vector<16xf32>
        %parallel_loop3A_376 = arith.constant 16 : i32
        %parallel_loop3A_377 = arith.muli %parallel_loop3A_128, %parallel_loop3A_376 : i32
        %parallel_loop3A_378 = arith.constant 10 : i32
        %parallel_loop3A_379 = arith.addi %parallel_loop3A_377, %parallel_loop3A_378 : i32
        %parallel_loop3A_380 = arith.index_cast %parallel_loop3A_379 : i32 to index
        %parallel_loop3A_381 = arith.constant 0 : index
        %parallel_loop3A_382 = tpu.vector_load %arg10[%parallel_loop3A_380, %parallel_loop3A_381] {strides = array<i32>} : memref<128x16xf32, #tpu.memory_space<vmem>>, vector<16xf32>,
        %parallel_loop3A_383 = arith.mulf %parallel_loop3A_375, %parallel_loop3A_382 : vector<16xf32>
        %parallel_loop3A_384 = arith.constant 16 : i32
        %parallel_loop3A_385 = arith.muli %parallel_loop3A_128, %parallel_loop3A_384 : i32
        %parallel_loop3A_386 = arith.constant 10 : i32
        %parallel_loop3A_387 = arith.addi %parallel_loop3A_385, %parallel_loop3A_386 : i32
        %parallel_loop3A_388 = arith.index_cast %parallel_loop3A_387 : i32 to index
        %parallel_loop3A_389 = arith.constant 0 : index
        %parallel_loop3A_390 = tpu.vector_load %arg12[%parallel_loop3A_388, %parallel_loop3A_389] {strides = array<i32>} : memref<128x16xf32, #tpu.memory_space<vmem>>, vector<16xf32>,
        tpu.vector_store %arg12[%parallel_loop3A_388, %parallel_loop3A_389], %parallel_loop3A_383 {strides = array<i32>} : memref<128x16xf32, #tpu.memory_space<vmem>>, vector<16xf32>,
        %parallel_loop3A_391 = arith.constant 11 : i32
        %parallel_loop3A_392 = vector.broadcast %parallel_loop3A_391 : i32 to vector<16xi32>
        %parallel_loop3A_393 = vector.shape_cast %parallel_loop3A_392 : vector<16xi32> to vector<16x1xi32>
        %parallel_loop3A_394 = vector.shape_cast %parallel_loop3A_393 : vector<16x1xi32> to vector<16xi32>
        %parallel_loop3A_395 = tpu.dynamic_gather %parallel_loop3A_170[%parallel_loop3A_394] in [0] : vector<16xf32>, vector<16xi32> -> vector<16xf32>
        %parallel_loop3A_396 = arith.constant 16 : i32
        %parallel_loop3A_397 = arith.muli %parallel_loop3A_128, %parallel_loop3A_396 : i32
        %parallel_loop3A_398 = arith.constant 11 : i32
        %parallel_loop3A_399 = arith.addi %parallel_loop3A_397, %parallel_loop3A_398 : i32
        %parallel_loop3A_400 = arith.index_cast %parallel_loop3A_399 : i32 to index
        %parallel_loop3A_401 = arith.constant 0 : index
        %parallel_loop3A_402 = tpu.vector_load %arg10[%parallel_loop3A_400, %parallel_loop3A_401] {strides = array<i32>} : memref<128x16xf32, #tpu.memory_space<vmem>>, vector<16xf32>,
        %parallel_loop3A_403 = arith.mulf %parallel_loop3A_395, %parallel_loop3A_402 : vector<16xf32>
        %parallel_loop3A_404 = arith.constant 16 : i32
        %parallel_loop3A_405 = arith.muli %parallel_loop3A_128, %parallel_loop3A_404 : i32
        %parallel_loop3A_406 = arith.constant 11 : i32
        %parallel_loop3A_407 = arith.addi %parallel_loop3A_405, %parallel_loop3A_406 : i32
        %parallel_loop3A_408 = arith.index_cast %parallel_loop3A_407 : i32 to index
        %parallel_loop3A_409 = arith.constant 0 : index
        %parallel_loop3A_410 = tpu.vector_load %arg12[%parallel_loop3A_408, %parallel_loop3A_409] {strides = array<i32>} : memref<128x16xf32, #tpu.memory_space<vmem>>, vector<16xf32>,
        tpu.vector_store %arg12[%parallel_loop3A_408, %parallel_loop3A_409], %parallel_loop3A_403 {strides = array<i32>} : memref<128x16xf32, #tpu.memory_space<vmem>>, vector<16xf32>,
        %parallel_loop3A_411 = arith.constant 12 : i32
        %parallel_loop3A_412 = vector.broadcast %parallel_loop3A_411 : i32 to vector<16xi32>
        %parallel_loop3A_413 = vector.shape_cast %parallel_loop3A_412 : vector<16xi32> to vector<16x1xi32>
        %parallel_loop3A_414 = vector.shape_cast %parallel_loop3A_413 : vector<16x1xi32> to vector<16xi32>
        %parallel_loop3A_415 = tpu.dynamic_gather %parallel_loop3A_170[%parallel_loop3A_414] in [0] : vector<16xf32>, vector<16xi32> -> vector<16xf32>
        %parallel_loop3A_416 = arith.constant 16 : i32
        %parallel_loop3A_417 = arith.muli %parallel_loop3A_128, %parallel_loop3A_416 : i32
        %parallel_loop3A_418 = arith.constant 12 : i32
        %parallel_loop3A_419 = arith.addi %parallel_loop3A_417, %parallel_loop3A_418 : i32
        %parallel_loop3A_420 = arith.index_cast %parallel_loop3A_419 : i32 to index
        %parallel_loop3A_421 = arith.constant 0 : index
        %parallel_loop3A_422 = tpu.vector_load %arg10[%parallel_loop3A_420, %parallel_loop3A_421] {strides = array<i32>} : memref<128x16xf32, #tpu.memory_space<vmem>>, vector<16xf32>,
        %parallel_loop3A_423 = arith.mulf %parallel_loop3A_415, %parallel_loop3A_422 : vector<16xf32>
        %parallel_loop3A_424 = arith.constant 16 : i32
        %parallel_loop3A_425 = arith.muli %parallel_loop3A_128, %parallel_loop3A_424 : i32
        %parallel_loop3A_426 = arith.constant 12 : i32
        %parallel_loop3A_427 = arith.addi %parallel_loop3A_425, %parallel_loop3A_426 : i32
        %parallel_loop3A_428 = arith.index_cast %parallel_loop3A_427 : i32 to index
        %parallel_loop3A_429 = arith.constant 0 : index
        %parallel_loop3A_430 = tpu.vector_load %arg12[%parallel_loop3A_428, %parallel_loop3A_429] {strides = array<i32>} : memref<128x16xf32, #tpu.memory_space<vmem>>, vector<16xf32>,
        tpu.vector_store %arg12[%parallel_loop3A_428, %parallel_loop3A_429], %parallel_loop3A_423 {strides = array<i32>} : memref<128x16xf32, #tpu.memory_space<vmem>>, vector<16xf32>,
        %parallel_loop3A_431 = arith.constant 13 : i32
        %parallel_loop3A_432 = vector.broadcast %parallel_loop3A_431 : i32 to vector<16xi32>
        %parallel_loop3A_433 = vector.shape_cast %parallel_loop3A_432 : vector<16xi32> to vector<16x1xi32>
        %parallel_loop3A_434 = vector.shape_cast %parallel_loop3A_433 : vector<16x1xi32> to vector<16xi32>
        %parallel_loop3A_435 = tpu.dynamic_gather %parallel_loop3A_170[%parallel_loop3A_434] in [0] : vector<16xf32>, vector<16xi32> -> vector<16xf32>
        %parallel_loop3A_436 = arith.constant 16 : i32
        %parallel_loop3A_437 = arith.muli %parallel_loop3A_128, %parallel_loop3A_436 : i32
        %parallel_loop3A_438 = arith.constant 13 : i32
        %parallel_loop3A_439 = arith.addi %parallel_loop3A_437, %parallel_loop3A_438 : i32
        %parallel_loop3A_440 = arith.index_cast %parallel_loop3A_439 : i32 to index
        %parallel_loop3A_441 = arith.constant 0 : index
        %parallel_loop3A_442 = tpu.vector_load %arg10[%parallel_loop3A_440, %parallel_loop3A_441] {strides = array<i32>} : memref<128x16xf32, #tpu.memory_space<vmem>>, vector<16xf32>,
        %parallel_loop3A_443 = arith.mulf %parallel_loop3A_435, %parallel_loop3A_442 : vector<16xf32>
        %parallel_loop3A_444 = arith.constant 16 : i32
        %parallel_loop3A_445 = arith.muli %parallel_loop3A_128, %parallel_loop3A_444 : i32
        %parallel_loop3A_446 = arith.constant 13 : i32
        %parallel_loop3A_447 = arith.addi %parallel_loop3A_445, %parallel_loop3A_446 : i32
        %parallel_loop3A_448 = arith.index_cast %parallel_loop3A_447 : i32 to index
        %parallel_loop3A_449 = arith.constant 0 : index
        %parallel_loop3A_450 = tpu.vector_load %arg12[%parallel_loop3A_448, %parallel_loop3A_449] {strides = array<i32>} : memref<128x16xf32, #tpu.memory_space<vmem>>, vector<16xf32>,
        tpu.vector_store %arg12[%parallel_loop3A_448, %parallel_loop3A_449], %parallel_loop3A_443 {strides = array<i32>} : memref<128x16xf32, #tpu.memory_space<vmem>>, vector<16xf32>,
        %parallel_loop3A_451 = arith.constant 14 : i32
        %parallel_loop3A_452 = vector.broadcast %parallel_loop3A_451 : i32 to vector<16xi32>
        %parallel_loop3A_453 = vector.shape_cast %parallel_loop3A_452 : vector<16xi32> to vector<16x1xi32>
        %parallel_loop3A_454 = vector.shape_cast %parallel_loop3A_453 : vector<16x1xi32> to vector<16xi32>
        %parallel_loop3A_455 = tpu.dynamic_gather %parallel_loop3A_170[%parallel_loop3A_454] in [0] : vector<16xf32>, vector<16xi32> -> vector<16xf32>
        %parallel_loop3A_456 = arith.constant 16 : i32
        %parallel_loop3A_457 = arith.muli %parallel_loop3A_128, %parallel_loop3A_456 : i32
        %parallel_loop3A_458 = arith.constant 14 : i32
        %parallel_loop3A_459 = arith.addi %parallel_loop3A_457, %parallel_loop3A_458 : i32
        %parallel_loop3A_460 = arith.index_cast %parallel_loop3A_459 : i32 to index
        %parallel_loop3A_461 = arith.constant 0 : index
        %parallel_loop3A_462 = tpu.vector_load %arg10[%parallel_loop3A_460, %parallel_loop3A_461] {strides = array<i32>} : memref<128x16xf32, #tpu.memory_space<vmem>>, vector<16xf32>,
        %parallel_loop3A_463 = arith.mulf %parallel_loop3A_455, %parallel_loop3A_462 : vector<16xf32>
        %parallel_loop3A_464 = arith.constant 16 : i32
        %parallel_loop3A_465 = arith.muli %parallel_loop3A_128, %parallel_loop3A_464 : i32
        %parallel_loop3A_466 = arith.constant 14 : i32
        %parallel_loop3A_467 = arith.addi %parallel_loop3A_465, %parallel_loop3A_466 : i32
        %parallel_loop3A_468 = arith.index_cast %parallel_loop3A_467 : i32 to index
        %parallel_loop3A_469 = arith.constant 0 : index
        %parallel_loop3A_470 = tpu.vector_load %arg12[%parallel_loop3A_468, %parallel_loop3A_469] {strides = array<i32>} : memref<128x16xf32, #tpu.memory_space<vmem>>, vector<16xf32>,
        tpu.vector_store %arg12[%parallel_loop3A_468, %parallel_loop3A_469], %parallel_loop3A_463 {strides = array<i32>} : memref<128x16xf32, #tpu.memory_space<vmem>>, vector<16xf32>,
        %parallel_loop3A_471 = arith.constant 15 : i32
        %parallel_loop3A_472 = vector.broadcast %parallel_loop3A_471 : i32 to vector<16xi32>
        %parallel_loop3A_473 = vector.shape_cast %parallel_loop3A_472 : vector<16xi32> to vector<16x1xi32>
        %parallel_loop3A_474 = vector.shape_cast %parallel_loop3A_473 : vector<16x1xi32> to vector<16xi32>
        %parallel_loop3A_475 = tpu.dynamic_gather %parallel_loop3A_170[%parallel_loop3A_474] in [0] : vector<16xf32>, vector<16xi32> -> vector<16xf32>
        %parallel_loop3A_476 = arith.constant 16 : i32
        %parallel_loop3A_477 = arith.muli %parallel_loop3A_128, %parallel_loop3A_476 : i32
        %parallel_loop3A_478 = arith.constant 15 : i32
        %parallel_loop3A_479 = arith.addi %parallel_loop3A_477, %parallel_loop3A_478 : i32
        %parallel_loop3A_480 = arith.index_cast %parallel_loop3A_479 : i32 to index
        %parallel_loop3A_481 = arith.constant 0 : index
        %parallel_loop3A_482 = tpu.vector_load %arg10[%parallel_loop3A_480, %parallel_loop3A_481] {strides = array<i32>} : memref<128x16xf32, #tpu.memory_space<vmem>>, vector<16xf32>,
        %parallel_loop3A_483 = arith.mulf %parallel_loop3A_475, %parallel_loop3A_482 : vector<16xf32>
        %parallel_loop3A_484 = arith.constant 16 : i32
        %parallel_loop3A_485 = arith.muli %parallel_loop3A_128, %parallel_loop3A_484 : i32
        %parallel_loop3A_486 = arith.constant 15 : i32
        %parallel_loop3A_487 = arith.addi %parallel_loop3A_485, %parallel_loop3A_486 : i32
        %parallel_loop3A_488 = arith.index_cast %parallel_loop3A_487 : i32 to index
        %parallel_loop3A_489 = arith.constant 0 : index
        %parallel_loop3A_490 = tpu.vector_load %arg12[%parallel_loop3A_488, %parallel_loop3A_489] {strides = array<i32>} : memref<128x16xf32, #tpu.memory_space<vmem>>, vector<16xf32>,
        tpu.vector_store %arg12[%parallel_loop3A_488, %parallel_loop3A_489], %parallel_loop3A_483 {strides = array<i32>} : memref<128x16xf32, #tpu.memory_space<vmem>>, vector<16xf32>,
      } {sc.loop_unroll_factor = 2 : i64, sc.parallel_access}
      %dma_start3A_102 = arith.constant 0 : i32
      %dma_start3A_103 = tpu.memref_slice %arg6[%mul3A_82, %dma_start3A_102] : memref<80x128xi32, #tpu.memory_space<vmem>> -> memref<1x128xi32, #tpu.memory_space<vmem>>
      %dma_start3A_104 = tpu.memref_squeeze %dma_start3A_103 : memref<1x128xi32, #tpu.memory_space<vmem>> -> memref<128xi32, #tpu.memory_space<vmem>>
      %dma_start3A_105 = arith.constant 0 : i32
      %dma_start3A_106 = arith.constant 0 : i32
      %dma_start3A_107 = tpu.memref_slice %arg16[%dma_start3A_105, %dma_start3A_106] : memref<10240x16xf32, #tpu.memory_space<vmem_shared>> -> memref<10240x16xf32, #tpu.memory_space<vmem_shared>>
      tpu.enqueue_indirect_dma source(%arg12 : memref<128x16xf32, #tpu.memory_space<vmem>>) target(%dma_start3A_107 : memref<10240x16xf32, #tpu.memory_space<vmem_shared>>) offsets(%dma_start3A_104 : memref<128xi32, #tpu.memory_space<vmem>>) semaphore(%arg19 : memref<!tpu.dma_semaphore, #tpu.memory_space<semaphore_mem>>) {add = true}
      %lt3A = arith.constant 39 : i32
      %lt3A_108 = arith.cmpi slt, %scan3A_80, %lt3A : i32
      %convert_element_type3A = arith.extui %lt3A_108 : i1 to i32
      %cond3A = arith.constant 0 : i32
      %cond3A_109 = arith.cmpi ne, %convert_element_type3A, %cond3A : i32
      scf.if %cond3A_109 {
        %add3A_128 = arith.constant 2 : i32
        %add3A_129 = arith.addi %mul3A_82, %add3A_128 : i32
        %dma_start3A_130 = arith.constant 0 : i32
        %dma_start3A_131 = tpu.memref_slice %arg8[%add3A_129, %dma_start3A_130] : memref<80x128xi32, #tpu.memory_space<vmem>> -> memref<1x128xi32, #tpu.memory_space<vmem>>
        %dma_start3A_132 = tpu.memref_squeeze %dma_start3A_131 : memref<1x128xi32, #tpu.memory_space<vmem>> -> memref<128xi32, #tpu.memory_space<vmem>>
        %dma_start3A_133 = arith.constant 0 : i32
        %dma_start3A_134 = arith.constant 0 : i32
        %dma_start3A_135 = tpu.memref_slice %arg2[%dma_start3A_133, %dma_start3A_134] : memref<10240x16xf32, #tpu.memory_space<hbm>> -> memref<10240x16xf32, #tpu.memory_space<hbm>>
        tpu.enqueue_indirect_dma source(%dma_start3A_135 : memref<10240x16xf32, #tpu.memory_space<hbm>>) target(%arg10 : memref<128x16xf32, #tpu.memory_space<vmem>>) offsets(%dma_start3A_132 : memref<128xi32, #tpu.memory_space<vmem>>) semaphore(%arg17 : memref<!tpu.dma_semaphore, #tpu.memory_space<semaphore_mem>>)
      } else {
      }
      %dma_wait3A_110 = arith.constant 0 : i32
      %dma_wait3A_111 = tpu.memref_slice %arg8[%add3A_84, %dma_wait3A_110] : memref<80x128xi32, #tpu.memory_space<vmem>> -> memref<1x128xi32, #tpu.memory_space<vmem>>
      %dma_wait3A_112 = tpu.memref_squeeze %dma_wait3A_111 : memref<1x128xi32, #tpu.memory_space<vmem>> -> memref<128xi32, #tpu.memory_space<vmem>>
      %dma_wait3A_113 = arith.constant 0 : i32
      %dma_wait3A_114 = arith.constant 0 : i32
      %dma_wait3A_115 = tpu.memref_slice %arg2[%dma_wait3A_113, %dma_wait3A_114] : memref<10240x16xf32, #tpu.memory_space<hbm>> -> memref<10240x16xf32, #tpu.memory_space<hbm>>
      tpu.wait_indirect_dma semaphore(%arg18 : memref<!tpu.dma_semaphore, #tpu.memory_space<semaphore_mem>>) src(%dma_wait3A_115 : memref<10240x16xf32, #tpu.memory_space<hbm>>) dst(%arg11 : memref<128x16xf32, #tpu.memory_space<vmem>>)
      %dma_wait3A_116 = arith.constant 0 : i32
      %dma_wait3A_117 = arith.constant 0 : i32
      %dma_wait3A_118 = tpu.memref_slice %arg16[%dma_wait3A_116, %dma_wait3A_117] : memref<10240x16xf32, #tpu.memory_space<vmem_shared>> -> memref<10240x16xf32, #tpu.memory_space<vmem_shared>>
      tpu.wait_indirect_dma semaphore(%arg20 : memref<!tpu.dma_semaphore, #tpu.memory_space<semaphore_mem>>) src(%arg12 : memref<128x16xf32, #tpu.memory_space<vmem>>) dst(%dma_wait3A_118 : memref<10240x16xf32, #tpu.memory_space<vmem_shared>>)
      %parallel_loop3A_119 = arith.constant 0 : i32
      %parallel_loop3A_120 = arith.constant 8 : i32
      %parallel_loop3A_121 = arith.constant 1 : i32
      scf.for %parallel_loop3A_128 = %parallel_loop3A_119 to %parallel_loop3A_120 step %parallel_loop3A_121  : i32 {
        %parallel_loop3A_129 = arith.constant 16 : i32
        %parallel_loop3A_130 = arith.muli %parallel_loop3A_128, %parallel_loop3A_129 : i32
        %parallel_loop3A_131 = arith.constant 0 : i32
        %parallel_loop3A_132 = tpu.memref_slice %arg6[%add3A_84, %parallel_loop3A_131] : memref<80x128xi32, #tpu.memory_space<vmem>> -> memref<1x128xi32, #tpu.memory_space<vmem>>
        %parallel_loop3A_133 = tpu.memref_squeeze %parallel_loop3A_132 : memref<1x128xi32, #tpu.memory_space<vmem>> -> memref<128xi32, #tpu.memory_space<vmem>>
        %parallel_loop3A_134 = arith.index_cast %parallel_loop3A_130 : i32 to index
        %parallel_loop3A_135 = tpu.vector_load %parallel_loop3A_133[%parallel_loop3A_134] {strides = array<i32>} : memref<128xi32, #tpu.memory_space<vmem>>, vector<16xi32>,
        %parallel_loop3A_136 = arith.constant 16 : i32
        %parallel_loop3A_137 = arith.muli %parallel_loop3A_128, %parallel_loop3A_136 : i32
        %parallel_loop3A_138 = arith.constant 0 : i32
        %parallel_loop3A_139 = tpu.memref_slice %arg7[%add3A_84, %parallel_loop3A_138] : memref<80x128xi32, #tpu.memory_space<vmem>> -> memref<1x128xi32, #tpu.memory_space<vmem>>
        %parallel_loop3A_140 = tpu.memref_squeeze %parallel_loop3A_139 : memref<1x128xi32, #tpu.memory_space<vmem>> -> memref<128xi32, #tpu.memory_space<vmem>>
        %parallel_loop3A_141 = arith.index_cast %parallel_loop3A_137 : i32 to index
        %parallel_loop3A_142 = tpu.vector_load %parallel_loop3A_140[%parallel_loop3A_141] {strides = array<i32>} : memref<128xi32, #tpu.memory_space<vmem>>, vector<16xi32>,
        %parallel_loop3A_143 = arith.constant 16 : i32
        %parallel_loop3A_144 = arith.muli %parallel_loop3A_128, %parallel_loop3A_143 : i32
        %parallel_loop3A_145 = arith.constant 0 : i32
        %parallel_loop3A_146 = tpu.memref_slice %arg8[%add3A_84, %parallel_loop3A_145] : memref<80x128xi32, #tpu.memory_space<vmem>> -> memref<1x128xi32, #tpu.memory_space<vmem>>
        %parallel_loop3A_147 = tpu.memref_squeeze %parallel_loop3A_146 : memref<1x128xi32, #tpu.memory_space<vmem>> -> memref<128xi32, #tpu.memory_space<vmem>>
        %parallel_loop3A_148 = arith.index_cast %parallel_loop3A_144 : i32 to index
        %parallel_loop3A_149 = tpu.vector_load %parallel_loop3A_147[%parallel_loop3A_148] {strides = array<i32>} : memref<128xi32, #tpu.memory_space<vmem>>, vector<16xi32>,
        %parallel_loop3A_150 = arith.constant 4 : i32
        %parallel_loop3A_151 = vector.broadcast %parallel_loop3A_150 : i32 to vector<16xi32>
        %parallel_loop3A_152 = arith.muli %parallel_loop3A_135, %parallel_loop3A_151 : vector<16xi32>
        %parallel_loop3A_153 = tpu.vector_load_idx %arg9[%parallel_loop3A_152] : memref<40960xf32, #tpu.memory_space<vmem>>[vector<16xi32>], vector<16xf32>,
        %parallel_loop3A_154 = arith.constant 4 : i32
        %parallel_loop3A_155 = vector.broadcast %parallel_loop3A_154 : i32 to vector<16xi32>
        %parallel_loop3A_156 = arith.muli %parallel_loop3A_142, %parallel_loop3A_155 : vector<16xi32>
        %parallel_loop3A_157 = arith.addi %parallel_loop3A_156, %broadcast_in_dim3A_61 : vector<16xi32>
        %parallel_loop3A_158 = tpu.vector_load_idx %arg9[%parallel_loop3A_157] : memref<40960xf32, #tpu.memory_space<vmem>>[vector<16xi32>], vector<16xf32>,
        %parallel_loop3A_159 = arith.constant 4 : i32
        %parallel_loop3A_160 = vector.broadcast %parallel_loop3A_159 : i32 to vector<16xi32>
        %parallel_loop3A_161 = arith.muli %parallel_loop3A_149, %parallel_loop3A_160 : vector<16xi32>
        %parallel_loop3A_162 = arith.addi %parallel_loop3A_161, %broadcast_in_dim3A_63 : vector<16xi32>
        %parallel_loop3A_163 = tpu.vector_load_idx %arg9[%parallel_loop3A_162] : memref<40960xf32, #tpu.memory_space<vmem>>[vector<16xi32>], vector<16xf32>,
        %parallel_loop3A_164 = arith.addf %parallel_loop3A_153, %parallel_loop3A_158 : vector<16xf32>
        %parallel_loop3A_165 = arith.addf %parallel_loop3A_164, %parallel_loop3A_163 : vector<16xf32>
        %parallel_loop3A_166 = arith.constant 2.000000e-01 : f32
        %parallel_loop3A_167 = vector.broadcast %parallel_loop3A_166 : f32 to vector<16xf32>
        %parallel_loop3A_168 = arith.mulf %parallel_loop3A_167, %parallel_loop3A_165 : vector<16xf32>
        %parallel_loop3A_169 = arith.maximumf %parallel_loop3A_165, %parallel_loop3A_168 : vector<16xf32>
        %parallel_loop3A_170 = math.exp %parallel_loop3A_169 : vector<16xf32>
        %parallel_loop3A_171 = arith.constant 0 : i32
        %parallel_loop3A_172 = vector.broadcast %parallel_loop3A_171 : i32 to vector<16xi32>
        %parallel_loop3A_173 = vector.shape_cast %parallel_loop3A_172 : vector<16xi32> to vector<16x1xi32>
        %parallel_loop3A_174 = vector.shape_cast %parallel_loop3A_173 : vector<16x1xi32> to vector<16xi32>
        %parallel_loop3A_175 = tpu.dynamic_gather %parallel_loop3A_170[%parallel_loop3A_174] in [0] : vector<16xf32>, vector<16xi32> -> vector<16xf32>
        %parallel_loop3A_176 = arith.constant 16 : i32
        %parallel_loop3A_177 = arith.muli %parallel_loop3A_128, %parallel_loop3A_176 : i32
        %parallel_loop3A_178 = arith.constant 0 : i32
        %parallel_loop3A_179 = arith.addi %parallel_loop3A_177, %parallel_loop3A_178 : i32
        %parallel_loop3A_180 = arith.index_cast %parallel_loop3A_179 : i32 to index
        %parallel_loop3A_181 = arith.constant 0 : index
        %parallel_loop3A_182 = tpu.vector_load %arg11[%parallel_loop3A_180, %parallel_loop3A_181] {strides = array<i32>} : memref<128x16xf32, #tpu.memory_space<vmem>>, vector<16xf32>,
        %parallel_loop3A_183 = arith.mulf %parallel_loop3A_175, %parallel_loop3A_182 : vector<16xf32>
        %parallel_loop3A_184 = arith.constant 16 : i32
        %parallel_loop3A_185 = arith.muli %parallel_loop3A_128, %parallel_loop3A_184 : i32
        %parallel_loop3A_186 = arith.constant 0 : i32
        %parallel_loop3A_187 = arith.addi %parallel_loop3A_185, %parallel_loop3A_186 : i32
        %parallel_loop3A_188 = arith.index_cast %parallel_loop3A_187 : i32 to index
        %parallel_loop3A_189 = arith.constant 0 : index
        %parallel_loop3A_190 = tpu.vector_load %arg13[%parallel_loop3A_188, %parallel_loop3A_189] {strides = array<i32>} : memref<128x16xf32, #tpu.memory_space<vmem>>, vector<16xf32>,
        tpu.vector_store %arg13[%parallel_loop3A_188, %parallel_loop3A_189], %parallel_loop3A_183 {strides = array<i32>} : memref<128x16xf32, #tpu.memory_space<vmem>>, vector<16xf32>,
        %parallel_loop3A_191 = arith.constant 1 : i32
        %parallel_loop3A_192 = vector.broadcast %parallel_loop3A_191 : i32 to vector<16xi32>
        %parallel_loop3A_193 = vector.shape_cast %parallel_loop3A_192 : vector<16xi32> to vector<16x1xi32>
        %parallel_loop3A_194 = vector.shape_cast %parallel_loop3A_193 : vector<16x1xi32> to vector<16xi32>
        %parallel_loop3A_195 = tpu.dynamic_gather %parallel_loop3A_170[%parallel_loop3A_194] in [0] : vector<16xf32>, vector<16xi32> -> vector<16xf32>
        %parallel_loop3A_196 = arith.constant 16 : i32
        %parallel_loop3A_197 = arith.muli %parallel_loop3A_128, %parallel_loop3A_196 : i32
        %parallel_loop3A_198 = arith.constant 1 : i32
        %parallel_loop3A_199 = arith.addi %parallel_loop3A_197, %parallel_loop3A_198 : i32
        %parallel_loop3A_200 = arith.index_cast %parallel_loop3A_199 : i32 to index
        %parallel_loop3A_201 = arith.constant 0 : index
        %parallel_loop3A_202 = tpu.vector_load %arg11[%parallel_loop3A_200, %parallel_loop3A_201] {strides = array<i32>} : memref<128x16xf32, #tpu.memory_space<vmem>>, vector<16xf32>,
        %parallel_loop3A_203 = arith.mulf %parallel_loop3A_195, %parallel_loop3A_202 : vector<16xf32>
        %parallel_loop3A_204 = arith.constant 16 : i32
        %parallel_loop3A_205 = arith.muli %parallel_loop3A_128, %parallel_loop3A_204 : i32
        %parallel_loop3A_206 = arith.constant 1 : i32
        %parallel_loop3A_207 = arith.addi %parallel_loop3A_205, %parallel_loop3A_206 : i32
        %parallel_loop3A_208 = arith.index_cast %parallel_loop3A_207 : i32 to index
        %parallel_loop3A_209 = arith.constant 0 : index
        %parallel_loop3A_210 = tpu.vector_load %arg13[%parallel_loop3A_208, %parallel_loop3A_209] {strides = array<i32>} : memref<128x16xf32, #tpu.memory_space<vmem>>, vector<16xf32>,
        tpu.vector_store %arg13[%parallel_loop3A_208, %parallel_loop3A_209], %parallel_loop3A_203 {strides = array<i32>} : memref<128x16xf32, #tpu.memory_space<vmem>>, vector<16xf32>,
        %parallel_loop3A_211 = arith.constant 2 : i32
        %parallel_loop3A_212 = vector.broadcast %parallel_loop3A_211 : i32 to vector<16xi32>
        %parallel_loop3A_213 = vector.shape_cast %parallel_loop3A_212 : vector<16xi32> to vector<16x1xi32>
        %parallel_loop3A_214 = vector.shape_cast %parallel_loop3A_213 : vector<16x1xi32> to vector<16xi32>
        %parallel_loop3A_215 = tpu.dynamic_gather %parallel_loop3A_170[%parallel_loop3A_214] in [0] : vector<16xf32>, vector<16xi32> -> vector<16xf32>
        %parallel_loop3A_216 = arith.constant 16 : i32
        %parallel_loop3A_217 = arith.muli %parallel_loop3A_128, %parallel_loop3A_216 : i32
        %parallel_loop3A_218 = arith.constant 2 : i32
        %parallel_loop3A_219 = arith.addi %parallel_loop3A_217, %parallel_loop3A_218 : i32
        %parallel_loop3A_220 = arith.index_cast %parallel_loop3A_219 : i32 to index
        %parallel_loop3A_221 = arith.constant 0 : index
        %parallel_loop3A_222 = tpu.vector_load %arg11[%parallel_loop3A_220, %parallel_loop3A_221] {strides = array<i32>} : memref<128x16xf32, #tpu.memory_space<vmem>>, vector<16xf32>,
        %parallel_loop3A_223 = arith.mulf %parallel_loop3A_215, %parallel_loop3A_222 : vector<16xf32>
        %parallel_loop3A_224 = arith.constant 16 : i32
        %parallel_loop3A_225 = arith.muli %parallel_loop3A_128, %parallel_loop3A_224 : i32
        %parallel_loop3A_226 = arith.constant 2 : i32
        %parallel_loop3A_227 = arith.addi %parallel_loop3A_225, %parallel_loop3A_226 : i32
        %parallel_loop3A_228 = arith.index_cast %parallel_loop3A_227 : i32 to index
        %parallel_loop3A_229 = arith.constant 0 : index
        %parallel_loop3A_230 = tpu.vector_load %arg13[%parallel_loop3A_228, %parallel_loop3A_229] {strides = array<i32>} : memref<128x16xf32, #tpu.memory_space<vmem>>, vector<16xf32>,
        tpu.vector_store %arg13[%parallel_loop3A_228, %parallel_loop3A_229], %parallel_loop3A_223 {strides = array<i32>} : memref<128x16xf32, #tpu.memory_space<vmem>>, vector<16xf32>,
        %parallel_loop3A_231 = arith.constant 3 : i32
        %parallel_loop3A_232 = vector.broadcast %parallel_loop3A_231 : i32 to vector<16xi32>
        %parallel_loop3A_233 = vector.shape_cast %parallel_loop3A_232 : vector<16xi32> to vector<16x1xi32>
        %parallel_loop3A_234 = vector.shape_cast %parallel_loop3A_233 : vector<16x1xi32> to vector<16xi32>
        %parallel_loop3A_235 = tpu.dynamic_gather %parallel_loop3A_170[%parallel_loop3A_234] in [0] : vector<16xf32>, vector<16xi32> -> vector<16xf32>
        %parallel_loop3A_236 = arith.constant 16 : i32
        %parallel_loop3A_237 = arith.muli %parallel_loop3A_128, %parallel_loop3A_236 : i32
        %parallel_loop3A_238 = arith.constant 3 : i32
        %parallel_loop3A_239 = arith.addi %parallel_loop3A_237, %parallel_loop3A_238 : i32
        %parallel_loop3A_240 = arith.index_cast %parallel_loop3A_239 : i32 to index
        %parallel_loop3A_241 = arith.constant 0 : index
        %parallel_loop3A_242 = tpu.vector_load %arg11[%parallel_loop3A_240, %parallel_loop3A_241] {strides = array<i32>} : memref<128x16xf32, #tpu.memory_space<vmem>>, vector<16xf32>,
        %parallel_loop3A_243 = arith.mulf %parallel_loop3A_235, %parallel_loop3A_242 : vector<16xf32>
        %parallel_loop3A_244 = arith.constant 16 : i32
        %parallel_loop3A_245 = arith.muli %parallel_loop3A_128, %parallel_loop3A_244 : i32
        %parallel_loop3A_246 = arith.constant 3 : i32
        %parallel_loop3A_247 = arith.addi %parallel_loop3A_245, %parallel_loop3A_246 : i32
        %parallel_loop3A_248 = arith.index_cast %parallel_loop3A_247 : i32 to index
        %parallel_loop3A_249 = arith.constant 0 : index
        %parallel_loop3A_250 = tpu.vector_load %arg13[%parallel_loop3A_248, %parallel_loop3A_249] {strides = array<i32>} : memref<128x16xf32, #tpu.memory_space<vmem>>, vector<16xf32>,
        tpu.vector_store %arg13[%parallel_loop3A_248, %parallel_loop3A_249], %parallel_loop3A_243 {strides = array<i32>} : memref<128x16xf32, #tpu.memory_space<vmem>>, vector<16xf32>,
        %parallel_loop3A_251 = arith.constant 4 : i32
        %parallel_loop3A_252 = vector.broadcast %parallel_loop3A_251 : i32 to vector<16xi32>
        %parallel_loop3A_253 = vector.shape_cast %parallel_loop3A_252 : vector<16xi32> to vector<16x1xi32>
        %parallel_loop3A_254 = vector.shape_cast %parallel_loop3A_253 : vector<16x1xi32> to vector<16xi32>
        %parallel_loop3A_255 = tpu.dynamic_gather %parallel_loop3A_170[%parallel_loop3A_254] in [0] : vector<16xf32>, vector<16xi32> -> vector<16xf32>
        %parallel_loop3A_256 = arith.constant 16 : i32
        %parallel_loop3A_257 = arith.muli %parallel_loop3A_128, %parallel_loop3A_256 : i32
        %parallel_loop3A_258 = arith.constant 4 : i32
        %parallel_loop3A_259 = arith.addi %parallel_loop3A_257, %parallel_loop3A_258 : i32
        %parallel_loop3A_260 = arith.index_cast %parallel_loop3A_259 : i32 to index
        %parallel_loop3A_261 = arith.constant 0 : index
        %parallel_loop3A_262 = tpu.vector_load %arg11[%parallel_loop3A_260, %parallel_loop3A_261] {strides = array<i32>} : memref<128x16xf32, #tpu.memory_space<vmem>>, vector<16xf32>,
        %parallel_loop3A_263 = arith.mulf %parallel_loop3A_255, %parallel_loop3A_262 : vector<16xf32>
        %parallel_loop3A_264 = arith.constant 16 : i32
        %parallel_loop3A_265 = arith.muli %parallel_loop3A_128, %parallel_loop3A_264 : i32
        %parallel_loop3A_266 = arith.constant 4 : i32
        %parallel_loop3A_267 = arith.addi %parallel_loop3A_265, %parallel_loop3A_266 : i32
        %parallel_loop3A_268 = arith.index_cast %parallel_loop3A_267 : i32 to index
        %parallel_loop3A_269 = arith.constant 0 : index
        %parallel_loop3A_270 = tpu.vector_load %arg13[%parallel_loop3A_268, %parallel_loop3A_269] {strides = array<i32>} : memref<128x16xf32, #tpu.memory_space<vmem>>, vector<16xf32>,
        tpu.vector_store %arg13[%parallel_loop3A_268, %parallel_loop3A_269], %parallel_loop3A_263 {strides = array<i32>} : memref<128x16xf32, #tpu.memory_space<vmem>>, vector<16xf32>,
        %parallel_loop3A_271 = arith.constant 5 : i32
        %parallel_loop3A_272 = vector.broadcast %parallel_loop3A_271 : i32 to vector<16xi32>
        %parallel_loop3A_273 = vector.shape_cast %parallel_loop3A_272 : vector<16xi32> to vector<16x1xi32>
        %parallel_loop3A_274 = vector.shape_cast %parallel_loop3A_273 : vector<16x1xi32> to vector<16xi32>
        %parallel_loop3A_275 = tpu.dynamic_gather %parallel_loop3A_170[%parallel_loop3A_274] in [0] : vector<16xf32>, vector<16xi32> -> vector<16xf32>
        %parallel_loop3A_276 = arith.constant 16 : i32
        %parallel_loop3A_277 = arith.muli %parallel_loop3A_128, %parallel_loop3A_276 : i32
        %parallel_loop3A_278 = arith.constant 5 : i32
        %parallel_loop3A_279 = arith.addi %parallel_loop3A_277, %parallel_loop3A_278 : i32
        %parallel_loop3A_280 = arith.index_cast %parallel_loop3A_279 : i32 to index
        %parallel_loop3A_281 = arith.constant 0 : index
        %parallel_loop3A_282 = tpu.vector_load %arg11[%parallel_loop3A_280, %parallel_loop3A_281] {strides = array<i32>} : memref<128x16xf32, #tpu.memory_space<vmem>>, vector<16xf32>,
        %parallel_loop3A_283 = arith.mulf %parallel_loop3A_275, %parallel_loop3A_282 : vector<16xf32>
        %parallel_loop3A_284 = arith.constant 16 : i32
        %parallel_loop3A_285 = arith.muli %parallel_loop3A_128, %parallel_loop3A_284 : i32
        %parallel_loop3A_286 = arith.constant 5 : i32
        %parallel_loop3A_287 = arith.addi %parallel_loop3A_285, %parallel_loop3A_286 : i32
        %parallel_loop3A_288 = arith.index_cast %parallel_loop3A_287 : i32 to index
        %parallel_loop3A_289 = arith.constant 0 : index
        %parallel_loop3A_290 = tpu.vector_load %arg13[%parallel_loop3A_288, %parallel_loop3A_289] {strides = array<i32>} : memref<128x16xf32, #tpu.memory_space<vmem>>, vector<16xf32>,
        tpu.vector_store %arg13[%parallel_loop3A_288, %parallel_loop3A_289], %parallel_loop3A_283 {strides = array<i32>} : memref<128x16xf32, #tpu.memory_space<vmem>>, vector<16xf32>,
        %parallel_loop3A_291 = arith.constant 6 : i32
        %parallel_loop3A_292 = vector.broadcast %parallel_loop3A_291 : i32 to vector<16xi32>
        %parallel_loop3A_293 = vector.shape_cast %parallel_loop3A_292 : vector<16xi32> to vector<16x1xi32>
        %parallel_loop3A_294 = vector.shape_cast %parallel_loop3A_293 : vector<16x1xi32> to vector<16xi32>
        %parallel_loop3A_295 = tpu.dynamic_gather %parallel_loop3A_170[%parallel_loop3A_294] in [0] : vector<16xf32>, vector<16xi32> -> vector<16xf32>
        %parallel_loop3A_296 = arith.constant 16 : i32
        %parallel_loop3A_297 = arith.muli %parallel_loop3A_128, %parallel_loop3A_296 : i32
        %parallel_loop3A_298 = arith.constant 6 : i32
        %parallel_loop3A_299 = arith.addi %parallel_loop3A_297, %parallel_loop3A_298 : i32
        %parallel_loop3A_300 = arith.index_cast %parallel_loop3A_299 : i32 to index
        %parallel_loop3A_301 = arith.constant 0 : index
        %parallel_loop3A_302 = tpu.vector_load %arg11[%parallel_loop3A_300, %parallel_loop3A_301] {strides = array<i32>} : memref<128x16xf32, #tpu.memory_space<vmem>>, vector<16xf32>,
        %parallel_loop3A_303 = arith.mulf %parallel_loop3A_295, %parallel_loop3A_302 : vector<16xf32>
        %parallel_loop3A_304 = arith.constant 16 : i32
        %parallel_loop3A_305 = arith.muli %parallel_loop3A_128, %parallel_loop3A_304 : i32
        %parallel_loop3A_306 = arith.constant 6 : i32
        %parallel_loop3A_307 = arith.addi %parallel_loop3A_305, %parallel_loop3A_306 : i32
        %parallel_loop3A_308 = arith.index_cast %parallel_loop3A_307 : i32 to index
        %parallel_loop3A_309 = arith.constant 0 : index
        %parallel_loop3A_310 = tpu.vector_load %arg13[%parallel_loop3A_308, %parallel_loop3A_309] {strides = array<i32>} : memref<128x16xf32, #tpu.memory_space<vmem>>, vector<16xf32>,
        tpu.vector_store %arg13[%parallel_loop3A_308, %parallel_loop3A_309], %parallel_loop3A_303 {strides = array<i32>} : memref<128x16xf32, #tpu.memory_space<vmem>>, vector<16xf32>,
        %parallel_loop3A_311 = arith.constant 7 : i32
        %parallel_loop3A_312 = vector.broadcast %parallel_loop3A_311 : i32 to vector<16xi32>
        %parallel_loop3A_313 = vector.shape_cast %parallel_loop3A_312 : vector<16xi32> to vector<16x1xi32>
        %parallel_loop3A_314 = vector.shape_cast %parallel_loop3A_313 : vector<16x1xi32> to vector<16xi32>
        %parallel_loop3A_315 = tpu.dynamic_gather %parallel_loop3A_170[%parallel_loop3A_314] in [0] : vector<16xf32>, vector<16xi32> -> vector<16xf32>
        %parallel_loop3A_316 = arith.constant 16 : i32
        %parallel_loop3A_317 = arith.muli %parallel_loop3A_128, %parallel_loop3A_316 : i32
        %parallel_loop3A_318 = arith.constant 7 : i32
        %parallel_loop3A_319 = arith.addi %parallel_loop3A_317, %parallel_loop3A_318 : i32
        %parallel_loop3A_320 = arith.index_cast %parallel_loop3A_319 : i32 to index
        %parallel_loop3A_321 = arith.constant 0 : index
        %parallel_loop3A_322 = tpu.vector_load %arg11[%parallel_loop3A_320, %parallel_loop3A_321] {strides = array<i32>} : memref<128x16xf32, #tpu.memory_space<vmem>>, vector<16xf32>,
        %parallel_loop3A_323 = arith.mulf %parallel_loop3A_315, %parallel_loop3A_322 : vector<16xf32>
        %parallel_loop3A_324 = arith.constant 16 : i32
        %parallel_loop3A_325 = arith.muli %parallel_loop3A_128, %parallel_loop3A_324 : i32
        %parallel_loop3A_326 = arith.constant 7 : i32
        %parallel_loop3A_327 = arith.addi %parallel_loop3A_325, %parallel_loop3A_326 : i32
        %parallel_loop3A_328 = arith.index_cast %parallel_loop3A_327 : i32 to index
        %parallel_loop3A_329 = arith.constant 0 : index
        %parallel_loop3A_330 = tpu.vector_load %arg13[%parallel_loop3A_328, %parallel_loop3A_329] {strides = array<i32>} : memref<128x16xf32, #tpu.memory_space<vmem>>, vector<16xf32>,
        tpu.vector_store %arg13[%parallel_loop3A_328, %parallel_loop3A_329], %parallel_loop3A_323 {strides = array<i32>} : memref<128x16xf32, #tpu.memory_space<vmem>>, vector<16xf32>,
        %parallel_loop3A_331 = arith.constant 8 : i32
        %parallel_loop3A_332 = vector.broadcast %parallel_loop3A_331 : i32 to vector<16xi32>
        %parallel_loop3A_333 = vector.shape_cast %parallel_loop3A_332 : vector<16xi32> to vector<16x1xi32>
        %parallel_loop3A_334 = vector.shape_cast %parallel_loop3A_333 : vector<16x1xi32> to vector<16xi32>
        %parallel_loop3A_335 = tpu.dynamic_gather %parallel_loop3A_170[%parallel_loop3A_334] in [0] : vector<16xf32>, vector<16xi32> -> vector<16xf32>
        %parallel_loop3A_336 = arith.constant 16 : i32
        %parallel_loop3A_337 = arith.muli %parallel_loop3A_128, %parallel_loop3A_336 : i32
        %parallel_loop3A_338 = arith.constant 8 : i32
        %parallel_loop3A_339 = arith.addi %parallel_loop3A_337, %parallel_loop3A_338 : i32
        %parallel_loop3A_340 = arith.index_cast %parallel_loop3A_339 : i32 to index
        %parallel_loop3A_341 = arith.constant 0 : index
        %parallel_loop3A_342 = tpu.vector_load %arg11[%parallel_loop3A_340, %parallel_loop3A_341] {strides = array<i32>} : memref<128x16xf32, #tpu.memory_space<vmem>>, vector<16xf32>,
        %parallel_loop3A_343 = arith.mulf %parallel_loop3A_335, %parallel_loop3A_342 : vector<16xf32>
        %parallel_loop3A_344 = arith.constant 16 : i32
        %parallel_loop3A_345 = arith.muli %parallel_loop3A_128, %parallel_loop3A_344 : i32
        %parallel_loop3A_346 = arith.constant 8 : i32
        %parallel_loop3A_347 = arith.addi %parallel_loop3A_345, %parallel_loop3A_346 : i32
        %parallel_loop3A_348 = arith.index_cast %parallel_loop3A_347 : i32 to index
        %parallel_loop3A_349 = arith.constant 0 : index
        %parallel_loop3A_350 = tpu.vector_load %arg13[%parallel_loop3A_348, %parallel_loop3A_349] {strides = array<i32>} : memref<128x16xf32, #tpu.memory_space<vmem>>, vector<16xf32>,
        tpu.vector_store %arg13[%parallel_loop3A_348, %parallel_loop3A_349], %parallel_loop3A_343 {strides = array<i32>} : memref<128x16xf32, #tpu.memory_space<vmem>>, vector<16xf32>,
        %parallel_loop3A_351 = arith.constant 9 : i32
        %parallel_loop3A_352 = vector.broadcast %parallel_loop3A_351 : i32 to vector<16xi32>
        %parallel_loop3A_353 = vector.shape_cast %parallel_loop3A_352 : vector<16xi32> to vector<16x1xi32>
        %parallel_loop3A_354 = vector.shape_cast %parallel_loop3A_353 : vector<16x1xi32> to vector<16xi32>
        %parallel_loop3A_355 = tpu.dynamic_gather %parallel_loop3A_170[%parallel_loop3A_354] in [0] : vector<16xf32>, vector<16xi32> -> vector<16xf32>
        %parallel_loop3A_356 = arith.constant 16 : i32
        %parallel_loop3A_357 = arith.muli %parallel_loop3A_128, %parallel_loop3A_356 : i32
        %parallel_loop3A_358 = arith.constant 9 : i32
        %parallel_loop3A_359 = arith.addi %parallel_loop3A_357, %parallel_loop3A_358 : i32
        %parallel_loop3A_360 = arith.index_cast %parallel_loop3A_359 : i32 to index
        %parallel_loop3A_361 = arith.constant 0 : index
        %parallel_loop3A_362 = tpu.vector_load %arg11[%parallel_loop3A_360, %parallel_loop3A_361] {strides = array<i32>} : memref<128x16xf32, #tpu.memory_space<vmem>>, vector<16xf32>,
        %parallel_loop3A_363 = arith.mulf %parallel_loop3A_355, %parallel_loop3A_362 : vector<16xf32>
        %parallel_loop3A_364 = arith.constant 16 : i32
        %parallel_loop3A_365 = arith.muli %parallel_loop3A_128, %parallel_loop3A_364 : i32
        %parallel_loop3A_366 = arith.constant 9 : i32
        %parallel_loop3A_367 = arith.addi %parallel_loop3A_365, %parallel_loop3A_366 : i32
        %parallel_loop3A_368 = arith.index_cast %parallel_loop3A_367 : i32 to index
        %parallel_loop3A_369 = arith.constant 0 : index
        %parallel_loop3A_370 = tpu.vector_load %arg13[%parallel_loop3A_368, %parallel_loop3A_369] {strides = array<i32>} : memref<128x16xf32, #tpu.memory_space<vmem>>, vector<16xf32>,
        tpu.vector_store %arg13[%parallel_loop3A_368, %parallel_loop3A_369], %parallel_loop3A_363 {strides = array<i32>} : memref<128x16xf32, #tpu.memory_space<vmem>>, vector<16xf32>,
        %parallel_loop3A_371 = arith.constant 10 : i32
        %parallel_loop3A_372 = vector.broadcast %parallel_loop3A_371 : i32 to vector<16xi32>
        %parallel_loop3A_373 = vector.shape_cast %parallel_loop3A_372 : vector<16xi32> to vector<16x1xi32>
        %parallel_loop3A_374 = vector.shape_cast %parallel_loop3A_373 : vector<16x1xi32> to vector<16xi32>
        %parallel_loop3A_375 = tpu.dynamic_gather %parallel_loop3A_170[%parallel_loop3A_374] in [0] : vector<16xf32>, vector<16xi32> -> vector<16xf32>
        %parallel_loop3A_376 = arith.constant 16 : i32
        %parallel_loop3A_377 = arith.muli %parallel_loop3A_128, %parallel_loop3A_376 : i32
        %parallel_loop3A_378 = arith.constant 10 : i32
        %parallel_loop3A_379 = arith.addi %parallel_loop3A_377, %parallel_loop3A_378 : i32
        %parallel_loop3A_380 = arith.index_cast %parallel_loop3A_379 : i32 to index
        %parallel_loop3A_381 = arith.constant 0 : index
        %parallel_loop3A_382 = tpu.vector_load %arg11[%parallel_loop3A_380, %parallel_loop3A_381] {strides = array<i32>} : memref<128x16xf32, #tpu.memory_space<vmem>>, vector<16xf32>,
        %parallel_loop3A_383 = arith.mulf %parallel_loop3A_375, %parallel_loop3A_382 : vector<16xf32>
        %parallel_loop3A_384 = arith.constant 16 : i32
        %parallel_loop3A_385 = arith.muli %parallel_loop3A_128, %parallel_loop3A_384 : i32
        %parallel_loop3A_386 = arith.constant 10 : i32
        %parallel_loop3A_387 = arith.addi %parallel_loop3A_385, %parallel_loop3A_386 : i32
        %parallel_loop3A_388 = arith.index_cast %parallel_loop3A_387 : i32 to index
        %parallel_loop3A_389 = arith.constant 0 : index
        %parallel_loop3A_390 = tpu.vector_load %arg13[%parallel_loop3A_388, %parallel_loop3A_389] {strides = array<i32>} : memref<128x16xf32, #tpu.memory_space<vmem>>, vector<16xf32>,
        tpu.vector_store %arg13[%parallel_loop3A_388, %parallel_loop3A_389], %parallel_loop3A_383 {strides = array<i32>} : memref<128x16xf32, #tpu.memory_space<vmem>>, vector<16xf32>,
        %parallel_loop3A_391 = arith.constant 11 : i32
        %parallel_loop3A_392 = vector.broadcast %parallel_loop3A_391 : i32 to vector<16xi32>
        %parallel_loop3A_393 = vector.shape_cast %parallel_loop3A_392 : vector<16xi32> to vector<16x1xi32>
        %parallel_loop3A_394 = vector.shape_cast %parallel_loop3A_393 : vector<16x1xi32> to vector<16xi32>
        %parallel_loop3A_395 = tpu.dynamic_gather %parallel_loop3A_170[%parallel_loop3A_394] in [0] : vector<16xf32>, vector<16xi32> -> vector<16xf32>
        %parallel_loop3A_396 = arith.constant 16 : i32
        %parallel_loop3A_397 = arith.muli %parallel_loop3A_128, %parallel_loop3A_396 : i32
        %parallel_loop3A_398 = arith.constant 11 : i32
        %parallel_loop3A_399 = arith.addi %parallel_loop3A_397, %parallel_loop3A_398 : i32
        %parallel_loop3A_400 = arith.index_cast %parallel_loop3A_399 : i32 to index
        %parallel_loop3A_401 = arith.constant 0 : index
        %parallel_loop3A_402 = tpu.vector_load %arg11[%parallel_loop3A_400, %parallel_loop3A_401] {strides = array<i32>} : memref<128x16xf32, #tpu.memory_space<vmem>>, vector<16xf32>,
        %parallel_loop3A_403 = arith.mulf %parallel_loop3A_395, %parallel_loop3A_402 : vector<16xf32>
        %parallel_loop3A_404 = arith.constant 16 : i32
        %parallel_loop3A_405 = arith.muli %parallel_loop3A_128, %parallel_loop3A_404 : i32
        %parallel_loop3A_406 = arith.constant 11 : i32
        %parallel_loop3A_407 = arith.addi %parallel_loop3A_405, %parallel_loop3A_406 : i32
        %parallel_loop3A_408 = arith.index_cast %parallel_loop3A_407 : i32 to index
        %parallel_loop3A_409 = arith.constant 0 : index
        %parallel_loop3A_410 = tpu.vector_load %arg13[%parallel_loop3A_408, %parallel_loop3A_409] {strides = array<i32>} : memref<128x16xf32, #tpu.memory_space<vmem>>, vector<16xf32>,
        tpu.vector_store %arg13[%parallel_loop3A_408, %parallel_loop3A_409], %parallel_loop3A_403 {strides = array<i32>} : memref<128x16xf32, #tpu.memory_space<vmem>>, vector<16xf32>,
        %parallel_loop3A_411 = arith.constant 12 : i32
        %parallel_loop3A_412 = vector.broadcast %parallel_loop3A_411 : i32 to vector<16xi32>
        %parallel_loop3A_413 = vector.shape_cast %parallel_loop3A_412 : vector<16xi32> to vector<16x1xi32>
        %parallel_loop3A_414 = vector.shape_cast %parallel_loop3A_413 : vector<16x1xi32> to vector<16xi32>
        %parallel_loop3A_415 = tpu.dynamic_gather %parallel_loop3A_170[%parallel_loop3A_414] in [0] : vector<16xf32>, vector<16xi32> -> vector<16xf32>
        %parallel_loop3A_416 = arith.constant 16 : i32
        %parallel_loop3A_417 = arith.muli %parallel_loop3A_128, %parallel_loop3A_416 : i32
        %parallel_loop3A_418 = arith.constant 12 : i32
        %parallel_loop3A_419 = arith.addi %parallel_loop3A_417, %parallel_loop3A_418 : i32
        %parallel_loop3A_420 = arith.index_cast %parallel_loop3A_419 : i32 to index
        %parallel_loop3A_421 = arith.constant 0 : index
        %parallel_loop3A_422 = tpu.vector_load %arg11[%parallel_loop3A_420, %parallel_loop3A_421] {strides = array<i32>} : memref<128x16xf32, #tpu.memory_space<vmem>>, vector<16xf32>,
        %parallel_loop3A_423 = arith.mulf %parallel_loop3A_415, %parallel_loop3A_422 : vector<16xf32>
        %parallel_loop3A_424 = arith.constant 16 : i32
        %parallel_loop3A_425 = arith.muli %parallel_loop3A_128, %parallel_loop3A_424 : i32
        %parallel_loop3A_426 = arith.constant 12 : i32
        %parallel_loop3A_427 = arith.addi %parallel_loop3A_425, %parallel_loop3A_426 : i32
        %parallel_loop3A_428 = arith.index_cast %parallel_loop3A_427 : i32 to index
        %parallel_loop3A_429 = arith.constant 0 : index
        %parallel_loop3A_430 = tpu.vector_load %arg13[%parallel_loop3A_428, %parallel_loop3A_429] {strides = array<i32>} : memref<128x16xf32, #tpu.memory_space<vmem>>, vector<16xf32>,
        tpu.vector_store %arg13[%parallel_loop3A_428, %parallel_loop3A_429], %parallel_loop3A_423 {strides = array<i32>} : memref<128x16xf32, #tpu.memory_space<vmem>>, vector<16xf32>,
        %parallel_loop3A_431 = arith.constant 13 : i32
        %parallel_loop3A_432 = vector.broadcast %parallel_loop3A_431 : i32 to vector<16xi32>
        %parallel_loop3A_433 = vector.shape_cast %parallel_loop3A_432 : vector<16xi32> to vector<16x1xi32>
        %parallel_loop3A_434 = vector.shape_cast %parallel_loop3A_433 : vector<16x1xi32> to vector<16xi32>
        %parallel_loop3A_435 = tpu.dynamic_gather %parallel_loop3A_170[%parallel_loop3A_434] in [0] : vector<16xf32>, vector<16xi32> -> vector<16xf32>
        %parallel_loop3A_436 = arith.constant 16 : i32
        %parallel_loop3A_437 = arith.muli %parallel_loop3A_128, %parallel_loop3A_436 : i32
        %parallel_loop3A_438 = arith.constant 13 : i32
        %parallel_loop3A_439 = arith.addi %parallel_loop3A_437, %parallel_loop3A_438 : i32
        %parallel_loop3A_440 = arith.index_cast %parallel_loop3A_439 : i32 to index
        %parallel_loop3A_441 = arith.constant 0 : index
        %parallel_loop3A_442 = tpu.vector_load %arg11[%parallel_loop3A_440, %parallel_loop3A_441] {strides = array<i32>} : memref<128x16xf32, #tpu.memory_space<vmem>>, vector<16xf32>,
        %parallel_loop3A_443 = arith.mulf %parallel_loop3A_435, %parallel_loop3A_442 : vector<16xf32>
        %parallel_loop3A_444 = arith.constant 16 : i32
        %parallel_loop3A_445 = arith.muli %parallel_loop3A_128, %parallel_loop3A_444 : i32
        %parallel_loop3A_446 = arith.constant 13 : i32
        %parallel_loop3A_447 = arith.addi %parallel_loop3A_445, %parallel_loop3A_446 : i32
        %parallel_loop3A_448 = arith.index_cast %parallel_loop3A_447 : i32 to index
        %parallel_loop3A_449 = arith.constant 0 : index
        %parallel_loop3A_450 = tpu.vector_load %arg13[%parallel_loop3A_448, %parallel_loop3A_449] {strides = array<i32>} : memref<128x16xf32, #tpu.memory_space<vmem>>, vector<16xf32>,
        tpu.vector_store %arg13[%parallel_loop3A_448, %parallel_loop3A_449], %parallel_loop3A_443 {strides = array<i32>} : memref<128x16xf32, #tpu.memory_space<vmem>>, vector<16xf32>,
        %parallel_loop3A_451 = arith.constant 14 : i32
        %parallel_loop3A_452 = vector.broadcast %parallel_loop3A_451 : i32 to vector<16xi32>
        %parallel_loop3A_453 = vector.shape_cast %parallel_loop3A_452 : vector<16xi32> to vector<16x1xi32>
        %parallel_loop3A_454 = vector.shape_cast %parallel_loop3A_453 : vector<16x1xi32> to vector<16xi32>
        %parallel_loop3A_455 = tpu.dynamic_gather %parallel_loop3A_170[%parallel_loop3A_454] in [0] : vector<16xf32>, vector<16xi32> -> vector<16xf32>
        %parallel_loop3A_456 = arith.constant 16 : i32
        %parallel_loop3A_457 = arith.muli %parallel_loop3A_128, %parallel_loop3A_456 : i32
        %parallel_loop3A_458 = arith.constant 14 : i32
        %parallel_loop3A_459 = arith.addi %parallel_loop3A_457, %parallel_loop3A_458 : i32
        %parallel_loop3A_460 = arith.index_cast %parallel_loop3A_459 : i32 to index
        %parallel_loop3A_461 = arith.constant 0 : index
        %parallel_loop3A_462 = tpu.vector_load %arg11[%parallel_loop3A_460, %parallel_loop3A_461] {strides = array<i32>} : memref<128x16xf32, #tpu.memory_space<vmem>>, vector<16xf32>,
        %parallel_loop3A_463 = arith.mulf %parallel_loop3A_455, %parallel_loop3A_462 : vector<16xf32>
        %parallel_loop3A_464 = arith.constant 16 : i32
        %parallel_loop3A_465 = arith.muli %parallel_loop3A_128, %parallel_loop3A_464 : i32
        %parallel_loop3A_466 = arith.constant 14 : i32
        %parallel_loop3A_467 = arith.addi %parallel_loop3A_465, %parallel_loop3A_466 : i32
        %parallel_loop3A_468 = arith.index_cast %parallel_loop3A_467 : i32 to index
        %parallel_loop3A_469 = arith.constant 0 : index
        %parallel_loop3A_470 = tpu.vector_load %arg13[%parallel_loop3A_468, %parallel_loop3A_469] {strides = array<i32>} : memref<128x16xf32, #tpu.memory_space<vmem>>, vector<16xf32>,
        tpu.vector_store %arg13[%parallel_loop3A_468, %parallel_loop3A_469], %parallel_loop3A_463 {strides = array<i32>} : memref<128x16xf32, #tpu.memory_space<vmem>>, vector<16xf32>,
        %parallel_loop3A_471 = arith.constant 15 : i32
        %parallel_loop3A_472 = vector.broadcast %parallel_loop3A_471 : i32 to vector<16xi32>
        %parallel_loop3A_473 = vector.shape_cast %parallel_loop3A_472 : vector<16xi32> to vector<16x1xi32>
        %parallel_loop3A_474 = vector.shape_cast %parallel_loop3A_473 : vector<16x1xi32> to vector<16xi32>
        %parallel_loop3A_475 = tpu.dynamic_gather %parallel_loop3A_170[%parallel_loop3A_474] in [0] : vector<16xf32>, vector<16xi32> -> vector<16xf32>
        %parallel_loop3A_476 = arith.constant 16 : i32
        %parallel_loop3A_477 = arith.muli %parallel_loop3A_128, %parallel_loop3A_476 : i32
        %parallel_loop3A_478 = arith.constant 15 : i32
        %parallel_loop3A_479 = arith.addi %parallel_loop3A_477, %parallel_loop3A_478 : i32
        %parallel_loop3A_480 = arith.index_cast %parallel_loop3A_479 : i32 to index
        %parallel_loop3A_481 = arith.constant 0 : index
        %parallel_loop3A_482 = tpu.vector_load %arg11[%parallel_loop3A_480, %parallel_loop3A_481] {strides = array<i32>} : memref<128x16xf32, #tpu.memory_space<vmem>>, vector<16xf32>,
        %parallel_loop3A_483 = arith.mulf %parallel_loop3A_475, %parallel_loop3A_482 : vector<16xf32>
        %parallel_loop3A_484 = arith.constant 16 : i32
        %parallel_loop3A_485 = arith.muli %parallel_loop3A_128, %parallel_loop3A_484 : i32
        %parallel_loop3A_486 = arith.constant 15 : i32
        %parallel_loop3A_487 = arith.addi %parallel_loop3A_485, %parallel_loop3A_486 : i32
        %parallel_loop3A_488 = arith.index_cast %parallel_loop3A_487 : i32 to index
        %parallel_loop3A_489 = arith.constant 0 : index
        %parallel_loop3A_490 = tpu.vector_load %arg13[%parallel_loop3A_488, %parallel_loop3A_489] {strides = array<i32>} : memref<128x16xf32, #tpu.memory_space<vmem>>, vector<16xf32>,
        tpu.vector_store %arg13[%parallel_loop3A_488, %parallel_loop3A_489], %parallel_loop3A_483 {strides = array<i32>} : memref<128x16xf32, #tpu.memory_space<vmem>>, vector<16xf32>,
      } {sc.loop_unroll_factor = 2 : i64, sc.parallel_access}
      %dma_start3A_122 = arith.constant 0 : i32
      %dma_start3A_123 = tpu.memref_slice %arg6[%add3A_84, %dma_start3A_122] : memref<80x128xi32, #tpu.memory_space<vmem>> -> memref<1x128xi32, #tpu.memory_space<vmem>>
      %dma_start3A_124 = tpu.memref_squeeze %dma_start3A_123 : memref<1x128xi32, #tpu.memory_space<vmem>> -> memref<128xi32, #tpu.memory_space<vmem>>
      %dma_start3A_125 = arith.constant 0 : i32
      %dma_start3A_126 = arith.constant 0 : i32
      %dma_start3A_127 = tpu.memref_slice %arg16[%dma_start3A_125, %dma_start3A_126] : memref<10240x16xf32, #tpu.memory_space<vmem_shared>> -> memref<10240x16xf32, #tpu.memory_space<vmem_shared>>
      tpu.enqueue_indirect_dma source(%arg13 : memref<128x16xf32, #tpu.memory_space<vmem>>) target(%dma_start3A_127 : memref<10240x16xf32, #tpu.memory_space<vmem_shared>>) offsets(%dma_start3A_124 : memref<128xi32, #tpu.memory_space<vmem>>) semaphore(%arg20 : memref<!tpu.dma_semaphore, #tpu.memory_space<semaphore_mem>>) {add = true}
    }
    %scan3A_69 = arith.constant 40 : i32
    %dma_wait3A = arith.constant 0 : i32
    %dma_wait3A_70 = arith.constant 0 : i32
    %dma_wait3A_71 = tpu.memref_slice %arg16[%dma_wait3A, %dma_wait3A_70] : memref<10240x16xf32, #tpu.memory_space<vmem_shared>> -> memref<10240x16xf32, #tpu.memory_space<vmem_shared>>
    tpu.wait_indirect_dma semaphore(%arg19 : memref<!tpu.dma_semaphore, #tpu.memory_space<semaphore_mem>>) src(%arg12 : memref<128x16xf32, #tpu.memory_space<vmem>>) dst(%dma_wait3A_71 : memref<10240x16xf32, #tpu.memory_space<vmem_shared>>)
    %dma_wait3A_72 = arith.constant 0 : i32
    %dma_wait3A_73 = arith.constant 0 : i32
    %dma_wait3A_74 = tpu.memref_slice %arg16[%dma_wait3A_72, %dma_wait3A_73] : memref<10240x16xf32, #tpu.memory_space<vmem_shared>> -> memref<10240x16xf32, #tpu.memory_space<vmem_shared>>
    tpu.wait_indirect_dma semaphore(%arg20 : memref<!tpu.dma_semaphore, #tpu.memory_space<semaphore_mem>>) src(%arg12 : memref<128x16xf32, #tpu.memory_space<vmem>>) dst(%dma_wait3A_74 : memref<10240x16xf32, #tpu.memory_space<vmem_shared>>)
    %barrier3A_75 = arith.constant 0 : index
    tpu.barrier barrier_id(%barrier3A_75)
    %mul3A_76 = arith.constant 640 : i32
    %mul3A_77 = arith.muli %arg1, %mul3A_76 : i32
    %mul3A_78 = arith.constant 640 : i32
    %mul3A_79 = arith.muli %arg1, %mul3A_78 : i32
    "tpu.region"() ({
      %run_scoped3A_80 = tpu.sem_alloc : memref<!tpu.dma_semaphore, #tpu.memory_space<semaphore_mem>>
      %dma_start3A_81 = arith.constant 0 : i32
      %dma_start3A_82 = tpu.memref_slice %arg5[%arg0, %mul3A_79, %dma_start3A_81] : memref<2x10240x16xf32, #tpu.memory_space<hbm>> -> memref<1x640x16xf32, #tpu.memory_space<hbm>>
      %dma_start3A_83 = tpu.memref_squeeze %dma_start3A_82 : memref<1x640x16xf32, #tpu.memory_space<hbm>> -> memref<640x16xf32, #tpu.memory_space<hbm>>
      %dma_start3A_84 = arith.constant 0 : i32
      %dma_start3A_85 = tpu.memref_slice %arg16[%mul3A_77, %dma_start3A_84] : memref<10240x16xf32, #tpu.memory_space<vmem_shared>> -> memref<640x16xf32, #tpu.memory_space<vmem_shared>>
      tpu.enqueue_dma source(%dma_start3A_85 : memref<640x16xf32, #tpu.memory_space<vmem_shared>>) target(%dma_start3A_83 : memref<640x16xf32, #tpu.memory_space<hbm>>) target_semaphore(%run_scoped3A_80 : memref<!tpu.dma_semaphore, #tpu.memory_space<semaphore_mem>>)
      %dma_wait3A_86 = arith.constant 0 : i32
      %dma_wait3A_87 = tpu.memref_slice %arg5[%arg0, %mul3A_79, %dma_wait3A_86] : memref<2x10240x16xf32, #tpu.memory_space<hbm>> -> memref<1x640x16xf32, #tpu.memory_space<hbm>>
      %dma_wait3A_88 = tpu.memref_squeeze %dma_wait3A_87 : memref<1x640x16xf32, #tpu.memory_space<hbm>> -> memref<640x16xf32, #tpu.memory_space<hbm>>
      %dma_wait3A_89 = arith.constant 0 : i32
      %dma_wait3A_90 = tpu.memref_slice %arg16[%mul3A_77, %dma_wait3A_89] : memref<10240x16xf32, #tpu.memory_space<vmem_shared>> -> memref<640x16xf32, #tpu.memory_space<vmem_shared>>
      tpu.wait_dma2 semaphore(%run_scoped3A_80 : memref<!tpu.dma_semaphore, #tpu.memory_space<semaphore_mem>>) src(%dma_wait3A_90 : memref<640x16xf32, #tpu.memory_space<vmem_shared>>) dst(%dma_wait3A_88 : memref<640x16xf32, #tpu.memory_space<hbm>>)
      tpu.yield
    }) : () -> ()
    return
  }
}

module attributes {stable_mosaic.version = 14 : i64} {
  func.func @_tc1_body(%arg0: i32, %arg1: memref<2000x128xf32, #tpu.memory_space<vmem>>, %arg2: memref<128x16xf32, #tpu.memory_space<vmem>>, %arg3: memref<128x16xf32, #tpu.memory_space<vmem>>, %arg4: memref<128x96xf32, #tpu.memory_space<vmem>>, %arg5: memref<2000x16xf32, #tpu.memory_space<vmem>>, %arg6: memref<2000x16xf32, #tpu.memory_space<vmem>>, %arg7: memref<2000x96xbf16, #tpu.memory_space<vmem>>) attributes {dimension_semantics = [#tpu.dimension_semantics<arbitrary>], iteration_bounds = array<i64: 5>, scalar_prefetch = 0 : i64, scratch_operands = 0 : i64, tpu.core_type = #tpu.core_type<tc>, window_params = [{transform_indices = @transform_0, window_bounds = array<i64: 2000, 128>}, {pipeline_mode = #tpu.pipeline_mode<synchronous>, transform_indices = @transform_1, window_bounds = array<i64: 128, 16>}, {pipeline_mode = #tpu.pipeline_mode<synchronous>, transform_indices = @transform_2, window_bounds = array<i64: 128, 16>}, {pipeline_mode = #tpu.pipeline_mode<synchronous>, transform_indices = @transform_3, window_bounds = array<i64: 128, 96>}, {transform_indices = @transform_4, window_bounds = array<i64: 2000, 16>}, {transform_indices = @transform_5, window_bounds = array<i64: 2000, 16>}, {transform_indices = @transform_6, window_bounds = array<i64: 2000, 96>}]} {
    %get3A = arith.constant 0 : index
    %get3A_0 = arith.constant 0 : index
    %get3A_1 = vector.load %arg1[%get3A, %get3A_0] : memref<2000x128xf32, #tpu.memory_space<vmem>>, vector<2000x128xf32>
    %get3A_2 = arith.constant 0 : index
    %get3A_3 = arith.constant 0 : index
    %get3A_4 = vector.load %arg2[%get3A_2, %get3A_3] : memref<128x16xf32, #tpu.memory_space<vmem>>, vector<128x16xf32>
    %dot_general3A = arith.constant dense<0.000000e+00> : vector<2000x16xf32>
    %dot_general3A_5 = tpu.matmul %get3A_1, %get3A_4, %dot_general3A {dimension_numbers = #tpu.dot_dimension_numbers<[1], [0], [0], [1], [0, 0, 1, 1], [], []>, transpose_lhs_hint = false} : vector<2000x128xf32>, vector<128x16xf32>, vector<2000x16xf32> -> vector<2000x16xf32>
    %swap3A = arith.constant 0 : index
    %swap3A_6 = arith.constant 0 : index
    %swap3A_7 = vector.load %arg5[%swap3A, %swap3A_6] : memref<2000x16xf32, #tpu.memory_space<vmem>>, vector<2000x16xf32>
    tpu.vector_store %arg5[%swap3A, %swap3A_6], %dot_general3A_5 {strides = array<i32>} : memref<2000x16xf32, #tpu.memory_space<vmem>>, vector<2000x16xf32>,
    %get3A_8 = arith.constant 0 : index
    %get3A_9 = arith.constant 0 : index
    %get3A_10 = vector.load %arg3[%get3A_8, %get3A_9] : memref<128x16xf32, #tpu.memory_space<vmem>>, vector<128x16xf32>
    %dot_general3A_11 = arith.constant dense<0.000000e+00> : vector<2000x16xf32>
    %dot_general3A_12 = tpu.matmul %get3A_1, %get3A_10, %dot_general3A_11 {dimension_numbers = #tpu.dot_dimension_numbers<[1], [0], [0], [1], [0, 0, 1, 1], [], []>, transpose_lhs_hint = false} : vector<2000x128xf32>, vector<128x16xf32>, vector<2000x16xf32> -> vector<2000x16xf32>
    %swap3A_13 = arith.constant 0 : index
    %swap3A_14 = arith.constant 0 : index
    %swap3A_15 = vector.load %arg6[%swap3A_13, %swap3A_14] : memref<2000x16xf32, #tpu.memory_space<vmem>>, vector<2000x16xf32>
    tpu.vector_store %arg6[%swap3A_13, %swap3A_14], %dot_general3A_12 {strides = array<i32>} : memref<2000x16xf32, #tpu.memory_space<vmem>>, vector<2000x16xf32>,
    %get3A_16 = arith.constant 0 : index
    %get3A_17 = arith.constant 0 : index
    %get3A_18 = vector.load %arg4[%get3A_16, %get3A_17] : memref<128x96xf32, #tpu.memory_space<vmem>>, vector<128x96xf32>
    %dot_general3A_19 = arith.constant dense<0.000000e+00> : vector<2000x96xf32>
    %dot_general3A_20 = tpu.matmul %get3A_1, %get3A_18, %dot_general3A_19 {dimension_numbers = #tpu.dot_dimension_numbers<[1], [0], [0], [1], [0, 0, 1, 1], [], []>, transpose_lhs_hint = false} : vector<2000x128xf32>, vector<128x96xf32>, vector<2000x96xf32> -> vector<2000x96xf32>
    %convert_element_type3A = arith.truncf %dot_general3A_20 : vector<2000x96xf32> to vector<2000x96xbf16>
    %swap3A_21 = arith.constant 0 : index
    %swap3A_22 = arith.constant 0 : index
    %swap3A_23 = vector.load %arg7[%swap3A_21, %swap3A_22] : memref<2000x96xbf16, #tpu.memory_space<vmem>>, vector<2000x96xbf16>
    tpu.vector_store %arg7[%swap3A_21, %swap3A_22], %convert_element_type3A {strides = array<i32>} : memref<2000x96xbf16, #tpu.memory_space<vmem>>, vector<2000x96xbf16>,
    return
  }
  func.func @transform_0(%arg0: i32) -> (i32, i32) {
    %c0_i32 = arith.constant 0 : i32
    %c0_i32_0 = arith.constant 0 : i32
    return %arg0, %c0_i32 : i32, i32
  }
  func.func @transform_1(%arg0: i32) -> (i32, i32) {
    %c0_i32 = arith.constant 0 : i32
    %c0_i32_0 = arith.constant 0 : i32
    %c0_i32_1 = arith.constant 0 : i32
    return %c0_i32, %c0_i32_0 : i32, i32
  }
  func.func @transform_2(%arg0: i32) -> (i32, i32) {
    %c0_i32 = arith.constant 0 : i32
    %c0_i32_0 = arith.constant 0 : i32
    %c0_i32_1 = arith.constant 0 : i32
    return %c0_i32, %c0_i32_0 : i32, i32
  }
  func.func @transform_3(%arg0: i32) -> (i32, i32) {
    %c0_i32 = arith.constant 0 : i32
    %c0_i32_0 = arith.constant 0 : i32
    %c0_i32_1 = arith.constant 0 : i32
    return %c0_i32, %c0_i32_0 : i32, i32
  }
  func.func @transform_4(%arg0: i32) -> (i32, i32) {
    %c0_i32 = arith.constant 0 : i32
    %c0_i32_0 = arith.constant 0 : i32
    return %arg0, %c0_i32 : i32, i32
  }
  func.func @transform_5(%arg0: i32) -> (i32, i32) {
    %c0_i32 = arith.constant 0 : i32
    %c0_i32_0 = arith.constant 0 : i32
    return %arg0, %c0_i32 : i32, i32
  }
  func.func @transform_6(%arg0: i32) -> (i32, i32) {
    %c0_i32 = arith.constant 0 : i32
    %c0_i32_0 = arith.constant 0 : i32
    return %arg0, %c0_i32 : i32, i32
  }
}

module attributes {stable_mosaic.version = 14 : i64} {
  func.func @_tc2_body(%arg0: i32, %arg1: memref<2x1024x80xf32, #tpu.memory_space<vmem>>, %arg2: memref<8x64xf32, #tpu.memory_space<vmem>>, %arg3: memref<64x16xf32, #tpu.memory_space<vmem>>, %arg4: memref<64x4xf32, #tpu.memory_space<vmem>>, %arg5: memref<1024x16xf32, #tpu.memory_space<vmem>>, %arg6: memref<1024x4xf32, #tpu.memory_space<vmem>>) attributes {dimension_semantics = [#tpu.dimension_semantics<arbitrary>], iteration_bounds = array<i64: 10>, scalar_prefetch = 0 : i64, scratch_operands = 0 : i64, tpu.core_type = #tpu.core_type<tc>, window_params = [{transform_indices = @transform_0, window_bounds = array<i64: 2, 1024, 80>}, {pipeline_mode = #tpu.pipeline_mode<synchronous>, transform_indices = @transform_1, window_bounds = array<i64: 8, 64>}, {pipeline_mode = #tpu.pipeline_mode<synchronous>, transform_indices = @transform_2, window_bounds = array<i64: 64, 16>}, {pipeline_mode = #tpu.pipeline_mode<synchronous>, transform_indices = @transform_3, window_bounds = array<i64: 64, 4>}, {transform_indices = @transform_4, window_bounds = array<i64: 1024, 16>}, {transform_indices = @transform_5, window_bounds = array<i64: 1024, 4>}]} {
    %get3A = arith.constant 0 : index
    %get3A_0 = arith.constant 0 : index
    %get3A_1 = arith.constant 0 : index
    %get3A_2 = vector.load %arg1[%get3A, %get3A_0, %get3A_1] : memref<2x1024x80xf32, #tpu.memory_space<vmem>>, vector<1x1024x64xf32>
    %get3A_3 = vector.shape_cast %get3A_2 : vector<1x1024x64xf32> to vector<1024x64xf32>
    %get3A_4 = arith.constant 1 : index
    %get3A_5 = arith.constant 0 : index
    %get3A_6 = arith.constant 0 : index
    %get3A_7 = vector.load %arg1[%get3A_4, %get3A_5, %get3A_6] : memref<2x1024x80xf32, #tpu.memory_space<vmem>>, vector<1x1024x64xf32>
    %get3A_8 = vector.shape_cast %get3A_7 : vector<1x1024x64xf32> to vector<1024x64xf32>
    %add3A = arith.addf %get3A_3, %get3A_8 : vector<1024x64xf32>
    %get3A_9 = arith.constant 0 : index
    %get3A_10 = arith.constant 0 : index
    %get3A_11 = arith.constant 64 : index
    %get3A_12 = vector.load %arg1[%get3A_9, %get3A_10, %get3A_11] : memref<2x1024x80xf32, #tpu.memory_space<vmem>>, vector<1x1024x8xf32>
    %get3A_13 = vector.shape_cast %get3A_12 : vector<1x1024x8xf32> to vector<1024x8xf32>
    %get3A_14 = arith.constant 1 : index
    %get3A_15 = arith.constant 0 : index
    %get3A_16 = arith.constant 64 : index
    %get3A_17 = vector.load %arg1[%get3A_14, %get3A_15, %get3A_16] : memref<2x1024x80xf32, #tpu.memory_space<vmem>>, vector<1x1024x8xf32>
    %get3A_18 = vector.shape_cast %get3A_17 : vector<1x1024x8xf32> to vector<1024x8xf32>
    %add3A_19 = arith.addf %get3A_13, %get3A_18 : vector<1024x8xf32>
    %get3A_20 = arith.constant 0 : index
    %get3A_21 = arith.constant 0 : index
    %get3A_22 = vector.load %arg2[%get3A_20, %get3A_21] : memref<8x64xf32, #tpu.memory_space<vmem>>, vector<8x64xf32>
    %dot_general3A = arith.constant dense<0.000000e+00> : vector<1024x64xf32>
    %dot_general3A_23 = tpu.matmul %add3A_19, %get3A_22, %dot_general3A {dimension_numbers = #tpu.dot_dimension_numbers<[1], [0], [0], [1], [0, 0, 1, 1], [], []>, transpose_lhs_hint = false} : vector<1024x8xf32>, vector<8x64xf32>, vector<1024x64xf32> -> vector<1024x64xf32>
    %add3A_24 = arith.constant 1.000000e-16 : f32
    %add3A_25 = vector.broadcast %add3A_24 : f32 to vector<1024x64xf32>
    %add3A_26 = arith.addf %dot_general3A_23, %add3A_25 : vector<1024x64xf32>
    %div3A = arith.divf %add3A, %add3A_26 : vector<1024x64xf32>
    %gt3A = arith.constant 0.000000e+00 : f32
    %gt3A_27 = vector.broadcast %gt3A : f32 to vector<1024x64xf32>
    %gt3A_28 = arith.cmpf ogt, %div3A, %gt3A_27 : vector<1024x64xf32>
    %exp3A = math.exp %div3A : vector<1024x64xf32>
    %sub3A = arith.constant 1.000000e+00 : f32
    %sub3A_29 = vector.broadcast %sub3A : f32 to vector<1024x64xf32>
    %sub3A_30 = arith.subf %exp3A, %sub3A_29 : vector<1024x64xf32>
    %select_n3A = arith.select %gt3A_28, %div3A, %sub3A_30 : vector<1024x64xi1>, vector<1024x64xf32>
    %get3A_31 = arith.constant 0 : index
    %get3A_32 = arith.constant 0 : index
    %get3A_33 = vector.load %arg3[%get3A_31, %get3A_32] : memref<64x16xf32, #tpu.memory_space<vmem>>, vector<64x16xf32>
    %dot_general3A_34 = arith.constant dense<0.000000e+00> : vector<1024x16xf32>
    %dot_general3A_35 = tpu.matmul %select_n3A, %get3A_33, %dot_general3A_34 {dimension_numbers = #tpu.dot_dimension_numbers<[1], [0], [0], [1], [0, 0, 1, 1], [], []>, transpose_lhs_hint = false} : vector<1024x64xf32>, vector<64x16xf32>, vector<1024x16xf32> -> vector<1024x16xf32>
    %iota3A = tpu.iota {dimensions = array<i32: 1>} : vector<1024x16xi32>
    %eq3A = arith.constant 7 : i32
    %eq3A_36 = vector.broadcast %eq3A : i32 to vector<1024x16xi32>
    %eq3A_37 = arith.cmpi eq, %iota3A, %eq3A_36 : vector<1024x16xi32>
    %jit3A = arith.constant 1.000000e+00 : f32
    %broadcast_in_dim3A = vector.broadcast %jit3A : f32 to vector<1024x16xf32>
    %select_n3A_38 = arith.select %eq3A_37, %broadcast_in_dim3A, %dot_general3A_35 : vector<1024x16xi1>, vector<1024x16xf32>
    %swap3A = arith.constant 0 : index
    %swap3A_39 = arith.constant 0 : index
    %swap3A_40 = vector.load %arg5[%swap3A, %swap3A_39] : memref<1024x16xf32, #tpu.memory_space<vmem>>, vector<1024x16xf32>
    tpu.vector_store %arg5[%swap3A, %swap3A_39], %select_n3A_38 {strides = array<i32>} : memref<1024x16xf32, #tpu.memory_space<vmem>>, vector<1024x16xf32>,
    %get3A_41 = arith.constant 0 : index
    %get3A_42 = arith.constant 0 : index
    %get3A_43 = vector.load %arg4[%get3A_41, %get3A_42] : memref<64x4xf32, #tpu.memory_space<vmem>>, vector<64x4xf32>
    %dot_general3A_44 = arith.constant dense<0.000000e+00> : vector<1024x4xf32>
    %dot_general3A_45 = tpu.matmul %select_n3A, %get3A_43, %dot_general3A_44 {dimension_numbers = #tpu.dot_dimension_numbers<[1], [0], [0], [1], [0, 0, 1, 1], [], []>, transpose_lhs_hint = false} : vector<1024x64xf32>, vector<64x4xf32>, vector<1024x4xf32> -> vector<1024x4xf32>
    %swap3A_46 = arith.constant 0 : index
    %swap3A_47 = arith.constant 0 : index
    %swap3A_48 = vector.load %arg6[%swap3A_46, %swap3A_47] : memref<1024x4xf32, #tpu.memory_space<vmem>>, vector<1024x4xf32>
    tpu.vector_store %arg6[%swap3A_46, %swap3A_47], %dot_general3A_45 {strides = array<i32>} : memref<1024x4xf32, #tpu.memory_space<vmem>>, vector<1024x4xf32>,
    return
  }
  func.func @transform_0(%arg0: i32) -> (i32, i32, i32) {
    %c0_i32 = arith.constant 0 : i32
    %c0_i32_0 = arith.constant 0 : i32
    %c0_i32_1 = arith.constant 0 : i32
    return %c0_i32, %arg0, %c0_i32_0 : i32, i32, i32
  }
  func.func @transform_1(%arg0: i32) -> (i32, i32) {
    %c0_i32 = arith.constant 0 : i32
    %c0_i32_0 = arith.constant 0 : i32
    %c0_i32_1 = arith.constant 0 : i32
    return %c0_i32, %c0_i32_0 : i32, i32
  }
  func.func @transform_2(%arg0: i32) -> (i32, i32) {
    %c0_i32 = arith.constant 0 : i32
    %c0_i32_0 = arith.constant 0 : i32
    %c0_i32_1 = arith.constant 0 : i32
    return %c0_i32, %c0_i32_0 : i32, i32
  }
  func.func @transform_3(%arg0: i32) -> (i32, i32) {
    %c0_i32 = arith.constant 0 : i32
    %c0_i32_0 = arith.constant 0 : i32
    %c0_i32_1 = arith.constant 0 : i32
    return %c0_i32, %c0_i32_0 : i32, i32
  }
  func.func @transform_4(%arg0: i32) -> (i32, i32) {
    %c0_i32 = arith.constant 0 : i32
    %c0_i32_0 = arith.constant 0 : i32
    return %arg0, %c0_i32 : i32, i32
  }
  func.func @transform_5(%arg0: i32) -> (i32, i32) {
    %c0_i32 = arith.constant 0 : i32
    %c0_i32_0 = arith.constant 0 : i32
    return %arg0, %c0_i32 : i32, i32
  }
}

module attributes {stable_mosaic.version = 14 : i64} {
  func.func @_tc3_body(%arg0: i32, %arg1: memref<2x1000x16xf32, #tpu.memory_space<vmem>>, %arg2: memref<1000x7xf32, #tpu.memory_space<vmem>>) attributes {dimension_semantics = [#tpu.dimension_semantics<arbitrary>], iteration_bounds = array<i64: 10>, scalar_prefetch = 0 : i64, scratch_operands = 0 : i64, tpu.core_type = #tpu.core_type<tc>, window_params = [{transform_indices = @transform_0, window_bounds = array<i64: 2, 1000, 16>}, {transform_indices = @transform_1, window_bounds = array<i64: 1000, 7>}]} {
    %get3A = arith.constant 0 : index
    %get3A_0 = arith.constant 0 : index
    %get3A_1 = arith.constant 0 : index
    %get3A_2 = vector.load %arg1[%get3A, %get3A_0, %get3A_1] : memref<2x1000x16xf32, #tpu.memory_space<vmem>>, vector<1x1000x7xf32>
    %get3A_3 = vector.shape_cast %get3A_2 : vector<1x1000x7xf32> to vector<1000x7xf32>
    %get3A_4 = arith.constant 1 : index
    %get3A_5 = arith.constant 0 : index
    %get3A_6 = arith.constant 0 : index
    %get3A_7 = vector.load %arg1[%get3A_4, %get3A_5, %get3A_6] : memref<2x1000x16xf32, #tpu.memory_space<vmem>>, vector<1x1000x7xf32>
    %get3A_8 = vector.shape_cast %get3A_7 : vector<1x1000x7xf32> to vector<1000x7xf32>
    %add3A = arith.addf %get3A_3, %get3A_8 : vector<1000x7xf32>
    %get3A_9 = arith.constant 0 : index
    %get3A_10 = arith.constant 0 : index
    %get3A_11 = arith.constant 7 : index
    %get3A_12 = vector.load %arg1[%get3A_9, %get3A_10, %get3A_11] : memref<2x1000x16xf32, #tpu.memory_space<vmem>>, vector<1x1000x1xf32>
    %get3A_13 = vector.shape_cast %get3A_12 : vector<1x1000x1xf32> to vector<1000x1xf32>
    %get3A_14 = arith.constant 1 : index
    %get3A_15 = arith.constant 0 : index
    %get3A_16 = arith.constant 7 : index
    %get3A_17 = vector.load %arg1[%get3A_14, %get3A_15, %get3A_16] : memref<2x1000x16xf32, #tpu.memory_space<vmem>>, vector<1x1000x1xf32>
    %get3A_18 = vector.shape_cast %get3A_17 : vector<1x1000x1xf32> to vector<1000x1xf32>
    %add3A_19 = arith.addf %get3A_13, %get3A_18 : vector<1000x1xf32>
    %add3A_20 = arith.constant 1.000000e-16 : f32
    %add3A_21 = vector.broadcast %add3A_20 : f32 to vector<1000x1xf32>
    %add3A_22 = arith.addf %add3A_19, %add3A_21 : vector<1000x1xf32>
    %div3A = vector.broadcast %add3A_22 : vector<1000x1xf32> to vector<1000x7xf32>
    %div3A_23 = arith.divf %add3A, %div3A : vector<1000x7xf32>
    %reduce_max3A = arith.constant dense<0xFF800000> : vector<1000xf32>
    %reduce_max3A_24 = vector.multi_reduction <maximumf>, %div3A_23, %reduce_max3A [1] : vector<1000x7xf32> to vector<1000xf32>
    %broadcast_in_dim3A = vector.shape_cast %reduce_max3A_24 : vector<1000xf32> to vector<1000x1xf32>
    %sub3A = vector.broadcast %broadcast_in_dim3A : vector<1000x1xf32> to vector<1000x7xf32>
    %sub3A_25 = arith.subf %div3A_23, %sub3A : vector<1000x7xf32>
    %exp3A = math.exp %sub3A_25 : vector<1000x7xf32>
    %reduce_sum3A = arith.constant dense<0.000000e+00> : vector<1000xf32>
    %reduce_sum3A_26 = vector.multi_reduction <add>, %exp3A, %reduce_sum3A [1] : vector<1000x7xf32> to vector<1000xf32>
    %broadcast_in_dim3A_27 = vector.shape_cast %reduce_sum3A_26 : vector<1000xf32> to vector<1000x1xf32>
    %log3A = math.log %broadcast_in_dim3A_27 : vector<1000x1xf32>
    %sub3A_28 = vector.broadcast %log3A : vector<1000x1xf32> to vector<1000x7xf32>
    %sub3A_29 = arith.subf %sub3A_25, %sub3A_28 : vector<1000x7xf32>
    %swap3A = arith.constant 0 : index
    %swap3A_30 = arith.constant 0 : index
    %swap3A_31 = vector.load %arg2[%swap3A, %swap3A_30] : memref<1000x7xf32, #tpu.memory_space<vmem>>, vector<1000x7xf32>
    tpu.vector_store %arg2[%swap3A, %swap3A_30], %sub3A_29 {strides = array<i32>} : memref<1000x7xf32, #tpu.memory_space<vmem>>, vector<1000x7xf32>,
    return
  }
  func.func @transform_0(%arg0: i32) -> (i32, i32, i32) {
    %c0_i32 = arith.constant 0 : i32
    %c0_i32_0 = arith.constant 0 : i32
    %c0_i32_1 = arith.constant 0 : i32
    return %c0_i32, %arg0, %c0_i32_0 : i32, i32, i32
  }
  func.func @transform_1(%arg0: i32) -> (i32, i32) {
    %c0_i32 = arith.constant 0 : i32
    %c0_i32_0 = arith.constant 0 : i32
    return %arg0, %c0_i32 : i32, i32
  }
}

</mosaic_0001>

<sc_bundles>
// kernel: kernel.10.cloned.1.call-start
scs
__scs_entry_jumppad:
0x0: {  	(pc) =	sbr.rel $0x88, $3  }
0x1: {  	(tag) =	ssettag $0x0;
	lr =	simm.s32 $0x1  }
0x2: {  	[smem:$0x3F9B] =	sst lr;
	_ =	strace $0xD0000000  }
0x3: {  	_ = 	snop  }
0x4: {  	_ = 	snop  }
0x5: {  	_ = 	snop  }
0x6: {  	_ = 	snop  }
0x7: {  	_ = 	snop  }
__scs_overlays_trampoline_lowered:
0x8: {  	[smem:$0x3FAA] =	sst s0  }
0x9: {  	[smem:$0x3FAB] =	sst s1  }
0xa: {  	[smem:$0x3FAC] =	sst s2  }
0xb: {  	[smem:$0x3FAD] =	sst s3  }
0xc: {  	[smem:$0x3FAE] =	sst s4  }
0xd: {  	[smem:$0x3FAF] =	sst s5  }
0xe: {  	[smem:$0x3FB0] =	sst s6  }
0xf: {  	[smem:$0x3FB1] =	sst s7  }
0x10: {  	[smem:$0x3FB2] =	sst s8  }
0x11: {  	[smem:$0x3FB3] =	sst s9;
	s0 =	simm.s32 @!p0 $0x0  }
0x12: {  	s1 =	sld [smem:$0x3F99];
	s0 =	simm.s32 @p0 $0x1  }
0x13: {  	[smem:$0x3FB4] =	sst s0;
	s0 =	simm.s32 @!p1 $0x0  }
0x14: {  	s2 =	sld [smem:$0x3F98];
	s0 =	simm.s32 @p1 $0x1  }
0x15: {  	[smem:$0x3FB5] =	sst s0;
	s0 =	simm.s32 @!p2 $0x0  }
0x16: {  	s3 =	sld [smem:$0x3FDB];
	s0 =	simm.s32 @p2 $0x1  }
0x17: {  	s4 =	simm.s32 $0x1BF5;
	[smem:$0x3FB7] =	sst s0  }
0x18: {  	s0 =	sld [smem:$0x3F9A];
	_ =	swait.ge [sflag:s4], $0x0  }
0x19: {  	s7 =	sld [smem:$0x3F9B]  }
0x1a: {  	s8 =	sadd.s32 $0xFFFFE003, lr  }
0x1b: {  	s9 =	sadd.s32 $0xFFFFFEF7, lr;
	s5 =	simm.s32 $0xFFFFFFFF;
	p2 =	slt.u32 s8, $0xFFFFF086  }
0x1c: {  	p1 =	slt.u32 s9, $0xF7A;
	s5 =	simm.s32 @!p2 $0x0  }
0x1d: {  	s5 =	simm.s32 @p1 $0x1;
	p0 =	seq.s32 s7, s2  }
0x1e: {  	s7 =	smul.u32 @!p0 $0xF7A, s2;
	p2 =	seq.s32 @!p0 s5, $0x0  }
0x1f: {  	s9 =	smul.u32 $0xF7A, s1;
	s8 =	simm.s32 @!p0 $0x1BF5;
	p2 =	por !p2, p0  }
0x20: {  	[sflag:s8] =	ssyncset.s32 @!p0 $0xFFFFF086;
	s6 =	sadd.s32 @!p0 s3, s7;
	s7 =	simm.s32 @!p0 $0x108  }
0x21: {  	s3 =	sadd.s32 s3, s9;
	s6 =	sadd.s32 @!p0 $0x88, s6;
	s7 =	simm.s32 @p2 $0x1082  }
0x22: {  	[simem:s7], [sflag:s8] =	dma.local @!p0 [hbm:s6], $0xF7A  }
0x23: {  	s9 =	sor.u32 $0xD0000000, s2;
	s6 =	simm.s32 $0x108;
	_ =	swait.ge @!p0 [sflag:s8], $0x0  }
0x24: {  	s3 =	sadd.s32 $0x88, s3;
	s6 =	simm.s32 @!p1 $0x1082;
	[sflag:s4] =	ssyncset.s32 $0xFFFFF086  }
0x25: {  	[simem:s6], [sflag:s4] =	dma.local [hbm:s3], $0xF7A  }
0x26: {  	[smem:$0x3F9B] =	sst s1;
	(tag) =	ssettag s2;
	_ =	strace s9  }
0x27: {  	s1 =	sld [smem:$0x3FAB]  }
0x28: {  	s2 =	sld [smem:$0x3FAC]  }
0x29: {  	s4 =	sld [smem:$0x3FAE]  }
0x2a: {  	p0 =	seq.s32 s5, $0x0;
	s5 =	sld [smem:$0x3FAF]  }
0x2b: {  	s6 =	sld [smem:$0x3FB0]  }
0x2c: {  	s7 =	sld [smem:$0x3FB1]  }
0x2d: {  	s3 =	simm.s32 $0x108;
	s8 =	sld [smem:$0x3FB2]  }
0x2e: {  	s3 =	simm.s32 @!p0 $0x1082;
	s9 =	sld [smem:$0x3FB3]  }
0x2f: {  	lr =	sadd.s32 s0, s3;
	s0 =	sld [smem:$0x3FAA]  }
0x30: {  	s3 =	sld [smem:$0x3FAD]  }
0x31: {  	[smem:$0x3FB6] =	sst s10  }
0x32: {  	s10 =	sld [smem:$0x3FB4];
	_ =	sdelay $0x3  }
0x33: {  	p0 =	seq.s32 s10, $0x1;
	s10 =	sld [smem:$0x3FB6];
	_ =	sdelay $0x3  }
0x34: {  	[smem:$0x3FB6] =	sst s10  }
0x35: {  	s10 =	sld [smem:$0x3FB5];
	_ =	sdelay $0x3  }
0x36: {  	p1 =	seq.s32 s10, $0x1;
	s10 =	sld [smem:$0x3FB6];
	_ =	sdelay $0x3  }
0x37: {  	[smem:$0x3FB6] =	sst s10  }
0x38: {  	s10 =	sld [smem:$0x3FB7]  }
0x39: {  	_ = 	snop;
	(pc) =	sbr.ind lr, $3  }
0x3a: {  	_ = 	snop  }
0x3b: {  	_ = 	snop  }
0x3c: {  	p2 =	seq.s32 s10, $0x1;
	s10 =	sld [smem:$0x3FB6]  }
0x3d: {  	_ =	shalt  }
0x3e: {  	_ =	shalt  }
0x3f: {  	_ =	shalt  }
0x40: {  	_ =	shalt  }
0x41: {  	_ =	shalt  }
0x42: {  	_ =	shalt  }
0x43: {  	_ =	shalt  }
0x44: {  	_ =	shalt  }
0x45: {  	_ =	shalt  }
0x46: {  	_ =	shalt  }
0x47: {  	_ =	shalt  }
0x48: {  	_ =	shalt  }
0x49: {  	_ =	shalt  }
0x4a: {  	_ =	shalt  }
0x4b: {  	_ =	shalt  }
0x4c: {  	_ =	shalt  }
0x4d: {  	_ =	shalt  }
0x4e: {  	_ =	shalt  }
0x4f: {  	_ =	shalt  }
0x50: {  	_ =	shalt  }
0x51: {  	_ =	shalt  }
0x52: {  	_ =	shalt  }
0x53: {  	_ =	shalt  }
0x54: {  	_ =	shalt  }
0x55: {  	_ =	shalt  }
0x56: {  	_ =	shalt  }
0x57: {  	_ =	shalt  }
0x58: {  	_ =	shalt  }
0x59: {  	_ =	shalt  }
0x5a: {  	_ =	shalt  }
0x5b: {  	_ =	shalt  }
0x5c: {  	_ =	shalt  }
0x5d: {  	_ =	shalt  }
0x5e: {  	_ =	shalt  }
0x5f: {  	_ =	shalt  }
0x60: {  	_ =	shalt  }
0x61: {  	_ =	shalt  }
0x62: {  	_ =	shalt  }
0x63: {  	_ =	shalt  }
0x64: {  	_ =	shalt  }
0x65: {  	_ =	shalt  }
0x66: {  	_ =	shalt  }
0x67: {  	_ =	shalt  }
0x68: {  	_ =	shalt  }
0x69: {  	_ =	shalt  }
0x6a: {  	_ =	shalt  }
0x6b: {  	_ =	shalt  }
0x6c: {  	_ =	shalt  }
0x6d: {  	_ =	shalt  }
0x6e: {  	_ =	shalt  }
0x6f: {  	_ =	shalt  }
0x70: {  	_ =	shalt  }
0x71: {  	_ =	shalt  }
0x72: {  	_ =	shalt  }
0x73: {  	_ =	shalt  }
0x74: {  	_ =	shalt  }
0x75: {  	_ =	shalt  }
0x76: {  	_ =	shalt  }
0x77: {  	_ =	shalt  }
0x78: {  	_ =	shalt  }
0x79: {  	_ =	shalt  }
0x7a: {  	_ =	shalt  }
0x7b: {  	_ =	shalt  }
0x7c: {  	_ =	shalt  }
0x7d: {  	_ =	shalt  }
0x7e: {  	_ =	shalt  }
0x7f: {  	_ =	shalt  }
0x80: {  	_ =	shalt  }
0x81: {  	_ =	shalt  }
0x82: {  	_ =	shalt  }
0x83: {  	_ =	shalt  }
0x84: {  	_ =	shalt  }
0x85: {  	_ =	shalt  }
0x86: {  	_ =	shalt  }
0x87: {  	_ =	shalt  }
.Lfunc_end0:
.L_simem_size_0:
called_computation.1_lowered:
.L_overlay_start_0:
0x88: {  	s2 =	sld [smem:$0x3FD9]  }
0x89: {  	s3 =	sld [smem:$0x3FFE];
	_ =	sdelay $0x1  }
0x8a: {  	s1 =	srdreg.scid  }
0x8b: {  	s0 =	sand.u32 $0x1, s1  }
0x8c: {  	s17 =	sshll.u32 s0, $0xA;
	s2 =	sadd.s32 s3, s2  }
0x8d: {  	s2 =	sadd.s32 s2, s17  }
0x8e: {  	[smem:$0x3FC2] =	sst s2  }
0x8f: {  	_ = 	snop  }
0x90: {  	s2 =	sld [smem:$0x3FD0];
	(tm) =	ssettm $0x1  }
0x91: {  	s18 =	sld [smem:$0x3FFB];
	_ =	sdelay $0x3  }
0x92: {  	_ =	strace s18  }
0x93: {  	s3 =	sld [smem:$0x3FFC];
	_ =	sdelay $0x3  }
0x94: {  	_ =	strace s3  }
0x95: {  	s3 =	sld [smem:$0x3FFD];
	_ =	sdelay $0x3  }
0x96: {  	_ =	strace s3  }
0x97: {  	_ =	strace $0x8FFFFFFF  }
0x98: {  	s19 =	sld [smem:$0x3FDB];
	_ =	sdelay $0x1  }
0x99: {  	s4 =	simm.s32 $_scs_section_size  }
0x9a: {  	s5 =	simm.s32 $_size__tile_overlayer_lowered;
	s6 =	simm.s32 $_tile_overlayer_lowered  }
0x9b: {  	s22 =	simm.s32 $0x1BFF;
	s21 =	sshll.u32 s6, $0x1;
	s3 =	sadd.s32 s4, s19  }
0x9c: {  	s7 =	simm.s32 $0x0;
	s20 =	sshll.u32 s5, $0x1;
	s5 =	sadd.s32 s21, s3  }
0x9d: {  	[timem:s7], [sflag:s22] =	dma.local [hbm:s5], s20  }
0x9e: {  	_ =	swait.ge [sflag:s22], s20  }
0x9f: {  	s4 =	ssub.s32 $0x0, s20;
	[sflag:s22] =	ssyncset.done $0x0  }
0xa0: {  	[sflag:s22] =	ssyncadd.s32 s4;
	_ =	sdelay $0x1  }
0xa1: {  	s23 =	simm.s32 $0x1B8B  }
0xa2: {  	_ =	swait.ge [sflag:s23], $0x1  }
0xa3: {  	[sflag:s23] =	ssyncset.done $0x0  }
0xa4: {  	s25 =	simm.s32 $0x1B8E;
	s24 =	sld [smem:$0x3FFE];
	[sflag:s23] =	ssyncadd.s32 $0xFFFFFFFF  }
0xa5: {  	s26 =	simm.s32 $execute0_lowered;
	[smem:$0x3FD2] =	sst s25  }
0xa6: {  	s5 =	sshll.u32 s26, $0x1;
	_ =	strace $0x80000049;
	[dreg:$0x1] =	wrdreg $0xFFFFFFFF  }
0xa7: {  	s28 =	simm.s32 $_size_execute0_lowered;
	s3 =	sadd.s32 s3, s5;
	[dreg:$0x0] =	wrdreg $0x0  }
0xa8: {  	s5 =	sshll.u32 s28, $0x1;
	[dreg:$0x2] =	wrdreg s3  }
0xa9: {  	[dreg:$0x3] =	wrdreg s5  }
0xaa: {  	[dreg:$0x4] =	wrdreg $0xC0  }
0xab: {  	_ =	task [dreg:s7], $0x5FFFF  }
0xac: {  	[dreg:$0x1] =	wrdreg $0xFFFFFFFF  }
0xad: {  	[dreg:$0x0] =	wrdreg $0x60  }
0xae: {  	[dreg:$0x2] =	wrdreg s24  }
0xaf: {  	[dreg:$0x3] =	wrdreg s2  }
0xb0: {  	[dreg:$0x4] =	wrdreg $0x140800  }
0xb1: {  	[dreg:$0x5] =	wrdreg $0x9  }
0xb2: {  	_ =	task.clear_ibuf [dreg:s7], $0x6FFFF;
	_ =	strace $0x90000049  }
0xb3: {  	s29 =	simm.s32 $0x9;
	_ =	strace $0x8000004B  }
0xb4: {  	_ =	swait.ge [sflag:s29], $0x1  }
0xb5: {  	[sflag:s29] =	ssyncadd.s32 $0xFFFFFFFF  }
0xb6: {  	_ =	strace $0x9000004B  }
0xb7: {  	_ =	sfence  }
0xb8: {  	s30 =	sld [smem:$0x0];
	_ =	sdelay $0x2  }
0xb9: {  	s31 =	sshll.u32 s1, $0xD;
	s1 =	sshrl.u32 s1, $0x2  }
0xba: {  	s3 =	sand.u32 $0x4000, s31;
	s1 =	sadd.s32 s1, s30  }
0xbb: {  	s0 =	sor.u32 s3, s0;
	s1 =	sshll.u32 s1, $0x11  }
0xbc: {  	s0 =	sor.u32 s1, s0  }
0xbd: {  	s0 =	sadd.s32 $0x8F2B, s0  }
0xbe: {  	[sflag:s0] =	ssyncadd.remote.s32 $0x1  }
0xbf: {  	_ =	sfence.sel $0xFFFF  }
0xc0: {  	[dreg:$0x0] =	wrdreg $0xFFFFFFFF;
	(pc) =	sbr.abs _section_cstart, $3  }
0xc1: {  	[dreg:$0x1] =	wrdreg $0xFFFFFFFF  }
0xc2: {  	_ =	task.clear_ibuf [dreg:s7], $0x2FFFF;
	_ =	strace $0x9FFFFFFF  }
0xc3: {  	(tm) =	ssettm $0x7FFFFFFF  }
tec
execute0_lowered:
.L_overlay_start_1:
0x0: {  	(tag) =	ssettag $0x1  }
0x1: {  	s0 =	srdreg.scid;
	s1 =	rddreg [dreg:$0x0]  }
0x2: {  	s7 =	stileid.u32;
	s3 =	rddreg [dreg:$0x2];
	s5 =	simm.s32 $0x0  }
0x3: {  	s16 =	simm.s32 $0x5;
	s0 =	sand.u32 $0x1, s0;
	s4 =	smul.u32 $0x2800, s7  }
0x4: {  	[smem:$0x7FF] =	sst s5;
	s5 =	sadd.s32 $0x1FC00, s1;
	s2 =	sshll.u32 s0, $0x4  }
0x5: {  	s6 =	smul.u32 $0x28000, s0;
	s0 =	ssub.s32 $0x2, s0;
	s2 =	sor.u32 s7, s2  }
0x6: {  	_ =	strace $0x8000004A;
	s8 =	sshrl.u32 s0, $0x1;
	s2 =	smul.u32 $0x2800, s2  }
0x7: {  	s7 =	smul.u32 $0xA000, s7;
	s6 =	sadd.s32 s4, s6;
	s0 =	ssub.s32 s0, s8  }
0x8: {  	s4 =	sadd.s32 s4, s3;
	s6 =	sshrl.u32 s6, $0x3;
	s2 =	sshrl.u32 s2, $0x3  }
0x9: {  	s0 =	smax.u32 s0, $0x1;
	[dreg:$0x7] =	wrdreg s4;
	s2 =	sadd.s32 s2, s1  }
0xa: {  	s20 =	sshrl.u32 s7, $0x2;
	[dreg:$0xd] =	wrdreg s0;
	s21 =	sadd.s32 $0x1C00, s2  }
0xb: {  	s1 =	sadd.s32 s6, s1;
	s22 =	sadd.s32 $0xBC00, s2;
	[dreg:$0x4] =	wrdreg s21  }
0xc: {  	s6 =	sadd.s32 s20, s3;
	s2 =	sadd.s32 $0x15C00, s2;
	[dreg:$0x5] =	wrdreg s22  }
0xd: {  	s19 =	simm.s32 $0x80;
	s23 =	sadd.s32 $0x800, s6;
	[dreg:$0x6] =	wrdreg s2  }
0xe: {  	v0 =	vimm.f32 $0.0e+00;
	v1 =	vimm.s32 $0x2710;
	v2 =	vimm.s32 $0x2;
	s28 =	simm.s32 $0x12800;
	s24 =	sadd.s32 $0x1000, s6;
	[dreg:$0x8] =	wrdreg s23  }
0xf: {  	v3 =	vimm.s32 $0x1;
	v4 =	vimm.s32 $0x0;
	v5 =	vimm.s32 $0x3;
	s29 =	simm.s32 $0x2;
	s25 =	sadd.s32 $0x1800, s6;
	[dreg:$0x9] =	wrdreg s24  }
0x10: {  	v6 =	vimm.s32 $0x4;
	v7 =	vimm.s32 $0x5;
	v8 =	vimm.s32 $0x6;
	s30 =	simm.s32 $0x4;
	s26 =	sadd.s32 $0x2000, s6;
	[dreg:$0xa] =	wrdreg s25  }
0x11: {  	v9 =	vimm.s32 $0x7;
	v10 =	vimm.s32 $0x8;
	v11 =	vimm.s32 $0x9;
	s31 =	simm.s32 $0x13000;
	s1 =	sadd.s32 $0x24C00, s1;
	[dreg:$0xb] =	wrdreg s26  }
0x12: {  	v12 =	vimm.s32 $0xA;
	v13 =	vimm.s32 $0xB;
	v14 =	vimm.s32 $0xC;
	[dreg:$0xc] =	wrdreg s1;
	s21 =	simm.s32 $0x7800;
	s24 =	simm.s32 $0x12000  }
0x13: {  	v15 =	vimm.s32 $0xD;
	v16 =	vimm.s32 $0xE;
	v17 =	vimm.s32 $0xF;
	s25 =	simm.s32 $0x1;
	s26 =	simm.s32 $0x3;
	s1 =	simm.s32 $0x0  }
.LBB2_1:
0x14: {  	s2 =	simm.s32 $0x0;
	s0 =	rddreg [dreg:$0x4]  }
0x15: {  	[tilespmem:s2], [sflag:$0x5] =	stream.linear.gather [hbm4b:s0+s2], $0x2800, $0x38;
	[tilespmem:$0x16880] =	vst v63  }
0x16: {  	_ =	swait.ge [sflag:s16], $0x2800  }
0x17: {  	[sflag:s16] =	ssyncset.done $0x0  }
0x18: {  	s6 =	simm.s32 $0x2800;
	s17 =	rddreg [dreg:$0x5];
	[sflag:s16] =	ssyncadd.s32 $0xFFFFD800  }
0x19: {  	[tilespmem:s6], [sflag:$0x5] =	stream.linear.gather [hbm4b:s17+s2], $0x2800, $0x38;
	[tilespmem:$0x16880] =	vst v63  }
0x1a: {  	_ =	swait.ge [sflag:s16], $0x2800  }
0x1b: {  	[sflag:s16] =	ssyncset.done $0x0  }
0x1c: {  	s20 =	simm.s32 $0x5000;
	s18 =	rddreg [dreg:$0x6];
	[sflag:s16] =	ssyncadd.s32 $0xFFFFD800  }
0x1d: {  	[tilespmem:s20], [sflag:$0x5] =	stream.linear.gather [hbm4b:s18+s2], $0x2800, $0x38;
	[tilespmem:$0x16880] =	vst v63  }
0x1e: {  	_ =	swait.ge [sflag:s16], $0x2800  }
0x1f: {  	[sflag:s16] =	ssyncset.done $0x0  }
0x20: {  	s22 =	simm.s32 $0x11800;
	[sflag:s16] =	ssyncadd.s32 $0xFFFFD800  }
0x21: {  	[tilespmem:s22], [sflag:$0x1] =	stream.indirect.gather [hbm4b:s5+s19], $0x10, s20, s19, $0xb8;
	[tilespmem:$0x16880] =	vst v63  }
0x22: {  	s23 =	rddreg [dreg:$0x1]  }
0x23: {  	[tilespmem:s21], [sflag:$0x5] =	stream.linear.gather [hbm4b:s23+s2], $0xA000, $0x38;
	[tilespmem:$0x16880] =	vst v63  }
0x24: {  	_ =	swait.ge [sflag:s16], $0xA000  }
0x25: {  	[sflag:s16] =	ssyncset.done $0x0  }
0x26: {  	s0 =	simm.s32 $0x40;
	s2 =	simm.s32 $0x0;
	[sflag:s16] =	ssyncadd.s32 $0xFFFF6000  }
.LBB2_2:
0x27: {  	p0 =	sne.s32 s0, $0x1FC0;
	[tilespmem:s2+$0x13800] =	vst v0;
	s2 =	smov.u32 s0;
	s0 =	sadd.s32 $0x40, s0  }
.Ltmp0:
0x28: {  	(pc) =	sbr.rel @p0 .LBB2_2-.Ltmp0, $2  }
0x29: {  	_ =	sdelay $0x2  }
0x2a: {  	s2 =	sshra.s32 s2, $0x2  }
0x2b: {  	[tilespmem:s2+$0x13800] =	vst v0  }
0x2c: {  	[tilespmem:$0x14000] =	vst v1  }
0x2d: {  	[tilespmem:$0x14010] =	vst v1  }
0x2e: {  	[tilespmem:$0x14020] =	vst v1  }
0x2f: {  	[tilespmem:$0x14030] =	vst v1  }
0x30: {  	[tilespmem:$0x14040] =	vst v1  }
0x31: {  	[tilespmem:$0x14050] =	vst v1  }
0x32: {  	[tilespmem:$0x14060] =	vst v1  }
0x33: {  	s17 =	simm.s32 $0x13800;
	[tilespmem:$0x14070] =	vst v1  }
0x34: {  	[spmem:s4] =	stream.linear.scatter [tilespmem:s17], [sflag:$0x5], $0x800, $0x38;
	[tilespmem:$0x16880] =	vst v63  }
0x35: {  	_ =	swait.ge [sflag:s16], $0x800  }
0x36: {  	[sflag:s16] =	ssyncset.done $0x0  }
0x37: {  	s0 =	rddreg [dreg:$0x8];
	[sflag:s16] =	ssyncadd.s32 $0xFFFFF800  }
0x38: {  	[spmem:s0] =	stream.linear.scatter [tilespmem:s17], [sflag:$0x5], $0x800, $0x38;
	[tilespmem:$0x16880] =	vst v63  }
0x39: {  	_ =	swait.ge [sflag:s16], $0x800  }
0x3a: {  	[sflag:s16] =	ssyncset.done $0x0  }
0x3b: {  	s18 =	rddreg [dreg:$0x9];
	[sflag:s16] =	ssyncadd.s32 $0xFFFFF800  }
0x3c: {  	[spmem:s18] =	stream.linear.scatter [tilespmem:s17], [sflag:$0x5], $0x800, $0x38;
	[tilespmem:$0x16880] =	vst v63  }
0x3d: {  	_ =	swait.ge [sflag:s16], $0x800  }
0x3e: {  	[sflag:s16] =	ssyncset.done $0x0  }
0x3f: {  	s20 =	rddreg [dreg:$0xa];
	[sflag:s16] =	ssyncadd.s32 $0xFFFFF800  }
0x40: {  	[spmem:s20] =	stream.linear.scatter [tilespmem:s17], [sflag:$0x5], $0x800, $0x38;
	[tilespmem:$0x16880] =	vst v63  }
0x41: {  	_ =	swait.ge [sflag:s16], $0x800  }
0x42: {  	[sflag:s16] =	ssyncset.done $0x0  }
0x43: {  	s22 =	rddreg [dreg:$0xb];
	[sflag:s16] =	ssyncadd.s32 $0xFFFFF800  }
0x44: {  	[spmem:s22] =	stream.linear.scatter [tilespmem:s17], [sflag:$0x5], $0x800, $0x38;
	[tilespmem:$0x16880] =	vst v63  }
0x45: {  	_ =	swait.ge [sflag:s16], $0x800  }
0x46: {  	[sflag:s16] =	ssyncset.done $0x0  }
0x47: {  	[sflag:s16] =	ssyncadd.s32 $0xFFFFF800  }
0x48: {  	s23 =	simm.s32 $0x14000;
	s2 =	simm.s32 $0x0;
	[bflag:$0x0] =	sbarrier.arrive $0xFFFF  }
0x49: {  	[spmem:s3] =	stream.indirect.scatter.add.f32 [tilespmem:s17], [sflag:$0x3], $0x10, s23, s19, $0xb8;
	[tilespmem:$0x16880] =	vst v63  }
0x4a: {  	s6 =	simm.s32 $0x2890;
	s7 =	simm.s32 $0x90;
	s0 =	simm.s32 $0x10  }
0x4b: {  	[spmem:s3] =	stream.indirect.scatter.add.f32 [tilespmem:s17], [sflag:$0x4], $0x10, s23, s19, $0xb8;
	[tilespmem:$0x16880] =	vst v63  }
0x4c: {  	s18 =	simm.s32 $0x5090;
	s20 =	simm.s32 $0x2810;
	s17 =	simm.s32 $0x5010  }
.LBB2_4:
0x4d: {  	s23 =	sshll.u32 s2, $0x8  }
0x4e: {  	s4 =	sadd.s32 $0x5080, s23  }
0x4f: {  	[tilespmem:s24], [sflag:$0x2] =	stream.indirect.gather [hbm4b:s5+s19], $0x10, s4, s19, $0xb8;
	[tilespmem:$0x16880] =	vst v63  }
0x50: {  	_ =	swait.ge [sflag:s25], $0x800  }
0x51: {  	[sflag:s25] =	ssyncset.done $0x0  }
0x52: {  	[sflag:s25] =	ssyncadd.s32 $0xFFFFF800  }
0x53: {  	_ =	swait.ge [sflag:s26], $0x800  }
0x54: {  	[sflag:s26] =	ssyncset.done $0x0  }
0x55: {  	[sflag:s26] =	ssyncadd.s32 $0xFFFFF800  }
0x56: {  	v18 =	vld [tilespmem:s20+$0xFFFFFFF0]  }
0x57: {  	v19 =	vld [tilespmem:s0+$0xFFFFFFF0];
	_ =	sdelay $0x1  }
0x58: {  	v20 =	vld [tilespmem:s17+$0xFFFFFFF0];
	_ =	sdelay $0x2  }
0x59: {  	v19 =	vshll.u32 v19, $0x2;
	v18 =	vshll.u32 v18, $0x2  }
0x5a: {  	v18 =	vor.u32 $0x1, v18  }
0x5b: {  	v20 =	vshll.u32 v20, $0x2  }
0x5c: {  	v22 =	vld [tilespmem:s20+$0x0];
	v20 =	vor.u32 $0x2, v20  }
0x5d: {  	v23 =	vld [tilespmem:s0+$0x0]  }
0x5e: {  	v19 =	vld.idx.msk [tilespmem:v19+s21+$0x0], $0xffff  }
0x5f: {  	v18 =	vld.idx.msk [tilespmem:v18+s21+$0x0], $0xffff  }
0x60: {  	v21 =	vld [tilespmem:s17+$0x0]  }
0x61: {  	v20 =	vld.idx.msk [tilespmem:v20+s21+$0x0], $0xffff  }
0x62: {  	v22 =	vshll.u32 v22, $0x2  }
0x63: {  	v22 =	vor.u32 $0x1, v22  }
0x64: {  	v18 =	vadd.f32 v18, v19;
	v19 =	vshll.u32 v23, $0x2  }
0x65: {  	v21 =	vshll.u32 v21, $0x2  }
0x66: {  	v18 =	vadd.f32 v20, v18;
	v20 =	vor.u32 $0x2, v21;
	_ =	sdelay $0x1  }
0x67: {  	v22 =	vld.idx.msk [tilespmem:v22+s21+$0x0], $0xffff  }
0x68: {  	v21 =	vmul.f32 $2.000000030e-01, v18;
	v19 =	vld.idx.msk [tilespmem:v19+s21+$0x0], $0xffff;
	_ =	sdelay $0x1  }
0x69: {  	v18 =	vmax.f32 v18, v21;
	v20 =	vld.idx.msk [tilespmem:v20+s21+$0x0], $0xffff  }
0x6a: {  	v18 =	vmul.f32 $1.442695020e+00, v18;
	_ =	sdelay $0x1  }
0x6b: {  	(erf) = vpow2.f32 v18;
	v18 =	vadd.f32 v22, v19;
	_ =	sdelay $0x1  }
0x6c: {  	v18 =	vadd.f32 v20, v18;
	_ =	sdelay $0x1  }
0x6d: {  	v19 =	vmul.f32 $2.000000030e-01, v18;
	_ =	sdelay $0x1  }
0x6e: {  	s10 =	simm.s32 $0x11900;
	v18 =	vmax.f32 v18, v19  }
0x6f: {  	v20 =	vld [tilespmem:s10+$0xFFFFFF00]  }
0x70: {  	v19 =	vmul.f32 $1.442695020e+00, v18  }
0x71: {  	v18 =	vpop (erf)  }
0x72: {  	(erf) = vpow2.f32 v19;
	v21 =	vperm.xlane v18, v4;
	_ =	sdelay $0x1  }
0x73: {  	v19 =	vmul.f32 v20, v21  }
0x74: {  	s8 =	simm.s32 $0x12900  }
0x75: {  	[tilespmem:s8+$0xFFFFFF00] =	vst v19  }
0x76: {  	v20 =	vld [tilespmem:s10+$0xFFFFFF10];
	_ =	sdelay $0x1  }
0x77: {  	v22 =	vld [tilespmem:s10+$0x0]  }
0x78: {  	v21 =	vperm.xlane v18, v3  }
0x79: {  	s13 =	sadd.s32 $0x20, s17;
	v19 =	vpop (erf)  }
0x7a: {  	s9 =	sadd.s32 $0x20, s20;
	v24 =	vld [tilespmem:s13+$0xFFFFFFF0];
	v20 =	vmul.f32 v20, v21;
	v21 =	vperm.xlane v19, v4  }
0x7b: {  	s22 =	sadd.s32 $0x20, s0;
	v23 =	vld [tilespmem:s9+$0xFFFFFFF0]  }
0x7c: {  	[tilespmem:s8+$0xFFFFFF10] =	vst v20;
	v20 =	vld [tilespmem:s22+$0xFFFFFFF0];
	v21 =	vmul.f32 v22, v21  }
0x7d: {  	v22 =	vld [tilespmem:s10+$0xFFFFFF20]  }
0x7e: {  	[tilespmem:s8+$0x0] =	vst v21;
	v21 =	vld [tilespmem:s9+$0x0]  }
0x7f: {  	v25 =	vld [tilespmem:s10+$0x10]  }
0x80: {  	v27 =	vld [tilespmem:s22+$0x0];
	v23 =	vshll.u32 v23, $0x2;
	v26 =	vperm.xlane v18, v2  }
0x81: {  	v28 =	vld [tilespmem:s13+$0x0];
	v24 =	vshll.u32 v24, $0x2;
	v23 =	vor.u32 $0x1, v23  }
0x82: {  	v20 =	vshll.u32 v20, $0x2;
	v22 =	vmul.f32 v22, v26;
	v26 =	vperm.xlane v19, v3  }
0x83: {  	v24 =	vor.u32 $0x2, v24  }
0x84: {  	v21 =	vshll.u32 v21, $0x2;
	[tilespmem:s8+$0xFFFFFF20] =	vst v22;
	v22 =	vmul.f32 v25, v26  }
0x85: {  	v21 =	vor.u32 $0x1, v21;
	v25 =	vld [tilespmem:s10+$0xFFFFFF30]  }
0x86: {  	v23 =	vld.idx.msk [tilespmem:v23+s21+$0x0], $0xffff;
	v26 =	vshll.u32 v27, $0x2;
	[tilespmem:s8+$0x10] =	vst v22;
	v22 =	vshll.u32 v28, $0x2  }
0x87: {  	v20 =	vld.idx.msk [tilespmem:v20+s21+$0x0], $0xffff;
	v22 =	vor.u32 $0x2, v22  }
0x88: {  	v24 =	vld.idx.msk [tilespmem:v24+s21+$0x0], $0xffff;
	v28 =	vperm.xlane v18, v5  }
0x89: {  	v27 =	vld [tilespmem:s10+$0x20]  }
0x8a: {  	v21 =	vld.idx.msk [tilespmem:v21+s21+$0x0], $0xffff;
	v25 =	vmul.f32 v25, v28  }
0x8b: {  	v26 =	vld.idx.msk [tilespmem:v26+s21+$0x0], $0xffff  }
0x8c: {  	v20 =	vadd.f32 v23, v20;
	[tilespmem:s8+$0xFFFFFF30] =	vst v25;
	v22 =	vld.idx.msk [tilespmem:v22+s21+$0x0], $0xffff  }
0x8d: {  	v23 =	vperm.xlane v19, v2;
	v25 =	vld [tilespmem:s10+$0xFFFFFF40]  }
0x8e: {  	v20 =	vadd.f32 v24, v20  }
0x8f: {  	v23 =	vmul.f32 v27, v23  }
0x90: {  	v21 =	vadd.f32 v21, v26;
	v26 =	vperm.xlane v18, v6;
	v24 =	vmul.f32 $2.000000030e-01, v20  }
0x91: {  	[tilespmem:s8+$0x20] =	vst v23  }
0x92: {  	v23 =	vld [tilespmem:s10+$0x30];
	v20 =	vmax.f32 v20, v24;
	v21 =	vadd.f32 v22, v21;
	v22 =	vmul.f32 v25, v26  }
0x93: {  	v20 =	vmul.f32 $1.442695020e+00, v20  }
0x94: {  	v24 =	vmul.f32 $2.000000030e-01, v21;
	[tilespmem:s8+$0xFFFFFF40] =	vst v22  }
0x95: {  	(erf) = vpow2.f32 v20;
	v22 =	vperm.xlane v19, v5;
	v20 =	vld [tilespmem:s10+$0xFFFFFF50];
	_ =	sdelay $0x1  }
0x96: {  	v21 =	vmax.f32 v21, v24;
	v22 =	vmul.f32 v23, v22  }
0x97: {  	v21 =	vmul.f32 $1.442695020e+00, v21;
	v23 =	vperm.xlane v18, v7  }
0x98: {  	[tilespmem:s8+$0x30] =	vst v22  }
0x99: {  	(erf) = vpow2.f32 v21;
	v21 =	vld [tilespmem:s10+$0x40];
	v20 =	vmul.f32 v20, v23  }
0x9a: {  	s12 =	simm.s32 $0x11B00  }
0x9b: {  	v22 =	vld [tilespmem:s12+$0xFFFFFF00]  }
0x9c: {  	v24 =	vperm.xlane v19, v6;
	[tilespmem:s8+$0xFFFFFF50] =	vst v20  }
0x9d: {  	v23 =	vld [tilespmem:s10+$0xFFFFFF60];
	v20 =	vpop (erf)  }
0x9e: {  	v21 =	vmul.f32 v21, v24;
	v25 =	vperm.xlane v20, v4;
	_ =	sdelay $0x1  }
0x9f: {  	v26 =	vperm.xlane v18, v8;
	v24 =	vld [tilespmem:s12+$0x0];
	v22 =	vmul.f32 v22, v25  }
0xa0: {  	s11 =	simm.s32 $0x12B00;
	[tilespmem:s8+$0x40] =	vst v21  }
0xa1: {  	v25 =	vld [tilespmem:s10+$0x50];
	v21 =	vpop (erf);
	v23 =	vmul.f32 v23, v26;
	[tilespmem:s11+$0xFFFFFF00] =	vst v22  }
0xa2: {  	v22 =	vperm.xlane v21, v4;
	v26 =	vld [tilespmem:s12+$0xFFFFFF10]  }
0xa3: {  	[tilespmem:s8+$0xFFFFFF60] =	vst v23  }
0xa4: {  	s22 =	sadd.s32 $0x20, s22;
	v23 =	vperm.xlane v19, v7;
	v22 =	vmul.f32 v24, v22;
	v24 =	vld [tilespmem:s10+$0xFFFFFF70]  }
0xa5: {  	s15 =	sadd.s32 $0x20, s9;
	v29 =	vld [tilespmem:s22+$0xFFFFFFF0];
	v27 =	vperm.xlane v20, v3  }
0xa6: {  	v28 =	vld [tilespmem:s15+$0xFFFFFFF0];
	[tilespmem:s11+$0x0] =	vst v22;
	v22 =	vmul.f32 v25, v23  }
0xa7: {  	s9 =	sadd.s32 $0x20, s13;
	v25 =	vperm.xlane v18, v9;
	v23 =	vld [tilespmem:s12+$0x10];
	v26 =	vmul.f32 v26, v27  }
0xa8: {  	v27 =	vld [tilespmem:s9+$0xFFFFFFF0];
	[tilespmem:s8+$0x50] =	vst v22  }
0xa9: {  	v22 =	vmul.f32 v24, v25;
	v24 =	vld [tilespmem:s10+$0x60];
	[tilespmem:s11+$0xFFFFFF10] =	vst v26  }
0xaa: {  	v25 =	vld [tilespmem:s12+$0xFFFFFF20]  }
0xab: {  	v29 =	vshll.u32 v29, $0x2;
	v28 =	vshll.u32 v28, $0x2;
	v26 =	vperm.xlane v21, v3;
	[tilespmem:s8+$0xFFFFFF70] =	vst v22;
	v22 =	vld [tilespmem:s15+$0x0]  }
0xac: {  	v30 =	vperm.xlane v19, v8;
	v28 =	vor.u32 $0x1, v28;
	v31 =	vld [tilespmem:s10+$0xFFFFFF80]  }
0xad: {  	v32 =	vld [tilespmem:s9+$0x0];
	v23 =	vmul.f32 v23, v26;
	v26 =	vperm.xlane v20, v2  }
0xae: {  	v24 =	vmul.f32 v24, v30  }
0xaf: {  	[tilespmem:s11+$0x10] =	vst v23;
	v23 =	vld [tilespmem:s22+$0x0];
	v25 =	vmul.f32 v25, v26;
	v26 =	vperm.xlane v18, v10  }
0xb0: {  	v29 =	vld.idx.msk [tilespmem:v29+s21+$0x0], $0xffff;
	v22 =	vshll.u32 v22, $0x2;
	[tilespmem:s8+$0x60] =	vst v24  }
0xb1: {  	v28 =	vld.idx.msk [tilespmem:v28+s21+$0x0], $0xffff;
	v24 =	vshll.u32 v27, $0x2;
	v22 =	vor.u32 $0x1, v22;
	[tilespmem:s11+$0xFFFFFF20] =	vst v25;
	v25 =	vmul.f32 v31, v26  }
0xb2: {  	v27 =	vshll.u32 v32, $0x2;
	v24 =	vor.u32 $0x2, v24;
	v26 =	vld [tilespmem:s10+$0x70]  }
0xb3: {  	v27 =	vor.u32 $0x2, v27;
	v31 =	vld [tilespmem:s12+$0xFFFFFF30];
	[tilespmem:s8+$0xFFFFFF80] =	vst v25  }
0xb4: {  	v23 =	vshll.u32 v23, $0x2;
	v25 =	vld [tilespmem:s10+$0xFFFFFF90]  }
0xb5: {  	v59 =	vperm.xlane v19, v9;
	v30 =	vld [tilespmem:s12+$0x20]  }
0xb6: {  	v33 =	vperm.xlane v20, v5;
	v22 =	vld.idx.msk [tilespmem:v22+s21+$0x0], $0xffff  }
0xb7: {  	v60 =	vperm.xlane v18, v11;
	v24 =	vld.idx.msk [tilespmem:v24+s21+$0x0], $0xffff;
	v26 =	vmul.f32 v26, v59  }
0xb8: {  	v27 =	vld.idx.msk [tilespmem:v27+s21+$0x0], $0xffff;
	v31 =	vmul.f32 v31, v33  }
0xb9: {  	v23 =	vld.idx.msk [tilespmem:v23+s21+$0x0], $0xffff;
	[tilespmem:s8+$0x70] =	vst v26;
	v25 =	vmul.f32 v25, v60  }
0xba: {  	v28 =	vadd.f32 v28, v29;
	v61 =	vperm.xlane v21, v2;
	v26 =	vld [tilespmem:s10+$0x80];
	[tilespmem:s11+$0xFFFFFF30] =	vst v31  }
0xbb: {  	[tilespmem:s8+$0xFFFFFF90] =	vst v25;
	v25 =	vld [tilespmem:s12+$0xFFFFFF40]  }
0xbc: {  	v24 =	vadd.f32 v24, v28;
	v28 =	vmul.f32 v30, v61;
	v30 =	vld [tilespmem:s10+$0xFFFFFFA0]  }
0xbd: {  	v29 =	vperm.xlane v19, v10  }
0xbe: {  	v31 =	vperm.xlane v20, v6;
	[tilespmem:s11+$0x20] =	vst v28;
	v28 =	vperm.xlane v18, v12  }
0xbf: {  	v22 =	vadd.f32 v22, v23;
	v23 =	vld [tilespmem:s12+$0x30];
	v26 =	vmul.f32 v26, v29;
	v29 =	vmul.f32 $2.000000030e-01, v24  }
0xc0: {  	v25 =	vmul.f32 v25, v31  }
0xc1: {  	v22 =	vadd.f32 v27, v22;
	[tilespmem:s8+$0x80] =	vst v26;
	v24 =	vmax.f32 v24, v29;
	v27 =	vmul.f32 v30, v28  }
0xc2: {  	v26 =	vld [tilespmem:s10+$0x90];
	v24 =	vmul.f32 $1.442695020e+00, v24;
	[tilespmem:s11+$0xFFFFFF40] =	vst v25;
	v25 =	vperm.xlane v21, v5  }
0xc3: {  	v29 =	vmul.f32 $2.000000030e-01, v22;
	[tilespmem:s8+$0xFFFFFFA0] =	vst v27  }
0xc4: {  	(erf) = vpow2.f32 v24;
	v23 =	vmul.f32 v23, v25;
	v25 =	vld [tilespmem:s10+$0xFFFFFFB0]  }
0xc5: {  	v22 =	vmax.f32 v22, v29;
	v28 =	vld [tilespmem:s12+$0xFFFFFF50];
	v24 =	vperm.xlane v19, v11  }
0xc6: {  	v22 =	vmul.f32 $1.442695020e+00, v22  }
0xc7: {  	v24 =	vmul.f32 v26, v24;
	v26 =	vperm.xlane v18, v13  }
0xc8: {  	v27 =	vperm.xlane v20, v7;
	[tilespmem:s11+$0x30] =	vst v23  }
0xc9: {  	(erf) = vpow2.f32 v22;
	v23 =	vld [tilespmem:s12+$0x40];
	[tilespmem:s8+$0x90] =	vst v24;
	v22 =	vmul.f32 v25, v26  }
0xca: {  	s13 =	simm.s32 $0x11D00;
	v27 =	vmul.f32 v28, v27;
	v24 =	vld [tilespmem:s10+$0xA0]  }
0xcb: {  	v25 =	vld [tilespmem:s13+$0xFFFFFF00]  }
0xcc: {  	v26 =	vperm.xlane v21, v6;
	[tilespmem:s11+$0xFFFFFF50] =	vst v27  }
0xcd: {  	v28 =	vperm.xlane v19, v12;
	[tilespmem:s8+$0xFFFFFFB0] =	vst v22;
	v22 =	vpop (erf)  }
0xce: {  	v27 =	vld [tilespmem:s12+$0xFFFFFF60];
	v23 =	vmul.f32 v23, v26;
	v29 =	vperm.xlane v22, v4  }
0xcf: {  	v26 =	vld [tilespmem:s10+$0xFFFFFFC0]  }
0xd0: {  	v24 =	vmul.f32 v24, v28;
	[tilespmem:s11+$0x40] =	vst v23;
	v23 =	vmul.f32 v25, v29  }
0xd1: {  	v30 =	vperm.xlane v20, v8;
	v28 =	vld [tilespmem:s13+$0x0]  }
0xd2: {  	v31 =	vperm.xlane v18, v14;
	v62 =	vld [tilespmem:s12+$0x50];
	[tilespmem:s8+$0xA0] =	vst v24  }
0xd3: {  	s14 =	simm.s32 $0x12D00;
	v27 =	vmul.f32 v27, v30;
	v25 =	vld [tilespmem:s10+$0xB0]  }
0xd4: {  	v24 =	vmul.f32 v26, v31;
	[tilespmem:s14+$0xFFFFFF00] =	vst v23;
	v23 =	vpop (erf)  }
0xd5: {  	v63 =	vperm.xlane v21, v7;
	[tilespmem:s11+$0xFFFFFF60] =	vst v27;
	v30 =	vld [tilespmem:s13+$0xFFFFFF10];
	v31 =	vperm.xlane v23, v4  }
0xd6: {  	s23 =	sor.u32 $0x80, s23;
	v29 =	vperm.xlane v22, v3;
	v26 =	vperm.xlane v19, v13;
	v27 =	vld [tilespmem:s12+$0xFFFFFF70];
	[tilespmem:s8+$0xFFFFFFC0] =	vst v24  }
0xd7: {  	s4 =	simm.s32 $0x4;
	s9 =	sadd.s32 $0x20, s9;
	s22 =	sadd.s32 $0x20, s22;
	v24 =	vld [tilespmem:s10+$0xFFFFFFD0];
	v31 =	vmul.f32 v28, v31;
	v28 =	vmul.f32 v62, v63  }
.LBB2_5:
0xd8: {  	s4 =	sadd.s32 $0x2, s4;
	s15 =	sadd.s32 $0x20, s15;
	v25 =	vmul.f32 v25, v26  }
0xd9: {  	v26 =	vld [tilespmem:s15+$0xFFFFFFF0];
	p0 =	slt.u32 s4, $0x6;
	[tilespmem:s14+$0x0] =	vst v31;
	v31 =	vperm.xlane v20, v9  }
0xda: {  	v32 =	vperm.xlane v18, v15;
	v29 =	vmul.f32 v30, v29;
	v30 =	vld [tilespmem:s13+$0x10];
	[tilespmem:s8+$0xB0] =	vst v25  }
0xdb: {  	v25 =	vmul.f32 v27, v31;
	v27 =	vld [tilespmem:s10+$0xC0]  }
0xdc: {  	v31 =	vld [tilespmem:s9+$0xFFFFFFF0];
	[tilespmem:s14+$0xFFFFFF10] =	vst v29;
	v24 =	vmul.f32 v24, v32  }
0xdd: {  	v32 =	vperm.xlane v23, v3;
	v29 =	vld [tilespmem:s22+$0xFFFFFFF0];
	[tilespmem:s11+$0xFFFFFF70] =	vst v25  }
0xde: {  	v25 =	vld [tilespmem:s9+$0x0];
	[tilespmem:s8+$0xFFFFFFD0] =	vst v24;
	v24 =	vperm.xlane v19, v14  }
0xdf: {  	v33 =	vld [tilespmem:s13+$0xFFFFFF20];
	v30 =	vmul.f32 v30, v32  }
0xe0: {  	v32 =	vld [tilespmem:s15+$0x0];
	[tilespmem:s11+$0x50] =	vst v28;
	v24 =	vmul.f32 v27, v24  }
0xe1: {  	v27 =	vperm.xlane v21, v8;
	[tilespmem:s14+$0x10] =	vst v30;
	v28 =	vld [tilespmem:s12+$0x60]  }
0xe2: {  	v30 =	vshll.u32 v31, $0x2;
	v31 =	vperm.xlane v22, v2;
	v29 =	vshll.u32 v29, $0x2;
	v34 =	vld [tilespmem:s12+$0xFFFFFF80];
	[tilespmem:s8+$0xC0] =	vst v24  }
0xe3: {  	v35 =	vperm.xlane v23, v2;
	v24 =	vor.u32 $0x2, v30;
	v30 =	vld [tilespmem:s22+$0x0];
	v25 =	vshll.u32 v25, $0x2  }
0xe4: {  	v26 =	vshll.u32 v26, $0x2;
	v25 =	vor.u32 $0x2, v25;
	v31 =	vmul.f32 v33, v31;
	v33 =	vld [tilespmem:s10+$0xD0]  }
0xe5: {  	v36 =	vperm.xlane v20, v10;
	v26 =	vor.u32 $0x1, v26;
	v32 =	vshll.u32 v32, $0x2;
	v37 =	vld [tilespmem:s10+$0xFFFFFFE0]  }
0xe6: {  	v32 =	vor.u32 $0x1, v32;
	[tilespmem:s14+$0xFFFFFF20] =	vst v31;
	v31 =	vld [tilespmem:s13+$0x20];
	v27 =	vmul.f32 v28, v27  }
0xe7: {  	v28 =	vld [tilespmem:s13+$0xFFFFFF30];
	v34 =	vmul.f32 v34, v36;
	v36 =	vperm.xlane v19, v15  }
0xe8: {  	v29 =	vld.idx.msk [tilespmem:v29+s21+$0x0], $0xffff;
	[tilespmem:s11+$0x60] =	vst v27;
	v27 =	vperm.xlane v18, v16  }
0xe9: {  	v30 =	vshll.u32 v30, $0x2;
	[tilespmem:s11+$0xFFFFFF80] =	vst v34;
	v34 =	vld [tilespmem:s12+$0x70];
	v33 =	vmul.f32 v33, v36  }
0xea: {  	v36 =	vperm.xlane v22, v5;
	v38 =	vld [tilespmem:s12+$0xFFFFFF90];
	v27 =	vmul.f32 v37, v27  }
0xeb: {  	v32 =	vld.idx.msk [tilespmem:v32+s21+$0x0], $0xffff;
	[tilespmem:s8+$0xD0] =	vst v33  }
0xec: {  	v33 =	vperm.xlane v21, v9;
	v28 =	vmul.f32 v28, v36;
	[tilespmem:s8+$0xFFFFFFE0] =	vst v27;
	v27 =	vld [tilespmem:s10+$0xE0]  }
0xed: {  	v36 =	vperm.xlane v20, v11;
	v26 =	vld.idx.msk [tilespmem:v26+s21+$0x0], $0xffff  }
0xee: {  	v24 =	vld.idx.msk [tilespmem:v24+s21+$0x0], $0xffff;
	[tilespmem:s14+$0xFFFFFF30] =	vst v28;
	v28 =	vmul.f32 v34, v33  }
0xef: {  	v34 =	vperm.xlane v19, v16;
	v25 =	vld.idx.msk [tilespmem:v25+s21+$0x0], $0xffff;
	v33 =	vmul.f32 v38, v36  }
0xf0: {  	[tilespmem:s11+$0x70] =	vst v28;
	v28 =	vld [tilespmem:s10+$0xFFFFFFF0]  }
0xf1: {  	[tilespmem:s11+$0xFFFFFF90] =	vst v33;
	v33 =	vld [tilespmem:s12+$0x80];
	v27 =	vmul.f32 v27, v34  }
0xf2: {  	v30 =	vld.idx.msk [tilespmem:v30+s21+$0x0], $0xffff  }
0xf3: {  	v34 =	vperm.xlane v18, v17;
	v18 =	vmovc v20;
	v20 =	vmov v22;
	v26 =	vadd.f32 v26, v29;
	v29 =	vld [tilespmem:s13+$0xFFFFFF40];
	[tilespmem:s8+$0xE0] =	vst v27  }
0xf4: {  	v22 =	vperm.xlane v21, v10;
	v27 =	vld [tilespmem:s10+$0xF0];
	s10 =	smov.u32 s12;
	s12 =	smov.u32 s13  }
0xf5: {  	v24 =	vadd.f32 v24, v26;
	v26 =	vmul.f32 v31, v35;
	v31 =	vld [tilespmem:s10+$0xFFFFFFA0];
	v28 =	vmul.f32 v28, v34  }
0xf6: {  	v34 =	vperm.xlane v20, v6;
	v22 =	vmul.f32 v33, v22  }
0xf7: {  	v33 =	vmul.f32 $2.000000030e-01, v24;
	[tilespmem:s14+$0x20] =	vst v26;
	v26 =	vperm.xlane v19, v17;
	v19 =	vmovc v21;
	v21 =	vmov v23  }
0xf8: {  	v23 =	vadd.f32 v32, v30;
	v32 =	vperm.xlane v18, v12;
	v29 =	vmul.f32 v29, v34;
	v30 =	vld [tilespmem:s13+$0x30];
	[tilespmem:s11+$0x80] =	vst v22  }
0xf9: {  	v22 =	vmax.f32 v24, v33;
	v24 =	vld [tilespmem:s10+$0x90];
	[tilespmem:s8+$0xFFFFFFF0] =	vst v28;
	v26 =	vmul.f32 v27, v26  }
0xfa: {  	s13 =	sadd.s32 $0x200, s13;
	v22 =	vmul.f32 $1.442695020e+00, v22;
	v23 =	vadd.f32 v25, v23;
	[tilespmem:s14+$0xFFFFFF40] =	vst v29;
	v25 =	vmul.f32 v31, v32  }
0xfb: {  	v28 =	vperm.xlane v21, v5;
	v29 =	vperm.xlane v19, v11;
	v27 =	vld [tilespmem:s12+$0xFFFFFF50];
	[tilespmem:s8+$0xF0] =	vst v26;
	s8 =	smov.u32 s11;
	s11 =	smov.u32 s14  }
0xfc: {  	v26 =	vmul.f32 $2.000000030e-01, v23;
	(erf) = vpow2.f32 v22;
	[tilespmem:s8+$0xFFFFFFA0] =	vst v25  }
0xfd: {  	v22 =	vmul.f32 v30, v28;
	v25 =	vld [tilespmem:s10+$0xFFFFFFB0]  }
0xfe: {  	v23 =	vmax.f32 v23, v26;
	v26 =	vperm.xlane v20, v7;
	v24 =	vmul.f32 v24, v29  }
0xff: {  	v23 =	vmul.f32 $1.442695020e+00, v23;
	[tilespmem:s14+$0x30] =	vst v22  }
0x100: {  	v22 =	vmul.f32 v27, v26;
	v26 =	vld [tilespmem:s12+$0x40];
	v27 =	vperm.xlane v18, v13;
	[tilespmem:s8+$0x90] =	vst v24  }
0x101: {  	s14 =	sadd.s32 $0x200, s14;
	(erf) = vpow2.f32 v23;
	v23 =	vld [tilespmem:s10+$0xA0]  }
0x102: {  	v24 =	vld [tilespmem:s13+$0xFFFFFF00];
	[tilespmem:s11+$0xFFFFFF50] =	vst v22;
	v29 =	vmul.f32 v25, v27  }
0x103: {  	v27 =	vperm.xlane v21, v6;
	v25 =	vld [tilespmem:s12+$0xFFFFFF60]  }
0x104: {  	v28 =	vperm.xlane v19, v12;
	[tilespmem:s8+$0xFFFFFFB0] =	vst v29  }
0x105: {  	v30 =	vperm.xlane v20, v8;
	v22 =	vpop (erf);
	v26 =	vmul.f32 v26, v27;
	v27 =	vld [tilespmem:s10+$0xFFFFFFC0]  }
0x106: {  	v31 =	vperm.xlane v22, v4;
	v23 =	vmul.f32 v23, v28  }
0x107: {  	v29 =	vperm.xlane v22, v3;
	v28 =	vld [tilespmem:s13+$0x0];
	[tilespmem:s11+$0x40] =	vst v26;
	v26 =	vperm.xlane v18, v14  }
0x108: {  	v24 =	vmul.f32 v24, v31;
	v31 =	vmul.f32 v25, v30;
	v32 =	vld [tilespmem:s12+$0x50];
	[tilespmem:s8+$0xA0] =	vst v23  }
.Ltmp1:
0x109: {  	v25 =	vld [tilespmem:s10+$0xB0];
	(pc) =	sbr.rel @p0 .LBB2_5-.Ltmp1, $4  }
0x10a: {  	[tilespmem:s14+$0xFFFFFF00] =	vst v24;
	v23 =	vpop (erf);
	v24 =	vmul.f32 v27, v26  }
0x10b: {  	v34 =	vperm.xlane v21, v7;
	v30 =	vld [tilespmem:s13+$0xFFFFFF10];
	v33 =	vperm.xlane v23, v4;
	[tilespmem:s11+$0xFFFFFF60] =	vst v31  }
0x10c: {  	v26 =	vperm.xlane v19, v13;
	v27 =	vld [tilespmem:s12+$0xFFFFFF70];
	[tilespmem:s8+$0xFFFFFFC0] =	vst v24  }
0x10d: {  	s9 =	sadd.s32 $0x20, s9;
	s22 =	sadd.s32 $0x20, s22;
	v31 =	vmul.f32 v28, v33;
	v28 =	vmul.f32 v32, v34;
	v24 =	vld [tilespmem:s10+$0xFFFFFFD0]  }
0x10e: {  	_ = 	snop  }
0x10f: {  	[tilespmem:s14+$0x0] =	vst v31  }
0x110: {  	v31 =	vld [tilespmem:s13+$0x10];
	_ =	sdelay $0x2  }
0x111: {  	v32 =	vperm.xlane v23, v3  }
0x112: {  	v29 =	vmul.f32 v30, v29  }
0x113: {  	v30 =	vmul.f32 v31, v32  }
0x114: {  	[tilespmem:s14+$0xFFFFFF10] =	vst v29  }
0x115: {  	v29 =	vld [tilespmem:s13+$0xFFFFFF20];
	[tilespmem:s14+$0x10] =	vst v30  }
0x116: {  	v30 =	vld [tilespmem:s13+$0x20];
	_ =	sdelay $0x1  }
0x117: {  	v31 =	vperm.xlane v22, v2  }
0x118: {  	v45 =	vperm.xlane v23, v2  }
0x119: {  	v29 =	vmul.f32 v29, v31  }
0x11a: {  	v30 =	vmul.f32 v30, v45  }
0x11b: {  	[tilespmem:s14+$0xFFFFFF20] =	vst v29  }
0x11c: {  	v29 =	vld [tilespmem:s13+$0xFFFFFF30];
	[tilespmem:s14+$0x20] =	vst v30  }
0x11d: {  	v30 =	vld [tilespmem:s13+$0x30];
	_ =	sdelay $0x1  }
0x11e: {  	v31 =	vperm.xlane v22, v5  }
0x11f: {  	v46 =	vperm.xlane v23, v5  }
0x120: {  	v29 =	vmul.f32 v29, v31  }
0x121: {  	v30 =	vmul.f32 v30, v46  }
0x122: {  	[tilespmem:s14+$0xFFFFFF30] =	vst v29  }
0x123: {  	v29 =	vld [tilespmem:s13+$0xFFFFFF40];
	[tilespmem:s14+$0x30] =	vst v30  }
0x124: {  	v30 =	vld [tilespmem:s13+$0x40];
	_ =	sdelay $0x1  }
0x125: {  	v31 =	vperm.xlane v22, v6  }
0x126: {  	v47 =	vperm.xlane v23, v6  }
0x127: {  	v29 =	vmul.f32 v29, v31  }
0x128: {  	v30 =	vmul.f32 v30, v47  }
0x129: {  	[tilespmem:s14+$0xFFFFFF40] =	vst v29  }
0x12a: {  	v29 =	vld [tilespmem:s13+$0xFFFFFF50];
	[tilespmem:s14+$0x40] =	vst v30  }
0x12b: {  	v30 =	vld [tilespmem:s13+$0x50];
	_ =	sdelay $0x1  }
0x12c: {  	v31 =	vperm.xlane v22, v7  }
0x12d: {  	v48 =	vperm.xlane v23, v7  }
0x12e: {  	v29 =	vmul.f32 v29, v31  }
0x12f: {  	[tilespmem:s11+$0x50] =	vst v28;
	v28 =	vmul.f32 v30, v48  }
0x130: {  	[tilespmem:s14+$0xFFFFFF50] =	vst v29;
	v30 =	vld [tilespmem:s12+$0x60]  }
0x131: {  	v29 =	vld [tilespmem:s13+$0xFFFFFF60];
	[tilespmem:s14+$0x50] =	vst v28  }
0x132: {  	v28 =	vld [tilespmem:s13+$0x60]  }
0x133: {  	v31 =	vperm.xlane v21, v8  }
0x134: {  	v49 =	vperm.xlane v22, v8  }
0x135: {  	v30 =	vmul.f32 v30, v31;
	v31 =	vperm.xlane v23, v8  }
0x136: {  	v29 =	vmul.f32 v29, v49  }
0x137: {  	[tilespmem:s11+$0x60] =	vst v30;
	v28 =	vmul.f32 v28, v31  }
0x138: {  	[tilespmem:s14+$0xFFFFFF60] =	vst v29;
	v30 =	vld [tilespmem:s12+$0x70]  }
0x139: {  	v29 =	vld [tilespmem:s13+$0xFFFFFF70];
	[tilespmem:s14+$0x60] =	vst v28  }
0x13a: {  	v28 =	vperm.xlane v20, v9;
	v31 =	vld [tilespmem:s13+$0x70]  }
0x13b: {  	v50 =	vperm.xlane v21, v9  }
0x13c: {  	v27 =	vmul.f32 v27, v28;
	v28 =	vperm.xlane v22, v9  }
0x13d: {  	v51 =	vperm.xlane v23, v9;
	v30 =	vmul.f32 v30, v50  }
0x13e: {  	[tilespmem:s11+$0xFFFFFF70] =	vst v27;
	v27 =	vmul.f32 v29, v28  }
0x13f: {  	v28 =	vld [tilespmem:s12+$0xFFFFFF80];
	[tilespmem:s11+$0x70] =	vst v30;
	v29 =	vmul.f32 v31, v51  }
0x140: {  	v30 =	vld [tilespmem:s12+$0x80];
	[tilespmem:s14+$0xFFFFFF70] =	vst v27  }
0x141: {  	v27 =	vld [tilespmem:s13+$0xFFFFFF80];
	[tilespmem:s14+$0x70] =	vst v29  }
0x142: {  	v29 =	vperm.xlane v20, v10;
	v31 =	vld [tilespmem:s13+$0x80]  }
0x143: {  	v52 =	vperm.xlane v21, v10  }
0x144: {  	v28 =	vmul.f32 v28, v29;
	v29 =	vperm.xlane v22, v10  }
0x145: {  	v53 =	vperm.xlane v23, v10;
	v30 =	vmul.f32 v30, v52  }
0x146: {  	[tilespmem:s11+$0xFFFFFF80] =	vst v28;
	v27 =	vmul.f32 v27, v29  }
0x147: {  	v28 =	vld [tilespmem:s12+$0xFFFFFF90];
	[tilespmem:s11+$0x80] =	vst v30;
	v29 =	vmul.f32 v31, v53  }
0x148: {  	v30 =	vld [tilespmem:s12+$0x90];
	[tilespmem:s14+$0xFFFFFF80] =	vst v27  }
0x149: {  	v27 =	vld [tilespmem:s13+$0xFFFFFF90];
	[tilespmem:s14+$0x80] =	vst v29  }
0x14a: {  	v29 =	vperm.xlane v20, v11;
	v31 =	vld [tilespmem:s13+$0x90]  }
0x14b: {  	v54 =	vperm.xlane v21, v11  }
0x14c: {  	v28 =	vmul.f32 v28, v29;
	v29 =	vperm.xlane v22, v11  }
0x14d: {  	v55 =	vperm.xlane v23, v11;
	v30 =	vmul.f32 v30, v54  }
0x14e: {  	[tilespmem:s11+$0xFFFFFF90] =	vst v28;
	v27 =	vmul.f32 v27, v29  }
0x14f: {  	v28 =	vld [tilespmem:s12+$0xFFFFFFA0];
	[tilespmem:s11+$0x90] =	vst v30;
	v29 =	vmul.f32 v31, v55  }
0x150: {  	v30 =	vld [tilespmem:s12+$0xA0];
	[tilespmem:s14+$0xFFFFFF90] =	vst v27  }
0x151: {  	v27 =	vld [tilespmem:s13+$0xFFFFFFA0];
	[tilespmem:s14+$0x90] =	vst v29  }
0x152: {  	v29 =	vperm.xlane v20, v12;
	v31 =	vld [tilespmem:s13+$0xA0]  }
0x153: {  	v56 =	vperm.xlane v21, v12  }
0x154: {  	v28 =	vmul.f32 v28, v29;
	v29 =	vperm.xlane v22, v12  }
0x155: {  	v57 =	vperm.xlane v23, v12;
	v30 =	vmul.f32 v30, v56  }
0x156: {  	[tilespmem:s11+$0xFFFFFFA0] =	vst v28;
	v27 =	vmul.f32 v27, v29  }
0x157: {  	v28 =	vld [tilespmem:s12+$0xFFFFFFB0];
	[tilespmem:s11+$0xA0] =	vst v30;
	v29 =	vmul.f32 v31, v57  }
0x158: {  	v30 =	vld [tilespmem:s12+$0xB0];
	[tilespmem:s14+$0xFFFFFFA0] =	vst v27  }
0x159: {  	v27 =	vld [tilespmem:s13+$0xFFFFFFB0];
	[tilespmem:s14+$0xA0] =	vst v29  }
0x15a: {  	v29 =	vperm.xlane v20, v13;
	v31 =	vld [tilespmem:s13+$0xB0]  }
0x15b: {  	v25 =	vmul.f32 v25, v26;
	v26 =	vperm.xlane v21, v13  }
0x15c: {  	v28 =	vmul.f32 v28, v29;
	v29 =	vperm.xlane v22, v13  }
0x15d: {  	[tilespmem:s8+$0xB0] =	vst v25;
	v25 =	vmul.f32 v30, v26;
	v26 =	vperm.xlane v23, v13  }
0x15e: {  	v30 =	vld [tilespmem:s10+$0xC0];
	[tilespmem:s11+$0xFFFFFFB0] =	vst v28;
	v27 =	vmul.f32 v27, v29  }
0x15f: {  	v28 =	vld [tilespmem:s12+$0xFFFFFFC0];
	[tilespmem:s11+$0xB0] =	vst v25;
	v25 =	vmul.f32 v31, v26  }
0x160: {  	v26 =	vld [tilespmem:s12+$0xC0];
	[tilespmem:s14+$0xFFFFFFB0] =	vst v27  }
0x161: {  	v27 =	vperm.xlane v19, v14;
	v29 =	vld [tilespmem:s13+$0xFFFFFFC0];
	[tilespmem:s14+$0xB0] =	vst v25  }
0x162: {  	v25 =	vperm.xlane v20, v14;
	v31 =	vld [tilespmem:s13+$0xC0]  }
0x163: {  	v27 =	vmul.f32 v30, v27;
	v30 =	vperm.xlane v21, v14  }
0x164: {  	v25 =	vmul.f32 v28, v25;
	v28 =	vperm.xlane v22, v14  }
0x165: {  	[tilespmem:s8+$0xC0] =	vst v27;
	v27 =	vperm.xlane v23, v14;
	v26 =	vmul.f32 v26, v30  }
0x166: {  	v30 =	vld [tilespmem:s10+$0xD0];
	[tilespmem:s11+$0xFFFFFFC0] =	vst v25;
	v25 =	vmul.f32 v29, v28  }
0x167: {  	v28 =	vld [tilespmem:s12+$0xFFFFFFD0];
	[tilespmem:s11+$0xC0] =	vst v26;
	v26 =	vmul.f32 v31, v27  }
0x168: {  	v27 =	vperm.xlane v18, v15;
	v29 =	vld [tilespmem:s12+$0xD0];
	[tilespmem:s14+$0xFFFFFFC0] =	vst v25  }
0x169: {  	v25 =	vperm.xlane v19, v15;
	v31 =	vld [tilespmem:s13+$0xFFFFFFD0];
	[tilespmem:s14+$0xC0] =	vst v26  }
0x16a: {  	v24 =	vmul.f32 v24, v27;
	v26 =	vperm.xlane v20, v15;
	v27 =	vld [tilespmem:s13+$0xD0]  }
0x16b: {  	v25 =	vmul.f32 v30, v25;
	v30 =	vperm.xlane v21, v15  }
0x16c: {  	[tilespmem:s8+$0xFFFFFFD0] =	vst v24;
	v24 =	vmul.f32 v28, v26;
	v26 =	vperm.xlane v22, v15  }
0x16d: {  	[tilespmem:s8+$0xD0] =	vst v25;
	v28 =	vld [tilespmem:s10+$0xFFFFFFE0];
	v25 =	vmul.f32 v29, v30;
	v29 =	vperm.xlane v23, v15  }
0x16e: {  	v30 =	vld [tilespmem:s10+$0xE0];
	[tilespmem:s11+$0xFFFFFFD0] =	vst v24;
	v24 =	vmul.f32 v31, v26  }
0x16f: {  	v26 =	vld [tilespmem:s12+$0xFFFFFFE0];
	[tilespmem:s11+$0xD0] =	vst v25;
	v25 =	vmul.f32 v27, v29  }
0x170: {  	v27 =	vperm.xlane v18, v16;
	v29 =	vld [tilespmem:s12+$0xE0];
	[tilespmem:s14+$0xFFFFFFD0] =	vst v24  }
0x171: {  	v24 =	vperm.xlane v19, v16;
	v31 =	vld [tilespmem:s13+$0xFFFFFFE0];
	[tilespmem:s14+$0xD0] =	vst v25  }
0x172: {  	v25 =	vmul.f32 v28, v27;
	v27 =	vperm.xlane v20, v16;
	v28 =	vld [tilespmem:s13+$0xE0]  }
0x173: {  	v24 =	vmul.f32 v30, v24;
	v30 =	vperm.xlane v21, v16  }
0x174: {  	[tilespmem:s8+$0xFFFFFFE0] =	vst v25;
	v25 =	vmul.f32 v26, v27;
	v26 =	vperm.xlane v22, v16  }
0x175: {  	[tilespmem:s8+$0xE0] =	vst v24;
	v27 =	vld [tilespmem:s10+$0xFFFFFFF0];
	v24 =	vmul.f32 v29, v30;
	v29 =	vperm.xlane v23, v16  }
0x176: {  	v30 =	vld [tilespmem:s10+$0xF0];
	[tilespmem:s11+$0xFFFFFFE0] =	vst v25;
	v25 =	vmul.f32 v31, v26  }
0x177: {  	v26 =	vld [tilespmem:s12+$0xFFFFFFF0];
	[tilespmem:s11+$0xE0] =	vst v24;
	v24 =	vmul.f32 v28, v29  }
0x178: {  	v18 =	vperm.xlane v18, v17;
	v28 =	vld [tilespmem:s12+$0xF0];
	[tilespmem:s14+$0xFFFFFFE0] =	vst v25  }
0x179: {  	v19 =	vperm.xlane v19, v17;
	v25 =	vld [tilespmem:s13+$0xFFFFFFF0];
	[tilespmem:s14+$0xE0] =	vst v24  }
0x17a: {  	v20 =	vperm.xlane v20, v17;
	v18 =	vmul.f32 v27, v18;
	v24 =	vld [tilespmem:s13+$0xF0]  }
0x17b: {  	v21 =	vperm.xlane v21, v17;
	v19 =	vmul.f32 v30, v19  }
0x17c: {  	[tilespmem:s8+$0xFFFFFFF0] =	vst v18;
	v18 =	vmul.f32 v26, v20;
	v20 =	vperm.xlane v22, v17  }
0x17d: {  	[tilespmem:s8+$0xF0] =	vst v19;
	v19 =	vmul.f32 v28, v21;
	v21 =	vperm.xlane v23, v17  }
0x17e: {  	[tilespmem:s11+$0xFFFFFFF0] =	vst v18;
	v18 =	vmul.f32 v25, v20  }
0x17f: {  	[tilespmem:s11+$0xF0] =	vst v19;
	v19 =	vmul.f32 v24, v21  }
0x180: {  	s4 =	sshll.u32 s2, $0xA;
	p0 =	seq.s32 s2, $0x27;
	[tilespmem:s14+$0xFFFFFFF0] =	vst v18  }
0x181: {  	s12 =	sshrl.u32 s4, $0x2;
	s4 =	sshrl.u32 @!p0 s4, $0x2;
	[tilespmem:s14+$0xF0] =	vst v19  }
0x182: {  	[spmem:s3] =	stream.indirect.scatter.add.f32 [tilespmem:s28], [sflag:$0x3], $0x10, s12, s19, $0xb8;
	[tilespmem:$0x16880] =	vst v63  }
0x183: {  	s9 =	simm.s32 @!p0 $0x11800;
	s4 =	sadd.s32 @!p0 $0x5100, s4;
	s8 =	simm.s32 @!p0 $0x80  }
0x184: {  	[tilespmem:s9], [sflag:$0x1] =	stream.indirect.gather @!p0 [hbm4b:s5+s8], $0x10, s4, s8, $0xb8;
	[tilespmem:$0x16880] =	vst v63  }
0x185: {  	_ =	swait.ge [sflag:s29], $0x800  }
0x186: {  	[sflag:s29] =	ssyncset.done $0x0  }
0x187: {  	[sflag:s29] =	ssyncadd.s32 $0xFFFFF800  }
0x188: {  	_ =	swait.ge [sflag:s30], $0x800  }
0x189: {  	[sflag:s30] =	ssyncset.done $0x0  }
0x18a: {  	[sflag:s30] =	ssyncadd.s32 $0xFFFFF800  }
0x18b: {  	v18 =	vld [tilespmem:s6+$0xFFFFFFF0]  }
0x18c: {  	v19 =	vld [tilespmem:s7+$0xFFFFFFF0];
	_ =	sdelay $0x1  }
0x18d: {  	v20 =	vld [tilespmem:s18+$0xFFFFFFF0];
	_ =	sdelay $0x2  }
0x18e: {  	v19 =	vshll.u32 v19, $0x2;
	v18 =	vshll.u32 v18, $0x2  }
0x18f: {  	v18 =	vor.u32 $0x1, v18  }
0x190: {  	v20 =	vshll.u32 v20, $0x2  }
0x191: {  	v22 =	vld [tilespmem:s6+$0x0];
	v20 =	vor.u32 $0x2, v20  }
0x192: {  	v23 =	vld [tilespmem:s7+$0x0]  }
0x193: {  	v19 =	vld.idx.msk [tilespmem:v19+s21+$0x0], $0xffff  }
0x194: {  	v18 =	vld.idx.msk [tilespmem:v18+s21+$0x0], $0xffff  }
0x195: {  	v21 =	vld [tilespmem:s18+$0x0]  }
0x196: {  	v20 =	vld.idx.msk [tilespmem:v20+s21+$0x0], $0xffff  }
0x197: {  	v22 =	vshll.u32 v22, $0x2  }
0x198: {  	v22 =	vor.u32 $0x1, v22  }
0x199: {  	v18 =	vadd.f32 v18, v19;
	v19 =	vshll.u32 v23, $0x2  }
0x19a: {  	v21 =	vshll.u32 v21, $0x2  }
0x19b: {  	v18 =	vadd.f32 v20, v18;
	v20 =	vor.u32 $0x2, v21;
	_ =	sdelay $0x1  }
0x19c: {  	v22 =	vld.idx.msk [tilespmem:v22+s21+$0x0], $0xffff  }
0x19d: {  	v21 =	vmul.f32 $2.000000030e-01, v18;
	v19 =	vld.idx.msk [tilespmem:v19+s21+$0x0], $0xffff;
	_ =	sdelay $0x1  }
0x19e: {  	v18 =	vmax.f32 v18, v21;
	v20 =	vld.idx.msk [tilespmem:v20+s21+$0x0], $0xffff  }
0x19f: {  	v18 =	vmul.f32 $1.442695020e+00, v18;
	_ =	sdelay $0x1  }
0x1a0: {  	(erf) = vpow2.f32 v18;
	v18 =	vadd.f32 v22, v19;
	_ =	sdelay $0x1  }
0x1a1: {  	v18 =	vadd.f32 v20, v18;
	_ =	sdelay $0x1  }
0x1a2: {  	v19 =	vmul.f32 $2.000000030e-01, v18;
	_ =	sdelay $0x1  }
0x1a3: {  	s10 =	simm.s32 $0x12100;
	v18 =	vmax.f32 v18, v19  }
0x1a4: {  	v20 =	vld [tilespmem:s10+$0xFFFFFF00]  }
0x1a5: {  	v19 =	vmul.f32 $1.442695020e+00, v18  }
0x1a6: {  	v18 =	vpop (erf)  }
0x1a7: {  	(erf) = vpow2.f32 v19;
	v21 =	vperm.xlane v18, v4;
	_ =	sdelay $0x1  }
0x1a8: {  	v19 =	vmul.f32 v20, v21  }
0x1a9: {  	s8 =	simm.s32 $0x13100  }
0x1aa: {  	[tilespmem:s8+$0xFFFFFF00] =	vst v19  }
0x1ab: {  	v20 =	vld [tilespmem:s10+$0xFFFFFF10];
	_ =	sdelay $0x1  }
0x1ac: {  	v22 =	vld [tilespmem:s10+$0x0]  }
0x1ad: {  	v21 =	vperm.xlane v18, v3  }
0x1ae: {  	s22 =	sadd.s32 $0x20, s18;
	v19 =	vpop (erf)  }
0x1af: {  	s13 =	sadd.s32 $0x20, s6;
	v24 =	vld [tilespmem:s22+$0xFFFFFFF0];
	v20 =	vmul.f32 v20, v21;
	v21 =	vperm.xlane v19, v4  }
0x1b0: {  	s14 =	sadd.s32 $0x20, s7;
	v23 =	vld [tilespmem:s13+$0xFFFFFFF0]  }
0x1b1: {  	[tilespmem:s8+$0xFFFFFF10] =	vst v20;
	v20 =	vld [tilespmem:s14+$0xFFFFFFF0];
	v21 =	vmul.f32 v22, v21  }
0x1b2: {  	v22 =	vld [tilespmem:s10+$0xFFFFFF20]  }
0x1b3: {  	[tilespmem:s8+$0x0] =	vst v21;
	v21 =	vld [tilespmem:s13+$0x0]  }
0x1b4: {  	v25 =	vld [tilespmem:s10+$0x10]  }
0x1b5: {  	v27 =	vld [tilespmem:s14+$0x0];
	v23 =	vshll.u32 v23, $0x2;
	v26 =	vperm.xlane v18, v2  }
0x1b6: {  	v28 =	vld [tilespmem:s22+$0x0];
	v24 =	vshll.u32 v24, $0x2;
	v23 =	vor.u32 $0x1, v23  }
0x1b7: {  	v20 =	vshll.u32 v20, $0x2;
	v22 =	vmul.f32 v22, v26;
	v26 =	vperm.xlane v19, v3  }
0x1b8: {  	v24 =	vor.u32 $0x2, v24  }
0x1b9: {  	v21 =	vshll.u32 v21, $0x2;
	[tilespmem:s8+$0xFFFFFF20] =	vst v22;
	v22 =	vmul.f32 v25, v26  }
0x1ba: {  	v21 =	vor.u32 $0x1, v21;
	v25 =	vld [tilespmem:s10+$0xFFFFFF30]  }
0x1bb: {  	v23 =	vld.idx.msk [tilespmem:v23+s21+$0x0], $0xffff;
	v26 =	vshll.u32 v27, $0x2;
	[tilespmem:s8+$0x10] =	vst v22;
	v22 =	vshll.u32 v28, $0x2  }
0x1bc: {  	v20 =	vld.idx.msk [tilespmem:v20+s21+$0x0], $0xffff;
	v22 =	vor.u32 $0x2, v22  }
0x1bd: {  	v24 =	vld.idx.msk [tilespmem:v24+s21+$0x0], $0xffff;
	v28 =	vperm.xlane v18, v5  }
0x1be: {  	v27 =	vld [tilespmem:s10+$0x20]  }
0x1bf: {  	v21 =	vld.idx.msk [tilespmem:v21+s21+$0x0], $0xffff;
	v25 =	vmul.f32 v25, v28  }
0x1c0: {  	v26 =	vld.idx.msk [tilespmem:v26+s21+$0x0], $0xffff  }
0x1c1: {  	v20 =	vadd.f32 v23, v20;
	[tilespmem:s8+$0xFFFFFF30] =	vst v25;
	v22 =	vld.idx.msk [tilespmem:v22+s21+$0x0], $0xffff  }
0x1c2: {  	v23 =	vperm.xlane v19, v2;
	v25 =	vld [tilespmem:s10+$0xFFFFFF40]  }
0x1c3: {  	v20 =	vadd.f32 v24, v20  }
0x1c4: {  	v23 =	vmul.f32 v27, v23  }
0x1c5: {  	v21 =	vadd.f32 v21, v26;
	v26 =	vperm.xlane v18, v6;
	v24 =	vmul.f32 $2.000000030e-01, v20  }
0x1c6: {  	[tilespmem:s8+$0x20] =	vst v23  }
0x1c7: {  	v23 =	vld [tilespmem:s10+$0x30];
	v20 =	vmax.f32 v20, v24;
	v21 =	vadd.f32 v22, v21;
	v22 =	vmul.f32 v25, v26  }
0x1c8: {  	v20 =	vmul.f32 $1.442695020e+00, v20  }
0x1c9: {  	v24 =	vmul.f32 $2.000000030e-01, v21;
	[tilespmem:s8+$0xFFFFFF40] =	vst v22  }
0x1ca: {  	(erf) = vpow2.f32 v20;
	v22 =	vperm.xlane v19, v5;
	v20 =	vld [tilespmem:s10+$0xFFFFFF50];
	_ =	sdelay $0x1  }
0x1cb: {  	v21 =	vmax.f32 v21, v24;
	v22 =	vmul.f32 v23, v22  }
0x1cc: {  	v21 =	vmul.f32 $1.442695020e+00, v21;
	v23 =	vperm.xlane v18, v7  }
0x1cd: {  	[tilespmem:s8+$0x30] =	vst v22  }
0x1ce: {  	(erf) = vpow2.f32 v21;
	v21 =	vld [tilespmem:s10+$0x40];
	v20 =	vmul.f32 v20, v23  }
0x1cf: {  	s12 =	simm.s32 $0x12300  }
0x1d0: {  	v22 =	vld [tilespmem:s12+$0xFFFFFF00]  }
0x1d1: {  	v24 =	vperm.xlane v19, v6;
	[tilespmem:s8+$0xFFFFFF50] =	vst v20  }
0x1d2: {  	v23 =	vld [tilespmem:s10+$0xFFFFFF60];
	v20 =	vpop (erf)  }
0x1d3: {  	v21 =	vmul.f32 v21, v24;
	v25 =	vperm.xlane v20, v4;
	_ =	sdelay $0x1  }
0x1d4: {  	v26 =	vperm.xlane v18, v8;
	v24 =	vld [tilespmem:s12+$0x0];
	v22 =	vmul.f32 v22, v25  }
0x1d5: {  	s11 =	simm.s32 $0x13300;
	[tilespmem:s8+$0x40] =	vst v21  }
0x1d6: {  	v25 =	vld [tilespmem:s10+$0x50];
	v21 =	vpop (erf);
	v23 =	vmul.f32 v23, v26;
	[tilespmem:s11+$0xFFFFFF00] =	vst v22  }
0x1d7: {  	v22 =	vperm.xlane v21, v4;
	v26 =	vld [tilespmem:s12+$0xFFFFFF10]  }
0x1d8: {  	[tilespmem:s8+$0xFFFFFF60] =	vst v23  }
0x1d9: {  	s9 =	sadd.s32 $0x20, s22;
	s22 =	sadd.s32 $0x20, s14;
	v23 =	vperm.xlane v19, v7;
	v22 =	vmul.f32 v24, v22;
	v24 =	vld [tilespmem:s10+$0xFFFFFF70]  }
0x1da: {  	s15 =	sadd.s32 $0x20, s13;
	v29 =	vld [tilespmem:s22+$0xFFFFFFF0];
	v27 =	vperm.xlane v20, v3  }
0x1db: {  	v28 =	vld [tilespmem:s15+$0xFFFFFFF0];
	[tilespmem:s11+$0x0] =	vst v22;
	v22 =	vmul.f32 v25, v23  }
0x1dc: {  	v25 =	vperm.xlane v18, v9;
	v23 =	vld [tilespmem:s12+$0x10];
	v26 =	vmul.f32 v26, v27  }
0x1dd: {  	v27 =	vld [tilespmem:s9+$0xFFFFFFF0];
	[tilespmem:s8+$0x50] =	vst v22  }
0x1de: {  	v22 =	vmul.f32 v24, v25;
	v24 =	vld [tilespmem:s10+$0x60];
	[tilespmem:s11+$0xFFFFFF10] =	vst v26  }
0x1df: {  	v25 =	vld [tilespmem:s12+$0xFFFFFF20]  }
0x1e0: {  	v29 =	vshll.u32 v29, $0x2;
	v28 =	vshll.u32 v28, $0x2;
	v26 =	vperm.xlane v21, v3;
	[tilespmem:s8+$0xFFFFFF70] =	vst v22;
	v22 =	vld [tilespmem:s15+$0x0]  }
0x1e1: {  	v30 =	vperm.xlane v19, v8;
	v28 =	vor.u32 $0x1, v28;
	v31 =	vld [tilespmem:s10+$0xFFFFFF80]  }
0x1e2: {  	v58 =	vld [tilespmem:s9+$0x0];
	v23 =	vmul.f32 v23, v26;
	v26 =	vperm.xlane v20, v2  }
0x1e3: {  	v24 =	vmul.f32 v24, v30  }
0x1e4: {  	[tilespmem:s11+$0x10] =	vst v23;
	v23 =	vld [tilespmem:s22+$0x0];
	v25 =	vmul.f32 v25, v26;
	v26 =	vperm.xlane v18, v10  }
0x1e5: {  	v29 =	vld.idx.msk [tilespmem:v29+s21+$0x0], $0xffff;
	v22 =	vshll.u32 v22, $0x2;
	[tilespmem:s8+$0x60] =	vst v24  }
0x1e6: {  	v28 =	vld.idx.msk [tilespmem:v28+s21+$0x0], $0xffff;
	v24 =	vshll.u32 v27, $0x2;
	v22 =	vor.u32 $0x1, v22;
	[tilespmem:s11+$0xFFFFFF20] =	vst v25;
	v25 =	vmul.f32 v31, v26  }
0x1e7: {  	v27 =	vshll.u32 v58, $0x2;
	v24 =	vor.u32 $0x2, v24;
	v26 =	vld [tilespmem:s10+$0x70]  }
0x1e8: {  	v27 =	vor.u32 $0x2, v27;
	v31 =	vld [tilespmem:s12+$0xFFFFFF30];
	[tilespmem:s8+$0xFFFFFF80] =	vst v25  }
0x1e9: {  	v23 =	vshll.u32 v23, $0x2;
	v25 =	vld [tilespmem:s10+$0xFFFFFF90]  }
0x1ea: {  	v59 =	vperm.xlane v19, v9;
	v30 =	vld [tilespmem:s12+$0x20]  }
0x1eb: {  	v33 =	vperm.xlane v20, v5;
	v22 =	vld.idx.msk [tilespmem:v22+s21+$0x0], $0xffff  }
0x1ec: {  	v60 =	vperm.xlane v18, v11;
	v24 =	vld.idx.msk [tilespmem:v24+s21+$0x0], $0xffff;
	v26 =	vmul.f32 v26, v59  }
0x1ed: {  	v27 =	vld.idx.msk [tilespmem:v27+s21+$0x0], $0xffff;
	v31 =	vmul.f32 v31, v33  }
0x1ee: {  	v23 =	vld.idx.msk [tilespmem:v23+s21+$0x0], $0xffff;
	[tilespmem:s8+$0x70] =	vst v26;
	v25 =	vmul.f32 v25, v60  }
0x1ef: {  	v28 =	vadd.f32 v28, v29;
	v61 =	vperm.xlane v21, v2;
	v26 =	vld [tilespmem:s10+$0x80];
	[tilespmem:s11+$0xFFFFFF30] =	vst v31  }
0x1f0: {  	[tilespmem:s8+$0xFFFFFF90] =	vst v25;
	v25 =	vld [tilespmem:s12+$0xFFFFFF40]  }
0x1f1: {  	v24 =	vadd.f32 v24, v28;
	v28 =	vmul.f32 v30, v61;
	v30 =	vld [tilespmem:s10+$0xFFFFFFA0]  }
0x1f2: {  	v29 =	vperm.xlane v19, v10  }
0x1f3: {  	v31 =	vperm.xlane v20, v6;
	[tilespmem:s11+$0x20] =	vst v28;
	v28 =	vperm.xlane v18, v12  }
0x1f4: {  	v22 =	vadd.f32 v22, v23;
	v23 =	vld [tilespmem:s12+$0x30];
	v26 =	vmul.f32 v26, v29;
	v29 =	vmul.f32 $2.000000030e-01, v24  }
0x1f5: {  	v25 =	vmul.f32 v25, v31  }
0x1f6: {  	v22 =	vadd.f32 v27, v22;
	[tilespmem:s8+$0x80] =	vst v26;
	v24 =	vmax.f32 v24, v29;
	v27 =	vmul.f32 v30, v28  }
0x1f7: {  	v26 =	vld [tilespmem:s10+$0x90];
	v24 =	vmul.f32 $1.442695020e+00, v24;
	[tilespmem:s11+$0xFFFFFF40] =	vst v25;
	v25 =	vperm.xlane v21, v5  }
0x1f8: {  	v29 =	vmul.f32 $2.000000030e-01, v22;
	[tilespmem:s8+$0xFFFFFFA0] =	vst v27  }
0x1f9: {  	(erf) = vpow2.f32 v24;
	v23 =	vmul.f32 v23, v25;
	v25 =	vld [tilespmem:s10+$0xFFFFFFB0]  }
0x1fa: {  	v22 =	vmax.f32 v22, v29;
	v28 =	vld [tilespmem:s12+$0xFFFFFF50];
	v24 =	vperm.xlane v19, v11  }
0x1fb: {  	v22 =	vmul.f32 $1.442695020e+00, v22  }
0x1fc: {  	v24 =	vmul.f32 v26, v24;
	v26 =	vperm.xlane v18, v13  }
0x1fd: {  	v27 =	vperm.xlane v20, v7;
	[tilespmem:s11+$0x30] =	vst v23  }
0x1fe: {  	(erf) = vpow2.f32 v22;
	v23 =	vld [tilespmem:s12+$0x40];
	[tilespmem:s8+$0x90] =	vst v24;
	v22 =	vmul.f32 v25, v26  }
0x1ff: {  	s13 =	simm.s32 $0x12500;
	v27 =	vmul.f32 v28, v27;
	v24 =	vld [tilespmem:s10+$0xA0]  }
0x200: {  	v25 =	vld [tilespmem:s13+$0xFFFFFF00]  }
0x201: {  	v26 =	vperm.xlane v21, v6;
	[tilespmem:s11+$0xFFFFFF50] =	vst v27  }
0x202: {  	v28 =	vperm.xlane v19, v12;
	[tilespmem:s8+$0xFFFFFFB0] =	vst v22;
	v22 =	vpop (erf)  }
0x203: {  	v27 =	vld [tilespmem:s12+$0xFFFFFF60];
	v23 =	vmul.f32 v23, v26;
	v29 =	vperm.xlane v22, v4  }
0x204: {  	v26 =	vld [tilespmem:s10+$0xFFFFFFC0]  }
0x205: {  	v24 =	vmul.f32 v24, v28;
	[tilespmem:s11+$0x40] =	vst v23;
	v23 =	vmul.f32 v25, v29  }
0x206: {  	v30 =	vperm.xlane v20, v8;
	v28 =	vld [tilespmem:s13+$0x0]  }
0x207: {  	v31 =	vperm.xlane v18, v14;
	v62 =	vld [tilespmem:s12+$0x50];
	[tilespmem:s8+$0xA0] =	vst v24  }
0x208: {  	s14 =	simm.s32 $0x13500;
	v27 =	vmul.f32 v27, v30;
	v25 =	vld [tilespmem:s10+$0xB0]  }
0x209: {  	v24 =	vmul.f32 v26, v31;
	[tilespmem:s14+$0xFFFFFF00] =	vst v23;
	v23 =	vpop (erf)  }
0x20a: {  	v63 =	vperm.xlane v21, v7;
	[tilespmem:s11+$0xFFFFFF60] =	vst v27;
	v30 =	vld [tilespmem:s13+$0xFFFFFF10];
	v31 =	vperm.xlane v23, v4  }
0x20b: {  	v29 =	vperm.xlane v22, v3;
	v26 =	vperm.xlane v19, v13;
	v27 =	vld [tilespmem:s12+$0xFFFFFF70];
	[tilespmem:s8+$0xFFFFFFC0] =	vst v24  }
0x20c: {  	s4 =	simm.s32 $0x4;
	s9 =	sadd.s32 $0x20, s9;
	s22 =	sadd.s32 $0x20, s22;
	v24 =	vld [tilespmem:s10+$0xFFFFFFD0];
	v31 =	vmul.f32 v28, v31;
	v28 =	vmul.f32 v62, v63  }
.LBB2_7:
0x20d: {  	s4 =	sadd.s32 $0x2, s4;
	s15 =	sadd.s32 $0x20, s15;
	v25 =	vmul.f32 v25, v26  }
0x20e: {  	v26 =	vld [tilespmem:s15+$0xFFFFFFF0];
	p0 =	slt.u32 s4, $0x6;
	[tilespmem:s14+$0x0] =	vst v31;
	v31 =	vperm.xlane v20, v9  }
0x20f: {  	v32 =	vperm.xlane v18, v15;
	v29 =	vmul.f32 v30, v29;
	v30 =	vld [tilespmem:s13+$0x10];
	[tilespmem:s8+$0xB0] =	vst v25  }
0x210: {  	v25 =	vmul.f32 v27, v31;
	v27 =	vld [tilespmem:s10+$0xC0]  }
0x211: {  	v31 =	vld [tilespmem:s9+$0xFFFFFFF0];
	[tilespmem:s14+$0xFFFFFF10] =	vst v29;
	v24 =	vmul.f32 v24, v32  }
0x212: {  	v32 =	vperm.xlane v23, v3;
	v29 =	vld [tilespmem:s22+$0xFFFFFFF0];
	[tilespmem:s11+$0xFFFFFF70] =	vst v25  }
0x213: {  	v25 =	vld [tilespmem:s9+$0x0];
	[tilespmem:s8+$0xFFFFFFD0] =	vst v24;
	v24 =	vperm.xlane v19, v14  }
0x214: {  	v33 =	vld [tilespmem:s13+$0xFFFFFF20];
	v30 =	vmul.f32 v30, v32  }
0x215: {  	v32 =	vld [tilespmem:s15+$0x0];
	[tilespmem:s11+$0x50] =	vst v28;
	v24 =	vmul.f32 v27, v24  }
0x216: {  	v27 =	vperm.xlane v21, v8;
	[tilespmem:s14+$0x10] =	vst v30;
	v28 =	vld [tilespmem:s12+$0x60]  }
0x217: {  	v30 =	vshll.u32 v31, $0x2;
	v31 =	vperm.xlane v22, v2;
	v29 =	vshll.u32 v29, $0x2;
	v34 =	vld [tilespmem:s12+$0xFFFFFF80];
	[tilespmem:s8+$0xC0] =	vst v24  }
0x218: {  	v35 =	vperm.xlane v23, v2;
	v24 =	vor.u32 $0x2, v30;
	v30 =	vld [tilespmem:s22+$0x0];
	v25 =	vshll.u32 v25, $0x2  }
0x219: {  	v26 =	vshll.u32 v26, $0x2;
	v25 =	vor.u32 $0x2, v25;
	v31 =	vmul.f32 v33, v31;
	v33 =	vld [tilespmem:s10+$0xD0]  }
0x21a: {  	v36 =	vperm.xlane v20, v10;
	v26 =	vor.u32 $0x1, v26;
	v32 =	vshll.u32 v32, $0x2;
	v37 =	vld [tilespmem:s10+$0xFFFFFFE0]  }
0x21b: {  	v32 =	vor.u32 $0x1, v32;
	[tilespmem:s14+$0xFFFFFF20] =	vst v31;
	v31 =	vld [tilespmem:s13+$0x20];
	v27 =	vmul.f32 v28, v27  }
0x21c: {  	v28 =	vld [tilespmem:s13+$0xFFFFFF30];
	v34 =	vmul.f32 v34, v36;
	v36 =	vperm.xlane v19, v15  }
0x21d: {  	v29 =	vld.idx.msk [tilespmem:v29+s21+$0x0], $0xffff;
	[tilespmem:s11+$0x60] =	vst v27;
	v27 =	vperm.xlane v18, v16  }
0x21e: {  	v30 =	vshll.u32 v30, $0x2;
	[tilespmem:s11+$0xFFFFFF80] =	vst v34;
	v34 =	vld [tilespmem:s12+$0x70];
	v33 =	vmul.f32 v33, v36  }
0x21f: {  	v36 =	vperm.xlane v22, v5;
	v38 =	vld [tilespmem:s12+$0xFFFFFF90];
	v27 =	vmul.f32 v37, v27  }
0x220: {  	v32 =	vld.idx.msk [tilespmem:v32+s21+$0x0], $0xffff;
	[tilespmem:s8+$0xD0] =	vst v33  }
0x221: {  	v33 =	vperm.xlane v21, v9;
	v28 =	vmul.f32 v28, v36;
	[tilespmem:s8+$0xFFFFFFE0] =	vst v27;
	v27 =	vld [tilespmem:s10+$0xE0]  }
0x222: {  	v36 =	vperm.xlane v20, v11;
	v26 =	vld.idx.msk [tilespmem:v26+s21+$0x0], $0xffff  }
0x223: {  	v24 =	vld.idx.msk [tilespmem:v24+s21+$0x0], $0xffff;
	[tilespmem:s14+$0xFFFFFF30] =	vst v28;
	v28 =	vmul.f32 v34, v33  }
0x224: {  	v34 =	vperm.xlane v19, v16;
	v25 =	vld.idx.msk [tilespmem:v25+s21+$0x0], $0xffff;
	v33 =	vmul.f32 v38, v36  }
0x225: {  	[tilespmem:s11+$0x70] =	vst v28;
	v28 =	vld [tilespmem:s10+$0xFFFFFFF0]  }
0x226: {  	[tilespmem:s11+$0xFFFFFF90] =	vst v33;
	v33 =	vld [tilespmem:s12+$0x80];
	v27 =	vmul.f32 v27, v34  }
0x227: {  	v30 =	vld.idx.msk [tilespmem:v30+s21+$0x0], $0xffff  }
0x228: {  	v34 =	vperm.xlane v18, v17;
	v18 =	vmovc v20;
	v20 =	vmov v22;
	v26 =	vadd.f32 v26, v29;
	v29 =	vld [tilespmem:s13+$0xFFFFFF40];
	[tilespmem:s8+$0xE0] =	vst v27  }
0x229: {  	v22 =	vperm.xlane v21, v10;
	v27 =	vld [tilespmem:s10+$0xF0];
	s10 =	smov.u32 s12;
	s12 =	smov.u32 s13  }
0x22a: {  	v24 =	vadd.f32 v24, v26;
	v26 =	vmul.f32 v31, v35;
	v31 =	vld [tilespmem:s10+$0xFFFFFFA0];
	v28 =	vmul.f32 v28, v34  }
0x22b: {  	v34 =	vperm.xlane v20, v6;
	v22 =	vmul.f32 v33, v22  }
0x22c: {  	v33 =	vmul.f32 $2.000000030e-01, v24;
	[tilespmem:s14+$0x20] =	vst v26;
	v26 =	vperm.xlane v19, v17;
	v19 =	vmovc v21;
	v21 =	vmov v23  }
0x22d: {  	v23 =	vadd.f32 v32, v30;
	v32 =	vperm.xlane v18, v12;
	v29 =	vmul.f32 v29, v34;
	v30 =	vld [tilespmem:s13+$0x30];
	[tilespmem:s11+$0x80] =	vst v22  }
0x22e: {  	v22 =	vmax.f32 v24, v33;
	v24 =	vld [tilespmem:s10+$0x90];
	[tilespmem:s8+$0xFFFFFFF0] =	vst v28;
	v26 =	vmul.f32 v27, v26  }
0x22f: {  	s13 =	sadd.s32 $0x200, s13;
	v22 =	vmul.f32 $1.442695020e+00, v22;
	v23 =	vadd.f32 v25, v23;
	[tilespmem:s14+$0xFFFFFF40] =	vst v29;
	v25 =	vmul.f32 v31, v32  }
0x230: {  	v28 =	vperm.xlane v21, v5;
	v29 =	vperm.xlane v19, v11;
	v27 =	vld [tilespmem:s12+$0xFFFFFF50];
	[tilespmem:s8+$0xF0] =	vst v26;
	s8 =	smov.u32 s11;
	s11 =	smov.u32 s14  }
0x231: {  	v26 =	vmul.f32 $2.000000030e-01, v23;
	(erf) = vpow2.f32 v22;
	[tilespmem:s8+$0xFFFFFFA0] =	vst v25  }
0x232: {  	v22 =	vmul.f32 v30, v28;
	v25 =	vld [tilespmem:s10+$0xFFFFFFB0]  }
0x233: {  	v23 =	vmax.f32 v23, v26;
	v26 =	vperm.xlane v20, v7;
	v24 =	vmul.f32 v24, v29  }
0x234: {  	v23 =	vmul.f32 $1.442695020e+00, v23;
	[tilespmem:s14+$0x30] =	vst v22  }
0x235: {  	v22 =	vmul.f32 v27, v26;
	v26 =	vld [tilespmem:s12+$0x40];
	v27 =	vperm.xlane v18, v13;
	[tilespmem:s8+$0x90] =	vst v24  }
0x236: {  	s14 =	sadd.s32 $0x200, s14;
	(erf) = vpow2.f32 v23;
	v23 =	vld [tilespmem:s10+$0xA0]  }
0x237: {  	v24 =	vld [tilespmem:s13+$0xFFFFFF00];
	[tilespmem:s11+$0xFFFFFF50] =	vst v22;
	v29 =	vmul.f32 v25, v27  }
0x238: {  	v27 =	vperm.xlane v21, v6;
	v25 =	vld [tilespmem:s12+$0xFFFFFF60]  }
0x239: {  	v28 =	vperm.xlane v19, v12;
	[tilespmem:s8+$0xFFFFFFB0] =	vst v29  }
0x23a: {  	v30 =	vperm.xlane v20, v8;
	v22 =	vpop (erf);
	v26 =	vmul.f32 v26, v27;
	v27 =	vld [tilespmem:s10+$0xFFFFFFC0]  }
0x23b: {  	v31 =	vperm.xlane v22, v4;
	v23 =	vmul.f32 v23, v28  }
0x23c: {  	v29 =	vperm.xlane v22, v3;
	v28 =	vld [tilespmem:s13+$0x0];
	[tilespmem:s11+$0x40] =	vst v26;
	v26 =	vperm.xlane v18, v14  }
0x23d: {  	v24 =	vmul.f32 v24, v31;
	v31 =	vmul.f32 v25, v30;
	v32 =	vld [tilespmem:s12+$0x50];
	[tilespmem:s8+$0xA0] =	vst v23  }
.Ltmp2:
0x23e: {  	v25 =	vld [tilespmem:s10+$0xB0];
	(pc) =	sbr.rel @p0 .LBB2_7-.Ltmp2, $4  }
0x23f: {  	[tilespmem:s14+$0xFFFFFF00] =	vst v24;
	v23 =	vpop (erf);
	v24 =	vmul.f32 v27, v26  }
0x240: {  	v34 =	vperm.xlane v21, v7;
	v30 =	vld [tilespmem:s13+$0xFFFFFF10];
	v33 =	vperm.xlane v23, v4;
	[tilespmem:s11+$0xFFFFFF60] =	vst v31  }
0x241: {  	v26 =	vperm.xlane v19, v13;
	v27 =	vld [tilespmem:s12+$0xFFFFFF70];
	[tilespmem:s8+$0xFFFFFFC0] =	vst v24  }
0x242: {  	s9 =	sadd.s32 $0x20, s9;
	s22 =	sadd.s32 $0x20, s22;
	v31 =	vmul.f32 v28, v33;
	v28 =	vmul.f32 v32, v34;
	v24 =	vld [tilespmem:s10+$0xFFFFFFD0]  }
0x243: {  	_ = 	snop  }
0x244: {  	[tilespmem:s14+$0x0] =	vst v31  }
0x245: {  	v31 =	vld [tilespmem:s13+$0x10];
	_ =	sdelay $0x2  }
0x246: {  	v32 =	vperm.xlane v23, v3  }
0x247: {  	v29 =	vmul.f32 v30, v29  }
0x248: {  	v53 =	vmul.f32 v31, v32  }
0x249: {  	[tilespmem:s14+$0xFFFFFF10] =	vst v29  }
0x24a: {  	v29 =	vld [tilespmem:s13+$0xFFFFFF20];
	[tilespmem:s14+$0x10] =	vst v53  }
0x24b: {  	v30 =	vld [tilespmem:s13+$0x20];
	_ =	sdelay $0x1  }
0x24c: {  	v54 =	vperm.xlane v22, v2  }
0x24d: {  	v55 =	vperm.xlane v23, v2  }
0x24e: {  	v29 =	vmul.f32 v29, v54  }
0x24f: {  	v30 =	vmul.f32 v30, v55  }
0x250: {  	[tilespmem:s14+$0xFFFFFF20] =	vst v29  }
0x251: {  	v29 =	vld [tilespmem:s13+$0xFFFFFF30];
	[tilespmem:s14+$0x20] =	vst v30  }
0x252: {  	v30 =	vld [tilespmem:s13+$0x30];
	_ =	sdelay $0x1  }
0x253: {  	v56 =	vperm.xlane v22, v5  }
0x254: {  	v57 =	vperm.xlane v23, v5  }
0x255: {  	v29 =	vmul.f32 v29, v56  }
0x256: {  	v30 =	vmul.f32 v30, v57  }
0x257: {  	[tilespmem:s14+$0xFFFFFF30] =	vst v29  }
0x258: {  	v29 =	vld [tilespmem:s13+$0xFFFFFF40];
	[tilespmem:s14+$0x30] =	vst v30  }
0x259: {  	v30 =	vld [tilespmem:s13+$0x40];
	_ =	sdelay $0x1  }
0x25a: {  	v58 =	vperm.xlane v22, v6  }
0x25b: {  	v59 =	vperm.xlane v23, v6  }
0x25c: {  	v29 =	vmul.f32 v29, v58  }
0x25d: {  	v30 =	vmul.f32 v30, v59  }
0x25e: {  	[tilespmem:s14+$0xFFFFFF40] =	vst v29  }
0x25f: {  	v29 =	vld [tilespmem:s13+$0xFFFFFF50];
	[tilespmem:s14+$0x40] =	vst v30  }
0x260: {  	v30 =	vld [tilespmem:s13+$0x50];
	_ =	sdelay $0x1  }
0x261: {  	v60 =	vperm.xlane v22, v7  }
0x262: {  	v61 =	vperm.xlane v23, v7  }
0x263: {  	v29 =	vmul.f32 v29, v60  }
0x264: {  	[tilespmem:s11+$0x50] =	vst v28;
	v62 =	vmul.f32 v30, v61  }
0x265: {  	v63 =	vld [tilespmem:s12+$0x60];
	[tilespmem:s14+$0xFFFFFF50] =	vst v29  }
0x266: {  	v29 =	vld [tilespmem:s13+$0xFFFFFF60];
	[tilespmem:s14+$0x50] =	vst v62  }
0x267: {  	v28 =	vld [tilespmem:s13+$0x60]  }
0x268: {  	v36 =	vperm.xlane v21, v8  }
0x269: {  	v37 =	vperm.xlane v22, v8  }
0x26a: {  	v38 =	vperm.xlane v23, v8;
	v30 =	vmul.f32 v63, v36  }
0x26b: {  	v29 =	vmul.f32 v29, v37  }
0x26c: {  	[tilespmem:s11+$0x60] =	vst v30;
	v28 =	vmul.f32 v28, v38  }
0x26d: {  	v30 =	vld [tilespmem:s12+$0x70];
	[tilespmem:s14+$0xFFFFFF60] =	vst v29  }
0x26e: {  	v29 =	vld [tilespmem:s13+$0xFFFFFF70];
	[tilespmem:s14+$0x60] =	vst v28  }
0x26f: {  	v39 =	vperm.xlane v20, v9;
	v40 =	vld [tilespmem:s13+$0x70]  }
0x270: {  	v41 =	vperm.xlane v21, v9  }
0x271: {  	v42 =	vperm.xlane v22, v9;
	v27 =	vmul.f32 v27, v39  }
0x272: {  	v43 =	vperm.xlane v23, v9;
	v30 =	vmul.f32 v30, v41  }
0x273: {  	[tilespmem:s11+$0xFFFFFF70] =	vst v27;
	v44 =	vmul.f32 v29, v42  }
0x274: {  	v45 =	vld [tilespmem:s12+$0xFFFFFF80];
	[tilespmem:s11+$0x70] =	vst v30;
	v46 =	vmul.f32 v40, v43  }
0x275: {  	v30 =	vld [tilespmem:s12+$0x80];
	[tilespmem:s14+$0xFFFFFF70] =	vst v44  }
0x276: {  	v27 =	vld [tilespmem:s13+$0xFFFFFF80];
	[tilespmem:s14+$0x70] =	vst v46  }
0x277: {  	v47 =	vperm.xlane v20, v10;
	v48 =	vld [tilespmem:s13+$0x80]  }
0x278: {  	v49 =	vperm.xlane v21, v10  }
0x279: {  	v50 =	vperm.xlane v22, v10;
	v28 =	vmul.f32 v45, v47  }
0x27a: {  	v51 =	vperm.xlane v23, v10;
	v30 =	vmul.f32 v30, v49  }
0x27b: {  	[tilespmem:s11+$0xFFFFFF80] =	vst v28;
	v27 =	vmul.f32 v27, v50  }
0x27c: {  	v28 =	vld [tilespmem:s12+$0xFFFFFF90];
	[tilespmem:s11+$0x80] =	vst v30;
	v52 =	vmul.f32 v48, v51  }
0x27d: {  	v30 =	vld [tilespmem:s12+$0x90];
	[tilespmem:s14+$0xFFFFFF80] =	vst v27  }
0x27e: {  	v27 =	vld [tilespmem:s13+$0xFFFFFF90];
	[tilespmem:s14+$0x80] =	vst v52  }
0x27f: {  	v53 =	vperm.xlane v20, v11;
	v54 =	vld [tilespmem:s13+$0x90]  }
0x280: {  	v55 =	vperm.xlane v21, v11  }
0x281: {  	v56 =	vperm.xlane v22, v11;
	v28 =	vmul.f32 v28, v53  }
0x282: {  	v57 =	vperm.xlane v23, v11;
	v30 =	vmul.f32 v30, v55  }
0x283: {  	[tilespmem:s11+$0xFFFFFF90] =	vst v28;
	v27 =	vmul.f32 v27, v56  }
0x284: {  	v28 =	vld [tilespmem:s12+$0xFFFFFFA0];
	[tilespmem:s11+$0x90] =	vst v30;
	v58 =	vmul.f32 v54, v57  }
0x285: {  	v30 =	vld [tilespmem:s12+$0xA0];
	[tilespmem:s14+$0xFFFFFF90] =	vst v27  }
0x286: {  	v27 =	vld [tilespmem:s13+$0xFFFFFFA0];
	[tilespmem:s14+$0x90] =	vst v58  }
0x287: {  	v59 =	vperm.xlane v20, v12;
	v60 =	vld [tilespmem:s13+$0xA0]  }
0x288: {  	v61 =	vperm.xlane v21, v12  }
0x289: {  	v62 =	vperm.xlane v22, v12;
	v28 =	vmul.f32 v28, v59  }
0x28a: {  	v63 =	vperm.xlane v23, v12;
	v30 =	vmul.f32 v30, v61  }
0x28b: {  	[tilespmem:s11+$0xFFFFFFA0] =	vst v28;
	v27 =	vmul.f32 v27, v62  }
0x28c: {  	v28 =	vld [tilespmem:s12+$0xFFFFFFB0];
	[tilespmem:s11+$0xA0] =	vst v30;
	v36 =	vmul.f32 v60, v63  }
0x28d: {  	v30 =	vld [tilespmem:s12+$0xB0];
	[tilespmem:s14+$0xFFFFFFA0] =	vst v27  }
0x28e: {  	v27 =	vld [tilespmem:s13+$0xFFFFFFB0];
	[tilespmem:s14+$0xA0] =	vst v36  }
0x28f: {  	v37 =	vperm.xlane v20, v13;
	v38 =	vld [tilespmem:s13+$0xB0]  }
0x290: {  	v25 =	vmul.f32 v25, v26;
	v39 =	vperm.xlane v21, v13  }
0x291: {  	v40 =	vperm.xlane v22, v13;
	v28 =	vmul.f32 v28, v37  }
0x292: {  	[tilespmem:s8+$0xB0] =	vst v25;
	v42 =	vperm.xlane v23, v13;
	v41 =	vmul.f32 v30, v39  }
0x293: {  	v43 =	vld [tilespmem:s10+$0xC0];
	[tilespmem:s11+$0xFFFFFFB0] =	vst v28;
	v27 =	vmul.f32 v27, v40  }
0x294: {  	v28 =	vld [tilespmem:s12+$0xFFFFFFC0];
	[tilespmem:s11+$0xB0] =	vst v41;
	v44 =	vmul.f32 v38, v42  }
0x295: {  	v45 =	vld [tilespmem:s12+$0xC0];
	[tilespmem:s14+$0xFFFFFFB0] =	vst v27  }
0x296: {  	v46 =	vperm.xlane v19, v14;
	v47 =	vld [tilespmem:s13+$0xFFFFFFC0];
	[tilespmem:s14+$0xB0] =	vst v44  }
0x297: {  	v48 =	vperm.xlane v20, v14;
	v49 =	vld [tilespmem:s13+$0xC0]  }
0x298: {  	v50 =	vperm.xlane v21, v14;
	v27 =	vmul.f32 v43, v46  }
0x299: {  	v51 =	vperm.xlane v22, v14;
	v25 =	vmul.f32 v28, v48  }
0x29a: {  	v52 =	vperm.xlane v23, v14;
	[tilespmem:s8+$0xC0] =	vst v27;
	v26 =	vmul.f32 v45, v50  }
0x29b: {  	[tilespmem:s11+$0xFFFFFFC0] =	vst v25;
	v53 =	vld [tilespmem:s10+$0xD0];
	v54 =	vmul.f32 v47, v51  }
0x29c: {  	v55 =	vld [tilespmem:s12+$0xFFFFFFD0];
	[tilespmem:s11+$0xC0] =	vst v26;
	v56 =	vmul.f32 v49, v52  }
0x29d: {  	v57 =	vperm.xlane v18, v15;
	v58 =	vld [tilespmem:s12+$0xD0];
	[tilespmem:s14+$0xFFFFFFC0] =	vst v54  }
0x29e: {  	v59 =	vperm.xlane v19, v15;
	v60 =	vld [tilespmem:s13+$0xFFFFFFD0];
	[tilespmem:s14+$0xC0] =	vst v56  }
0x29f: {  	v61 =	vperm.xlane v20, v15;
	v24 =	vmul.f32 v24, v57;
	v62 =	vld [tilespmem:s13+$0xD0]  }
0x2a0: {  	v63 =	vperm.xlane v21, v15;
	v25 =	vmul.f32 v53, v59  }
0x2a1: {  	v34 =	vperm.xlane v22, v15;
	[tilespmem:s8+$0xFFFFFFD0] =	vst v24;
	v33 =	vmul.f32 v55, v61  }
0x2a2: {  	v37 =	vperm.xlane v23, v15;
	v35 =	vld [tilespmem:s10+$0xFFFFFFE0];
	[tilespmem:s8+$0xD0] =	vst v25;
	v36 =	vmul.f32 v58, v63  }
0x2a3: {  	[tilespmem:s11+$0xFFFFFFD0] =	vst v33;
	v38 =	vld [tilespmem:s10+$0xE0];
	v39 =	vmul.f32 v60, v34  }
0x2a4: {  	v40 =	vld [tilespmem:s12+$0xFFFFFFE0];
	[tilespmem:s11+$0xD0] =	vst v36;
	v41 =	vmul.f32 v62, v37  }
0x2a5: {  	v42 =	vperm.xlane v18, v16;
	v43 =	vld [tilespmem:s12+$0xE0];
	[tilespmem:s14+$0xFFFFFFD0] =	vst v39  }
0x2a6: {  	v44 =	vperm.xlane v19, v16;
	v45 =	vld [tilespmem:s13+$0xFFFFFFE0];
	[tilespmem:s14+$0xD0] =	vst v41  }
0x2a7: {  	v46 =	vmul.f32 v35, v42;
	v47 =	vperm.xlane v20, v16;
	v48 =	vld [tilespmem:s13+$0xE0]  }
0x2a8: {  	v49 =	vperm.xlane v21, v16;
	v24 =	vmul.f32 v38, v44  }
0x2a9: {  	v51 =	vperm.xlane v22, v16;
	[tilespmem:s8+$0xFFFFFFE0] =	vst v46;
	v50 =	vmul.f32 v40, v47  }
0x2aa: {  	v54 =	vperm.xlane v23, v16;
	v52 =	vld [tilespmem:s10+$0xFFFFFFF0];
	[tilespmem:s8+$0xE0] =	vst v24;
	v53 =	vmul.f32 v43, v49  }
0x2ab: {  	[tilespmem:s11+$0xFFFFFFE0] =	vst v50;
	v55 =	vld [tilespmem:s10+$0xF0];
	v56 =	vmul.f32 v45, v51  }
0x2ac: {  	v57 =	vld [tilespmem:s12+$0xFFFFFFF0];
	[tilespmem:s11+$0xE0] =	vst v53;
	v58 =	vmul.f32 v48, v54  }
0x2ad: {  	v18 =	vperm.xlane v18, v17;
	v59 =	vld [tilespmem:s12+$0xF0];
	[tilespmem:s14+$0xFFFFFFE0] =	vst v56  }
0x2ae: {  	v19 =	vperm.xlane v19, v17;
	v25 =	vld [tilespmem:s13+$0xFFFFFFF0];
	[tilespmem:s14+$0xE0] =	vst v58  }
0x2af: {  	v60 =	vperm.xlane v20, v17;
	v18 =	vmul.f32 v52, v18;
	v24 =	vld [tilespmem:s13+$0xF0]  }
0x2b0: {  	v61 =	vperm.xlane v21, v17;
	v19 =	vmul.f32 v55, v19  }
0x2b1: {  	s2 =	sadd.s32 $0x1, s2;
	[tilespmem:s8+$0xFFFFFFF0] =	vst v18;
	v62 =	vperm.xlane v22, v17;
	v18 =	vmul.f32 v57, v60  }
0x2b2: {  	p0 =	sne.s32 s2, $0x28;
	v63 =	vperm.xlane v23, v17;
	[tilespmem:s8+$0xF0] =	vst v19;
	v19 =	vmul.f32 v59, v61  }
.Ltmp3:
0x2b3: {  	[tilespmem:s11+$0xFFFFFFF0] =	vst v18;
	v18 =	vmul.f32 v25, v62;
	(pc) =	sbr.rel @p0 .LBB2_4-.Ltmp3, $4  }
0x2b4: {  	[tilespmem:s11+$0xF0] =	vst v19;
	v19 =	vmul.f32 v24, v63  }
0x2b5: {  	s17 =	sadd.s32 $0x100, s17;
	s20 =	sadd.s32 $0x100, s20;
	s0 =	sadd.s32 $0x100, s0;
	[tilespmem:s14+$0xFFFFFFF0] =	vst v18  }
0x2b6: {  	s18 =	sadd.s32 $0x100, s18;
	s6 =	sadd.s32 $0x100, s6;
	s7 =	sadd.s32 $0x100, s7;
	[tilespmem:s14+$0xF0] =	vst v19  }
0x2b7: {  	[spmem:s3] =	stream.indirect.scatter.add.f32 [tilespmem:s31], [sflag:$0x4], $0x10, s23, s19, $0xb8;
	[tilespmem:$0x16880] =	vst v63  }
0x2b8: {  	_ =	swait.ge [sflag:s26], $0x800  }
0x2b9: {  	[sflag:s26] =	ssyncset.done $0x0  }
0x2ba: {  	[sflag:s26] =	ssyncadd.s32 $0xFFFFF800  }
0x2bb: {  	_ =	swait.ge [sflag:s30], $0x800  }
0x2bc: {  	[sflag:s30] =	ssyncset.done $0x0  }
0x2bd: {  	[sflag:s30] =	ssyncadd.s32 $0xFFFFF800  }
0x2be: {  	s0 =	stileid.u32;
	[bflag:$0x0] =	sbarrier.arrive $0xFFFF  }
0x2bf: {  	s0 =	sshll.u32 s0, $0x6;
	s4 =	rddreg [dreg:$0x7]  }
0x2c0: {  	s0 =	sor.u32 $0x1C05, s0;
	s6 =	rddreg [dreg:$0xc];
	s2 =	sshrl.u32 s4, $0x3  }
0x2c1: {  	[hbm:s6], [sflag:s0] =	dma.local [spmem:s2], $0x500  }
0x2c2: {  	_ =	swait.ge [sflag:s16], $0x500  }
0x2c3: {  	s1 =	sadd.s32 $0x1, s1;
	s23 =	rddreg [dreg:$0xd]  }
0x2c4: {  	p0 =	sne.s32 s1, s23  }
.Ltmp4:
0x2c5: {  	_ = 	snop;
	(pc) =	sbr.rel @p0 .LBB2_1-.Ltmp4, $3  }
0x2c6: {  	_ =	sdelay $0x1  }
0x2c7: {  	[sflag:s16] =	ssyncset.done $0x0  }
0x2c8: {  	[sflag:s16] =	ssyncadd.s32 $0xFFFFFB00  }
0x2c9: {  	_ =	sfence.sel $0x180000  }
0x2ca: {  	[bflag:$0x0] =	sbarrier.arrive $0xFFFF  }
0x2cb: {  	_ =	strace $0x9000004A  }
0x2cc: {  	s0 =	stileid.u32;
	[bflag:$0x2] =	sbarrier.arrive $0xFFFF  }
0x2cd: {  	p0 =	sne.s32 s0, $0x0;
	s0 =	rddreg [dreg:$0x3]  }
0x2ce: {  	s0 =	sadd.s32 @!p0 $0x100000, s0  }
0x2cf: {  	[sflag:s0] =	ssyncadd.tile.s32 @!p0 $0x1;
	_ =	shalt  }
.Lfunc_end2:
_tile_overlayer_lowered:
.L_overlay_start_2:
0x2d0: {  	(tag) =	ssettag $0x2  }
0x2d1: {  	s0 =	rddreg [dreg:$0x0];
	s2 =	stileid.u32  }
0x2d2: {  	s1 =	rddreg [dreg:$0x1];
	p0 =	sne.s32 s2, $0x0  }
0x2d3: {  	s3 =	rddreg [dreg:$0x2];
	[bflag:$0x3] =	sbarrier.arrive $0xFFFF;
	s2 =	simm.s32 @!p0 $0x1C05  }
0x2d4: {  	[timem:s3], [sflag:s2] =	dma.local @!p0 [hbm:s0], s1  }
0x2d5: {  	s0 =	simm.s32 @!p0 $0x5  }
0x2d6: {  	_ =	swait.ge @!p0 [sflag:s0], s1  }
0x2d7: {  	s1 =	ssub.s32 @!p0 $0x0, s1;
	[sflag:s0] =	ssyncset.done @!p0 $0x0  }
0x2d8: {  	[sflag:s0] =	ssyncadd.s32 @!p0 s1  }
0x2d9: {  	[bflag:$0x3] =	sbarrier.arrive $0xFFFF  }
0x2da: {  	_ =	shalt  }

// kernel: kernel.7.cloned.1.call-start
scs
__scs_entry_jumppad:
0x0: {  	(pc) =	sbr.rel $0x88, $3  }
0x1: {  	(tag) =	ssettag $0x0;
	lr =	simm.s32 $0x1  }
0x2: {  	[smem:$0x3F9B] =	sst lr;
	_ =	strace $0xD0000000  }
0x3: {  	_ = 	snop  }
0x4: {  	_ = 	snop  }
0x5: {  	_ = 	snop  }
0x6: {  	_ = 	snop  }
0x7: {  	_ = 	snop  }
__scs_overlays_trampoline_lowered:
0x8: {  	[smem:$0x3FAA] =	sst s0  }
0x9: {  	[smem:$0x3FAB] =	sst s1  }
0xa: {  	[smem:$0x3FAC] =	sst s2  }
0xb: {  	[smem:$0x3FAD] =	sst s3  }
0xc: {  	[smem:$0x3FAE] =	sst s4  }
0xd: {  	[smem:$0x3FAF] =	sst s5  }
0xe: {  	[smem:$0x3FB0] =	sst s6  }
0xf: {  	[smem:$0x3FB1] =	sst s7  }
0x10: {  	[smem:$0x3FB2] =	sst s8  }
0x11: {  	[smem:$0x3FB3] =	sst s9;
	s0 =	simm.s32 @!p0 $0x0  }
0x12: {  	s1 =	sld [smem:$0x3F99];
	s0 =	simm.s32 @p0 $0x1  }
0x13: {  	[smem:$0x3FB4] =	sst s0;
	s0 =	simm.s32 @!p1 $0x0  }
0x14: {  	s2 =	sld [smem:$0x3F98];
	s0 =	simm.s32 @p1 $0x1  }
0x15: {  	[smem:$0x3FB5] =	sst s0;
	s0 =	simm.s32 @!p2 $0x0  }
0x16: {  	s3 =	sld [smem:$0x3FDB];
	s0 =	simm.s32 @p2 $0x1  }
0x17: {  	s4 =	simm.s32 $0x1BF5;
	[smem:$0x3FB7] =	sst s0  }
0x18: {  	s0 =	sld [smem:$0x3F9A];
	_ =	swait.ge [sflag:s4], $0x0  }
0x19: {  	s7 =	sld [smem:$0x3F9B]  }
0x1a: {  	s8 =	sadd.s32 $0xFFFFE003, lr  }
0x1b: {  	s9 =	sadd.s32 $0xFFFFFEF7, lr;
	s5 =	simm.s32 $0xFFFFFFFF;
	p2 =	slt.u32 s8, $0xFFFFF086  }
0x1c: {  	p1 =	slt.u32 s9, $0xF7A;
	s5 =	simm.s32 @!p2 $0x0  }
0x1d: {  	s5 =	simm.s32 @p1 $0x1;
	p0 =	seq.s32 s7, s2  }
0x1e: {  	s7 =	smul.u32 @!p0 $0xF7A, s2;
	p2 =	seq.s32 @!p0 s5, $0x0  }
0x1f: {  	s9 =	smul.u32 $0xF7A, s1;
	s8 =	simm.s32 @!p0 $0x1BF5;
	p2 =	por !p2, p0  }
0x20: {  	[sflag:s8] =	ssyncset.s32 @!p0 $0xFFFFF086;
	s6 =	sadd.s32 @!p0 s3, s7;
	s7 =	simm.s32 @!p0 $0x108  }
0x21: {  	s3 =	sadd.s32 s3, s9;
	s6 =	sadd.s32 @!p0 $0x88, s6;
	s7 =	simm.s32 @p2 $0x1082  }
0x22: {  	[simem:s7], [sflag:s8] =	dma.local @!p0 [hbm:s6], $0xF7A  }
0x23: {  	s9 =	sor.u32 $0xD0000000, s2;
	s6 =	simm.s32 $0x108;
	_ =	swait.ge @!p0 [sflag:s8], $0x0  }
0x24: {  	s3 =	sadd.s32 $0x88, s3;
	s6 =	simm.s32 @!p1 $0x1082;
	[sflag:s4] =	ssyncset.s32 $0xFFFFF086  }
0x25: {  	[simem:s6], [sflag:s4] =	dma.local [hbm:s3], $0xF7A  }
0x26: {  	[smem:$0x3F9B] =	sst s1;
	(tag) =	ssettag s2;
	_ =	strace s9  }
0x27: {  	s1 =	sld [smem:$0x3FAB]  }
0x28: {  	s2 =	sld [smem:$0x3FAC]  }
0x29: {  	s4 =	sld [smem:$0x3FAE]  }
0x2a: {  	p0 =	seq.s32 s5, $0x0;
	s5 =	sld [smem:$0x3FAF]  }
0x2b: {  	s6 =	sld [smem:$0x3FB0]  }
0x2c: {  	s7 =	sld [smem:$0x3FB1]  }
0x2d: {  	s3 =	simm.s32 $0x108;
	s8 =	sld [smem:$0x3FB2]  }
0x2e: {  	s3 =	simm.s32 @!p0 $0x1082;
	s9 =	sld [smem:$0x3FB3]  }
0x2f: {  	lr =	sadd.s32 s0, s3;
	s0 =	sld [smem:$0x3FAA]  }
0x30: {  	s3 =	sld [smem:$0x3FAD]  }
0x31: {  	[smem:$0x3FB6] =	sst s10  }
0x32: {  	s10 =	sld [smem:$0x3FB4];
	_ =	sdelay $0x3  }
0x33: {  	p0 =	seq.s32 s10, $0x1;
	s10 =	sld [smem:$0x3FB6];
	_ =	sdelay $0x3  }
0x34: {  	[smem:$0x3FB6] =	sst s10  }
0x35: {  	s10 =	sld [smem:$0x3FB5];
	_ =	sdelay $0x3  }
0x36: {  	p1 =	seq.s32 s10, $0x1;
	s10 =	sld [smem:$0x3FB6];
	_ =	sdelay $0x3  }
0x37: {  	[smem:$0x3FB6] =	sst s10  }
0x38: {  	s10 =	sld [smem:$0x3FB7]  }
0x39: {  	_ = 	snop;
	(pc) =	sbr.ind lr, $3  }
0x3a: {  	_ = 	snop  }
0x3b: {  	_ = 	snop  }
0x3c: {  	p2 =	seq.s32 s10, $0x1;
	s10 =	sld [smem:$0x3FB6]  }
0x3d: {  	_ =	shalt  }
0x3e: {  	_ =	shalt  }
0x3f: {  	_ =	shalt  }
0x40: {  	_ =	shalt  }
0x41: {  	_ =	shalt  }
0x42: {  	_ =	shalt  }
0x43: {  	_ =	shalt  }
0x44: {  	_ =	shalt  }
0x45: {  	_ =	shalt  }
0x46: {  	_ =	shalt  }
0x47: {  	_ =	shalt  }
0x48: {  	_ =	shalt  }
0x49: {  	_ =	shalt  }
0x4a: {  	_ =	shalt  }
0x4b: {  	_ =	shalt  }
0x4c: {  	_ =	shalt  }
0x4d: {  	_ =	shalt  }
0x4e: {  	_ =	shalt  }
0x4f: {  	_ =	shalt  }
0x50: {  	_ =	shalt  }
0x51: {  	_ =	shalt  }
0x52: {  	_ =	shalt  }
0x53: {  	_ =	shalt  }
0x54: {  	_ =	shalt  }
0x55: {  	_ =	shalt  }
0x56: {  	_ =	shalt  }
0x57: {  	_ =	shalt  }
0x58: {  	_ =	shalt  }
0x59: {  	_ =	shalt  }
0x5a: {  	_ =	shalt  }
0x5b: {  	_ =	shalt  }
0x5c: {  	_ =	shalt  }
0x5d: {  	_ =	shalt  }
0x5e: {  	_ =	shalt  }
0x5f: {  	_ =	shalt  }
0x60: {  	_ =	shalt  }
0x61: {  	_ =	shalt  }
0x62: {  	_ =	shalt  }
0x63: {  	_ =	shalt  }
0x64: {  	_ =	shalt  }
0x65: {  	_ =	shalt  }
0x66: {  	_ =	shalt  }
0x67: {  	_ =	shalt  }
0x68: {  	_ =	shalt  }
0x69: {  	_ =	shalt  }
0x6a: {  	_ =	shalt  }
0x6b: {  	_ =	shalt  }
0x6c: {  	_ =	shalt  }
0x6d: {  	_ =	shalt  }
0x6e: {  	_ =	shalt  }
0x6f: {  	_ =	shalt  }
0x70: {  	_ =	shalt  }
0x71: {  	_ =	shalt  }
0x72: {  	_ =	shalt  }
0x73: {  	_ =	shalt  }
0x74: {  	_ =	shalt  }
0x75: {  	_ =	shalt  }
0x76: {  	_ =	shalt  }
0x77: {  	_ =	shalt  }
0x78: {  	_ =	shalt  }
0x79: {  	_ =	shalt  }
0x7a: {  	_ =	shalt  }
0x7b: {  	_ =	shalt  }
0x7c: {  	_ =	shalt  }
0x7d: {  	_ =	shalt  }
0x7e: {  	_ =	shalt  }
0x7f: {  	_ =	shalt  }
0x80: {  	_ =	shalt  }
0x81: {  	_ =	shalt  }
0x82: {  	_ =	shalt  }
0x83: {  	_ =	shalt  }
0x84: {  	_ =	shalt  }
0x85: {  	_ =	shalt  }
0x86: {  	_ =	shalt  }
0x87: {  	_ =	shalt  }
.Lfunc_end0:
.L_simem_size_0:
called_computation_lowered:
.L_overlay_start_0:
0x88: {  	s2 =	sld [smem:$0x3FD9]  }
0x89: {  	s3 =	sld [smem:$0x3FFE];
	_ =	sdelay $0x1  }
0x8a: {  	s1 =	srdreg.scid  }
0x8b: {  	s0 =	sand.u32 $0x1, s1  }
0x8c: {  	s16 =	sshll.u32 s0, $0xA;
	s2 =	sadd.s32 s3, s2  }
0x8d: {  	s2 =	sadd.s32 s2, s16  }
0x8e: {  	[smem:$0x3FC2] =	sst s2  }
0x8f: {  	_ = 	snop  }
0x90: {  	(tm) =	ssettm $0x1  }
0x91: {  	s17 =	sld [smem:$0x3FFB];
	_ =	sdelay $0x3  }
0x92: {  	_ =	strace s17  }
0x93: {  	s2 =	sld [smem:$0x3FFC];
	_ =	sdelay $0x3  }
0x94: {  	_ =	strace s2  }
0x95: {  	s2 =	sld [smem:$0x3FFD];
	_ =	sdelay $0x3  }
0x96: {  	_ =	strace s2  }
0x97: {  	_ =	strace $0x8FFFFFFF  }
0x98: {  	s18 =	sld [smem:$0x3FDB];
	_ =	sdelay $0x1  }
0x99: {  	s19 =	simm.s32 $_scs_section_size  }
0x9a: {  	s4 =	simm.s32 $_size__tile_overlayer_lowered;
	s5 =	simm.s32 $_tile_overlayer_lowered  }
0x9b: {  	s22 =	simm.s32 $0x1BFF;
	s21 =	sshll.u32 s5, $0x1;
	s2 =	sadd.s32 s19, s18  }
0x9c: {  	s6 =	simm.s32 $0x0;
	s20 =	sshll.u32 s4, $0x1;
	s4 =	sadd.s32 s21, s2  }
0x9d: {  	[timem:s6], [sflag:s22] =	dma.local [hbm:s4], s20  }
0x9e: {  	_ =	swait.ge [sflag:s22], s20  }
0x9f: {  	s3 =	ssub.s32 $0x0, s20;
	[sflag:s22] =	ssyncset.done $0x0  }
0xa0: {  	[sflag:s22] =	ssyncadd.s32 s3;
	_ =	sdelay $0x1  }
0xa1: {  	s23 =	simm.s32 $0x1B8B  }
0xa2: {  	_ =	swait.ge [sflag:s23], $0x1  }
0xa3: {  	[sflag:s23] =	ssyncset.done $0x0  }
0xa4: {  	s25 =	simm.s32 $0x1B8E;
	s24 =	sld [smem:$0x3FFE];
	[sflag:s23] =	ssyncadd.s32 $0xFFFFFFFF  }
0xa5: {  	s26 =	simm.s32 $execute0_lowered;
	[smem:$0x3FD2] =	sst s25  }
0xa6: {  	s4 =	sshll.u32 s26, $0x1;
	_ =	strace $0x80000046;
	[dreg:$0x1] =	wrdreg $0xFFFFFFFF  }
0xa7: {  	s28 =	simm.s32 $_size_execute0_lowered;
	s2 =	sadd.s32 s2, s4;
	[dreg:$0x0] =	wrdreg $0x0  }
0xa8: {  	s4 =	sshll.u32 s28, $0x1;
	[dreg:$0x2] =	wrdreg s2  }
0xa9: {  	[dreg:$0x3] =	wrdreg s4  }
0xaa: {  	[dreg:$0x4] =	wrdreg $0xC0  }
0xab: {  	_ =	task [dreg:s6], $0x5FFFF  }
0xac: {  	[dreg:$0x1] =	wrdreg $0xFFFFFFFF  }
0xad: {  	[dreg:$0x0] =	wrdreg $0x60  }
0xae: {  	[dreg:$0x2] =	wrdreg s24  }
0xaf: {  	[dreg:$0x3] =	wrdreg $0x118800  }
0xb0: {  	[dreg:$0x4] =	wrdreg $0x9  }
0xb1: {  	_ =	task.clear_ibuf [dreg:s6], $0x5FFFF;
	_ =	strace $0x90000046  }
0xb2: {  	s29 =	simm.s32 $0x9;
	_ =	strace $0x80000048  }
0xb3: {  	_ =	swait.ge [sflag:s29], $0x1  }
0xb4: {  	[sflag:s29] =	ssyncadd.s32 $0xFFFFFFFF  }
0xb5: {  	_ =	strace $0x90000048  }
0xb6: {  	_ =	sfence  }
0xb7: {  	s30 =	sld [smem:$0x0];
	_ =	sdelay $0x2  }
0xb8: {  	s31 =	sshll.u32 s1, $0xD;
	s1 =	sshrl.u32 s1, $0x2  }
0xb9: {  	s3 =	sand.u32 $0x4000, s31;
	s1 =	sadd.s32 s1, s30  }
0xba: {  	s0 =	sor.u32 s3, s0;
	s1 =	sshll.u32 s1, $0x11  }
0xbb: {  	s0 =	sor.u32 s1, s0  }
0xbc: {  	s0 =	sadd.s32 $0x8F2B, s0  }
0xbd: {  	[sflag:s0] =	ssyncadd.remote.s32 $0x1  }
0xbe: {  	_ =	sfence.sel $0xFFFF  }
0xbf: {  	[dreg:$0x0] =	wrdreg $0xFFFFFFFF;
	(pc) =	sbr.abs _section_cstart, $3  }
0xc0: {  	[dreg:$0x1] =	wrdreg $0xFFFFFFFF  }
0xc1: {  	_ =	task.clear_ibuf [dreg:s6], $0x2FFFF;
	_ =	strace $0x9FFFFFFF  }
0xc2: {  	(tm) =	ssettm $0x7FFFFFFF  }
0xc3: {  	_ =	shalt  }
tec
execute0_lowered:
.L_overlay_start_1:
0x0: {  	(tag) =	ssettag $0x1  }
0x1: {  	s0 =	srdreg.scid;
	s1 =	rddreg [dreg:$0x0]  }
0x2: {  	s10 =	stileid.u32;
	s2 =	rddreg [dreg:$0x1];
	s4 =	simm.s32 $0x0  }
0x3: {  	s17 =	simm.s32 $0x5;
	s28 =	simm.s32 $0xA800;
	s29 =	simm.s32 $0xB000  }
0x4: {  	s30 =	simm.s32 $0x1;
	s31 =	simm.s32 $0x3;
	s0 =	sand.u32 $0x1, s0  }
0x5: {  	[smem:$0x7FF] =	sst s4;
	s7 =	smul.u32 $0xC490, s10;
	s4 =	sadd.s32 $0x1FC00, s1  }
0x6: {  	s5 =	sadd.s32 $0x24C00, s1;
	s6 =	sadd.s32 $0x29C00, s1;
	s3 =	sshll.u32 s0, $0x4  }
0x7: {  	_ =	strace $0x80000047;
	s8 =	smul.u32 $0xC8000, s0;
	s0 =	ssub.s32 $0x2, s0  }
0x8: {  	s3 =	sor.u32 s10, s3;
	s9 =	sshrl.u32 s0, $0x1;
	s10 =	smul.u32 $0x31240, s10  }
0x9: {  	s3 =	smul.u32 $0x2800, s3;
	s8 =	sadd.s32 s7, s8;
	s0 =	ssub.s32 s0, s9  }
0xa: {  	s9 =	sadd.s32 s7, s2;
	s8 =	sshrl.u32 s8, $0x3;
	s22 =	sshrl.u32 s10, $0x2  }
0xb: {  	s0 =	smax.u32 s0, $0x1;
	[dreg:$0x6] =	wrdreg s9;
	s23 =	sadd.s32 s22, s2  }
0xc: {  	s3 =	sshrl.u32 s3, $0x3;
	[dreg:$0xc] =	wrdreg s0;
	s24 =	sadd.s32 $0x2800, s23  }
0xd: {  	s22 =	simm.s32 $0xF000;
	s25 =	sadd.s32 $0x5000, s23;
	[dreg:$0x7] =	wrdreg s24  }
0xe: {  	s3 =	sadd.s32 s3, s1;
	s26 =	sadd.s32 $0x7800, s23;
	[dreg:$0x8] =	wrdreg s25  }
0xf: {  	s1 =	sadd.s32 s8, s1;
	s20 =	sadd.s32 $0x1C00, s3;
	[dreg:$0x9] =	wrdreg s26  }
0x10: {  	s21 =	sadd.s32 $0xBC00, s3;
	s3 =	sadd.s32 $0x15C00, s3;
	[dreg:$0x3] =	wrdreg s20  }
0x11: {  	s1 =	sadd.s32 $0x38C00, s1;
	s24 =	simm.s32 $0xC800;
	[dreg:$0x4] =	wrdreg s21  }
0x12: {  	v2 =	vlaneseq.u32;
	s26 =	simm.s32 $0xA000;
	[dreg:$0x5] =	wrdreg s3;
	s3 =	sadd.s32 $0xA000, s23  }
0x13: {  	v0 =	vimm.f32 $0.0e+00;
	v1 =	vimm.s32 $0x2710;
	v2 =	vshrl.u32 v2, $0x3;
	[dreg:$0xb] =	wrdreg s1;
	s20 =	simm.s32 $0x80;
	s1 =	simm.s32 $0x2  }
0x14: {  	v3 =	vor.u32 $0x2, v2;
	v4 =	vor.u32 $0x4, v2;
	v5 =	vor.u32 $0x6, v2;
	s21 =	simm.s32 $0x4;
	[dreg:$0xa] =	wrdreg s3;
	s3 =	simm.s32 $0x0  }
.LBB2_1:
0x15: {  	[dreg:$0xd] =	wrdreg s3  }
0x16: {  	s0 =	simm.s32 $0x0;
	s15 =	rddreg [dreg:$0x3]  }
0x17: {  	[tilespmem:s0], [sflag:$0x5] =	stream.linear.gather [hbm4b:s15+s0], $0x2800, $0x38;
	[tilespmem:$0x1DD10] =	vst v63  }
0x18: {  	_ =	swait.ge [sflag:s17], $0x2800  }
0x19: {  	[sflag:s17] =	ssyncset.done $0x0  }
0x1a: {  	s7 =	simm.s32 $0x2800;
	s16 =	rddreg [dreg:$0x4];
	[sflag:s17] =	ssyncadd.s32 $0xFFFFD800  }
0x1b: {  	[tilespmem:s7], [sflag:$0x5] =	stream.linear.gather [hbm4b:s16+s0], $0x2800, $0x38;
	[tilespmem:$0x1DD10] =	vst v63  }
0x1c: {  	_ =	swait.ge [sflag:s17], $0x2800  }
0x1d: {  	[sflag:s17] =	ssyncset.done $0x0  }
0x1e: {  	s8 =	simm.s32 $0x5000;
	s18 =	rddreg [dreg:$0x5];
	[sflag:s17] =	ssyncadd.s32 $0xFFFFD800  }
0x1f: {  	[tilespmem:s8], [sflag:$0x5] =	stream.linear.gather [hbm4b:s18+s0], $0x2800, $0x38;
	[tilespmem:$0x1DD10] =	vst v63  }
0x20: {  	_ =	swait.ge [sflag:s17], $0x2800  }
0x21: {  	[sflag:s17] =	ssyncset.done $0x0  }
0x22: {  	s19 =	simm.s32 $0x7800;
	[sflag:s17] =	ssyncadd.s32 $0xFFFFD800  }
0x23: {  	[tilespmem:s19], [sflag:$0x1] =	stream.indirect.gather [hbm4b:s4+s20], $0x10, s0, s20, $0xb8;
	[tilespmem:$0x1DD10] =	vst v63  }
0x24: {  	s23 =	simm.s32 $0x8000  }
0x25: {  	[tilespmem:s23], [sflag:$0x1] =	stream.indirect.gather [hbm4b:s5+s20], $0x10, s7, s20, $0xb8;
	[tilespmem:$0x1DD10] =	vst v63  }
0x26: {  	s25 =	simm.s32 $0x8800;
	s3 =	simm.s32 $0x140;
	s0 =	simm.s32 $0x0  }
0x27: {  	[tilespmem:s25], [sflag:$0x1] =	stream.indirect.gather [hbm4b:s6+s20], $0x30, s8, s20, $0xb8;
	[tilespmem:$0x1DD10] =	vst v63  }
.LBB2_2:
0x28: {  	p0 =	sne.s32 s3, $0x9EC0;
	[tilespmem:s0+$0xC840] =	vst v0;
	s7 =	smov.u32 s3;
	s3 =	sadd.s32 $0x140, s3  }
.Ltmp0:
0x29: {  	[tilespmem:s0+$0xC830] =	vst v0;
	(pc) =	sbr.rel @p0 .LBB2_2-.Ltmp0, $4  }
0x2a: {  	[tilespmem:s0+$0xC820] =	vst v0  }
0x2b: {  	[tilespmem:s0+$0xC800] =	vst v0  }
0x2c: {  	[tilespmem:s0+$0xC810] =	vst v0  }
0x2d: {  	s0 =	sshra.s32 s7, $0x2  }
0x2e: {  	[tilespmem:s0+$0xC840] =	vst v0  }
0x2f: {  	[tilespmem:s0+$0xC830] =	vst v0  }
0x30: {  	[tilespmem:s0+$0xC820] =	vst v0  }
0x31: {  	[tilespmem:s0+$0xC800] =	vst v0  }
0x32: {  	[tilespmem:s0+$0xC810] =	vst v0  }
0x33: {  	[tilespmem:$0x11800] =	vst v1  }
0x34: {  	[tilespmem:$0x11810] =	vst v1  }
0x35: {  	[tilespmem:$0x11820] =	vst v1  }
0x36: {  	[tilespmem:$0x11830] =	vst v1  }
0x37: {  	[tilespmem:$0x11840] =	vst v1  }
0x38: {  	[tilespmem:$0x11850] =	vst v1  }
0x39: {  	[tilespmem:$0x11860] =	vst v1  }
0x3a: {  	[tilespmem:$0x11870] =	vst v1  }
0x3b: {  	[spmem:s9] =	stream.linear.scatter [tilespmem:s24], [sflag:$0x5], $0x2800, $0x38;
	[tilespmem:$0x1DD10] =	vst v63  }
0x3c: {  	_ =	swait.ge [sflag:s17], $0x2800  }
0x3d: {  	[sflag:s17] =	ssyncset.done $0x0  }
0x3e: {  	s16 =	rddreg [dreg:$0x7];
	[sflag:s17] =	ssyncadd.s32 $0xFFFFD800  }
0x3f: {  	[spmem:s16] =	stream.linear.scatter [tilespmem:s24], [sflag:$0x5], $0x2800, $0x38;
	[tilespmem:$0x1DD10] =	vst v63  }
0x40: {  	_ =	swait.ge [sflag:s17], $0x2800  }
0x41: {  	[sflag:s17] =	ssyncset.done $0x0  }
0x42: {  	s18 =	rddreg [dreg:$0x8];
	[sflag:s17] =	ssyncadd.s32 $0xFFFFD800  }
0x43: {  	[spmem:s18] =	stream.linear.scatter [tilespmem:s24], [sflag:$0x5], $0x2800, $0x38;
	[tilespmem:$0x1DD10] =	vst v63  }
0x44: {  	_ =	swait.ge [sflag:s17], $0x2800  }
0x45: {  	[sflag:s17] =	ssyncset.done $0x0  }
0x46: {  	s19 =	rddreg [dreg:$0x9];
	[sflag:s17] =	ssyncadd.s32 $0xFFFFD800  }
0x47: {  	[spmem:s19] =	stream.linear.scatter [tilespmem:s24], [sflag:$0x5], $0x2800, $0x38;
	[tilespmem:$0x1DD10] =	vst v63  }
0x48: {  	_ =	swait.ge [sflag:s17], $0x2800  }
0x49: {  	[sflag:s17] =	ssyncset.done $0x0  }
0x4a: {  	s23 =	rddreg [dreg:$0xa];
	[sflag:s17] =	ssyncadd.s32 $0xFFFFD800  }
0x4b: {  	[spmem:s23] =	stream.linear.scatter [tilespmem:s24], [sflag:$0x5], $0x2490, $0x38;
	[tilespmem:$0x1DD10] =	vst v63  }
0x4c: {  	_ =	swait.ge [sflag:s17], $0x2490  }
0x4d: {  	[sflag:s17] =	ssyncset.done $0x0  }
0x4e: {  	[sflag:s17] =	ssyncadd.s32 $0xFFFFDB70  }
0x4f: {  	s25 =	simm.s32 $0x11800;
	[bflag:$0x0] =	sbarrier.arrive $0xFFFF  }
0x50: {  	[spmem:s2] =	stream.indirect.scatter.add.f32 [tilespmem:s24], [sflag:$0x3], $0x50, s25, s20, $0xb8;
	[tilespmem:$0x1DD10] =	vst v63  }
0x51: {  	s0 =	simm.s32 $0x0  }
0x52: {  	[spmem:s2] =	stream.indirect.scatter.add.f32 [tilespmem:s24], [sflag:$0x4], $0x50, s25, s20, $0xb8;
	[tilespmem:$0x1DD10] =	vst v63  }
.LBB2_4:
0x53: {  	s19 =	sshll.u32 s0, $0x8  }
0x54: {  	s18 =	sor.u32 $0x80, s19  }
0x55: {  	[tilespmem:s26], [sflag:$0x2] =	stream.indirect.gather [hbm4b:s4+s20], $0x10, s18, s20, $0xb8;
	[tilespmem:$0x1DD10] =	vst v63  }
0x56: {  	s3 =	sadd.s32 $0x2880, s19  }
0x57: {  	[tilespmem:s28], [sflag:$0x2] =	stream.indirect.gather [hbm4b:s5+s20], $0x10, s3, s20, $0xb8;
	[tilespmem:$0x1DD10] =	vst v63  }
0x58: {  	s12 =	sadd.s32 $0x5080, s19  }
0x59: {  	[tilespmem:s29], [sflag:$0x2] =	stream.indirect.gather [hbm4b:s6+s20], $0x30, s12, s20, $0xb8;
	[tilespmem:$0x1DD10] =	vst v63  }
0x5a: {  	_ =	swait.ge [sflag:s30], $0x800  }
0x5b: {  	[sflag:s30] =	ssyncset.done $0x0  }
0x5c: {  	[sflag:s30] =	ssyncadd.s32 $0xFFFFF800  }
0x5d: {  	_ =	swait.ge [sflag:s30], $0x800  }
0x5e: {  	[sflag:s30] =	ssyncset.done $0x0  }
0x5f: {  	[sflag:s30] =	ssyncadd.s32 $0xFFFFF800  }
0x60: {  	_ =	swait.ge [sflag:s30], $0x1800  }
0x61: {  	[sflag:s30] =	ssyncset.done $0x0  }
0x62: {  	[sflag:s30] =	ssyncadd.s32 $0xFFFFE800  }
0x63: {  	_ =	swait.ge [sflag:s31], $0x2800  }
0x64: {  	[sflag:s31] =	ssyncset.done $0x0  }
0x65: {  	s9 =	simm.s32 $0x8860;
	[sflag:s31] =	ssyncadd.s32 $0xFFFFD800  }
0x66: {  	s13 =	simm.s32 $0x8020;
	v6 =	vld [tilespmem:s9+$0x20]  }
0x67: {  	v7 =	vld [tilespmem:s13+$0xFFFFFFF0]  }
0x68: {  	s8 =	simm.s32 $0x7820;
	v8 =	vld [tilespmem:s13+$0x0]  }
0x69: {  	v9 =	vld [tilespmem:s8+$0x0]  }
0x6a: {  	v10 =	vld [tilespmem:s8+$0xFFFFFFF0]  }
0x6b: {  	v11 =	vld [tilespmem:s9+$0xFFFFFFF0];
	_ =	sdelay $0x2  }
0x6c: {  	v8 =	vadd.f32 v8, v9  }
0x6d: {  	s7 =	simm.s32 $0x8920;
	v13 =	vld [tilespmem:s13+$0xFFFFFFE0];
	v7 =	vadd.f32 v7, v10;
	v6 =	vunpack.i.l.bf16.f32 v6  }
0x6e: {  	s12 =	simm.s32 $0x7860;
	v14 =	vld [tilespmem:s7+$0x20];
	v9 =	vunpack.i.l.bf16.f32 v11;
	v6 =	vadd.f32 v6, v8  }
0x6f: {  	v15 =	vld [tilespmem:s12+$0xFFFFFFF0];
	v7 =	vadd.f32 v9, v7  }
0x70: {  	v16 =	vld [tilespmem:s7+$0xFFFFFFF0];
	v10 =	vmul.f32 $2.000000030e-01, v6  }
0x71: {  	s10 =	simm.s32 $0x8060;
	v17 =	vld [tilespmem:s7+$0xFFFFFFC0];
	v12 =	vmul.f32 $2.000000030e-01, v7  }
0x72: {  	v6 =	vmax.f32 v6, v10;
	v10 =	vld [tilespmem:s10+$0x0]  }
0x73: {  	v7 =	vmax.f32 v7, v12;
	v12 =	vld [tilespmem:s12+$0x0];
	v6 =	vmul.f32 $1.442695020e+00, v6  }
0x74: {  	v11 =	vld [tilespmem:s8+$0xFFFFFFE0];
	v7 =	vmul.f32 $1.442695020e+00, v7  }
0x75: {  	v8 =	vld [tilespmem:s9+$0xFFFFFFC0];
	(erf) = vpow2.f32 v6  }
0x76: {  	(erf) = vpow2.f32 v7;
	v7 =	vld [tilespmem:s10+$0xFFFFFFF0]  }
0x77: {  	v6 =	vld [tilespmem:s13+$0x10]  }
0x78: {  	v10 =	vadd.f32 v10, v12;
	v12 =	vld [tilespmem:s8+$0x10]  }
0x79: {  	v14 =	vunpack.i.l.bf16.f32 v14;
	v9 =	vld [tilespmem:s9+$0x50]  }
0x7a: {  	v19 =	vld [tilespmem:s10+$0xFFFFFFE0];
	v11 =	vadd.f32 v13, v11;
	v10 =	vadd.f32 v14, v10  }
0x7b: {  	s14 =	simm.s32 $0x80A0;
	v13 =	vld [tilespmem:s12+$0xFFFFFFE0];
	v8 =	vunpack.i.l.bf16.f32 v8;
	v7 =	vadd.f32 v7, v15  }
0x7c: {  	v24 =	vld [tilespmem:s14+$0xFFFFFFF0];
	v16 =	vunpack.i.l.bf16.f32 v16;
	v8 =	vadd.f32 v8, v11;
	v15 =	vmul.f32 $2.000000030e-01, v10  }
0x7d: {  	v17 =	vunpack.i.l.bf16.f32 v17;
	v11 =	vld [tilespmem:s10+$0x10];
	v6 =	vadd.f32 v6, v12;
	v7 =	vadd.f32 v16, v7  }
0x7e: {  	s11 =	simm.s32 $0xC8A0;
	v9 =	vunpack.i.l.bf16.f32 v9;
	v14 =	vld [tilespmem:s7+$0x50];
	v10 =	vmax.f32 v10, v15;
	v16 =	vmul.f32 $2.000000030e-01, v8  }
0x7f: {  	s15 =	simm.s32 $0x78A0;
	v15 =	vld [tilespmem:s12+$0x10];
	v18 =	vpop (erf);
	v10 =	vmul.f32 $1.442695020e+00, v10;
	v6 =	vadd.f32 v9, v6;
	v22 =	vmul.f32 $2.000000030e-01, v7  }
0x80: {  	v9 =	vadd.f32 v19, v13;
	v13 =	vld [tilespmem:s15+$0x0];
	[tilespmem:s11+$0x40] =	vst v18;
	v19 =	vperm.xlane v18, v3;
	v25 =	vperm.xlane v18, v2  }
0x81: {  	v20 =	vpop (erf);
	v12 =	vld [tilespmem:s9+$0x0];
	(erf) = vpow2.f32 v10;
	v10 =	vmax.f32 v8, v16;
	v16 =	vperm.xlane v18, v5  }
0x82: {  	[tilespmem:s11+$0xFFFFFFF0] =	vst v20;
	v8 =	vld [tilespmem:s14+$0x0];
	v23 =	vperm.xlane v20, v2;
	v9 =	vadd.f32 v17, v9;
	v7 =	vmax.f32 v7, v22  }
0x83: {  	s25 =	simm.s32 $0x89E0;
	v18 =	vperm.xlane v18, v4;
	v21 =	vld [tilespmem:s9+$0xFFFFFFD0];
	v7 =	vmul.f32 $1.442695020e+00, v7  }
0x84: {  	v22 =	vld [tilespmem:s25+$0x20];
	v10 =	vmul.f32 $1.442695020e+00, v10;
	v26 =	vmul.f32 $2.000000030e-01, v9  }
0x85: {  	v11 =	vadd.f32 v11, v15;
	v15 =	vld [tilespmem:s15+$0xFFFFFFF0];
	(erf) = vpow2.f32 v7;
	v7 =	vunpack.i.l.bf16.f32 v14  }
0x86: {  	v17 =	vld [tilespmem:s25+$0xFFFFFFF0];
	v14 =	vperm.xlane v20, v3;
	v29 =	vmax.f32 v9, v26;
	v27 =	vunpack.i.l.bf16.f32 v12  }
0x87: {  	v28 =	vld [tilespmem:s25+$0x50];
	v12 =	vunpack.i.u.bf16.f32 v12;
	v13 =	vadd.f32 v8, v13;
	v25 =	vmul.f32 v25, v27  }
0x88: {  	v9 =	vld [tilespmem:s15+$0xFFFFFFE0];
	v8 =	vadd.f32 v7, v11;
	(erf) = vpow2.f32 v10;
	v12 =	vmul.f32 v19, v12  }
0x89: {  	v29 =	vmul.f32 $1.442695020e+00, v29;
	v19 =	vunpack.i.l.bf16.f32 v22;
	v7 =	vunpack.i.l.bf16.f32 v21;
	[tilespmem:s11+$0x0] =	vst v25;
	v25 =	vld [tilespmem:s14+$0xFFFFFFE0]  }
0x8a: {  	s23 =	simm.s32 $0x78E0;
	v13 =	vadd.f32 v19, v13;
	v19 =	vld [tilespmem:s25+$0xFFFFFFC0];
	v15 =	vadd.f32 v24, v15;
	[tilespmem:s11+$0x10] =	vst v12;
	v12 =	vunpack.i.u.bf16.f32 v21  }
0x8b: {  	v60 =	vld [tilespmem:s23+$0xFFFFFFE0];
	v17 =	vunpack.i.l.bf16.f32 v17;
	v7 =	vmul.f32 v23, v7;
	v22 =	vpop (erf);
	v12 =	vmul.f32 v14, v12  }
0x8c: {  	v21 =	vld [tilespmem:s9+$0x10];
	v14 =	vmul.f32 $2.000000030e-01, v13;
	v15 =	vadd.f32 v17, v15;
	v11 =	vperm.xlane v22, v5  }
0x8d: {  	v24 =	vld [tilespmem:s14+$0x10];
	v23 =	vperm.xlane v22, v3;
	v32 =	vperm.xlane v22, v2  }
0x8e: {  	s16 =	simm.s32 $0x80E0;
	v17 =	vld [tilespmem:s15+$0x10];
	[tilespmem:s11+$0xFFFFFFC0] =	vst v12;
	v12 =	vmax.f32 v13, v14;
	v10 =	vmul.f32 $2.000000030e-01, v15;
	v9 =	vadd.f32 v25, v9  }
0x8f: {  	v61 =	vld [tilespmem:s16+$0xFFFFFFE0];
	s8 =	simm.s32 $0x8AA0;
	v37 =	vperm.xlane v22, v4;
	v12 =	vmul.f32 $1.442695020e+00, v12;
	v19 =	vunpack.i.l.bf16.f32 v19  }
0x90: {  	v33 =	vld [tilespmem:s8+$0x50];
	s12 =	simm.s32 $0xC9E0;
	[tilespmem:s11+$0xFFFFFFB0] =	vst v7;
	v14 =	vunpack.i.l.bf16.f32 v28;
	v7 =	vpop (erf);
	v10 =	vmax.f32 v15, v10;
	v9 =	vadd.f32 v19, v9  }
0x91: {  	[tilespmem:s12+$0x40] =	vst v22;
	v25 =	vld [tilespmem:s9+$0xFFFFFFE0];
	v13 =	vperm.xlane v7, v2;
	(erf) = vpow2.f32 v12;
	v12 =	vunpack.i.l.bf16.f32 v21  }
0x92: {  	v28 =	vperm.xlane v7, v3;
	v21 =	vunpack.i.u.bf16.f32 v21;
	v19 =	vld [tilespmem:s7+$0x0];
	v27 =	vmul.f32 $2.000000030e-01, v9  }
0x93: {  	v15 =	vld [tilespmem:s8+$0xFFFFFFF0];
	[tilespmem:s12+$0xFFFFFFF0] =	vst v7;
	v17 =	vadd.f32 v24, v17;
	v12 =	vmul.f32 v18, v12;
	v18 =	vmul.f32 $1.442695020e+00, v10  }
0x94: {  	v24 =	vperm.xlane v20, v4;
	v26 =	vld [tilespmem:s7+$0xFFFFFFD0];
	v10 =	vmax.f32 v9, v27;
	v9 =	vmul.f32 $2.000000030e-01, v6  }
0x95: {  	v16 =	vmul.f32 v16, v21;
	v21 =	vld [tilespmem:s16+$0xFFFFFFF0];
	(erf) = vpow2.f32 v18  }
0x96: {  	v18 =	vperm.xlane v20, v5;
	v34 =	vunpack.i.l.bf16.f32 v25;
	v27 =	vld [tilespmem:s23+$0xFFFFFFF0];
	v6 =	vmax.f32 v6, v9  }
0x97: {  	v20 =	vld [tilespmem:s16+$0x0];
	v9 =	vunpack.i.l.bf16.f32 v19;
	v19 =	vunpack.i.u.bf16.f32 v19;
	v6 =	vmul.f32 $1.442695020e+00, v6  }
0x98: {  	v25 =	vunpack.i.u.bf16.f32 v25;
	v9 =	vmul.f32 v32, v9;
	v19 =	vmul.f32 v23, v19;
	v23 =	vld [tilespmem:s23+$0x0]  }
0x99: {  	v30 =	vld [tilespmem:s8+$0x20];
	v24 =	vmul.f32 v24, v34;
	v36 =	vmul.f32 v18, v25;
	v31 =	vunpack.i.l.bf16.f32 v26  }
0x9a: {  	v35 =	vld [tilespmem:s8+$0xFFFFFFC0];
	v31 =	vmul.f32 v13, v31;
	v13 =	vpop (erf);
	(erf) = vpow2.f32 v6;
	[tilespmem:s12+$0x0] =	vst v9  }
0x9b: {  	v25 =	vld [tilespmem:s23+$0x10];
	v9 =	vadd.f32 v14, v17;
	[tilespmem:s12+$0x10] =	vst v19;
	v14 =	vunpack.i.l.bf16.f32 v15;
	v15 =	vadd.f32 v21, v27  }
0x9c: {  	[tilespmem:s11+$0xFFFFFFA0] =	vst v13;
	v19 =	vunpack.i.u.bf16.f32 v26;
	v27 =	vperm.xlane v13, v2;
	v21 =	vunpack.i.l.bf16.f32 v33;
	v22 =	vld [tilespmem:s7+$0x10]  }
0x9d: {  	[tilespmem:s11+$0x30] =	vst v16;
	v38 =	vld [tilespmem:s9+$0xFFFFFFA0];
	v26 =	vadd.f32 v14, v15;
	v15 =	vmul.f32 v28, v19;
	v16 =	vadd.f32 v20, v23  }
0x9e: {  	[tilespmem:s11+$0xFFFFFFD0] =	vst v24;
	v6 =	vpop (erf);
	v19 =	vadd.f32 v61, v60;
	v28 =	vperm.xlane v13, v3;
	v20 =	vld [tilespmem:s16+$0x10];
	v23 =	vunpack.i.l.bf16.f32 v30  }
0x9f: {  	s13 =	simm.s32 $0xCB20;
	[tilespmem:s12+$0xFFFFFFB0] =	vst v31;
	v17 =	vperm.xlane v6, v5;
	v14 =	vpop (erf);
	v30 =	vunpack.i.l.bf16.f32 v35;
	v23 =	vadd.f32 v23, v16  }
0xa0: {  	v18 =	vperm.xlane v6, v3;
	v24 =	vperm.xlane v14, v2;
	[tilespmem:s13+$0xFFFFFFF0] =	vst v14;
	v32 =	vadd.f32 v30, v19  }
0xa1: {  	[tilespmem:s12+$0xFFFFFFC0] =	vst v15;
	v15 =	vunpack.i.l.bf16.f32 v22;
	v31 =	vunpack.i.u.bf16.f32 v22;
	v22 =	vld [tilespmem:s25+$0xFFFFFFD0];
	v62 =	vmul.f32 $2.000000030e-01, v23  }
0xa2: {  	[tilespmem:s11+$0xFFFFFFE0] =	vst v36;
	v19 =	vperm.xlane v14, v3;
	v30 =	vunpack.i.u.bf16.f32 v38;
	v63 =	vmul.f32 $2.000000030e-01, v32  }
0xa3: {  	s3 =	simm.s32 $0x7920;
	s10 =	simm.s32 $0x8B60;
	s14 =	simm.s32 $0xCC60;
	[tilespmem:s13+$0x40] =	vst v6;
	v25 =	vadd.f32 v20, v25;
	v20 =	vmul.f32 v37, v15;
	v16 =	vpop (erf);
	v33 =	vmax.f32 v23, v62  }
0xa4: {  	s15 =	simm.s32 $0xC;
	s16 =	simm.s32 $0x8120;
	v15 =	vmax.f32 v32, v63;
	v23 =	vld [tilespmem:s7+$0xFFFFFFE0];
	[tilespmem:s11+$0x90] =	vst v16;
	v32 =	vmul.f32 $1.442695020e+00, v33;
	v33 =	vunpack.i.l.bf16.f32 v38  }
.LBB2_5:
0xa5: {  	s15 =	sadd.s32 $0x4, s15;
	v34 =	vmul.f32 $2.000000030e-01, v26;
	v21 =	vadd.f32 v21, v25;
	v25 =	vld [tilespmem:s25+$0x0];
	v27 =	vmul.f32 v27, v33;
	s23 =	smov.u32 s11;
	s11 =	smov.u32 s12  }
0xa6: {  	v35 =	vunpack.i.l.bf16.f32 v22;
	v31 =	vmul.f32 v11, v31;
	v11 =	vmovc v17;
	s12 =	smov.u32 s13;
	s13 =	smov.u32 s14;
	v33 =	vld [tilespmem:s10+$0x20];
	p0 =	slt.u32 s15, $0x7C;
	(erf) = vpow2.f32 v29  }
0xa7: {  	v17 =	vmax.f32 v26, v34;
	(erf) = vpow2.f32 v32;
	v26 =	vmul.f32 $2.000000030e-01, v8;
	[tilespmem:s23+$0xFFFFFF60] =	vst v27;
	v27 =	vld [tilespmem:s9+$0x30]  }
0xa8: {  	v32 =	vperm.xlane v7, v4;
	v34 =	vperm.xlane v7, v5;
	v7 =	vmov v14;
	v29 =	vld [tilespmem:s10+$0xFFFFFFF0];
	[tilespmem:s11+$0x30] =	vst v31  }
0xa9: {  	v14 =	vmul.f32 $1.442695020e+00, v17;
	v17 =	vmax.f32 v8, v26;
	v26 =	vmul.f32 v28, v30;
	v8 =	vmovc v9;
	v9 =	vmovc v21  }
0xaa: {  	v24 =	vmul.f32 v24, v35;
	v28 =	vperm.xlane v6, v2;
	v30 =	vunpack.i.l.bf16.f32 v23;
	v21 =	vld [tilespmem:s16+$0xFFFFFFF0]  }
0xab: {  	v30 =	vmul.f32 v32, v30;
	v31 =	vld [tilespmem:s3+$0xFFFFFFF0];
	(erf) = vpow2.f32 v14;
	v14 =	vunpack.i.u.bf16.f32 v25;
	[tilespmem:s23+$0xFFFFFF70] =	vst v26  }
0xac: {  	v17 =	vmul.f32 $1.442695020e+00, v17;
	v32 =	vperm.xlane v16, v2;
	v25 =	vunpack.i.l.bf16.f32 v25;
	v26 =	vld [tilespmem:s9+$0xFFFFFFB0]  }
0xad: {  	v37 =	vperm.xlane v16, v3;
	v36 =	vunpack.i.l.bf16.f32 v27;
	v35 =	vld [tilespmem:s10+$0xFFFFFFC0];
	[tilespmem:s12+$0xFFFFFFB0] =	vst v24;
	v24 =	vperm.xlane v13, v4  }
0xae: {  	v25 =	vmul.f32 v28, v25;
	v27 =	vunpack.i.u.bf16.f32 v27;
	v28 =	vmul.f32 v32, v36;
	v38 =	vld [tilespmem:s10+$0x50];
	[tilespmem:s11+$0xFFFFFFD0] =	vst v30  }
0xaf: {  	v23 =	vunpack.i.u.bf16.f32 v23;
	v32 =	vperm.xlane v13, v5;
	v30 =	vld [tilespmem:s16+$0x0];
	(erf) = vpow2.f32 v17;
	v13 =	vpop (erf);
	[tilespmem:s23+$0x20] =	vst v12  }
0xb0: {  	v12 =	vmov v20;
	v36 =	vld [tilespmem:s3+$0xFFFFFFE0];
	v39 =	vpop (erf);
	[tilespmem:s12+$0x0] =	vst v25;
	v25 =	vmul.f32 v34, v23;
	v23 =	vmul.f32 v37, v27  }
0xb1: {  	v40 =	vmul.f32 v18, v14;
	v20 =	vld [tilespmem:s16+$0xFFFFFFE0];
	v17 =	vperm.xlane v39, v5;
	v27 =	vunpack.i.l.bf16.f32 v26;
	[tilespmem:s23+$0x50] =	vst v28  }
0xb2: {  	v21 =	vadd.f32 v21, v31;
	v34 =	vperm.xlane v6, v4;
	v28 =	vunpack.i.l.bf16.f32 v29;
	v6 =	vmovc v39;
	v31 =	vld [tilespmem:s3+$0x0];
	[tilespmem:s23+$0x60] =	vst v23  }
0xb3: {  	v18 =	vperm.xlane v6, v3;
	v23 =	vunpack.i.u.bf16.f32 v26;
	v37 =	vmul.f32 v24, v27;
	[tilespmem:s12+$0x10] =	vst v40;
	v39 =	vld [tilespmem:s9+$0x40];
	s9 =	smov.u32 s7;
	s7 =	smov.u32 s25;
	s25 =	smov.u32 s8  }
0xb4: {  	v22 =	vunpack.i.u.bf16.f32 v22;
	v27 =	vperm.xlane v13, v2;
	v23 =	vmul.f32 v32, v23;
	s8 =	smov.u32 s10;
	v14 =	vpop (erf);
	v40 =	vld [tilespmem:s7+$0x10];
	[tilespmem:s11+$0xFFFFFFA0] =	vst v13  }
0xb5: {  	v19 =	vmul.f32 v19, v22;
	v26 =	vadd.f32 v28, v21;
	v32 =	vperm.xlane v16, v5;
	[tilespmem:s14+$0xFFFFFFF0] =	vst v14  }
0xb6: {  	v29 =	vmul.f32 $1.442695020e+00, v10;
	v10 =	vmovc v15;
	v21 =	vunpack.i.l.bf16.f32 v38;
	v24 =	vperm.xlane v14, v2;
	v38 =	vld [tilespmem:s9+$0xFFFFFFA0];
	[tilespmem:s23+$0xFFFFFF90] =	vst v23  }
0xb7: {  	v42 =	vperm.xlane v16, v4;
	v28 =	vperm.xlane v13, v3;
	v15 =	vadd.f32 v30, v31;
	v41 =	vld [tilespmem:s16+$0x10];
	[tilespmem:s12+$0xFFFFFFC0] =	vst v19  }
0xb8: {  	v19 =	vadd.f32 v20, v36;
	v20 =	vunpack.i.l.bf16.f32 v33;
	v33 =	vld [tilespmem:s3+$0x10];
	[tilespmem:s14+$0x40] =	vst v6;
	v16 =	vpop (erf);
	v30 =	vunpack.i.u.bf16.f32 v39  }
0xb9: {  	v22 =	vunpack.i.l.bf16.f32 v35;
	v15 =	vadd.f32 v20, v15;
	v23 =	vld [tilespmem:s7+$0xFFFFFFE0];
	v20 =	vunpack.i.l.bf16.f32 v40;
	[tilespmem:s23+$0xFFFFFF80] =	vst v37  }
.Ltmp1:
0xba: {  	v35 =	vadd.f32 v22, v19;
	v19 =	vperm.xlane v14, v3;
	v32 =	vmul.f32 v32, v30;
	v22 =	vld [tilespmem:s25+$0xFFFFFFD0];
	[tilespmem:s11+$0x90] =	vst v16;
	(pc) =	sbr.rel @p0 .LBB2_5-.Ltmp1, $4  }
0xbb: {  	v31 =	vunpack.i.u.bf16.f32 v40;
	v36 =	vmul.f32 $2.000000030e-01, v15;
	[tilespmem:s11+$0xFFFFFFE0] =	vst v25;
	v25 =	vunpack.i.l.bf16.f32 v39  }
0xbc: {  	v37 =	vmul.f32 $2.000000030e-01, v35;
	v30 =	vunpack.i.u.bf16.f32 v38;
	v39 =	vmul.f32 v42, v25;
	[tilespmem:s23+$0x80] =	vst v32  }
0xbd: {  	s14 =	sadd.s32 $0x140, s14;
	v20 =	vmul.f32 v34, v20;
	v32 =	vmax.f32 v15, v36;
	v25 =	vadd.f32 v41, v33  }
0xbe: {  	s10 =	sadd.s32 $0xC0, s10;
	s16 =	sadd.s32 $0x40, s16;
	s3 =	sadd.s32 $0x40, s3;
	v15 =	vmax.f32 v35, v37;
	v33 =	vunpack.i.l.bf16.f32 v38;
	v32 =	vmul.f32 $1.442695020e+00, v32;
	[tilespmem:s23+$0x70] =	vst v39  }
0xbf: {  	v34 =	vmul.f32 $2.000000030e-01, v26  }
0xc0: {  	v27 =	vmul.f32 v27, v33;
	(erf) = vpow2.f32 v29  }
0xc1: {  	v11 =	vmul.f32 v11, v31;
	v31 =	vmul.f32 $2.000000030e-01, v8  }
0xc2: {  	v29 =	vld [tilespmem:s25+$0x0];
	v55 =	vunpack.i.l.bf16.f32 v22;
	v28 =	vmul.f32 v28, v30;
	v22 =	vunpack.i.u.bf16.f32 v22  }
0xc3: {  	v54 =	vld [tilespmem:s9+$0x30];
	(erf) = vpow2.f32 v32;
	v19 =	vmul.f32 v19, v22;
	[tilespmem:s11+$0xFFFFFF60] =	vst v27  }
0xc4: {  	v26 =	vmax.f32 v26, v34;
	v27 =	vperm.xlane v7, v4;
	[tilespmem:s12+$0x30] =	vst v11;
	v11 =	vmul.f32 v24, v55  }
0xc5: {  	v24 =	vunpack.i.l.bf16.f32 v23;
	[tilespmem:s11+$0xFFFFFF70] =	vst v28;
	v28 =	vperm.xlane v16, v2;
	v26 =	vmul.f32 $1.442695020e+00, v26  }
0xc6: {  	[tilespmem:s11+$0x20] =	vst v12;
	v8 =	vmax.f32 v8, v31;
	v31 =	vperm.xlane v16, v3;
	v24 =	vmul.f32 v27, v24  }
0xc7: {  	[tilespmem:s12+$0x20] =	vst v20;
	(erf) = vpow2.f32 v26;
	v26 =	vperm.xlane v6, v2  }
0xc8: {  	v8 =	vmul.f32 $1.442695020e+00, v8;
	[tilespmem:s13+$0xFFFFFFB0] =	vst v11;
	v11 =	vld [tilespmem:s9+$0xFFFFFFB0];
	v27 =	vunpack.i.l.bf16.f32 v29;
	v30 =	vunpack.i.l.bf16.f32 v54  }
0xc9: {  	[tilespmem:s12+$0xFFFFFFD0] =	vst v24;
	v24 =	vunpack.i.u.bf16.f32 v54;
	v26 =	vmul.f32 v26, v27;
	v27 =	vmul.f32 v28, v30  }
0xca: {  	[tilespmem:s13+$0xFFFFFFC0] =	vst v19;
	v12 =	vunpack.i.u.bf16.f32 v29;
	(erf) = vpow2.f32 v8;
	v8 =	vmul.f32 v31, v24  }
0xcb: {  	v12 =	vmul.f32 v18, v12;
	[tilespmem:s11+$0x50] =	vst v27  }
0xcc: {  	v24 =	vperm.xlane v13, v5;
	[tilespmem:s11+$0x60] =	vst v8  }
0xcd: {  	v13 =	vperm.xlane v13, v4;
	[tilespmem:s13+$0x10] =	vst v12;
	v18 =	vpop (erf);
	v12 =	vunpack.i.u.bf16.f32 v11;
	v27 =	vld [tilespmem:s9+$0x40]  }
0xce: {  	[tilespmem:s12+$0xFFFFFFA0] =	vst v18;
	v12 =	vmul.f32 v24, v12;
	v24 =	vunpack.i.l.bf16.f32 v11  }
0xcf: {  	[tilespmem:s13+$0x0] =	vst v26;
	v26 =	vperm.xlane v7, v5;
	v7 =	vpop (erf);
	v13 =	vmul.f32 v13, v24;
	v24 =	vld [tilespmem:s7+$0xFFFFFFA0]  }
0xd0: {  	v10 =	vmul.f32 $1.442695020e+00, v10;
	v23 =	vunpack.i.u.bf16.f32 v23;
	v11 =	vld [tilespmem:s25+$0x10];
	[tilespmem:s14+$0x40] =	vst v7  }
0xd1: {  	v23 =	vmul.f32 v26, v23;
	v26 =	vperm.xlane v16, v5;
	[tilespmem:s11+$0xFFFFFF90] =	vst v12;
	v8 =	vpop (erf)  }
0xd2: {  	v56 =	vld [tilespmem:s25+$0xFFFFFFE0];
	(erf) = vpow2.f32 v10;
	v16 =	vperm.xlane v16, v4;
	[tilespmem:s14+$0xFFFFFFF0] =	vst v8;
	v31 =	vunpack.i.u.bf16.f32 v27  }
0xd3: {  	v12 =	vperm.xlane v18, v2;
	[tilespmem:s12+$0xFFFFFFE0] =	vst v23;
	v30 =	vpop (erf);
	v27 =	vunpack.i.l.bf16.f32 v27;
	v28 =	vld [tilespmem:s8+$0xFFFFFFD0];
	v26 =	vmul.f32 v26, v31  }
0xd4: {  	v29 =	vperm.xlane v18, v3;
	[tilespmem:s12+$0x90] =	vst v30;
	v16 =	vmul.f32 v16, v27;
	v23 =	vunpack.i.l.bf16.f32 v24  }
0xd5: {  	v19 =	vperm.xlane v8, v2;
	v31 =	vunpack.i.u.bf16.f32 v11;
	v12 =	vmul.f32 v12, v23;
	v23 =	vld [tilespmem:s7+$0x30];
	[tilespmem:s11+$0x80] =	vst v26  }
0xd6: {  	v24 =	vunpack.i.u.bf16.f32 v24;
	v27 =	vperm.xlane v14, v4;
	v17 =	vmul.f32 v17, v31;
	[tilespmem:s11+$0x70] =	vst v16  }
0xd7: {  	v31 =	vld [tilespmem:s8+$0x0];
	v10 =	vmul.f32 v29, v24;
	v26 =	vmul.f32 $2.000000030e-01, v9;
	[tilespmem:s12+$0xFFFFFF60] =	vst v12;
	v12 =	vunpack.i.l.bf16.f32 v56  }
0xd8: {  	v24 =	vperm.xlane v30, v3;
	[tilespmem:s13+$0x30] =	vst v17;
	v12 =	vmul.f32 v27, v12;
	v16 =	vunpack.i.l.bf16.f32 v28  }
0xd9: {  	v17 =	vadd.f32 v21, v25;
	[tilespmem:s12+$0xFFFFFF70] =	vst v10;
	v9 =	vmax.f32 v9, v26;
	v16 =	vmul.f32 v19, v16  }
0xda: {  	v10 =	vperm.xlane v30, v2;
	v21 =	vld [tilespmem:s7+$0xFFFFFFB0];
	v9 =	vmul.f32 $1.442695020e+00, v9;
	[tilespmem:s13+$0xFFFFFFD0] =	vst v12;
	v12 =	vunpack.i.u.bf16.f32 v23  }
0xdb: {  	v19 =	vperm.xlane v7, v2;
	v12 =	vmul.f32 v24, v12;
	[tilespmem:s14+$0xFFFFFFB0] =	vst v16;
	v16 =	vunpack.i.l.bf16.f32 v23  }
0xdc: {  	[tilespmem:s11+$0xFFFFFF80] =	vst v13;
	(erf) = vpow2.f32 v9;
	v9 =	vunpack.i.l.bf16.f32 v31;
	v10 =	vmul.f32 v10, v16  }
0xdd: {  	v22 =	vperm.xlane v7, v3;
	v9 =	vmul.f32 v19, v9;
	[tilespmem:s12+$0x60] =	vst v12  }
0xde: {  	v20 =	vunpack.i.u.bf16.f32 v31;
	v16 =	vmul.f32 $2.000000030e-01, v17;
	[tilespmem:s12+$0x50] =	vst v10;
	v10 =	vmul.f32 $1.442695020e+00, v15  }
0xdf: {  	v13 =	vperm.xlane v8, v3;
	v19 =	vmul.f32 v22, v20;
	[tilespmem:s14+$0x0] =	vst v9;
	v9 =	vunpack.i.u.bf16.f32 v21  }
0xe0: {  	v15 =	vperm.xlane v18, v5;
	v12 =	vmax.f32 v17, v16;
	v16 =	vld [tilespmem:s7+$0x40];
	(erf) = vpow2.f32 v10  }
0xe1: {  	v17 =	vpop (erf);
	v10 =	vmul.f32 $1.442695020e+00, v12;
	v12 =	vperm.xlane v18, v4;
	v18 =	vunpack.i.u.bf16.f32 v28  }
0xe2: {  	[tilespmem:s13+$0xFFFFFFA0] =	vst v17;
	v9 =	vmul.f32 v15, v9;
	v13 =	vmul.f32 v13, v18  }
0xe3: {  	[tilespmem:s14+$0x10] =	vst v19;
	v15 =	vunpack.i.l.bf16.f32 v21;
	(erf) = vpow2.f32 v10;
	v10 =	vperm.xlane v14, v5;
	v14 =	vld [tilespmem:s25+$0xFFFFFFA0]  }
0xe4: {  	v12 =	vmul.f32 v12, v15;
	[tilespmem:s12+$0xFFFFFF90] =	vst v9;
	v15 =	vperm.xlane v30, v5  }
0xe5: {  	[tilespmem:s14+$0xFFFFFFC0] =	vst v13;
	v19 =	vunpack.i.u.bf16.f32 v16  }
0xe6: {  	v9 =	vunpack.i.u.bf16.f32 v56;
	v18 =	vpop (erf);
	[tilespmem:s12+$0xFFFFFF80] =	vst v12;
	v12 =	vmul.f32 v15, v19  }
0xe7: {  	v13 =	vperm.xlane v30, v4;
	v9 =	vmul.f32 v10, v9;
	v10 =	vld [tilespmem:s8+$0x10];
	[tilespmem:s13+$0x90] =	vst v18  }
0xe8: {  	v15 =	vunpack.i.l.bf16.f32 v16;
	[tilespmem:s12+$0x80] =	vst v12;
	v12 =	vunpack.i.l.bf16.f32 v14  }
0xe9: {  	v16 =	vperm.xlane v17, v2;
	v19 =	vld [tilespmem:s8+$0xFFFFFFE0];
	[tilespmem:s13+$0xFFFFFFE0] =	vst v9;
	v9 =	vmul.f32 v13, v15  }
0xea: {  	v6 =	vperm.xlane v6, v4;
	v13 =	vld [tilespmem:s25+$0x30]  }
0xeb: {  	v11 =	vunpack.i.l.bf16.f32 v11;
	v15 =	vperm.xlane v7, v5;
	[tilespmem:s12+$0x70] =	vst v9;
	v9 =	vmul.f32 v16, v12;
	v12 =	vpop (erf)  }
0xec: {  	v6 =	vmul.f32 v6, v11;
	v16 =	vperm.xlane v17, v3;
	v20 =	vunpack.i.u.bf16.f32 v10;
	[tilespmem:s14+$0xFFFFFFA0] =	vst v12  }
0xed: {  	v14 =	vunpack.i.u.bf16.f32 v14;
	v15 =	vmul.f32 v15, v20;
	[tilespmem:s13+$0xFFFFFF60] =	vst v9;
	v9 =	vperm.xlane v8, v4;
	v21 =	vpop (erf);
	v20 =	vld [tilespmem:s8+$0xFFFFFFA0]  }
0xee: {  	v22 =	vperm.xlane v18, v2;
	v14 =	vmul.f32 v16, v14;
	v16 =	vunpack.i.l.bf16.f32 v19;
	[tilespmem:s14+$0x90] =	vst v21  }
0xef: {  	[tilespmem:s14+$0x30] =	vst v15;
	v9 =	vmul.f32 v9, v16;
	v15 =	vunpack.i.l.bf16.f32 v13;
	v16 =	vperm.xlane v18, v3;
	v23 =	vld [tilespmem:s8+$0x30]  }
0xf0: {  	v7 =	vperm.xlane v7, v4;
	[tilespmem:s13+$0xFFFFFF70] =	vst v14;
	v13 =	vunpack.i.u.bf16.f32 v13;
	v14 =	vmul.f32 v22, v15  }
0xf1: {  	v15 =	vld [tilespmem:s25+$0xFFFFFFB0];
	[tilespmem:s14+$0xFFFFFFD0] =	vst v9;
	v9 =	vmul.f32 v16, v13;
	v13 =	vperm.xlane v12, v2  }
0xf2: {  	v10 =	vunpack.i.l.bf16.f32 v10;
	v11 =	vperm.xlane v12, v3;
	[tilespmem:s13+$0x50] =	vst v14;
	v14 =	vunpack.i.l.bf16.f32 v20  }
0xf3: {  	[tilespmem:s13+$0x60] =	vst v9;
	v9 =	vunpack.i.u.bf16.f32 v20;
	v13 =	vmul.f32 v13, v14;
	v14 =	vperm.xlane v21, v2  }
0xf4: {  	[tilespmem:s13+$0x20] =	vst v6;
	v16 =	vperm.xlane v21, v3;
	v9 =	vmul.f32 v11, v9;
	v11 =	vunpack.i.l.bf16.f32 v23  }
0xf5: {  	v6 =	vld [tilespmem:s25+$0x40];
	v20 =	vperm.xlane v17, v5;
	[tilespmem:s14+$0xFFFFFF60] =	vst v13;
	v13 =	vunpack.i.u.bf16.f32 v23;
	v11 =	vmul.f32 v14, v11  }
0xf6: {  	v14 =	vperm.xlane v17, v4;
	v17 =	vunpack.i.u.bf16.f32 v15;
	[tilespmem:s14+$0xFFFFFF70] =	vst v9;
	v9 =	vmul.f32 v16, v13  }
0xf7: {  	v8 =	vperm.xlane v8, v5;
	v13 =	vunpack.i.l.bf16.f32 v15;
	v15 =	vmul.f32 v20, v17;
	v16 =	vld [tilespmem:s8+$0xFFFFFFB0];
	[tilespmem:s14+$0x50] =	vst v11  }
0xf8: {  	v7 =	vmul.f32 v7, v10;
	v11 =	vunpack.i.u.bf16.f32 v19;
	v13 =	vmul.f32 v14, v13;
	[tilespmem:s14+$0x60] =	vst v9  }
0xf9: {  	v8 =	vmul.f32 v8, v11;
	[tilespmem:s13+$0xFFFFFF90] =	vst v15;
	v9 =	vperm.xlane v18, v4;
	v15 =	vld [tilespmem:s8+$0x40]  }
0xfa: {  	[tilespmem:s14+$0x20] =	vst v7;
	v14 =	vperm.xlane v18, v5;
	v11 =	vunpack.i.u.bf16.f32 v6;
	v6 =	vunpack.i.l.bf16.f32 v6  }
0xfb: {  	[tilespmem:s14+$0xFFFFFFE0] =	vst v8;
	v6 =	vmul.f32 v9, v6;
	v8 =	vperm.xlane v12, v5  }
0xfc: {  	[tilespmem:s13+$0xFFFFFF80] =	vst v13;
	v11 =	vmul.f32 v14, v11;
	v9 =	vperm.xlane v12, v4;
	v10 =	vunpack.i.u.bf16.f32 v16  }
0xfd: {  	[tilespmem:s13+$0x70] =	vst v6;
	v6 =	vunpack.i.l.bf16.f32 v16;
	v8 =	vmul.f32 v8, v10;
	v10 =	vperm.xlane v21, v5  }
0xfe: {  	v7 =	vperm.xlane v21, v4;
	[tilespmem:s13+$0x80] =	vst v11;
	v6 =	vmul.f32 v9, v6;
	v9 =	vunpack.i.u.bf16.f32 v15  }
0xff: {  	[tilespmem:s14+$0xFFFFFF90] =	vst v8;
	v8 =	vmul.f32 v10, v9;
	v9 =	vunpack.i.l.bf16.f32 v15  }
0x100: {  	[tilespmem:s14+$0xFFFFFF80] =	vst v6;
	v6 =	vmul.f32 v7, v9  }
0x101: {  	[tilespmem:s14+$0x80] =	vst v8  }
0x102: {  	s3 =	sand.u32 $0x3FFFFF00, s19;
	p0 =	seq.s32 s0, $0x27;
	[tilespmem:s14+$0x70] =	vst v6  }
0x103: {  	[spmem:s2] =	stream.indirect.scatter.add.f32 [tilespmem:s24], [sflag:$0x3], $0x50, s3, s20, $0xb8;
	[tilespmem:$0x1DD10] =	vst v63  }
0x104: {  	s7 =	simm.s32 @!p0 $0x80;
	s8 =	simm.s32 @!p0 $0x7800;
	s3 =	sadd.s32 @!p0 $0x100, s19  }
0x105: {  	[tilespmem:s8], [sflag:$0x1] =	stream.indirect.gather @!p0 [hbm4b:s4+s7], $0x10, s3, s7, $0xb8;
	[tilespmem:$0x1DD10] =	vst v63  }
0x106: {  	s3 =	sadd.s32 @!p0 $0x2900, s19;
	s8 =	simm.s32 @!p0 $0x8000  }
0x107: {  	[tilespmem:s8], [sflag:$0x1] =	stream.indirect.gather @!p0 [hbm4b:s5+s7], $0x10, s3, s7, $0xb8;
	[tilespmem:$0x1DD10] =	vst v63  }
0x108: {  	s3 =	sadd.s32 @!p0 $0x5100, s19;
	s8 =	simm.s32 @!p0 $0x8800  }
0x109: {  	[tilespmem:s8], [sflag:$0x1] =	stream.indirect.gather @!p0 [hbm4b:s6+s7], $0x30, s3, s7, $0xb8;
	[tilespmem:$0x1DD10] =	vst v63  }
0x10a: {  	_ =	swait.ge [sflag:s1], $0x800  }
0x10b: {  	[sflag:s1] =	ssyncset.done $0x0  }
0x10c: {  	[sflag:s1] =	ssyncadd.s32 $0xFFFFF800  }
0x10d: {  	_ =	swait.ge [sflag:s1], $0x800  }
0x10e: {  	[sflag:s1] =	ssyncset.done $0x0  }
0x10f: {  	[sflag:s1] =	ssyncadd.s32 $0xFFFFF800  }
0x110: {  	_ =	swait.ge [sflag:s1], $0x1800  }
0x111: {  	[sflag:s1] =	ssyncset.done $0x0  }
0x112: {  	[sflag:s1] =	ssyncadd.s32 $0xFFFFE800  }
0x113: {  	_ =	swait.ge [sflag:s21], $0x2800  }
0x114: {  	[sflag:s21] =	ssyncset.done $0x0  }
0x115: {  	s9 =	simm.s32 $0xB060;
	[sflag:s21] =	ssyncadd.s32 $0xFFFFD800  }
0x116: {  	s12 =	simm.s32 $0xA820;
	v6 =	vld [tilespmem:s9+$0x20]  }
0x117: {  	v7 =	vld [tilespmem:s12+$0xFFFFFFF0]  }
0x118: {  	s13 =	simm.s32 $0xA020;
	v8 =	vld [tilespmem:s12+$0x0]  }
0x119: {  	v9 =	vld [tilespmem:s13+$0x0]  }
0x11a: {  	v10 =	vld [tilespmem:s13+$0xFFFFFFF0]  }
0x11b: {  	v11 =	vld [tilespmem:s9+$0xFFFFFFF0];
	_ =	sdelay $0x2  }
0x11c: {  	v8 =	vadd.f32 v8, v9  }
0x11d: {  	s7 =	simm.s32 $0xB120;
	v13 =	vld [tilespmem:s12+$0xFFFFFFE0];
	v7 =	vadd.f32 v7, v10;
	v6 =	vunpack.i.l.bf16.f32 v6  }
0x11e: {  	s14 =	simm.s32 $0xA060;
	v14 =	vld [tilespmem:s7+$0x20];
	v9 =	vunpack.i.l.bf16.f32 v11;
	v6 =	vadd.f32 v6, v8  }
0x11f: {  	v15 =	vld [tilespmem:s14+$0xFFFFFFF0];
	v7 =	vadd.f32 v9, v7  }
0x120: {  	v16 =	vld [tilespmem:s7+$0xFFFFFFF0];
	v10 =	vmul.f32 $2.000000030e-01, v6  }
0x121: {  	s10 =	simm.s32 $0xA860;
	v17 =	vld [tilespmem:s7+$0xFFFFFFC0];
	v12 =	vmul.f32 $2.000000030e-01, v7  }
0x122: {  	v6 =	vmax.f32 v6, v10;
	v10 =	vld [tilespmem:s10+$0x0]  }
0x123: {  	v7 =	vmax.f32 v7, v12;
	v12 =	vld [tilespmem:s14+$0x0];
	v6 =	vmul.f32 $1.442695020e+00, v6  }
0x124: {  	v11 =	vld [tilespmem:s13+$0xFFFFFFE0];
	v7 =	vmul.f32 $1.442695020e+00, v7  }
0x125: {  	v8 =	vld [tilespmem:s9+$0xFFFFFFC0];
	(erf) = vpow2.f32 v6  }
0x126: {  	(erf) = vpow2.f32 v7;
	v7 =	vld [tilespmem:s10+$0xFFFFFFF0]  }
0x127: {  	v6 =	vld [tilespmem:s12+$0x10]  }
0x128: {  	v10 =	vadd.f32 v10, v12;
	v12 =	vld [tilespmem:s13+$0x10]  }
0x129: {  	v14 =	vunpack.i.l.bf16.f32 v14;
	v9 =	vld [tilespmem:s9+$0x50]  }
0x12a: {  	v19 =	vld [tilespmem:s10+$0xFFFFFFE0];
	v11 =	vadd.f32 v13, v11;
	v10 =	vadd.f32 v14, v10  }
0x12b: {  	s15 =	simm.s32 $0xA8A0;
	v13 =	vld [tilespmem:s14+$0xFFFFFFE0];
	v8 =	vunpack.i.l.bf16.f32 v8;
	v7 =	vadd.f32 v7, v15  }
0x12c: {  	v24 =	vld [tilespmem:s15+$0xFFFFFFF0];
	v16 =	vunpack.i.l.bf16.f32 v16;
	v8 =	vadd.f32 v8, v11;
	v15 =	vmul.f32 $2.000000030e-01, v10  }
0x12d: {  	v17 =	vunpack.i.l.bf16.f32 v17;
	v11 =	vld [tilespmem:s10+$0x10];
	v6 =	vadd.f32 v6, v12;
	v7 =	vadd.f32 v16, v7  }
0x12e: {  	s16 =	simm.s32 $0xA0A0;
	v9 =	vunpack.i.l.bf16.f32 v9;
	v14 =	vld [tilespmem:s7+$0x50];
	v10 =	vmax.f32 v10, v15;
	v16 =	vmul.f32 $2.000000030e-01, v8  }
0x12f: {  	s11 =	simm.s32 $0xF0A0;
	v15 =	vld [tilespmem:s14+$0x10];
	v18 =	vpop (erf);
	v10 =	vmul.f32 $1.442695020e+00, v10;
	v6 =	vadd.f32 v9, v6;
	v22 =	vmul.f32 $2.000000030e-01, v7  }
0x130: {  	v9 =	vadd.f32 v19, v13;
	v13 =	vld [tilespmem:s16+$0x0];
	[tilespmem:s11+$0x40] =	vst v18;
	v19 =	vperm.xlane v18, v3;
	v25 =	vperm.xlane v18, v2  }
0x131: {  	v20 =	vpop (erf);
	v12 =	vld [tilespmem:s9+$0x0];
	(erf) = vpow2.f32 v10;
	v10 =	vmax.f32 v8, v16;
	v16 =	vperm.xlane v18, v5  }
0x132: {  	[tilespmem:s11+$0xFFFFFFF0] =	vst v20;
	v8 =	vld [tilespmem:s15+$0x0];
	v23 =	vperm.xlane v20, v2;
	v9 =	vadd.f32 v17, v9;
	v7 =	vmax.f32 v7, v22  }
0x133: {  	s19 =	simm.s32 $0xB1E0;
	v18 =	vperm.xlane v18, v4;
	v21 =	vld [tilespmem:s9+$0xFFFFFFD0];
	v7 =	vmul.f32 $1.442695020e+00, v7  }
0x134: {  	v22 =	vld [tilespmem:s19+$0x20];
	v10 =	vmul.f32 $1.442695020e+00, v10;
	v26 =	vmul.f32 $2.000000030e-01, v9  }
0x135: {  	v11 =	vadd.f32 v11, v15;
	v15 =	vld [tilespmem:s16+$0xFFFFFFF0];
	(erf) = vpow2.f32 v7;
	v7 =	vunpack.i.l.bf16.f32 v14  }
0x136: {  	v17 =	vld [tilespmem:s19+$0xFFFFFFF0];
	v14 =	vperm.xlane v20, v3;
	v29 =	vmax.f32 v9, v26;
	v27 =	vunpack.i.l.bf16.f32 v12  }
0x137: {  	v28 =	vld [tilespmem:s19+$0x50];
	v12 =	vunpack.i.u.bf16.f32 v12;
	v13 =	vadd.f32 v8, v13;
	v25 =	vmul.f32 v25, v27  }
0x138: {  	v9 =	vld [tilespmem:s16+$0xFFFFFFE0];
	v8 =	vadd.f32 v7, v11;
	(erf) = vpow2.f32 v10;
	v12 =	vmul.f32 v19, v12  }
0x139: {  	v29 =	vmul.f32 $1.442695020e+00, v29;
	v19 =	vunpack.i.l.bf16.f32 v22;
	v7 =	vunpack.i.l.bf16.f32 v21;
	[tilespmem:s11+$0x0] =	vst v25;
	v25 =	vld [tilespmem:s15+$0xFFFFFFE0]  }
0x13a: {  	s8 =	simm.s32 $0xB2A0;
	v13 =	vadd.f32 v19, v13;
	v19 =	vld [tilespmem:s19+$0xFFFFFFC0];
	v15 =	vadd.f32 v24, v15;
	[tilespmem:s11+$0x10] =	vst v12;
	v12 =	vunpack.i.u.bf16.f32 v21  }
0x13b: {  	v30 =	vld [tilespmem:s8+$0x20];
	v17 =	vunpack.i.l.bf16.f32 v17;
	v7 =	vmul.f32 v23, v7;
	v22 =	vpop (erf);
	v12 =	vmul.f32 v14, v12  }
0x13c: {  	v21 =	vld [tilespmem:s9+$0x10];
	v14 =	vmul.f32 $2.000000030e-01, v13;
	v15 =	vadd.f32 v17, v15;
	v11 =	vperm.xlane v22, v5  }
0x13d: {  	v24 =	vld [tilespmem:s15+$0x10];
	v23 =	vperm.xlane v22, v3;
	v57 =	vperm.xlane v22, v2  }
0x13e: {  	v17 =	vld [tilespmem:s16+$0x10];
	[tilespmem:s11+$0xFFFFFFC0] =	vst v12;
	v12 =	vmax.f32 v13, v14;
	v10 =	vmul.f32 $2.000000030e-01, v15;
	v9 =	vadd.f32 v25, v9  }
0x13f: {  	s25 =	simm.s32 $0xA0E0;
	v58 =	vld [tilespmem:s8+$0x50];
	v37 =	vperm.xlane v22, v4;
	v12 =	vmul.f32 $1.442695020e+00, v12;
	v19 =	vunpack.i.l.bf16.f32 v19  }
0x140: {  	v59 =	vld [tilespmem:s25+$0xFFFFFFE0];
	s12 =	simm.s32 $0xF1E0;
	[tilespmem:s11+$0xFFFFFFB0] =	vst v7;
	v14 =	vunpack.i.l.bf16.f32 v28;
	v7 =	vpop (erf);
	v10 =	vmax.f32 v15, v10;
	v9 =	vadd.f32 v19, v9  }
0x141: {  	[tilespmem:s12+$0x40] =	vst v22;
	v25 =	vld [tilespmem:s9+$0xFFFFFFE0];
	v13 =	vperm.xlane v7, v2;
	(erf) = vpow2.f32 v12;
	v12 =	vunpack.i.l.bf16.f32 v21  }
0x142: {  	v28 =	vperm.xlane v7, v3;
	v21 =	vunpack.i.u.bf16.f32 v21;
	v19 =	vld [tilespmem:s7+$0x0];
	v27 =	vmul.f32 $2.000000030e-01, v9  }
0x143: {  	v15 =	vld [tilespmem:s8+$0xFFFFFFF0];
	[tilespmem:s12+$0xFFFFFFF0] =	vst v7;
	v17 =	vadd.f32 v24, v17;
	v12 =	vmul.f32 v18, v12;
	v18 =	vmul.f32 $1.442695020e+00, v10  }
0x144: {  	s23 =	simm.s32 $0xA8E0;
	v24 =	vperm.xlane v20, v4;
	v26 =	vld [tilespmem:s7+$0xFFFFFFD0];
	v10 =	vmax.f32 v9, v27;
	v9 =	vmul.f32 $2.000000030e-01, v6  }
0x145: {  	v16 =	vmul.f32 v16, v21;
	v21 =	vld [tilespmem:s23+$0xFFFFFFF0];
	(erf) = vpow2.f32 v18  }
0x146: {  	v18 =	vperm.xlane v20, v5;
	v60 =	vunpack.i.l.bf16.f32 v25;
	v27 =	vld [tilespmem:s25+$0xFFFFFFF0];
	v6 =	vmax.f32 v6, v9  }
0x147: {  	v20 =	vld [tilespmem:s23+$0x0];
	v9 =	vunpack.i.l.bf16.f32 v19;
	v19 =	vunpack.i.u.bf16.f32 v19;
	v6 =	vmul.f32 $1.442695020e+00, v6  }
0x148: {  	v25 =	vunpack.i.u.bf16.f32 v25;
	v9 =	vmul.f32 v57, v9;
	v19 =	vmul.f32 v23, v19;
	v23 =	vld [tilespmem:s25+$0x0]  }
0x149: {  	v61 =	vld [tilespmem:s23+$0xFFFFFFE0];
	v24 =	vmul.f32 v24, v60;
	v36 =	vmul.f32 v18, v25;
	v31 =	vunpack.i.l.bf16.f32 v26  }
0x14a: {  	v35 =	vld [tilespmem:s8+$0xFFFFFFC0];
	v31 =	vmul.f32 v13, v31;
	v13 =	vpop (erf);
	(erf) = vpow2.f32 v6;
	[tilespmem:s12+$0x0] =	vst v9  }
0x14b: {  	v25 =	vld [tilespmem:s25+$0x10];
	v9 =	vadd.f32 v14, v17;
	[tilespmem:s12+$0x10] =	vst v19;
	v14 =	vunpack.i.l.bf16.f32 v15;
	v15 =	vadd.f32 v21, v27  }
0x14c: {  	[tilespmem:s11+$0xFFFFFFA0] =	vst v13;
	v19 =	vunpack.i.u.bf16.f32 v26;
	v27 =	vperm.xlane v13, v2;
	v21 =	vunpack.i.l.bf16.f32 v58;
	v22 =	vld [tilespmem:s7+$0x10]  }
0x14d: {  	[tilespmem:s11+$0x30] =	vst v16;
	v38 =	vld [tilespmem:s9+$0xFFFFFFA0];
	v26 =	vadd.f32 v14, v15;
	v15 =	vmul.f32 v28, v19;
	v16 =	vadd.f32 v20, v23  }
0x14e: {  	[tilespmem:s11+$0xFFFFFFD0] =	vst v24;
	v6 =	vpop (erf);
	v19 =	vadd.f32 v61, v59;
	v28 =	vperm.xlane v13, v3;
	v20 =	vld [tilespmem:s23+$0x10];
	v23 =	vunpack.i.l.bf16.f32 v30  }
0x14f: {  	s13 =	simm.s32 $0xF320;
	[tilespmem:s12+$0xFFFFFFB0] =	vst v31;
	v17 =	vperm.xlane v6, v5;
	v14 =	vpop (erf);
	v30 =	vunpack.i.l.bf16.f32 v35;
	v23 =	vadd.f32 v23, v16  }
0x150: {  	v18 =	vperm.xlane v6, v3;
	v24 =	vperm.xlane v14, v2;
	[tilespmem:s13+$0xFFFFFFF0] =	vst v14;
	v32 =	vadd.f32 v30, v19  }
0x151: {  	[tilespmem:s12+$0xFFFFFFC0] =	vst v15;
	v15 =	vunpack.i.l.bf16.f32 v22;
	v31 =	vunpack.i.u.bf16.f32 v22;
	v22 =	vld [tilespmem:s19+$0xFFFFFFD0];
	v62 =	vmul.f32 $2.000000030e-01, v23  }
0x152: {  	[tilespmem:s11+$0xFFFFFFE0] =	vst v36;
	v19 =	vperm.xlane v14, v3;
	v30 =	vunpack.i.u.bf16.f32 v38;
	v63 =	vmul.f32 $2.000000030e-01, v32  }
0x153: {  	s3 =	simm.s32 $0xA120;
	s10 =	simm.s32 $0xB360;
	s14 =	simm.s32 $0xF460;
	[tilespmem:s13+$0x40] =	vst v6;
	v25 =	vadd.f32 v20, v25;
	v20 =	vmul.f32 v37, v15;
	v16 =	vpop (erf);
	v33 =	vmax.f32 v23, v62  }
0x154: {  	s15 =	simm.s32 $0xC;
	s16 =	simm.s32 $0xA920;
	v15 =	vmax.f32 v32, v63;
	v23 =	vld [tilespmem:s7+$0xFFFFFFE0];
	[tilespmem:s11+$0x90] =	vst v16;
	v32 =	vmul.f32 $1.442695020e+00, v33;
	v33 =	vunpack.i.l.bf16.f32 v38  }
.LBB2_7:
0x155: {  	s15 =	sadd.s32 $0x4, s15;
	v34 =	vmul.f32 $2.000000030e-01, v26;
	v21 =	vadd.f32 v21, v25;
	v25 =	vld [tilespmem:s19+$0x0];
	v27 =	vmul.f32 v27, v33;
	s23 =	smov.u32 s11;
	s11 =	smov.u32 s12  }
0x156: {  	v35 =	vunpack.i.l.bf16.f32 v22;
	v31 =	vmul.f32 v11, v31;
	v11 =	vmovc v17;
	s12 =	smov.u32 s13;
	s13 =	smov.u32 s14;
	v33 =	vld [tilespmem:s10+$0x20];
	p0 =	slt.u32 s15, $0x7C;
	(erf) = vpow2.f32 v29  }
0x157: {  	v17 =	vmax.f32 v26, v34;
	(erf) = vpow2.f32 v32;
	v26 =	vmul.f32 $2.000000030e-01, v8;
	[tilespmem:s23+$0xFFFFFF60] =	vst v27;
	v27 =	vld [tilespmem:s9+$0x30]  }
0x158: {  	v32 =	vperm.xlane v7, v4;
	v34 =	vperm.xlane v7, v5;
	v7 =	vmov v14;
	v29 =	vld [tilespmem:s10+$0xFFFFFFF0];
	[tilespmem:s11+$0x30] =	vst v31  }
0x159: {  	v14 =	vmul.f32 $1.442695020e+00, v17;
	v17 =	vmax.f32 v8, v26;
	v26 =	vmul.f32 v28, v30;
	v8 =	vmovc v9;
	v9 =	vmovc v21  }
0x15a: {  	v24 =	vmul.f32 v24, v35;
	v28 =	vperm.xlane v6, v2;
	v30 =	vunpack.i.l.bf16.f32 v23;
	v21 =	vld [tilespmem:s16+$0xFFFFFFF0]  }
0x15b: {  	v30 =	vmul.f32 v32, v30;
	v31 =	vld [tilespmem:s3+$0xFFFFFFF0];
	(erf) = vpow2.f32 v14;
	v14 =	vunpack.i.u.bf16.f32 v25;
	[tilespmem:s23+$0xFFFFFF70] =	vst v26  }
0x15c: {  	v17 =	vmul.f32 $1.442695020e+00, v17;
	v32 =	vperm.xlane v16, v2;
	v25 =	vunpack.i.l.bf16.f32 v25;
	v26 =	vld [tilespmem:s9+$0xFFFFFFB0]  }
0x15d: {  	v37 =	vperm.xlane v16, v3;
	v36 =	vunpack.i.l.bf16.f32 v27;
	v35 =	vld [tilespmem:s10+$0xFFFFFFC0];
	[tilespmem:s12+$0xFFFFFFB0] =	vst v24;
	v24 =	vperm.xlane v13, v4  }
0x15e: {  	v25 =	vmul.f32 v28, v25;
	v27 =	vunpack.i.u.bf16.f32 v27;
	v28 =	vmul.f32 v32, v36;
	v38 =	vld [tilespmem:s10+$0x50];
	[tilespmem:s11+$0xFFFFFFD0] =	vst v30  }
0x15f: {  	v23 =	vunpack.i.u.bf16.f32 v23;
	v32 =	vperm.xlane v13, v5;
	v30 =	vld [tilespmem:s16+$0x0];
	(erf) = vpow2.f32 v17;
	v13 =	vpop (erf);
	[tilespmem:s23+$0x20] =	vst v12  }
0x160: {  	v12 =	vmov v20;
	v36 =	vld [tilespmem:s3+$0xFFFFFFE0];
	v39 =	vpop (erf);
	[tilespmem:s12+$0x0] =	vst v25;
	v25 =	vmul.f32 v34, v23;
	v23 =	vmul.f32 v37, v27  }
0x161: {  	v40 =	vmul.f32 v18, v14;
	v20 =	vld [tilespmem:s16+$0xFFFFFFE0];
	v17 =	vperm.xlane v39, v5;
	v27 =	vunpack.i.l.bf16.f32 v26;
	[tilespmem:s23+$0x50] =	vst v28  }
0x162: {  	v21 =	vadd.f32 v21, v31;
	v34 =	vperm.xlane v6, v4;
	v28 =	vunpack.i.l.bf16.f32 v29;
	v6 =	vmovc v39;
	v31 =	vld [tilespmem:s3+$0x0];
	[tilespmem:s23+$0x60] =	vst v23  }
0x163: {  	v18 =	vperm.xlane v6, v3;
	v23 =	vunpack.i.u.bf16.f32 v26;
	v37 =	vmul.f32 v24, v27;
	[tilespmem:s12+$0x10] =	vst v40;
	v39 =	vld [tilespmem:s9+$0x40];
	s9 =	smov.u32 s7;
	s7 =	smov.u32 s19;
	s19 =	smov.u32 s8  }
0x164: {  	v22 =	vunpack.i.u.bf16.f32 v22;
	v27 =	vperm.xlane v13, v2;
	v23 =	vmul.f32 v32, v23;
	s8 =	smov.u32 s10;
	v14 =	vpop (erf);
	v40 =	vld [tilespmem:s7+$0x10];
	[tilespmem:s11+$0xFFFFFFA0] =	vst v13  }
0x165: {  	v19 =	vmul.f32 v19, v22;
	v26 =	vadd.f32 v28, v21;
	v32 =	vperm.xlane v16, v5;
	[tilespmem:s14+$0xFFFFFFF0] =	vst v14  }
0x166: {  	v29 =	vmul.f32 $1.442695020e+00, v10;
	v10 =	vmovc v15;
	v21 =	vunpack.i.l.bf16.f32 v38;
	v24 =	vperm.xlane v14, v2;
	v38 =	vld [tilespmem:s9+$0xFFFFFFA0];
	[tilespmem:s23+$0xFFFFFF90] =	vst v23  }
0x167: {  	v42 =	vperm.xlane v16, v4;
	v28 =	vperm.xlane v13, v3;
	v15 =	vadd.f32 v30, v31;
	v41 =	vld [tilespmem:s16+$0x10];
	[tilespmem:s12+$0xFFFFFFC0] =	vst v19  }
0x168: {  	v19 =	vadd.f32 v20, v36;
	v20 =	vunpack.i.l.bf16.f32 v33;
	v33 =	vld [tilespmem:s3+$0x10];
	[tilespmem:s14+$0x40] =	vst v6;
	v16 =	vpop (erf);
	v30 =	vunpack.i.u.bf16.f32 v39  }
0x169: {  	v22 =	vunpack.i.l.bf16.f32 v35;
	v15 =	vadd.f32 v20, v15;
	v23 =	vld [tilespmem:s7+$0xFFFFFFE0];
	v20 =	vunpack.i.l.bf16.f32 v40;
	[tilespmem:s23+$0xFFFFFF80] =	vst v37  }
.Ltmp2:
0x16a: {  	v35 =	vadd.f32 v22, v19;
	v19 =	vperm.xlane v14, v3;
	v32 =	vmul.f32 v32, v30;
	v22 =	vld [tilespmem:s19+$0xFFFFFFD0];
	[tilespmem:s11+$0x90] =	vst v16;
	(pc) =	sbr.rel @p0 .LBB2_7-.Ltmp2, $4  }
0x16b: {  	v31 =	vunpack.i.u.bf16.f32 v40;
	v36 =	vmul.f32 $2.000000030e-01, v15;
	[tilespmem:s11+$0xFFFFFFE0] =	vst v25;
	v25 =	vunpack.i.l.bf16.f32 v39  }
0x16c: {  	v37 =	vmul.f32 $2.000000030e-01, v35;
	v30 =	vunpack.i.u.bf16.f32 v38;
	v39 =	vmul.f32 v42, v25;
	[tilespmem:s23+$0x80] =	vst v32  }
0x16d: {  	s14 =	sadd.s32 $0x140, s14;
	v20 =	vmul.f32 v34, v20;
	v32 =	vmax.f32 v15, v36;
	v25 =	vadd.f32 v41, v33  }
0x16e: {  	s10 =	sadd.s32 $0xC0, s10;
	s16 =	sadd.s32 $0x40, s16;
	s3 =	sadd.s32 $0x40, s3;
	v15 =	vmax.f32 v35, v37;
	v33 =	vunpack.i.l.bf16.f32 v38;
	v32 =	vmul.f32 $1.442695020e+00, v32;
	[tilespmem:s23+$0x70] =	vst v39  }
0x16f: {  	v34 =	vmul.f32 $2.000000030e-01, v26  }
0x170: {  	v27 =	vmul.f32 v27, v33;
	(erf) = vpow2.f32 v29  }
0x171: {  	v11 =	vmul.f32 v11, v31;
	v51 =	vmul.f32 $2.000000030e-01, v8  }
0x172: {  	v54 =	vperm.xlane v7, v4;
	v28 =	vmul.f32 v28, v30;
	[tilespmem:s11+$0x20] =	vst v12  }
0x173: {  	v52 =	vld [tilespmem:s9+$0x30];
	v53 =	vunpack.i.l.bf16.f32 v22;
	v57 =	vperm.xlane v6, v2;
	v59 =	vperm.xlane v16, v2;
	[tilespmem:s12+$0x20] =	vst v20  }
0x174: {  	v56 =	vunpack.i.l.bf16.f32 v23;
	v62 =	vperm.xlane v16, v3;
	v35 =	vperm.xlane v7, v5;
	[tilespmem:s11+$0xFFFFFF60] =	vst v27  }
0x175: {  	v50 =	vld [tilespmem:s19+$0x0];
	v38 =	vunpack.i.u.bf16.f32 v23;
	v39 =	vunpack.i.u.bf16.f32 v22;
	v55 =	vmul.f32 v24, v53;
	[tilespmem:s12+$0x30] =	vst v11  }
0x176: {  	(erf) = vpow2.f32 v32;
	v19 =	vmul.f32 v19, v39;
	v26 =	vmax.f32 v26, v34;
	[tilespmem:s11+$0xFFFFFF70] =	vst v28  }
0x177: {  	v8 =	vmax.f32 v8, v51;
	v24 =	vmul.f32 v54, v56;
	v26 =	vmul.f32 $1.442695020e+00, v26;
	[tilespmem:s13+$0xFFFFFFB0] =	vst v55  }
0x178: {  	v23 =	vmul.f32 v35, v38;
	v8 =	vmul.f32 $1.442695020e+00, v8;
	v60 =	vld [tilespmem:s9+$0xFFFFFFB0];
	[tilespmem:s13+$0xFFFFFFC0] =	vst v19;
	v61 =	vunpack.i.l.bf16.f32 v52  }
0x179: {  	[tilespmem:s12+$0xFFFFFFD0] =	vst v24;
	(erf) = vpow2.f32 v26;
	v63 =	vunpack.i.u.bf16.f32 v52;
	v30 =	vmul.f32 v59, v61  }
0x17a: {  	[tilespmem:s12+$0xFFFFFFE0] =	vst v23;
	v58 =	vunpack.i.l.bf16.f32 v50;
	(erf) = vpow2.f32 v8;
	v33 =	vmul.f32 v62, v63  }
0x17b: {  	v32 =	vunpack.i.u.bf16.f32 v50;
	v26 =	vmul.f32 v57, v58;
	[tilespmem:s11+$0x50] =	vst v30  }
0x17c: {  	v34 =	vperm.xlane v13, v5;
	v12 =	vmul.f32 v18, v32;
	[tilespmem:s11+$0x60] =	vst v33  }
0x17d: {  	v36 =	vperm.xlane v13, v4;
	v44 =	vperm.xlane v16, v5;
	[tilespmem:s13+$0x0] =	vst v26;
	v37 =	vunpack.i.u.bf16.f32 v60;
	v27 =	vld [tilespmem:s9+$0x40]  }
0x17e: {  	v10 =	vmul.f32 $1.442695020e+00, v10;
	[tilespmem:s13+$0x10] =	vst v12;
	v18 =	vpop (erf);
	v12 =	vmul.f32 v34, v37  }
0x17f: {  	v48 =	vperm.xlane v16, v4;
	v55 =	vmul.f32 $2.000000030e-01, v9;
	v40 =	vunpack.i.l.bf16.f32 v60;
	v11 =	vld [tilespmem:s19+$0x10];
	[tilespmem:s12+$0xFFFFFFA0] =	vst v18  }
0x180: {  	v6 =	vperm.xlane v6, v4;
	v13 =	vmul.f32 v36, v40;
	v7 =	vpop (erf);
	[tilespmem:s11+$0xFFFFFF90] =	vst v12  }
0x181: {  	v56 =	vperm.xlane v14, v4;
	v38 =	vmul.f32 $1.442695020e+00, v15;
	v9 =	vmax.f32 v9, v55;
	v42 =	vld [tilespmem:s7+$0xFFFFFFA0];
	[tilespmem:s14+$0x40] =	vst v7  }
0x182: {  	v9 =	vmul.f32 $1.442695020e+00, v9;
	v60 =	vadd.f32 v21, v25;
	[tilespmem:s11+$0xFFFFFF80] =	vst v13;
	v8 =	vpop (erf);
	v49 =	vunpack.i.u.bf16.f32 v27  }
0x183: {  	(erf) = vpow2.f32 v10;
	v57 =	vld [tilespmem:s8+$0x0];
	v27 =	vunpack.i.l.bf16.f32 v27;
	[tilespmem:s14+$0xFFFFFFF0] =	vst v8;
	v30 =	vpop (erf);
	v26 =	vmul.f32 v44, v49  }
0x184: {  	v43 =	vperm.xlane v18, v2;
	v51 =	vunpack.i.u.bf16.f32 v11;
	v16 =	vmul.f32 v48, v27;
	[tilespmem:s12+$0x90] =	vst v30  }
0x185: {  	(erf) = vpow2.f32 v9;
	v11 =	vunpack.i.l.bf16.f32 v11;
	v17 =	vmul.f32 v17, v51;
	[tilespmem:s11+$0x80] =	vst v26  }
0x186: {  	v32 =	vld [tilespmem:s19+$0xFFFFFFE0];
	v47 =	vperm.xlane v18, v3;
	v6 =	vmul.f32 v6, v11;
	v52 =	vunpack.i.l.bf16.f32 v42;
	[tilespmem:s11+$0x70] =	vst v16  }
0x187: {  	v62 =	vperm.xlane v7, v2;
	v24 =	vunpack.i.u.bf16.f32 v42;
	v12 =	vmul.f32 v43, v52;
	[tilespmem:s13+$0x30] =	vst v17  }
0x188: {  	v41 =	vperm.xlane v7, v3;
	v46 =	vld [tilespmem:s8+$0xFFFFFFD0];
	v58 =	vmul.f32 v47, v24;
	v35 =	vunpack.i.l.bf16.f32 v57;
	[tilespmem:s13+$0x20] =	vst v6  }
0x189: {  	v36 =	vmul.f32 $2.000000030e-01, v60;
	v37 =	vunpack.i.u.bf16.f32 v57;
	v9 =	vmul.f32 v62, v35;
	[tilespmem:s12+$0xFFFFFF60] =	vst v12  }
0x18a: {  	(erf) = vpow2.f32 v38;
	v53 =	vld [tilespmem:s7+$0x30];
	v40 =	vmul.f32 v41, v37;
	[tilespmem:s12+$0xFFFFFF70] =	vst v58  }
0x18b: {  	v39 =	vperm.xlane v18, v5;
	v59 =	vunpack.i.l.bf16.f32 v32;
	v45 =	vperm.xlane v8, v2;
	[tilespmem:s14+$0x0] =	vst v9  }
0x18c: {  	v50 =	vperm.xlane v8, v3;
	v41 =	vmax.f32 v60, v36;
	v12 =	vmul.f32 v56, v59;
	v17 =	vpop (erf);
	[tilespmem:s14+$0x10] =	vst v40  }
0x18d: {  	v61 =	vperm.xlane v30, v2;
	v44 =	vmul.f32 $1.442695020e+00, v41;
	v63 =	vld [tilespmem:s7+$0xFFFFFFB0];
	[tilespmem:s13+$0xFFFFFFA0] =	vst v17;
	v54 =	vunpack.i.l.bf16.f32 v46  }
0x18e: {  	[tilespmem:s13+$0xFFFFFFD0] =	vst v12;
	v46 =	vunpack.i.u.bf16.f32 v46;
	v16 =	vmul.f32 v45, v54;
	v45 =	vperm.xlane v18, v4;
	v18 =	vpop (erf)  }
0x18f: {  	v33 =	vperm.xlane v30, v3;
	v49 =	vld [tilespmem:s19+$0xFFFFFFA0];
	v29 =	vunpack.i.l.bf16.f32 v53;
	v13 =	vmul.f32 v50, v46;
	[tilespmem:s13+$0x90] =	vst v18  }
0x190: {  	(erf) = vpow2.f32 v44;
	v34 =	vunpack.i.u.bf16.f32 v53;
	v10 =	vmul.f32 v61, v29;
	[tilespmem:s14+$0xFFFFFFB0] =	vst v16  }
0x191: {  	v12 =	vmul.f32 v33, v34;
	[tilespmem:s14+$0xFFFFFFC0] =	vst v13  }
0x192: {  	v48 =	vperm.xlane v14, v5;
	[tilespmem:s12+$0x50] =	vst v10;
	v42 =	vunpack.i.u.bf16.f32 v63  }
0x193: {  	v56 =	vperm.xlane v17, v2;
	v60 =	vld [tilespmem:s19+$0x30];
	[tilespmem:s12+$0x60] =	vst v12;
	v47 =	vunpack.i.l.bf16.f32 v63;
	v63 =	vpop (erf);
	v9 =	vmul.f32 v39, v42  }
0x194: {  	v24 =	vperm.xlane v17, v3;
	v12 =	vmul.f32 v45, v47;
	v59 =	vunpack.i.l.bf16.f32 v49;
	[tilespmem:s14+$0xFFFFFFA0] =	vst v63  }
0x195: {  	v51 =	vperm.xlane v30, v5;
	v10 =	vld [tilespmem:s8+$0x10];
	v14 =	vunpack.i.u.bf16.f32 v49;
	v62 =	vmul.f32 v56, v59;
	[tilespmem:s12+$0xFFFFFF90] =	vst v9  }
0x196: {  	v52 =	vperm.xlane v30, v4;
	v50 =	vunpack.i.u.bf16.f32 v32;
	v57 =	vld [tilespmem:s8+$0xFFFFFFE0];
	v14 =	vmul.f32 v24, v14;
	[tilespmem:s12+$0xFFFFFF80] =	vst v12  }
0x197: {  	v30 =	vperm.xlane v18, v2;
	v9 =	vmul.f32 v48, v50;
	[tilespmem:s13+$0xFFFFFF60] =	vst v62  }
0x198: {  	v32 =	vperm.xlane v18, v3;
	v43 =	vld [tilespmem:s7+$0x40];
	v31 =	vunpack.i.l.bf16.f32 v60;
	[tilespmem:s13+$0xFFFFFF70] =	vst v14  }
0x199: {  	v61 =	vperm.xlane v7, v5;
	v27 =	vld [tilespmem:s8+$0xFFFFFFA0];
	v13 =	vunpack.i.u.bf16.f32 v60;
	[tilespmem:s13+$0xFFFFFFE0] =	vst v9;
	v28 =	vpop (erf);
	v34 =	vmul.f32 v30, v31  }
0x19a: {  	v26 =	vperm.xlane v8, v4;
	v25 =	vunpack.i.u.bf16.f32 v10;
	v36 =	vmul.f32 v32, v13;
	[tilespmem:s14+$0x90] =	vst v28  }
0x19b: {  	v7 =	vperm.xlane v7, v4;
	v29 =	vunpack.i.l.bf16.f32 v57;
	v15 =	vmul.f32 v61, v25;
	v33 =	vld [tilespmem:s8+$0x30];
	[tilespmem:s13+$0x50] =	vst v34  }
0x19c: {  	v37 =	vperm.xlane v63, v2;
	v10 =	vunpack.i.l.bf16.f32 v10;
	v9 =	vmul.f32 v26, v29;
	[tilespmem:s13+$0x60] =	vst v36  }
0x19d: {  	v38 =	vperm.xlane v63, v3;
	v53 =	vunpack.i.u.bf16.f32 v43;
	v7 =	vmul.f32 v7, v10;
	[tilespmem:s14+$0x30] =	vst v15  }
0x19e: {  	v55 =	vunpack.i.l.bf16.f32 v43;
	v54 =	vmul.f32 v51, v53;
	v39 =	vunpack.i.l.bf16.f32 v27;
	[tilespmem:s14+$0xFFFFFFD0] =	vst v9  }
0x19f: {  	v35 =	vld [tilespmem:s19+$0xFFFFFFB0];
	v41 =	vperm.xlane v28, v2;
	v40 =	vunpack.i.u.bf16.f32 v27;
	v13 =	vmul.f32 v37, v39;
	[tilespmem:s14+$0x20] =	vst v7  }
0x1a0: {  	v43 =	vperm.xlane v28, v3;
	v9 =	vmul.f32 v38, v40;
	[tilespmem:s12+$0x80] =	vst v54;
	v42 =	vunpack.i.l.bf16.f32 v33  }
0x1a1: {  	v8 =	vperm.xlane v8, v5;
	v6 =	vld [tilespmem:s19+$0x40];
	[tilespmem:s14+$0xFFFFFF60] =	vst v13;
	v45 =	vunpack.i.u.bf16.f32 v33;
	v11 =	vmul.f32 v41, v42  }
0x1a2: {  	v44 =	vperm.xlane v17, v5;
	[tilespmem:s14+$0xFFFFFF70] =	vst v9;
	v48 =	vmul.f32 v43, v45  }
0x1a3: {  	v46 =	vperm.xlane v17, v4;
	v58 =	vmul.f32 v52, v55;
	v52 =	vunpack.i.u.bf16.f32 v57;
	v51 =	vld [tilespmem:s8+$0xFFFFFFB0];
	[tilespmem:s14+$0x50] =	vst v11  }
0x1a4: {  	v53 =	vperm.xlane v18, v5;
	v8 =	vmul.f32 v8, v52;
	v47 =	vunpack.i.u.bf16.f32 v35;
	[tilespmem:s14+$0x60] =	vst v48  }
0x1a5: {  	[tilespmem:s12+$0x70] =	vst v58;
	v54 =	vperm.xlane v18, v4;
	v49 =	vunpack.i.l.bf16.f32 v35;
	v50 =	vmul.f32 v44, v47;
	v56 =	vld [tilespmem:s8+$0x40]  }
0x1a6: {  	[tilespmem:s14+$0xFFFFFFE0] =	vst v8;
	v13 =	vmul.f32 v46, v49;
	v55 =	vunpack.i.u.bf16.f32 v6;
	v6 =	vunpack.i.l.bf16.f32 v6  }
0x1a7: {  	v57 =	vperm.xlane v63, v5;
	[tilespmem:s13+$0xFFFFFF90] =	vst v50;
	v6 =	vmul.f32 v54, v6  }
0x1a8: {  	v58 =	vperm.xlane v63, v4;
	[tilespmem:s13+$0xFFFFFF80] =	vst v13;
	v11 =	vmul.f32 v53, v55;
	v59 =	vunpack.i.u.bf16.f32 v51  }
0x1a9: {  	s0 =	sadd.s32 $0x1, s0;
	v60 =	vperm.xlane v28, v5;
	[tilespmem:s13+$0x70] =	vst v6;
	v6 =	vunpack.i.l.bf16.f32 v51;
	v8 =	vmul.f32 v57, v59  }
0x1aa: {  	p0 =	sne.s32 s0, $0x28;
	v7 =	vperm.xlane v28, v4;
	[tilespmem:s13+$0x80] =	vst v11;
	v6 =	vmul.f32 v58, v6;
	v61 =	vunpack.i.u.bf16.f32 v56  }
.Ltmp3:
0x1ab: {  	[tilespmem:s14+$0xFFFFFF90] =	vst v8;
	v63 =	vunpack.i.l.bf16.f32 v56;
	v62 =	vmul.f32 v60, v61;
	(pc) =	sbr.rel @p0 .LBB2_4-.Ltmp3, $4  }
0x1ac: {  	[tilespmem:s14+$0xFFFFFF80] =	vst v6;
	v6 =	vmul.f32 v7, v63  }
0x1ad: {  	[tilespmem:s14+$0x80] =	vst v62  }
0x1ae: {  	[tilespmem:s14+$0x70] =	vst v6  }
0x1af: {  	[spmem:s2] =	stream.indirect.scatter.add.f32 [tilespmem:s22], [sflag:$0x4], $0x50, s18, s20, $0xb8;
	[tilespmem:$0x1DD10] =	vst v63  }
0x1b0: {  	_ =	swait.ge [sflag:s31], $0x2800  }
0x1b1: {  	[sflag:s31] =	ssyncset.done $0x0  }
0x1b2: {  	[sflag:s31] =	ssyncadd.s32 $0xFFFFD800  }
0x1b3: {  	_ =	swait.ge [sflag:s21], $0x2800  }
0x1b4: {  	[sflag:s21] =	ssyncset.done $0x0  }
0x1b5: {  	[sflag:s21] =	ssyncadd.s32 $0xFFFFD800  }
0x1b6: {  	s0 =	stileid.u32;
	[bflag:$0x0] =	sbarrier.arrive $0xFFFF  }
0x1b7: {  	s0 =	sshll.u32 s0, $0x6;
	s9 =	rddreg [dreg:$0x6]  }
0x1b8: {  	s0 =	sor.u32 $0x1C05, s0;
	s7 =	rddreg [dreg:$0xb];
	s3 =	sshrl.u32 s9, $0x3  }
0x1b9: {  	[hbm:s7], [sflag:s0] =	dma.local [spmem:s3], $0x1892  }
0x1ba: {  	_ =	swait.ge [sflag:s17], $0x1892  }
0x1bb: {  	s23 =	rddreg [dreg:$0xd]  }
0x1bc: {  	s25 =	rddreg [dreg:$0xc];
	s3 =	sadd.s32 $0x1, s23  }
0x1bd: {  	p0 =	sne.s32 s3, s25  }
.Ltmp4:
0x1be: {  	_ = 	snop;
	(pc) =	sbr.rel @p0 .LBB2_1-.Ltmp4, $3  }
0x1bf: {  	_ =	sdelay $0x1  }
0x1c0: {  	[sflag:s17] =	ssyncset.done $0x0  }
0x1c1: {  	[sflag:s17] =	ssyncadd.s32 $0xFFFFE76E  }
0x1c2: {  	_ =	sfence.sel $0x180000  }
0x1c3: {  	[bflag:$0x0] =	sbarrier.arrive $0xFFFF  }
0x1c4: {  	_ =	strace $0x90000047  }
0x1c5: {  	s0 =	stileid.u32;
	[bflag:$0x2] =	sbarrier.arrive $0xFFFF  }
0x1c6: {  	p0 =	sne.s32 s0, $0x0;
	s0 =	rddreg [dreg:$0x2]  }
0x1c7: {  	s0 =	sadd.s32 @!p0 $0x100000, s0  }
0x1c8: {  	[sflag:s0] =	ssyncadd.tile.s32 @!p0 $0x1;
	_ =	shalt  }
.Lfunc_end2:
_tile_overlayer_lowered:
.L_overlay_start_2:
0x1c9: {  	(tag) =	ssettag $0x2  }
0x1ca: {  	s0 =	rddreg [dreg:$0x0];
	s2 =	stileid.u32  }
0x1cb: {  	s1 =	rddreg [dreg:$0x1];
	p0 =	sne.s32 s2, $0x0  }
0x1cc: {  	s3 =	rddreg [dreg:$0x2];
	[bflag:$0x3] =	sbarrier.arrive $0xFFFF;
	s2 =	simm.s32 @!p0 $0x1C05  }
0x1cd: {  	[timem:s3], [sflag:s2] =	dma.local @!p0 [hbm:s0], s1  }
0x1ce: {  	s0 =	simm.s32 @!p0 $0x5  }
0x1cf: {  	_ =	swait.ge @!p0 [sflag:s0], s1  }
0x1d0: {  	s1 =	ssub.s32 @!p0 $0x0, s1;
	[sflag:s0] =	ssyncset.done @!p0 $0x0  }
0x1d1: {  	[sflag:s0] =	ssyncadd.s32 @!p0 s1  }
0x1d2: {  	[bflag:$0x3] =	sbarrier.arrive $0xFFFF  }
0x1d3: {  	_ =	shalt  }

</sc_bundles>
